<compile_context>
chip_gen: v7x
topology: tpu7x:2x2x1
jax: 0.10.2.dev20260603
libtpu: 0.0.44.dev20260713+nightly
codegen_flags: <defaults>
</compile_context>

<pallas_src>
import functools

import jax
import jax.numpy as jnp
from jax import lax
from jax.experimental import pallas as pl
from jax.experimental.pallas import tpu as pltpu
from jax.experimental.pallas import tpu_sc as plsc

N = 10000
E = 320000
H = 128
EF = 16

NC = 2
NS = 16
NW = NC * NS
EPW = E // NW
CH = 80
NCHUNK = EPW // CH
RCP = 80
NRC = N // RCP
F32 = jnp.float32



def _prep_body(x_ref, c_ref, w1_ref, b1_ref, a_ref, b_ref):
    x = x_ref[...]
    w1 = w1_ref[...]
    cw = jnp.dot(c_ref[...], w1[2 * H + EF:], preferred_element_type=F32)
    a_ref[...] = jnp.dot(x, w1[:H], preferred_element_type=F32) - cw
    b_ref[...] = (jnp.dot(x, w1[H:2 * H], preferred_element_type=F32) + cw
                  + b1_ref[...][None, :])


def _prep(x, coords, w1, b1):
    blk = 1000
    grid = N // blk
    return pl.pallas_call(
        _prep_body,
        grid=(grid,),
        in_specs=[
            pl.BlockSpec((blk, H), lambda i: (i, 0)),
            pl.BlockSpec((blk, 3), lambda i: (i, 0)),
            pl.BlockSpec((2 * H + EF + 3, H), lambda i: (0, 0)),
            pl.BlockSpec((H,), lambda i: (0,)),
        ],
        out_specs=[
            pl.BlockSpec((blk, H), lambda i: (i, 0)),
            pl.BlockSpec((blk, H), lambda i: (i, 0)),
        ],
        out_shape=[
            jax.ShapeDtypeStruct((N, H), F32),
            jax.ShapeDtypeStruct((N, H), F32),
        ],
    )(x, coords, w1, b1)



CHG = 40
NSLG = 5


def _make_gather2(ne, eoff):
    ept = ne // NS
    ncg = ept // CHG

    def _gather_body(a_hbm, b_hbm, src_hbm, dst_hbm, ga_hbm, gb_hbm, *s):
        idxv = s[0]
        rows = s[1:1 + NSLG]
        tbl = s[1 + NSLG]
        sg = s[2 + NSLG:2 + 2 * NSLG]
        sw = s[2 + 2 * NSLG:2 + 3 * NSLG]
        stl = s[2 + 3 * NSLG]
        cid = lax.axis_index("c")
        sid = lax.axis_index("s")
        base = sid * ept

        nmine = (NRC - 1 - sid) // NS + 1

        def tload(j, c2):
            r0 = pl.multiple_of((sid + j * NS) * RCP, 8)

            @pl.when(cid == 0)
            def _():
                pltpu.make_async_copy(a_hbm.at[pl.ds(r0, RCP)],
                                      tbl.at[pl.ds(r0, RCP)], stl).start()

            @pl.when(cid == 1)
            def _():
                pltpu.make_async_copy(b_hbm.at[pl.ds(r0, RCP)],
                                      tbl.at[pl.ds(r0, RCP)], stl).start()

            return c2

        lax.fori_loop(0, nmine, tload, 0)

        @pl.when(cid == 0)
        def _():
            pltpu.sync_copy(src_hbm.at[pl.ds(pl.multiple_of(eoff + base, 8), ept)],
                            idxv)

        @pl.when(cid == 1)
        def _():
            pltpu.sync_copy(dst_hbm.at[pl.ds(pl.multiple_of(eoff + base, 8), ept)],
                            idxv)

        def twait(j, c2):
            r0 = pl.multiple_of((sid + j * NS) * RCP, 8)
            pltpu.make_async_copy(a_hbm.at[pl.ds(r0, RCP)],
                                  tbl.at[pl.ds(r0, RCP)], stl).wait()
            return c2

        lax.fori_loop(0, nmine, twait, 0)
        plsc.subcore_barrier()

        def off_of(t):
            return pl.multiple_of(base + t * CHG, 8)

        def islice(t):
            return idxv.at[pl.ds(pl.multiple_of(t * CHG, 8), CHG)]

        for b in range(NSLG):
            pltpu.make_async_copy(tbl.at[islice(b)], rows[b], sg[b]).start()

        def outer(q, carry):
            for b in range(NSLG):
                t = NSLG * q + b
                pltpu.make_async_copy(tbl.at[islice(t)], rows[b], sg[b]).wait()
                r_b = rows[b]
                o = pl.ds(off_of(t), CHG)

                @pl.when(cid == 0)
                def _():
                    pltpu.make_async_copy(r_b, ga_hbm.at[o], sw[b]).start()

                @pl.when(cid == 1)
                def _():
                    pltpu.make_async_copy(r_b, gb_hbm.at[o], sw[b]).start()

            for b in range(NSLG):
                t = NSLG * q + b
                r_b = rows[b]
                o = pl.ds(off_of(t), CHG)

                @pl.when(t + NSLG < ncg)
                def _():
                    @pl.when(cid == 0)
                    def _():
                        pltpu.make_async_copy(r_b, ga_hbm.at[o], sw[b]).wait()

                    @pl.when(cid == 1)
                    def _():
                        pltpu.make_async_copy(r_b, gb_hbm.at[o], sw[b]).wait()

                    pltpu.make_async_copy(tbl.at[islice(t + NSLG)], rows[b],
                                          sg[b]).start()

            return carry

        lax.fori_loop(0, ncg // NSLG, outer, 0)
        for b in range(NSLG):
            t = ncg - NSLG + b
            r_b = rows[b]
            o = pl.ds(off_of(t), CHG)

            @pl.when(cid == 0)
            def _():
                pltpu.make_async_copy(r_b, ga_hbm.at[o], sw[b]).wait()

            @pl.when(cid == 1)
            def _():
                pltpu.make_async_copy(r_b, gb_hbm.at[o], sw[b]).wait()

    return functools.partial(
        pl.kernel,
        out_type=[jax.ShapeDtypeStruct((ne, H), F32),
                  jax.ShapeDtypeStruct((ne, H), F32)],
        mesh=plsc.VectorSubcoreMesh(core_axis_name="c", subcore_axis_name="s",
                                    num_cores=NC, num_subcores=NS),
        scratch_types=(
            [pltpu.VMEM((ept,), jnp.int32)]
            + [pltpu.VMEM((CHG, H), F32) for _ in range(NSLG)]
            + [pltpu.VMEM_SHARED((N, H), F32)]
            + [pltpu.SemaphoreType.DMA for _ in range(2 * NSLG + 1)]
        ),
    )(_gather_body)


_gather2_h1 = _make_gather2(E // 2, 0)
_gather2_h2 = _make_gather2(E // 2, E // 2)



def _edge_body(ga_ref, gb_ref, ea_ref, w1_ref, w2_ref, b2_ref, m_ref):
    we = w1_ref[...][2 * H:2 * H + EF]
    h1 = jnp.maximum(
        ga_ref[...] + gb_ref[...]
        + jnp.dot(ea_ref[...], we, preferred_element_type=F32),
        0.0)
    m_ref[...] = jnp.maximum(
        jnp.dot(h1, w2_ref[...], preferred_element_type=F32)
        + b2_ref[...][None, :],
        0.0)


def _edge(ga, gb, ea, we, w2, b2, boff):
    ne = ga.shape[0]
    blk = 3200
    grid = ne // blk
    return pl.pallas_call(
        _edge_body,
        grid=(grid,),
        in_specs=[
            pl.BlockSpec((blk, H), lambda i: (i, 0)),
            pl.BlockSpec((blk, H), lambda i: (i, 0)),
            pl.BlockSpec((blk, EF), lambda i: (i + boff, 0)),
            pl.BlockSpec((2 * H + EF + 3, H), lambda i: (0, 0)),
            pl.BlockSpec((H, H), lambda i: (0, 0)),
            pl.BlockSpec((H,), lambda i: (0,)),
        ],
        out_specs=pl.BlockSpec((blk, H), lambda i: (i, 0)),
        out_shape=jax.ShapeDtypeStruct((ne, H), F32),
    )(ga, gb, ea, we, w2, b2)



CHS = 40
NSL = 5


def _make_scatter(ne, eoff):
    epw = ne // NW
    ncs = epw // CHS

    def _scatter_body(msg_hbm, dst_hbm, out_hbm, *s):
        idxs = s[0:NSL]
        mv = s[NSL:2 * NSL]
        zv = s[2 * NSL]
        accum = s[2 * NSL + 1]
        sli = s[2 * NSL + 2:2 * NSL + 2 + NSL]
        slm = s[2 * NSL + 2 + NSL:2 * NSL + 2 + 2 * NSL]
        sad = s[2 * NSL + 2 + 2 * NSL:2 * NSL + 2 + 3 * NSL]
        szd = s[2 * NSL + 2 + 3 * NSL]
        cid = lax.axis_index("c")
        sid = lax.axis_index("s")
        base = cid * (ne // NC) + sid * epw

        def off_of(t):
            return pl.multiple_of(base + t * CHS, 8)

        def doff_of(t):
            return pl.multiple_of(eoff + base + t * CHS, 8)

        def zrow(r, c2):
            for k in range(8):
                zv[r, pl.ds(k * 16, 16)] = jnp.zeros((16,), F32)
            return c2

        lax.fori_loop(0, RCP, zrow, 0)

        nmine = (NRC - 1 - sid) // NS + 1

        def zcopy(j, c2):
            r0 = pl.multiple_of((sid + j * NS) * RCP, 8)
            pltpu.make_async_copy(zv, accum.at[pl.ds(r0, RCP)], szd).start()
            return c2

        lax.fori_loop(0, nmine, zcopy, 0)

        def zwait(j, c2):
            r0 = pl.multiple_of((sid + j * NS) * RCP, 8)
            pltpu.make_async_copy(zv, accum.at[pl.ds(r0, RCP)], szd).wait()
            return c2

        lax.fori_loop(0, nmine, zwait, 0)
        plsc.subcore_barrier()

        for b in range(NSL):
            off = off_of(b)
            pltpu.make_async_copy(dst_hbm.at[pl.ds(doff_of(b), CHS)], idxs[b], sli[b]).start()
            pltpu.make_async_copy(msg_hbm.at[pl.ds(off, CHS)], mv[b], slm[b]).start()

        def outer(g, carry):
            for b in range(NSL):
                t = NSL * g + b
                off = off_of(t)
                pltpu.make_async_copy(dst_hbm.at[pl.ds(doff_of(t), CHS)], idxs[b], sli[b]).wait()
                pltpu.make_async_copy(msg_hbm.at[pl.ds(off, CHS)], mv[b], slm[b]).wait()
                pltpu.async_copy(mv[b], accum.at[idxs[b]], sad[b], add=True)
            for b in range(NSL):
                t = NSL * g + b

                @pl.when(t + NSL < ncs)
                def _():
                    noff = off_of(t + NSL)
                    pltpu.make_async_copy(mv[b], accum.at[idxs[b]], sad[b]).wait()
                    pltpu.make_async_copy(dst_hbm.at[pl.ds(doff_of(t + NSL), CHS)], idxs[b], sli[b]).start()
                    pltpu.make_async_copy(msg_hbm.at[pl.ds(noff, CHS)], mv[b], slm[b]).start()
            return carry

        lax.fori_loop(0, ncs // NSL, outer, 0)
        for b in range(NSL):
            pltpu.make_async_copy(mv[b], accum.at[idxs[b]], sad[b]).wait()
        plsc.subcore_barrier()

        def ocopy(j, c2):
            r0 = pl.multiple_of((sid + j * NS) * RCP, 8)
            pltpu.make_async_copy(
                accum.at[pl.ds(r0, RCP)],
                out_hbm.at[pl.ds(pl.multiple_of(cid * N + r0, 8), RCP)], szd).start()
            return c2

        lax.fori_loop(0, nmine, ocopy, 0)

        def owait(j, c2):
            r0 = pl.multiple_of((sid + j * NS) * RCP, 8)
            pltpu.make_async_copy(
                accum.at[pl.ds(r0, RCP)],
                out_hbm.at[pl.ds(pl.multiple_of(cid * N + r0, 8), RCP)], szd).wait()
            return c2

        lax.fori_loop(0, nmine, owait, 0)

    return functools.partial(
        pl.kernel,
        out_type=jax.ShapeDtypeStruct((2 * N, H), F32),
        mesh=plsc.VectorSubcoreMesh(core_axis_name="c", subcore_axis_name="s",
                                    num_cores=NC, num_subcores=NS),
        scratch_types=(
            [pltpu.VMEM((CHS,), jnp.int32) for _ in range(NSL)]
            + [pltpu.VMEM((CHS, H), F32) for _ in range(NSL)]
            + [pltpu.VMEM((RCP, H), F32), pltpu.VMEM_SHARED((N, H), F32)]
            + [pltpu.SemaphoreType.DMA for _ in range(3 * NSL + 1)]
        ),
    )(_scatter_body)


_scatter_h1 = _make_scatter(E // 2, 0)
_scatter_h2 = _make_scatter(E // 2, E // 2)



def _node_body(x_ref, p_ref, q_ref, u1_ref, b1_ref, u2_ref, b2_ref,
               g_ref, bb_ref, o_ref):
    x = x_ref[...]
    u1 = u1_ref[...]
    aggr = (p_ref[0, :, :] + p_ref[1, :, :]) + (q_ref[0, :, :] + q_ref[1, :, :])
    h = jnp.maximum(
        jnp.dot(x, u1[:H], preferred_element_type=F32)
        + jnp.dot(aggr, u1[H:], preferred_element_type=F32)
        + b1_ref[...][None, :], 0.0)
    o = jnp.maximum(jnp.dot(h, u2_ref[...], preferred_element_type=F32)
                    + b2_ref[...][None, :], 0.0)
    y = x + o
    mu = jnp.mean(y, axis=1, keepdims=True)
    var = jnp.mean((y - mu) * (y - mu), axis=1, keepdims=True)
    o_ref[...] = ((y - mu) * lax.rsqrt(var + 1e-5) * g_ref[...][None, :]
                  + bb_ref[...][None, :])


def _node(x, p, q, u1, b1, u2, b2, g, b):
    blk = 1000
    grid = N // blk
    return pl.pallas_call(
        _node_body,
        grid=(grid,),
        in_specs=[
            pl.BlockSpec((blk, H), lambda i: (i, 0)),
            pl.BlockSpec((2, blk, H), lambda i: (0, i, 0)),
            pl.BlockSpec((2, blk, H), lambda i: (0, i, 0)),
            pl.BlockSpec((2 * H, H), lambda i: (0, 0)),
            pl.BlockSpec((H,), lambda i: (0,)),
            pl.BlockSpec((H, H), lambda i: (0, 0)),
            pl.BlockSpec((H,), lambda i: (0,)),
            pl.BlockSpec((H,), lambda i: (0,)),
            pl.BlockSpec((H,), lambda i: (0,)),
        ],
        out_specs=pl.BlockSpec((blk, H), lambda i: (i, 0)),
        out_shape=jax.ShapeDtypeStruct((N, H), F32),
    )(x, p, q, u1, b1, u2, b2, g, b)



def kernel(x, edge_index, edge_attr, coords,
           msg_W1, msg_b1, msg_W2, msg_b2,
           upd_W1, upd_b1, upd_W2, upd_b2,
           ln_g, ln_b):
    src = edge_index[0]
    dst = edge_index[1]
    a, b = _prep(x, coords, msg_W1, msg_b1)
    eh = E // 2
    ga1, gb1 = _gather2_h1(a, b, src, dst)
    msg1 = _edge(ga1, gb1, edge_attr, msg_W1, msg_W2, msg_b2, 0)
    ga2, gb2 = _gather2_h2(a, b, src, dst)
    msg2 = _edge(ga2, gb2, edge_attr, msg_W1, msg_W2, msg_b2, eh // 3200)
    p = _scatter_h1(msg1, dst).reshape(2, N, H)
    q = _scatter_h2(msg2, dst).reshape(2, N, H)
    return _node(x, p, q, upd_W1, upd_b1, upd_W2, upd_b2, ln_g, ln_b)

# --- scband reference (transcript-rebuilt; emitter-appended) ---
"""Pipeline reference for scband-graph-network-layer-with-coords-29669634081214 (READ-ONLY COPY).

The authoritative reference and input builder live on the scoring server;
editing this copy changes nothing except your own understanding.
"""

import jax, jax.numpy as jnp
import numpy as np

N = 10000
E = 320000
H = 128
EF = 16


def _mlp(x, W1, b1, W2, b2):
    # MLP(in_dim, [hidden], out_dim, act=True): Linear -> ReLU -> Linear -> ReLU
    h = jax.nn.relu(x @ W1 + b1)
    return jax.nn.relu(h @ W2 + b2)


def setup_inputs(seed: int = 0) -> dict:
    key = jax.random.key(seed)
    ks = jax.random.split(key, 16)
    x = jax.random.normal(ks[0], (N, H), dtype=jnp.float32)
    edge_index = jax.random.randint(ks[1], (2, E), 0, N)
    edge_attr = jax.random.normal(ks[2], (E, EF), dtype=jnp.float32)
    coords = jax.random.normal(ks[3], (N, 3), dtype=jnp.float32)
    msg_in = 2 * H + EF + 3  # 275
    upd_in = 2 * H  # 256
    s = 0.05
    params = {
        'msg_W1': jax.random.normal(ks[4], (msg_in, H), dtype=jnp.float32) * s,
        'msg_b1': jnp.zeros((H,), dtype=jnp.float32),
        'msg_W2': jax.random.normal(ks[5], (H, H), dtype=jnp.float32) * s,
        'msg_b2': jnp.zeros((H,), dtype=jnp.float32),
        'upd_W1': jax.random.normal(ks[6], (upd_in, H), dtype=jnp.float32) * s,
        'upd_b1': jnp.zeros((H,), dtype=jnp.float32),
        'upd_W2': jax.random.normal(ks[7], (H, H), dtype=jnp.float32) * s,
        'upd_b2': jnp.zeros((H,), dtype=jnp.float32),
        'ln_g': jnp.ones((H,), dtype=jnp.float32),
        'ln_b': jnp.zeros((H,), dtype=jnp.float32),
    }
    out = {'x': x, 'edge_index': edge_index, 'edge_attr': edge_attr, 'coords': coords}
    out.update(params)
    return out


def reference(x, edge_index, edge_attr, coords,
              msg_W1, msg_b1, msg_W2, msg_b2,
              upd_W1, upd_b1, upd_W2, upd_b2,
              ln_g, ln_b):
    src = edge_index[0]
    dst = edge_index[1]
    rel_coords = coords[dst] - coords[src]
    msg_input = jnp.concatenate([x[src], x[dst], edge_attr, rel_coords], axis=-1)
    messages = _mlp(msg_input, msg_W1, msg_b1, msg_W2, msg_b2)
    aggr = jax.ops.segment_sum(messages, dst, num_segments=x.shape[0])
    update_input = jnp.concatenate([x, aggr], axis=-1)
    out = _mlp(update_input, upd_W1, upd_b1, upd_W2, upd_b2)
    y = x + out
    mu = jnp.mean(y, axis=-1, keepdims=True)
    var = jnp.var(y, axis=-1, keepdims=True)
    return (y - mu) / jnp.sqrt(var + 1e-5) * ln_g + ln_b

if __name__ == "__main__":
    import jax
    _d = setup_inputs()
    print(jax.jit(kernel)(*tuple(_d.values())))

</pallas_src>

<mosaic_0001>
#map = affine_map<(d0, d1) -> (0, 0)>
#map1 = affine_map<(d0, d1) -> (0)>
module attributes {stable_mosaic.version = 14 : i64} {
  func.func @_scatter_body(%arg0: i32, %arg1: i32, %arg2: memref<160000x128xf32, #tpu.memory_space<hbm>>, %arg3: memref<320000xi32, #tpu.memory_space<hbm>>, %arg4: memref<20000x128xf32, #tpu.memory_space<hbm>>, %arg5: memref<40xi32, #tpu.memory_space<vmem>>, %arg6: memref<40xi32, #tpu.memory_space<vmem>>, %arg7: memref<40xi32, #tpu.memory_space<vmem>>, %arg8: memref<40xi32, #tpu.memory_space<vmem>>, %arg9: memref<40xi32, #tpu.memory_space<vmem>>, %arg10: memref<40x128xf32, #tpu.memory_space<vmem>>, %arg11: memref<40x128xf32, #tpu.memory_space<vmem>>, %arg12: memref<40x128xf32, #tpu.memory_space<vmem>>, %arg13: memref<40x128xf32, #tpu.memory_space<vmem>>, %arg14: memref<40x128xf32, #tpu.memory_space<vmem>>, %arg15: memref<80x128xf32, #tpu.memory_space<vmem>>, %arg16: memref<10000x128xf32, #tpu.memory_space<vmem_shared>>, %arg17: memref<!tpu.dma_semaphore, #tpu.memory_space<semaphore_mem>>, %arg18: memref<!tpu.dma_semaphore, #tpu.memory_space<semaphore_mem>>, %arg19: memref<!tpu.dma_semaphore, #tpu.memory_space<semaphore_mem>>, %arg20: memref<!tpu.dma_semaphore, #tpu.memory_space<semaphore_mem>>, %arg21: memref<!tpu.dma_semaphore, #tpu.memory_space<semaphore_mem>>, %arg22: memref<!tpu.dma_semaphore, #tpu.memory_space<semaphore_mem>>, %arg23: memref<!tpu.dma_semaphore, #tpu.memory_space<semaphore_mem>>, %arg24: memref<!tpu.dma_semaphore, #tpu.memory_space<semaphore_mem>>, %arg25: memref<!tpu.dma_semaphore, #tpu.memory_space<semaphore_mem>>, %arg26: memref<!tpu.dma_semaphore, #tpu.memory_space<semaphore_mem>>, %arg27: memref<!tpu.dma_semaphore, #tpu.memory_space<semaphore_mem>>, %arg28: memref<!tpu.dma_semaphore, #tpu.memory_space<semaphore_mem>>, %arg29: memref<!tpu.dma_semaphore, #tpu.memory_space<semaphore_mem>>, %arg30: memref<!tpu.dma_semaphore, #tpu.memory_space<semaphore_mem>>, %arg31: memref<!tpu.dma_semaphore, #tpu.memory_space<semaphore_mem>>, %arg32: memref<!tpu.dma_semaphore, #tpu.memory_space<semaphore_mem>>) attributes {dimension_semantics = [#tpu.dimension_semantics<core_parallel>, #tpu.dimension_semantics<subcore_parallel>], iteration_bounds = array<i64: 2, 16>, scalar_prefetch = 0 : i64, scratch_operands = 28 : i64, tpu.core_type = #tpu.core_type<sc_vector_subcore>, window_params = [{transform_indices = #map}, {transform_indices = #map1}, {transform_indices = #map}]} {
    %mul3A = arith.constant 80000 : i32
    %mul3A_0 = arith.muli %arg0, %mul3A : i32
    %mul3A_1 = arith.constant 5000 : i32
    %mul3A_2 = arith.muli %arg1, %mul3A_1 : i32
    %add3A = arith.addi %mul3A_0, %mul3A_2 : i32
    %scan3A = arith.constant 0 : i32
    %scan3A_3 = arith.constant 0 : i32
    %scan3A_4 = arith.constant 80 : i32
    %scan3A_5 = arith.addi %scan3A_3, %scan3A_4 : i32
    %scan3A_6 = arith.constant 1 : i32
    scf.for %scan3A_156 = %scan3A_3 to %scan3A_5 step %scan3A_6  : i32 {
      %broadcast_in_dim3A = arith.constant 0.000000e+00 : f32
      %broadcast_in_dim3A_157 = vector.broadcast %broadcast_in_dim3A : f32 to vector<16xf32>
      %swap3A = arith.index_cast %scan3A_156 : i32 to index
      %swap3A_158 = arith.constant 0 : index
      %swap3A_159 = tpu.vector_load %arg15[%swap3A, %swap3A_158] {strides = array<i32>} : memref<80x128xf32, #tpu.memory_space<vmem>>, vector<1x16xf32>,
      %swap3A_160 = vector.shape_cast %swap3A_159 : vector<1x16xf32> to vector<16xf32>
      %swap3A_161 = vector.shape_cast %broadcast_in_dim3A_157 : vector<16xf32> to vector<1x16xf32>
      tpu.vector_store %arg15[%swap3A, %swap3A_158], %swap3A_161 {strides = array<i32>} : memref<80x128xf32, #tpu.memory_space<vmem>>, vector<1x16xf32>,
      %broadcast_in_dim3A_162 = arith.constant 0.000000e+00 : f32
      %broadcast_in_dim3A_163 = vector.broadcast %broadcast_in_dim3A_162 : f32 to vector<16xf32>
      %swap3A_164 = arith.index_cast %scan3A_156 : i32 to index
      %swap3A_165 = arith.constant 16 : index
      %swap3A_166 = tpu.vector_load %arg15[%swap3A_164, %swap3A_165] {strides = array<i32>} : memref<80x128xf32, #tpu.memory_space<vmem>>, vector<1x16xf32>,
      %swap3A_167 = vector.shape_cast %swap3A_166 : vector<1x16xf32> to vector<16xf32>
      %swap3A_168 = vector.shape_cast %broadcast_in_dim3A_163 : vector<16xf32> to vector<1x16xf32>
      tpu.vector_store %arg15[%swap3A_164, %swap3A_165], %swap3A_168 {strides = array<i32>} : memref<80x128xf32, #tpu.memory_space<vmem>>, vector<1x16xf32>,
      %broadcast_in_dim3A_169 = arith.constant 0.000000e+00 : f32
      %broadcast_in_dim3A_170 = vector.broadcast %broadcast_in_dim3A_169 : f32 to vector<16xf32>
      %swap3A_171 = arith.index_cast %scan3A_156 : i32 to index
      %swap3A_172 = arith.constant 32 : index
      %swap3A_173 = tpu.vector_load %arg15[%swap3A_171, %swap3A_172] {strides = array<i32>} : memref<80x128xf32, #tpu.memory_space<vmem>>, vector<1x16xf32>,
      %swap3A_174 = vector.shape_cast %swap3A_173 : vector<1x16xf32> to vector<16xf32>
      %swap3A_175 = vector.shape_cast %broadcast_in_dim3A_170 : vector<16xf32> to vector<1x16xf32>
      tpu.vector_store %arg15[%swap3A_171, %swap3A_172], %swap3A_175 {strides = array<i32>} : memref<80x128xf32, #tpu.memory_space<vmem>>, vector<1x16xf32>,
      %broadcast_in_dim3A_176 = arith.constant 0.000000e+00 : f32
      %broadcast_in_dim3A_177 = vector.broadcast %broadcast_in_dim3A_176 : f32 to vector<16xf32>
      %swap3A_178 = arith.index_cast %scan3A_156 : i32 to index
      %swap3A_179 = arith.constant 48 : index
      %swap3A_180 = tpu.vector_load %arg15[%swap3A_178, %swap3A_179] {strides = array<i32>} : memref<80x128xf32, #tpu.memory_space<vmem>>, vector<1x16xf32>,
      %swap3A_181 = vector.shape_cast %swap3A_180 : vector<1x16xf32> to vector<16xf32>
      %swap3A_182 = vector.shape_cast %broadcast_in_dim3A_177 : vector<16xf32> to vector<1x16xf32>
      tpu.vector_store %arg15[%swap3A_178, %swap3A_179], %swap3A_182 {strides = array<i32>} : memref<80x128xf32, #tpu.memory_space<vmem>>, vector<1x16xf32>,
      %broadcast_in_dim3A_183 = arith.constant 0.000000e+00 : f32
      %broadcast_in_dim3A_184 = vector.broadcast %broadcast_in_dim3A_183 : f32 to vector<16xf32>
      %swap3A_185 = arith.index_cast %scan3A_156 : i32 to index
      %swap3A_186 = arith.constant 64 : index
      %swap3A_187 = tpu.vector_load %arg15[%swap3A_185, %swap3A_186] {strides = array<i32>} : memref<80x128xf32, #tpu.memory_space<vmem>>, vector<1x16xf32>,
      %swap3A_188 = vector.shape_cast %swap3A_187 : vector<1x16xf32> to vector<16xf32>
      %swap3A_189 = vector.shape_cast %broadcast_in_dim3A_184 : vector<16xf32> to vector<1x16xf32>
      tpu.vector_store %arg15[%swap3A_185, %swap3A_186], %swap3A_189 {strides = array<i32>} : memref<80x128xf32, #tpu.memory_space<vmem>>, vector<1x16xf32>,
      %broadcast_in_dim3A_190 = arith.constant 0.000000e+00 : f32
      %broadcast_in_dim3A_191 = vector.broadcast %broadcast_in_dim3A_190 : f32 to vector<16xf32>
      %swap3A_192 = arith.index_cast %scan3A_156 : i32 to index
      %swap3A_193 = arith.constant 80 : index
      %swap3A_194 = tpu.vector_load %arg15[%swap3A_192, %swap3A_193] {strides = array<i32>} : memref<80x128xf32, #tpu.memory_space<vmem>>, vector<1x16xf32>,
      %swap3A_195 = vector.shape_cast %swap3A_194 : vector<1x16xf32> to vector<16xf32>
      %swap3A_196 = vector.shape_cast %broadcast_in_dim3A_191 : vector<16xf32> to vector<1x16xf32>
      tpu.vector_store %arg15[%swap3A_192, %swap3A_193], %swap3A_196 {strides = array<i32>} : memref<80x128xf32, #tpu.memory_space<vmem>>, vector<1x16xf32>,
      %broadcast_in_dim3A_197 = arith.constant 0.000000e+00 : f32
      %broadcast_in_dim3A_198 = vector.broadcast %broadcast_in_dim3A_197 : f32 to vector<16xf32>
      %swap3A_199 = arith.index_cast %scan3A_156 : i32 to index
      %swap3A_200 = arith.constant 96 : index
      %swap3A_201 = tpu.vector_load %arg15[%swap3A_199, %swap3A_200] {strides = array<i32>} : memref<80x128xf32, #tpu.memory_space<vmem>>, vector<1x16xf32>,
      %swap3A_202 = vector.shape_cast %swap3A_201 : vector<1x16xf32> to vector<16xf32>
      %swap3A_203 = vector.shape_cast %broadcast_in_dim3A_198 : vector<16xf32> to vector<1x16xf32>
      tpu.vector_store %arg15[%swap3A_199, %swap3A_200], %swap3A_203 {strides = array<i32>} : memref<80x128xf32, #tpu.memory_space<vmem>>, vector<1x16xf32>,
      %broadcast_in_dim3A_204 = arith.constant 0.000000e+00 : f32
      %broadcast_in_dim3A_205 = vector.broadcast %broadcast_in_dim3A_204 : f32 to vector<16xf32>
      %swap3A_206 = arith.index_cast %scan3A_156 : i32 to index
      %swap3A_207 = arith.constant 112 : index
      %swap3A_208 = tpu.vector_load %arg15[%swap3A_206, %swap3A_207] {strides = array<i32>} : memref<80x128xf32, #tpu.memory_space<vmem>>, vector<1x16xf32>,
      %swap3A_209 = vector.shape_cast %swap3A_208 : vector<1x16xf32> to vector<16xf32>
      %swap3A_210 = vector.shape_cast %broadcast_in_dim3A_205 : vector<16xf32> to vector<1x16xf32>
      tpu.vector_store %arg15[%swap3A_206, %swap3A_207], %swap3A_210 {strides = array<i32>} : memref<80x128xf32, #tpu.memory_space<vmem>>, vector<1x16xf32>,
    }
    %scan3A_7 = arith.constant 80 : i32
    %sub3A = arith.constant 124 : i32
    %sub3A_8 = arith.subi %sub3A, %arg1 : i32
    %jit3A = arith.constant 16 : i32
    %div3A = arith.divsi %sub3A_8, %jit3A : i32
    %sign3A = arith.constant 0 : i32
    %sign3A_9 = arith.cmpi sgt, %sub3A_8, %sign3A : i32
    %sign3A_10 = arith.extui %sign3A_9 : i1 to i32
    %sign3A_11 = arith.constant 0 : i32
    %sign3A_12 = arith.cmpi slt, %sub3A_8, %sign3A_11 : i32
    %sign3A_13 = arith.extui %sign3A_12 : i1 to i32
    %sign3A_14 = arith.subi %sign3A_10, %sign3A_13 : i32
    %sign3A_15 = arith.constant 0 : i32
    %sign3A_16 = arith.cmpi sgt, %jit3A, %sign3A_15 : i32
    %sign3A_17 = arith.extui %sign3A_16 : i1 to i32
    %sign3A_18 = arith.constant 0 : i32
    %sign3A_19 = arith.cmpi slt, %jit3A, %sign3A_18 : i32
    %sign3A_20 = arith.extui %sign3A_19 : i1 to i32
    %sign3A_21 = arith.subi %sign3A_17, %sign3A_20 : i32
    %ne3A = arith.cmpi ne, %sign3A_14, %sign3A_21 : i32
    %rem3A = arith.remsi %sub3A_8, %jit3A : i32
    %ne3A_22 = arith.constant 0 : i32
    %ne3A_23 = arith.cmpi ne, %rem3A, %ne3A_22 : i32
    %and3A = arith.andi %ne3A, %ne3A_23 : i1
    %sub3A_24 = arith.constant 1 : i32
    %sub3A_25 = arith.subi %div3A, %sub3A_24 : i32
    %select_n3A = arith.select %and3A, %sub3A_25, %div3A : i32
    %add3A_26 = arith.constant 1 : i32
    %add3A_27 = arith.addi %select_n3A, %add3A_26 : i32
    %while3A = arith.constant 0 : i32
    %while3A_28 = arith.constant 0 : i32
    %while3A_29 = arith.subi %add3A_27, %while3A_28 : i32
    %while3A_30 = arith.addi %while3A_28, %while3A_29 : i32
    %while3A_31 = arith.constant 1 : i32
    %while3A_32 = arith.divsi %while3A_29, %while3A_31 : i32
    %while3A_33 = arith.muli %while3A_32, %while3A_31 : i32
    %while3A_34 = arith.addi %while3A_28, %while3A_33 : i32
    %while3A_35 = arith.constant 1 : i32
    scf.for %while3A_156 = %while3A_28 to %while3A_34 step %while3A_35  : i32 {
      %mul3A_157 = arith.constant 16 : i32
      %mul3A_158 = arith.muli %while3A_156, %mul3A_157 : i32
      %add3A_159 = arith.addi %arg1, %mul3A_158 : i32
      %mul3A_160 = arith.constant 80 : i32
      %mul3A_161 = arith.muli %add3A_159, %mul3A_160 : i32
      %multiple_of3A_162 = tpu.assume_multiple %mul3A_161, 8 : i32
      %dma_start3A_163 = arith.constant 0 : i32
      %dma_start3A_164 = tpu.memref_slice %arg16[%multiple_of3A_162, %dma_start3A_163] : memref<10000x128xf32, #tpu.memory_space<vmem_shared>> -> memref<80x128xf32, #tpu.memory_space<vmem_shared>>
      %dma_start3A_165 = arith.constant 0 : i32
      %dma_start3A_166 = tpu.memref_slice %arg16[%multiple_of3A_162, %dma_start3A_165] : memref<10000x128xf32, #tpu.memory_space<vmem_shared>> -> memref<80x128xf32, #tpu.memory_space<vmem_shared>>
      tpu.enqueue_dma source(%arg15 : memref<80x128xf32, #tpu.memory_space<vmem>>) target(%dma_start3A_166 : memref<80x128xf32, #tpu.memory_space<vmem_shared>>) target_semaphore(%arg32 : memref<!tpu.dma_semaphore, #tpu.memory_space<semaphore_mem>>)
    }
    %while3A_36 = arith.constant 1 : i32
    scf.for %while3A_156 = %while3A_34 to %while3A_30 step %while3A_36  : i32 {
      %mul3A_157 = arith.constant 16 : i32
      %mul3A_158 = arith.muli %while3A_156, %mul3A_157 : i32
      %add3A_159 = arith.addi %arg1, %mul3A_158 : i32
      %mul3A_160 = arith.constant 80 : i32
      %mul3A_161 = arith.muli %add3A_159, %mul3A_160 : i32
      %multiple_of3A_162 = tpu.assume_multiple %mul3A_161, 8 : i32
      %dma_start3A_163 = arith.constant 0 : i32
      %dma_start3A_164 = tpu.memref_slice %arg16[%multiple_of3A_162, %dma_start3A_163] : memref<10000x128xf32, #tpu.memory_space<vmem_shared>> -> memref<80x128xf32, #tpu.memory_space<vmem_shared>>
      %dma_start3A_165 = arith.constant 0 : i32
      %dma_start3A_166 = tpu.memref_slice %arg16[%multiple_of3A_162, %dma_start3A_165] : memref<10000x128xf32, #tpu.memory_space<vmem_shared>> -> memref<80x128xf32, #tpu.memory_space<vmem_shared>>
      tpu.enqueue_dma source(%arg15 : memref<80x128xf32, #tpu.memory_space<vmem>>) target(%dma_start3A_166 : memref<80x128xf32, #tpu.memory_space<vmem_shared>>) target_semaphore(%arg32 : memref<!tpu.dma_semaphore, #tpu.memory_space<semaphore_mem>>)
    }
    %while3A_37 = arith.constant 0 : i32
    %while3A_38 = arith.constant 0 : i32
    %while3A_39 = arith.subi %add3A_27, %while3A_38 : i32
    %while3A_40 = arith.addi %while3A_38, %while3A_39 : i32
    %while3A_41 = arith.constant 1 : i32
    %while3A_42 = arith.divsi %while3A_39, %while3A_41 : i32
    %while3A_43 = arith.muli %while3A_42, %while3A_41 : i32
    %while3A_44 = arith.addi %while3A_38, %while3A_43 : i32
    %while3A_45 = arith.constant 1 : i32
    scf.for %while3A_156 = %while3A_38 to %while3A_44 step %while3A_45  : i32 {
      %mul3A_157 = arith.constant 16 : i32
      %mul3A_158 = arith.muli %while3A_156, %mul3A_157 : i32
      %add3A_159 = arith.addi %arg1, %mul3A_158 : i32
      %mul3A_160 = arith.constant 80 : i32
      %mul3A_161 = arith.muli %add3A_159, %mul3A_160 : i32
      %multiple_of3A_162 = tpu.assume_multiple %mul3A_161, 8 : i32
      %dma_wait3A_163 = arith.constant 0 : i32
      %dma_wait3A_164 = tpu.memref_slice %arg16[%multiple_of3A_162, %dma_wait3A_163] : memref<10000x128xf32, #tpu.memory_space<vmem_shared>> -> memref<80x128xf32, #tpu.memory_space<vmem_shared>>
      %dma_wait3A_165 = arith.constant 0 : i32
      %dma_wait3A_166 = tpu.memref_slice %arg16[%multiple_of3A_162, %dma_wait3A_165] : memref<10000x128xf32, #tpu.memory_space<vmem_shared>> -> memref<80x128xf32, #tpu.memory_space<vmem_shared>>
      tpu.wait_dma2 semaphore(%arg32 : memref<!tpu.dma_semaphore, #tpu.memory_space<semaphore_mem>>) src(%arg15 : memref<80x128xf32, #tpu.memory_space<vmem>>) dst(%dma_wait3A_166 : memref<80x128xf32, #tpu.memory_space<vmem_shared>>)
    }
    %while3A_46 = arith.constant 1 : i32
    scf.for %while3A_156 = %while3A_44 to %while3A_40 step %while3A_46  : i32 {
      %mul3A_157 = arith.constant 16 : i32
      %mul3A_158 = arith.muli %while3A_156, %mul3A_157 : i32
      %add3A_159 = arith.addi %arg1, %mul3A_158 : i32
      %mul3A_160 = arith.constant 80 : i32
      %mul3A_161 = arith.muli %add3A_159, %mul3A_160 : i32
      %multiple_of3A_162 = tpu.assume_multiple %mul3A_161, 8 : i32
      %dma_wait3A_163 = arith.constant 0 : i32
      %dma_wait3A_164 = tpu.memref_slice %arg16[%multiple_of3A_162, %dma_wait3A_163] : memref<10000x128xf32, #tpu.memory_space<vmem_shared>> -> memref<80x128xf32, #tpu.memory_space<vmem_shared>>
      %dma_wait3A_165 = arith.constant 0 : i32
      %dma_wait3A_166 = tpu.memref_slice %arg16[%multiple_of3A_162, %dma_wait3A_165] : memref<10000x128xf32, #tpu.memory_space<vmem_shared>> -> memref<80x128xf32, #tpu.memory_space<vmem_shared>>
      tpu.wait_dma2 semaphore(%arg32 : memref<!tpu.dma_semaphore, #tpu.memory_space<semaphore_mem>>) src(%arg15 : memref<80x128xf32, #tpu.memory_space<vmem>>) dst(%dma_wait3A_166 : memref<80x128xf32, #tpu.memory_space<vmem_shared>>)
    }
    %barrier3A = arith.constant 0 : index
    tpu.barrier barrier_id(%barrier3A)
    %add3A_47 = arith.constant 0 : i32
    %add3A_48 = arith.addi %add3A, %add3A_47 : i32
    %multiple_of3A = tpu.assume_multiple %add3A_48, 8 : i32
    %add3A_49 = arith.constant 160000 : i32
    %add3A_50 = arith.addi %add3A_49, %add3A : i32
    %add3A_51 = arith.constant 0 : i32
    %add3A_52 = arith.addi %add3A_50, %add3A_51 : i32
    %multiple_of3A_53 = tpu.assume_multiple %add3A_52, 8 : i32
    %dma_start3A = tpu.memref_slice %arg3[%multiple_of3A_53] : memref<320000xi32, #tpu.memory_space<hbm>> -> memref<40xi32, #tpu.memory_space<hbm>>
    %dma_start3A_54 = tpu.memref_slice %arg3[%multiple_of3A_53] : memref<320000xi32, #tpu.memory_space<hbm>> -> memref<40xi32, #tpu.memory_space<hbm>>
    tpu.enqueue_dma source(%dma_start3A_54 : memref<40xi32, #tpu.memory_space<hbm>>) target(%arg5 : memref<40xi32, #tpu.memory_space<vmem>>) target_semaphore(%arg17 : memref<!tpu.dma_semaphore, #tpu.memory_space<semaphore_mem>>)
    %dma_start3A_55 = arith.constant 0 : i32
    %dma_start3A_56 = tpu.memref_slice %arg2[%multiple_of3A, %dma_start3A_55] : memref<160000x128xf32, #tpu.memory_space<hbm>> -> memref<40x128xf32, #tpu.memory_space<hbm>>
    %dma_start3A_57 = arith.constant 0 : i32
    %dma_start3A_58 = tpu.memref_slice %arg2[%multiple_of3A, %dma_start3A_57] : memref<160000x128xf32, #tpu.memory_space<hbm>> -> memref<40x128xf32, #tpu.memory_space<hbm>>
    tpu.enqueue_dma source(%dma_start3A_58 : memref<40x128xf32, #tpu.memory_space<hbm>>) target(%arg10 : memref<40x128xf32, #tpu.memory_space<vmem>>) target_semaphore(%arg22 : memref<!tpu.dma_semaphore, #tpu.memory_space<semaphore_mem>>)
    %add3A_59 = arith.constant 40 : i32
    %add3A_60 = arith.addi %add3A, %add3A_59 : i32
    %multiple_of3A_61 = tpu.assume_multiple %add3A_60, 8 : i32
    %add3A_62 = arith.constant 160000 : i32
    %add3A_63 = arith.addi %add3A_62, %add3A : i32
    %add3A_64 = arith.constant 40 : i32
    %add3A_65 = arith.addi %add3A_63, %add3A_64 : i32
    %multiple_of3A_66 = tpu.assume_multiple %add3A_65, 8 : i32
    %dma_start3A_67 = tpu.memref_slice %arg3[%multiple_of3A_66] : memref<320000xi32, #tpu.memory_space<hbm>> -> memref<40xi32, #tpu.memory_space<hbm>>
    %dma_start3A_68 = tpu.memref_slice %arg3[%multiple_of3A_66] : memref<320000xi32, #tpu.memory_space<hbm>> -> memref<40xi32, #tpu.memory_space<hbm>>
    tpu.enqueue_dma source(%dma_start3A_68 : memref<40xi32, #tpu.memory_space<hbm>>) target(%arg6 : memref<40xi32, #tpu.memory_space<vmem>>) target_semaphore(%arg18 : memref<!tpu.dma_semaphore, #tpu.memory_space<semaphore_mem>>)
    %dma_start3A_69 = arith.constant 0 : i32
    %dma_start3A_70 = tpu.memref_slice %arg2[%multiple_of3A_61, %dma_start3A_69] : memref<160000x128xf32, #tpu.memory_space<hbm>> -> memref<40x128xf32, #tpu.memory_space<hbm>>
    %dma_start3A_71 = arith.constant 0 : i32
    %dma_start3A_72 = tpu.memref_slice %arg2[%multiple_of3A_61, %dma_start3A_71] : memref<160000x128xf32, #tpu.memory_space<hbm>> -> memref<40x128xf32, #tpu.memory_space<hbm>>
    tpu.enqueue_dma source(%dma_start3A_72 : memref<40x128xf32, #tpu.memory_space<hbm>>) target(%arg11 : memref<40x128xf32, #tpu.memory_space<vmem>>) target_semaphore(%arg23 : memref<!tpu.dma_semaphore, #tpu.memory_space<semaphore_mem>>)
    %add3A_73 = arith.constant 80 : i32
    %add3A_74 = arith.addi %add3A, %add3A_73 : i32
    %multiple_of3A_75 = tpu.assume_multiple %add3A_74, 8 : i32
    %add3A_76 = arith.constant 160000 : i32
    %add3A_77 = arith.addi %add3A_76, %add3A : i32
    %add3A_78 = arith.constant 80 : i32
    %add3A_79 = arith.addi %add3A_77, %add3A_78 : i32
    %multiple_of3A_80 = tpu.assume_multiple %add3A_79, 8 : i32
    %dma_start3A_81 = tpu.memref_slice %arg3[%multiple_of3A_80] : memref<320000xi32, #tpu.memory_space<hbm>> -> memref<40xi32, #tpu.memory_space<hbm>>
    %dma_start3A_82 = tpu.memref_slice %arg3[%multiple_of3A_80] : memref<320000xi32, #tpu.memory_space<hbm>> -> memref<40xi32, #tpu.memory_space<hbm>>
    tpu.enqueue_dma source(%dma_start3A_82 : memref<40xi32, #tpu.memory_space<hbm>>) target(%arg7 : memref<40xi32, #tpu.memory_space<vmem>>) target_semaphore(%arg19 : memref<!tpu.dma_semaphore, #tpu.memory_space<semaphore_mem>>)
    %dma_start3A_83 = arith.constant 0 : i32
    %dma_start3A_84 = tpu.memref_slice %arg2[%multiple_of3A_75, %dma_start3A_83] : memref<160000x128xf32, #tpu.memory_space<hbm>> -> memref<40x128xf32, #tpu.memory_space<hbm>>
    %dma_start3A_85 = arith.constant 0 : i32
    %dma_start3A_86 = tpu.memref_slice %arg2[%multiple_of3A_75, %dma_start3A_85] : memref<160000x128xf32, #tpu.memory_space<hbm>> -> memref<40x128xf32, #tpu.memory_space<hbm>>
    tpu.enqueue_dma source(%dma_start3A_86 : memref<40x128xf32, #tpu.memory_space<hbm>>) target(%arg12 : memref<40x128xf32, #tpu.memory_space<vmem>>) target_semaphore(%arg24 : memref<!tpu.dma_semaphore, #tpu.memory_space<semaphore_mem>>)
    %add3A_87 = arith.constant 120 : i32
    %add3A_88 = arith.addi %add3A, %add3A_87 : i32
    %multiple_of3A_89 = tpu.assume_multiple %add3A_88, 8 : i32
    %add3A_90 = arith.constant 160000 : i32
    %add3A_91 = arith.addi %add3A_90, %add3A : i32
    %add3A_92 = arith.constant 120 : i32
    %add3A_93 = arith.addi %add3A_91, %add3A_92 : i32
    %multiple_of3A_94 = tpu.assume_multiple %add3A_93, 8 : i32
    %dma_start3A_95 = tpu.memref_slice %arg3[%multiple_of3A_94] : memref<320000xi32, #tpu.memory_space<hbm>> -> memref<40xi32, #tpu.memory_space<hbm>>
    %dma_start3A_96 = tpu.memref_slice %arg3[%multiple_of3A_94] : memref<320000xi32, #tpu.memory_space<hbm>> -> memref<40xi32, #tpu.memory_space<hbm>>
    tpu.enqueue_dma source(%dma_start3A_96 : memref<40xi32, #tpu.memory_space<hbm>>) target(%arg8 : memref<40xi32, #tpu.memory_space<vmem>>) target_semaphore(%arg20 : memref<!tpu.dma_semaphore, #tpu.memory_space<semaphore_mem>>)
    %dma_start3A_97 = arith.constant 0 : i32
    %dma_start3A_98 = tpu.memref_slice %arg2[%multiple_of3A_89, %dma_start3A_97] : memref<160000x128xf32, #tpu.memory_space<hbm>> -> memref<40x128xf32, #tpu.memory_space<hbm>>
    %dma_start3A_99 = arith.constant 0 : i32
    %dma_start3A_100 = tpu.memref_slice %arg2[%multiple_of3A_89, %dma_start3A_99] : memref<160000x128xf32, #tpu.memory_space<hbm>> -> memref<40x128xf32, #tpu.memory_space<hbm>>
    tpu.enqueue_dma source(%dma_start3A_100 : memref<40x128xf32, #tpu.memory_space<hbm>>) target(%arg13 : memref<40x128xf32, #tpu.memory_space<vmem>>) target_semaphore(%arg25 : memref<!tpu.dma_semaphore, #tpu.memory_space<semaphore_mem>>)
    %add3A_101 = arith.constant 160 : i32
    %add3A_102 = arith.addi %add3A, %add3A_101 : i32
    %multiple_of3A_103 = tpu.assume_multiple %add3A_102, 8 : i32
    %add3A_104 = arith.constant 160000 : i32
    %add3A_105 = arith.addi %add3A_104, %add3A : i32
    %add3A_106 = arith.constant 160 : i32
    %add3A_107 = arith.addi %add3A_105, %add3A_106 : i32
    %multiple_of3A_108 = tpu.assume_multiple %add3A_107, 8 : i32
    %dma_start3A_109 = tpu.memref_slice %arg3[%multiple_of3A_108] : memref<320000xi32, #tpu.memory_space<hbm>> -> memref<40xi32, #tpu.memory_space<hbm>>
    %dma_start3A_110 = tpu.memref_slice %arg3[%multiple_of3A_108] : memref<320000xi32, #tpu.memory_space<hbm>> -> memref<40xi32, #tpu.memory_space<hbm>>
    tpu.enqueue_dma source(%dma_start3A_110 : memref<40xi32, #tpu.memory_space<hbm>>) target(%arg9 : memref<40xi32, #tpu.memory_space<vmem>>) target_semaphore(%arg21 : memref<!tpu.dma_semaphore, #tpu.memory_space<semaphore_mem>>)
    %dma_start3A_111 = arith.constant 0 : i32
    %dma_start3A_112 = tpu.memref_slice %arg2[%multiple_of3A_103, %dma_start3A_111] : memref<160000x128xf32, #tpu.memory_space<hbm>> -> memref<40x128xf32, #tpu.memory_space<hbm>>
    %dma_start3A_113 = arith.constant 0 : i32
    %dma_start3A_114 = tpu.memref_slice %arg2[%multiple_of3A_103, %dma_start3A_113] : memref<160000x128xf32, #tpu.memory_space<hbm>> -> memref<40x128xf32, #tpu.memory_space<hbm>>
    tpu.enqueue_dma source(%dma_start3A_114 : memref<40x128xf32, #tpu.memory_space<hbm>>) target(%arg14 : memref<40x128xf32, #tpu.memory_space<vmem>>) target_semaphore(%arg26 : memref<!tpu.dma_semaphore, #tpu.memory_space<semaphore_mem>>)
    %scan3A_115 = arith.constant 0 : i32
    %scan3A_116 = arith.constant 0 : i32
    %scan3A_117 = arith.constant 25 : i32
    %scan3A_118 = arith.addi %scan3A_116, %scan3A_117 : i32
    %scan3A_119 = arith.constant 1 : i32
    scf.for %scan3A_156 = %scan3A_116 to %scan3A_118 step %scan3A_119  : i32 {
      %mul3A_157 = arith.constant 5 : i32
      %mul3A_158 = arith.muli %mul3A_157, %scan3A_156 : i32
      %add3A_159 = arith.constant 0 : i32
      %add3A_160 = arith.addi %mul3A_158, %add3A_159 : i32
      %mul3A_161 = arith.constant 40 : i32
      %mul3A_162 = arith.muli %add3A_160, %mul3A_161 : i32
      %add3A_163 = arith.addi %add3A, %mul3A_162 : i32
      %multiple_of3A_164 = tpu.assume_multiple %add3A_163, 8 : i32
      %add3A_165 = arith.constant 160000 : i32
      %add3A_166 = arith.addi %add3A_165, %add3A : i32
      %mul3A_167 = arith.constant 40 : i32
      %mul3A_168 = arith.muli %add3A_160, %mul3A_167 : i32
      %add3A_169 = arith.addi %add3A_166, %mul3A_168 : i32
      %multiple_of3A_170 = tpu.assume_multiple %add3A_169, 8 : i32
      %dma_wait3A_171 = tpu.memref_slice %arg3[%multiple_of3A_170] : memref<320000xi32, #tpu.memory_space<hbm>> -> memref<40xi32, #tpu.memory_space<hbm>>
      %dma_wait3A_172 = tpu.memref_slice %arg3[%multiple_of3A_170] : memref<320000xi32, #tpu.memory_space<hbm>> -> memref<40xi32, #tpu.memory_space<hbm>>
      tpu.wait_dma2 semaphore(%arg17 : memref<!tpu.dma_semaphore, #tpu.memory_space<semaphore_mem>>) src(%dma_wait3A_172 : memref<40xi32, #tpu.memory_space<hbm>>) dst(%arg5 : memref<40xi32, #tpu.memory_space<vmem>>)
      %dma_wait3A_173 = arith.constant 0 : i32
      %dma_wait3A_174 = tpu.memref_slice %arg2[%multiple_of3A_164, %dma_wait3A_173] : memref<160000x128xf32, #tpu.memory_space<hbm>> -> memref<40x128xf32, #tpu.memory_space<hbm>>
      %dma_wait3A_175 = arith.constant 0 : i32
      %dma_wait3A_176 = tpu.memref_slice %arg2[%multiple_of3A_164, %dma_wait3A_175] : memref<160000x128xf32, #tpu.memory_space<hbm>> -> memref<40x128xf32, #tpu.memory_space<hbm>>
      tpu.wait_dma2 semaphore(%arg22 : memref<!tpu.dma_semaphore, #tpu.memory_space<semaphore_mem>>) src(%dma_wait3A_176 : memref<40x128xf32, #tpu.memory_space<hbm>>) dst(%arg10 : memref<40x128xf32, #tpu.memory_space<vmem>>)
      %dma_start3A_177 = arith.constant 0 : i32
      %dma_start3A_178 = arith.constant 0 : i32
      %dma_start3A_179 = tpu.memref_slice %arg16[%dma_start3A_177, %dma_start3A_178] : memref<10000x128xf32, #tpu.memory_space<vmem_shared>> -> memref<10000x128xf32, #tpu.memory_space<vmem_shared>>
      tpu.enqueue_indirect_dma source(%arg10 : memref<40x128xf32, #tpu.memory_space<vmem>>) target(%dma_start3A_179 : memref<10000x128xf32, #tpu.memory_space<vmem_shared>>) offsets(%arg5 : memref<40xi32, #tpu.memory_space<vmem>>) semaphore(%arg27 : memref<!tpu.dma_semaphore, #tpu.memory_space<semaphore_mem>>) {add = true}
      %mul3A_180 = arith.constant 5 : i32
      %mul3A_181 = arith.muli %mul3A_180, %scan3A_156 : i32
      %add3A_182 = arith.constant 1 : i32
      %add3A_183 = arith.addi %mul3A_181, %add3A_182 : i32
      %mul3A_184 = arith.constant 40 : i32
      %mul3A_185 = arith.muli %add3A_183, %mul3A_184 : i32
      %add3A_186 = arith.addi %add3A, %mul3A_185 : i32
      %multiple_of3A_187 = tpu.assume_multiple %add3A_186, 8 : i32
      %add3A_188 = arith.constant 160000 : i32
      %add3A_189 = arith.addi %add3A_188, %add3A : i32
      %mul3A_190 = arith.constant 40 : i32
      %mul3A_191 = arith.muli %add3A_183, %mul3A_190 : i32
      %add3A_192 = arith.addi %add3A_189, %mul3A_191 : i32
      %multiple_of3A_193 = tpu.assume_multiple %add3A_192, 8 : i32
      %dma_wait3A_194 = tpu.memref_slice %arg3[%multiple_of3A_193] : memref<320000xi32, #tpu.memory_space<hbm>> -> memref<40xi32, #tpu.memory_space<hbm>>
      %dma_wait3A_195 = tpu.memref_slice %arg3[%multiple_of3A_193] : memref<320000xi32, #tpu.memory_space<hbm>> -> memref<40xi32, #tpu.memory_space<hbm>>
      tpu.wait_dma2 semaphore(%arg18 : memref<!tpu.dma_semaphore, #tpu.memory_space<semaphore_mem>>) src(%dma_wait3A_195 : memref<40xi32, #tpu.memory_space<hbm>>) dst(%arg6 : memref<40xi32, #tpu.memory_space<vmem>>)
      %dma_wait3A_196 = arith.constant 0 : i32
      %dma_wait3A_197 = tpu.memref_slice %arg2[%multiple_of3A_187, %dma_wait3A_196] : memref<160000x128xf32, #tpu.memory_space<hbm>> -> memref<40x128xf32, #tpu.memory_space<hbm>>
      %dma_wait3A_198 = arith.constant 0 : i32
      %dma_wait3A_199 = tpu.memref_slice %arg2[%multiple_of3A_187, %dma_wait3A_198] : memref<160000x128xf32, #tpu.memory_space<hbm>> -> memref<40x128xf32, #tpu.memory_space<hbm>>
      tpu.wait_dma2 semaphore(%arg23 : memref<!tpu.dma_semaphore, #tpu.memory_space<semaphore_mem>>) src(%dma_wait3A_199 : memref<40x128xf32, #tpu.memory_space<hbm>>) dst(%arg11 : memref<40x128xf32, #tpu.memory_space<vmem>>)
      %dma_start3A_200 = arith.constant 0 : i32
      %dma_start3A_201 = arith.constant 0 : i32
      %dma_start3A_202 = tpu.memref_slice %arg16[%dma_start3A_200, %dma_start3A_201] : memref<10000x128xf32, #tpu.memory_space<vmem_shared>> -> memref<10000x128xf32, #tpu.memory_space<vmem_shared>>
      tpu.enqueue_indirect_dma source(%arg11 : memref<40x128xf32, #tpu.memory_space<vmem>>) target(%dma_start3A_202 : memref<10000x128xf32, #tpu.memory_space<vmem_shared>>) offsets(%arg6 : memref<40xi32, #tpu.memory_space<vmem>>) semaphore(%arg28 : memref<!tpu.dma_semaphore, #tpu.memory_space<semaphore_mem>>) {add = true}
      %mul3A_203 = arith.constant 5 : i32
      %mul3A_204 = arith.muli %mul3A_203, %scan3A_156 : i32
      %add3A_205 = arith.constant 2 : i32
      %add3A_206 = arith.addi %mul3A_204, %add3A_205 : i32
      %mul3A_207 = arith.constant 40 : i32
      %mul3A_208 = arith.muli %add3A_206, %mul3A_207 : i32
      %add3A_209 = arith.addi %add3A, %mul3A_208 : i32
      %multiple_of3A_210 = tpu.assume_multiple %add3A_209, 8 : i32
      %add3A_211 = arith.constant 160000 : i32
      %add3A_212 = arith.addi %add3A_211, %add3A : i32
      %mul3A_213 = arith.constant 40 : i32
      %mul3A_214 = arith.muli %add3A_206, %mul3A_213 : i32
      %add3A_215 = arith.addi %add3A_212, %mul3A_214 : i32
      %multiple_of3A_216 = tpu.assume_multiple %add3A_215, 8 : i32
      %dma_wait3A_217 = tpu.memref_slice %arg3[%multiple_of3A_216] : memref<320000xi32, #tpu.memory_space<hbm>> -> memref<40xi32, #tpu.memory_space<hbm>>
      %dma_wait3A_218 = tpu.memref_slice %arg3[%multiple_of3A_216] : memref<320000xi32, #tpu.memory_space<hbm>> -> memref<40xi32, #tpu.memory_space<hbm>>
      tpu.wait_dma2 semaphore(%arg19 : memref<!tpu.dma_semaphore, #tpu.memory_space<semaphore_mem>>) src(%dma_wait3A_218 : memref<40xi32, #tpu.memory_space<hbm>>) dst(%arg7 : memref<40xi32, #tpu.memory_space<vmem>>)
      %dma_wait3A_219 = arith.constant 0 : i32
      %dma_wait3A_220 = tpu.memref_slice %arg2[%multiple_of3A_210, %dma_wait3A_219] : memref<160000x128xf32, #tpu.memory_space<hbm>> -> memref<40x128xf32, #tpu.memory_space<hbm>>
      %dma_wait3A_221 = arith.constant 0 : i32
      %dma_wait3A_222 = tpu.memref_slice %arg2[%multiple_of3A_210, %dma_wait3A_221] : memref<160000x128xf32, #tpu.memory_space<hbm>> -> memref<40x128xf32, #tpu.memory_space<hbm>>
      tpu.wait_dma2 semaphore(%arg24 : memref<!tpu.dma_semaphore, #tpu.memory_space<semaphore_mem>>) src(%dma_wait3A_222 : memref<40x128xf32, #tpu.memory_space<hbm>>) dst(%arg12 : memref<40x128xf32, #tpu.memory_space<vmem>>)
      %dma_start3A_223 = arith.constant 0 : i32
      %dma_start3A_224 = arith.constant 0 : i32
      %dma_start3A_225 = tpu.memref_slice %arg16[%dma_start3A_223, %dma_start3A_224] : memref<10000x128xf32, #tpu.memory_space<vmem_shared>> -> memref<10000x128xf32, #tpu.memory_space<vmem_shared>>
      tpu.enqueue_indirect_dma source(%arg12 : memref<40x128xf32, #tpu.memory_space<vmem>>) target(%dma_start3A_225 : memref<10000x128xf32, #tpu.memory_space<vmem_shared>>) offsets(%arg7 : memref<40xi32, #tpu.memory_space<vmem>>) semaphore(%arg29 : memref<!tpu.dma_semaphore, #tpu.memory_space<semaphore_mem>>) {add = true}
      %mul3A_226 = arith.constant 5 : i32
      %mul3A_227 = arith.muli %mul3A_226, %scan3A_156 : i32
      %add3A_228 = arith.constant 3 : i32
      %add3A_229 = arith.addi %mul3A_227, %add3A_228 : i32
      %mul3A_230 = arith.constant 40 : i32
      %mul3A_231 = arith.muli %add3A_229, %mul3A_230 : i32
      %add3A_232 = arith.addi %add3A, %mul3A_231 : i32
      %multiple_of3A_233 = tpu.assume_multiple %add3A_232, 8 : i32
      %add3A_234 = arith.constant 160000 : i32
      %add3A_235 = arith.addi %add3A_234, %add3A : i32
      %mul3A_236 = arith.constant 40 : i32
      %mul3A_237 = arith.muli %add3A_229, %mul3A_236 : i32
      %add3A_238 = arith.addi %add3A_235, %mul3A_237 : i32
      %multiple_of3A_239 = tpu.assume_multiple %add3A_238, 8 : i32
      %dma_wait3A_240 = tpu.memref_slice %arg3[%multiple_of3A_239] : memref<320000xi32, #tpu.memory_space<hbm>> -> memref<40xi32, #tpu.memory_space<hbm>>
      %dma_wait3A_241 = tpu.memref_slice %arg3[%multiple_of3A_239] : memref<320000xi32, #tpu.memory_space<hbm>> -> memref<40xi32, #tpu.memory_space<hbm>>
      tpu.wait_dma2 semaphore(%arg20 : memref<!tpu.dma_semaphore, #tpu.memory_space<semaphore_mem>>) src(%dma_wait3A_241 : memref<40xi32, #tpu.memory_space<hbm>>) dst(%arg8 : memref<40xi32, #tpu.memory_space<vmem>>)
      %dma_wait3A_242 = arith.constant 0 : i32
      %dma_wait3A_243 = tpu.memref_slice %arg2[%multiple_of3A_233, %dma_wait3A_242] : memref<160000x128xf32, #tpu.memory_space<hbm>> -> memref<40x128xf32, #tpu.memory_space<hbm>>
      %dma_wait3A_244 = arith.constant 0 : i32
      %dma_wait3A_245 = tpu.memref_slice %arg2[%multiple_of3A_233, %dma_wait3A_244] : memref<160000x128xf32, #tpu.memory_space<hbm>> -> memref<40x128xf32, #tpu.memory_space<hbm>>
      tpu.wait_dma2 semaphore(%arg25 : memref<!tpu.dma_semaphore, #tpu.memory_space<semaphore_mem>>) src(%dma_wait3A_245 : memref<40x128xf32, #tpu.memory_space<hbm>>) dst(%arg13 : memref<40x128xf32, #tpu.memory_space<vmem>>)
      %dma_start3A_246 = arith.constant 0 : i32
      %dma_start3A_247 = arith.constant 0 : i32
      %dma_start3A_248 = tpu.memref_slice %arg16[%dma_start3A_246, %dma_start3A_247] : memref<10000x128xf32, #tpu.memory_space<vmem_shared>> -> memref<10000x128xf32, #tpu.memory_space<vmem_shared>>
      tpu.enqueue_indirect_dma source(%arg13 : memref<40x128xf32, #tpu.memory_space<vmem>>) target(%dma_start3A_248 : memref<10000x128xf32, #tpu.memory_space<vmem_shared>>) offsets(%arg8 : memref<40xi32, #tpu.memory_space<vmem>>) semaphore(%arg30 : memref<!tpu.dma_semaphore, #tpu.memory_space<semaphore_mem>>) {add = true}
      %mul3A_249 = arith.constant 5 : i32
      %mul3A_250 = arith.muli %mul3A_249, %scan3A_156 : i32
      %add3A_251 = arith.constant 4 : i32
      %add3A_252 = arith.addi %mul3A_250, %add3A_251 : i32
      %mul3A_253 = arith.constant 40 : i32
      %mul3A_254 = arith.muli %add3A_252, %mul3A_253 : i32
      %add3A_255 = arith.addi %add3A, %mul3A_254 : i32
      %multiple_of3A_256 = tpu.assume_multiple %add3A_255, 8 : i32
      %add3A_257 = arith.constant 160000 : i32
      %add3A_258 = arith.addi %add3A_257, %add3A : i32
      %mul3A_259 = arith.constant 40 : i32
      %mul3A_260 = arith.muli %add3A_252, %mul3A_259 : i32
      %add3A_261 = arith.addi %add3A_258, %mul3A_260 : i32
      %multiple_of3A_262 = tpu.assume_multiple %add3A_261, 8 : i32
      %dma_wait3A_263 = tpu.memref_slice %arg3[%multiple_of3A_262] : memref<320000xi32, #tpu.memory_space<hbm>> -> memref<40xi32, #tpu.memory_space<hbm>>
      %dma_wait3A_264 = tpu.memref_slice %arg3[%multiple_of3A_262] : memref<320000xi32, #tpu.memory_space<hbm>> -> memref<40xi32, #tpu.memory_space<hbm>>
      tpu.wait_dma2 semaphore(%arg21 : memref<!tpu.dma_semaphore, #tpu.memory_space<semaphore_mem>>) src(%dma_wait3A_264 : memref<40xi32, #tpu.memory_space<hbm>>) dst(%arg9 : memref<40xi32, #tpu.memory_space<vmem>>)
      %dma_wait3A_265 = arith.constant 0 : i32
      %dma_wait3A_266 = tpu.memref_slice %arg2[%multiple_of3A_256, %dma_wait3A_265] : memref<160000x128xf32, #tpu.memory_space<hbm>> -> memref<40x128xf32, #tpu.memory_space<hbm>>
      %dma_wait3A_267 = arith.constant 0 : i32
      %dma_wait3A_268 = tpu.memref_slice %arg2[%multiple_of3A_256, %dma_wait3A_267] : memref<160000x128xf32, #tpu.memory_space<hbm>> -> memref<40x128xf32, #tpu.memory_space<hbm>>
      tpu.wait_dma2 semaphore(%arg26 : memref<!tpu.dma_semaphore, #tpu.memory_space<semaphore_mem>>) src(%dma_wait3A_268 : memref<40x128xf32, #tpu.memory_space<hbm>>) dst(%arg14 : memref<40x128xf32, #tpu.memory_space<vmem>>)
      %dma_start3A_269 = arith.constant 0 : i32
      %dma_start3A_270 = arith.constant 0 : i32
      %dma_start3A_271 = tpu.memref_slice %arg16[%dma_start3A_269, %dma_start3A_270] : memref<10000x128xf32, #tpu.memory_space<vmem_shared>> -> memref<10000x128xf32, #tpu.memory_space<vmem_shared>>
      tpu.enqueue_indirect_dma source(%arg14 : memref<40x128xf32, #tpu.memory_space<vmem>>) target(%dma_start3A_271 : memref<10000x128xf32, #tpu.memory_space<vmem_shared>>) offsets(%arg9 : memref<40xi32, #tpu.memory_space<vmem>>) semaphore(%arg31 : memref<!tpu.dma_semaphore, #tpu.memory_space<semaphore_mem>>) {add = true}
      %mul3A_272 = arith.constant 5 : i32
      %mul3A_273 = arith.muli %mul3A_272, %scan3A_156 : i32
      %add3A_274 = arith.constant 0 : i32
      %add3A_275 = arith.addi %mul3A_273, %add3A_274 : i32
      %add3A_276 = arith.constant 5 : i32
      %add3A_277 = arith.addi %add3A_275, %add3A_276 : i32
      %lt3A = arith.constant 125 : i32
      %lt3A_278 = arith.cmpi slt, %add3A_277, %lt3A : i32
      %convert_element_type3A = arith.extui %lt3A_278 : i1 to i32
      %cond3A = arith.constant 0 : i32
      %cond3A_279 = arith.cmpi ne, %convert_element_type3A, %cond3A : i32
      scf.if %cond3A_279 {
        %add3A_324 = arith.constant 5 : i32
        %add3A_325 = arith.addi %add3A_275, %add3A_324 : i32
        %mul3A_326 = arith.constant 40 : i32
        %mul3A_327 = arith.muli %add3A_325, %mul3A_326 : i32
        %add3A_328 = arith.addi %add3A, %mul3A_327 : i32
        %multiple_of3A_329 = tpu.assume_multiple %add3A_328, 8 : i32
        %dma_wait3A_330 = arith.constant 0 : i32
        %dma_wait3A_331 = arith.constant 0 : i32
        %dma_wait3A_332 = tpu.memref_slice %arg16[%dma_wait3A_330, %dma_wait3A_331] : memref<10000x128xf32, #tpu.memory_space<vmem_shared>> -> memref<10000x128xf32, #tpu.memory_space<vmem_shared>>
        tpu.wait_indirect_dma semaphore(%arg27 : memref<!tpu.dma_semaphore, #tpu.memory_space<semaphore_mem>>) src(%arg10 : memref<40x128xf32, #tpu.memory_space<vmem>>) dst(%dma_wait3A_332 : memref<10000x128xf32, #tpu.memory_space<vmem_shared>>)
        %add3A_333 = arith.constant 5 : i32
        %add3A_334 = arith.addi %add3A_275, %add3A_333 : i32
        %add3A_335 = arith.constant 160000 : i32
        %add3A_336 = arith.addi %add3A_335, %add3A : i32
        %mul3A_337 = arith.constant 40 : i32
        %mul3A_338 = arith.muli %add3A_334, %mul3A_337 : i32
        %add3A_339 = arith.addi %add3A_336, %mul3A_338 : i32
        %multiple_of3A_340 = tpu.assume_multiple %add3A_339, 8 : i32
        %dma_start3A_341 = tpu.memref_slice %arg3[%multiple_of3A_340] : memref<320000xi32, #tpu.memory_space<hbm>> -> memref<40xi32, #tpu.memory_space<hbm>>
        %dma_start3A_342 = tpu.memref_slice %arg3[%multiple_of3A_340] : memref<320000xi32, #tpu.memory_space<hbm>> -> memref<40xi32, #tpu.memory_space<hbm>>
        tpu.enqueue_dma source(%dma_start3A_342 : memref<40xi32, #tpu.memory_space<hbm>>) target(%arg5 : memref<40xi32, #tpu.memory_space<vmem>>) target_semaphore(%arg17 : memref<!tpu.dma_semaphore, #tpu.memory_space<semaphore_mem>>)
        %dma_start3A_343 = arith.constant 0 : i32
        %dma_start3A_344 = tpu.memref_slice %arg2[%multiple_of3A_329, %dma_start3A_343] : memref<160000x128xf32, #tpu.memory_space<hbm>> -> memref<40x128xf32, #tpu.memory_space<hbm>>
        %dma_start3A_345 = arith.constant 0 : i32
        %dma_start3A_346 = tpu.memref_slice %arg2[%multiple_of3A_329, %dma_start3A_345] : memref<160000x128xf32, #tpu.memory_space<hbm>> -> memref<40x128xf32, #tpu.memory_space<hbm>>
        tpu.enqueue_dma source(%dma_start3A_346 : memref<40x128xf32, #tpu.memory_space<hbm>>) target(%arg10 : memref<40x128xf32, #tpu.memory_space<vmem>>) target_semaphore(%arg22 : memref<!tpu.dma_semaphore, #tpu.memory_space<semaphore_mem>>)
      } else {
      }
      %mul3A_280 = arith.constant 5 : i32
      %mul3A_281 = arith.muli %mul3A_280, %scan3A_156 : i32
      %add3A_282 = arith.constant 1 : i32
      %add3A_283 = arith.addi %mul3A_281, %add3A_282 : i32
      %add3A_284 = arith.constant 5 : i32
      %add3A_285 = arith.addi %add3A_283, %add3A_284 : i32
      %lt3A_286 = arith.constant 125 : i32
      %lt3A_287 = arith.cmpi slt, %add3A_285, %lt3A_286 : i32
      %convert_element_type3A_288 = arith.extui %lt3A_287 : i1 to i32
      %cond3A_289 = arith.constant 0 : i32
      %cond3A_290 = arith.cmpi ne, %convert_element_type3A_288, %cond3A_289 : i32
      scf.if %cond3A_290 {
        %add3A_324 = arith.constant 5 : i32
        %add3A_325 = arith.addi %add3A_283, %add3A_324 : i32
        %mul3A_326 = arith.constant 40 : i32
        %mul3A_327 = arith.muli %add3A_325, %mul3A_326 : i32
        %add3A_328 = arith.addi %add3A, %mul3A_327 : i32
        %multiple_of3A_329 = tpu.assume_multiple %add3A_328, 8 : i32
        %dma_wait3A_330 = arith.constant 0 : i32
        %dma_wait3A_331 = arith.constant 0 : i32
        %dma_wait3A_332 = tpu.memref_slice %arg16[%dma_wait3A_330, %dma_wait3A_331] : memref<10000x128xf32, #tpu.memory_space<vmem_shared>> -> memref<10000x128xf32, #tpu.memory_space<vmem_shared>>
        tpu.wait_indirect_dma semaphore(%arg28 : memref<!tpu.dma_semaphore, #tpu.memory_space<semaphore_mem>>) src(%arg11 : memref<40x128xf32, #tpu.memory_space<vmem>>) dst(%dma_wait3A_332 : memref<10000x128xf32, #tpu.memory_space<vmem_shared>>)
        %add3A_333 = arith.constant 5 : i32
        %add3A_334 = arith.addi %add3A_283, %add3A_333 : i32
        %add3A_335 = arith.constant 160000 : i32
        %add3A_336 = arith.addi %add3A_335, %add3A : i32
        %mul3A_337 = arith.constant 40 : i32
        %mul3A_338 = arith.muli %add3A_334, %mul3A_337 : i32
        %add3A_339 = arith.addi %add3A_336, %mul3A_338 : i32
        %multiple_of3A_340 = tpu.assume_multiple %add3A_339, 8 : i32
        %dma_start3A_341 = tpu.memref_slice %arg3[%multiple_of3A_340] : memref<320000xi32, #tpu.memory_space<hbm>> -> memref<40xi32, #tpu.memory_space<hbm>>
        %dma_start3A_342 = tpu.memref_slice %arg3[%multiple_of3A_340] : memref<320000xi32, #tpu.memory_space<hbm>> -> memref<40xi32, #tpu.memory_space<hbm>>
        tpu.enqueue_dma source(%dma_start3A_342 : memref<40xi32, #tpu.memory_space<hbm>>) target(%arg6 : memref<40xi32, #tpu.memory_space<vmem>>) target_semaphore(%arg18 : memref<!tpu.dma_semaphore, #tpu.memory_space<semaphore_mem>>)
        %dma_start3A_343 = arith.constant 0 : i32
        %dma_start3A_344 = tpu.memref_slice %arg2[%multiple_of3A_329, %dma_start3A_343] : memref<160000x128xf32, #tpu.memory_space<hbm>> -> memref<40x128xf32, #tpu.memory_space<hbm>>
        %dma_start3A_345 = arith.constant 0 : i32
        %dma_start3A_346 = tpu.memref_slice %arg2[%multiple_of3A_329, %dma_start3A_345] : memref<160000x128xf32, #tpu.memory_space<hbm>> -> memref<40x128xf32, #tpu.memory_space<hbm>>
        tpu.enqueue_dma source(%dma_start3A_346 : memref<40x128xf32, #tpu.memory_space<hbm>>) target(%arg11 : memref<40x128xf32, #tpu.memory_space<vmem>>) target_semaphore(%arg23 : memref<!tpu.dma_semaphore, #tpu.memory_space<semaphore_mem>>)
      } else {
      }
      %mul3A_291 = arith.constant 5 : i32
      %mul3A_292 = arith.muli %mul3A_291, %scan3A_156 : i32
      %add3A_293 = arith.constant 2 : i32
      %add3A_294 = arith.addi %mul3A_292, %add3A_293 : i32
      %add3A_295 = arith.constant 5 : i32
      %add3A_296 = arith.addi %add3A_294, %add3A_295 : i32
      %lt3A_297 = arith.constant 125 : i32
      %lt3A_298 = arith.cmpi slt, %add3A_296, %lt3A_297 : i32
      %convert_element_type3A_299 = arith.extui %lt3A_298 : i1 to i32
      %cond3A_300 = arith.constant 0 : i32
      %cond3A_301 = arith.cmpi ne, %convert_element_type3A_299, %cond3A_300 : i32
      scf.if %cond3A_301 {
        %add3A_324 = arith.constant 5 : i32
        %add3A_325 = arith.addi %add3A_294, %add3A_324 : i32
        %mul3A_326 = arith.constant 40 : i32
        %mul3A_327 = arith.muli %add3A_325, %mul3A_326 : i32
        %add3A_328 = arith.addi %add3A, %mul3A_327 : i32
        %multiple_of3A_329 = tpu.assume_multiple %add3A_328, 8 : i32
        %dma_wait3A_330 = arith.constant 0 : i32
        %dma_wait3A_331 = arith.constant 0 : i32
        %dma_wait3A_332 = tpu.memref_slice %arg16[%dma_wait3A_330, %dma_wait3A_331] : memref<10000x128xf32, #tpu.memory_space<vmem_shared>> -> memref<10000x128xf32, #tpu.memory_space<vmem_shared>>
        tpu.wait_indirect_dma semaphore(%arg29 : memref<!tpu.dma_semaphore, #tpu.memory_space<semaphore_mem>>) src(%arg12 : memref<40x128xf32, #tpu.memory_space<vmem>>) dst(%dma_wait3A_332 : memref<10000x128xf32, #tpu.memory_space<vmem_shared>>)
        %add3A_333 = arith.constant 5 : i32
        %add3A_334 = arith.addi %add3A_294, %add3A_333 : i32
        %add3A_335 = arith.constant 160000 : i32
        %add3A_336 = arith.addi %add3A_335, %add3A : i32
        %mul3A_337 = arith.constant 40 : i32
        %mul3A_338 = arith.muli %add3A_334, %mul3A_337 : i32
        %add3A_339 = arith.addi %add3A_336, %mul3A_338 : i32
        %multiple_of3A_340 = tpu.assume_multiple %add3A_339, 8 : i32
        %dma_start3A_341 = tpu.memref_slice %arg3[%multiple_of3A_340] : memref<320000xi32, #tpu.memory_space<hbm>> -> memref<40xi32, #tpu.memory_space<hbm>>
        %dma_start3A_342 = tpu.memref_slice %arg3[%multiple_of3A_340] : memref<320000xi32, #tpu.memory_space<hbm>> -> memref<40xi32, #tpu.memory_space<hbm>>
        tpu.enqueue_dma source(%dma_start3A_342 : memref<40xi32, #tpu.memory_space<hbm>>) target(%arg7 : memref<40xi32, #tpu.memory_space<vmem>>) target_semaphore(%arg19 : memref<!tpu.dma_semaphore, #tpu.memory_space<semaphore_mem>>)
        %dma_start3A_343 = arith.constant 0 : i32
        %dma_start3A_344 = tpu.memref_slice %arg2[%multiple_of3A_329, %dma_start3A_343] : memref<160000x128xf32, #tpu.memory_space<hbm>> -> memref<40x128xf32, #tpu.memory_space<hbm>>
        %dma_start3A_345 = arith.constant 0 : i32
        %dma_start3A_346 = tpu.memref_slice %arg2[%multiple_of3A_329, %dma_start3A_345] : memref<160000x128xf32, #tpu.memory_space<hbm>> -> memref<40x128xf32, #tpu.memory_space<hbm>>
        tpu.enqueue_dma source(%dma_start3A_346 : memref<40x128xf32, #tpu.memory_space<hbm>>) target(%arg12 : memref<40x128xf32, #tpu.memory_space<vmem>>) target_semaphore(%arg24 : memref<!tpu.dma_semaphore, #tpu.memory_space<semaphore_mem>>)
      } else {
      }
      %mul3A_302 = arith.constant 5 : i32
      %mul3A_303 = arith.muli %mul3A_302, %scan3A_156 : i32
      %add3A_304 = arith.constant 3 : i32
      %add3A_305 = arith.addi %mul3A_303, %add3A_304 : i32
      %add3A_306 = arith.constant 5 : i32
      %add3A_307 = arith.addi %add3A_305, %add3A_306 : i32
      %lt3A_308 = arith.constant 125 : i32
      %lt3A_309 = arith.cmpi slt, %add3A_307, %lt3A_308 : i32
      %convert_element_type3A_310 = arith.extui %lt3A_309 : i1 to i32
      %cond3A_311 = arith.constant 0 : i32
      %cond3A_312 = arith.cmpi ne, %convert_element_type3A_310, %cond3A_311 : i32
      scf.if %cond3A_312 {
        %add3A_324 = arith.constant 5 : i32
        %add3A_325 = arith.addi %add3A_305, %add3A_324 : i32
        %mul3A_326 = arith.constant 40 : i32
        %mul3A_327 = arith.muli %add3A_325, %mul3A_326 : i32
        %add3A_328 = arith.addi %add3A, %mul3A_327 : i32
        %multiple_of3A_329 = tpu.assume_multiple %add3A_328, 8 : i32
        %dma_wait3A_330 = arith.constant 0 : i32
        %dma_wait3A_331 = arith.constant 0 : i32
        %dma_wait3A_332 = tpu.memref_slice %arg16[%dma_wait3A_330, %dma_wait3A_331] : memref<10000x128xf32, #tpu.memory_space<vmem_shared>> -> memref<10000x128xf32, #tpu.memory_space<vmem_shared>>
        tpu.wait_indirect_dma semaphore(%arg30 : memref<!tpu.dma_semaphore, #tpu.memory_space<semaphore_mem>>) src(%arg13 : memref<40x128xf32, #tpu.memory_space<vmem>>) dst(%dma_wait3A_332 : memref<10000x128xf32, #tpu.memory_space<vmem_shared>>)
        %add3A_333 = arith.constant 5 : i32
        %add3A_334 = arith.addi %add3A_305, %add3A_333 : i32
        %add3A_335 = arith.constant 160000 : i32
        %add3A_336 = arith.addi %add3A_335, %add3A : i32
        %mul3A_337 = arith.constant 40 : i32
        %mul3A_338 = arith.muli %add3A_334, %mul3A_337 : i32
        %add3A_339 = arith.addi %add3A_336, %mul3A_338 : i32
        %multiple_of3A_340 = tpu.assume_multiple %add3A_339, 8 : i32
        %dma_start3A_341 = tpu.memref_slice %arg3[%multiple_of3A_340] : memref<320000xi32, #tpu.memory_space<hbm>> -> memref<40xi32, #tpu.memory_space<hbm>>
        %dma_start3A_342 = tpu.memref_slice %arg3[%multiple_of3A_340] : memref<320000xi32, #tpu.memory_space<hbm>> -> memref<40xi32, #tpu.memory_space<hbm>>
        tpu.enqueue_dma source(%dma_start3A_342 : memref<40xi32, #tpu.memory_space<hbm>>) target(%arg8 : memref<40xi32, #tpu.memory_space<vmem>>) target_semaphore(%arg20 : memref<!tpu.dma_semaphore, #tpu.memory_space<semaphore_mem>>)
        %dma_start3A_343 = arith.constant 0 : i32
        %dma_start3A_344 = tpu.memref_slice %arg2[%multiple_of3A_329, %dma_start3A_343] : memref<160000x128xf32, #tpu.memory_space<hbm>> -> memref<40x128xf32, #tpu.memory_space<hbm>>
        %dma_start3A_345 = arith.constant 0 : i32
        %dma_start3A_346 = tpu.memref_slice %arg2[%multiple_of3A_329, %dma_start3A_345] : memref<160000x128xf32, #tpu.memory_space<hbm>> -> memref<40x128xf32, #tpu.memory_space<hbm>>
        tpu.enqueue_dma source(%dma_start3A_346 : memref<40x128xf32, #tpu.memory_space<hbm>>) target(%arg13 : memref<40x128xf32, #tpu.memory_space<vmem>>) target_semaphore(%arg25 : memref<!tpu.dma_semaphore, #tpu.memory_space<semaphore_mem>>)
      } else {
      }
      %mul3A_313 = arith.constant 5 : i32
      %mul3A_314 = arith.muli %mul3A_313, %scan3A_156 : i32
      %add3A_315 = arith.constant 4 : i32
      %add3A_316 = arith.addi %mul3A_314, %add3A_315 : i32
      %add3A_317 = arith.constant 5 : i32
      %add3A_318 = arith.addi %add3A_316, %add3A_317 : i32
      %lt3A_319 = arith.constant 125 : i32
      %lt3A_320 = arith.cmpi slt, %add3A_318, %lt3A_319 : i32
      %convert_element_type3A_321 = arith.extui %lt3A_320 : i1 to i32
      %cond3A_322 = arith.constant 0 : i32
      %cond3A_323 = arith.cmpi ne, %convert_element_type3A_321, %cond3A_322 : i32
      scf.if %cond3A_323 {
        %add3A_324 = arith.constant 5 : i32
        %add3A_325 = arith.addi %add3A_316, %add3A_324 : i32
        %mul3A_326 = arith.constant 40 : i32
        %mul3A_327 = arith.muli %add3A_325, %mul3A_326 : i32
        %add3A_328 = arith.addi %add3A, %mul3A_327 : i32
        %multiple_of3A_329 = tpu.assume_multiple %add3A_328, 8 : i32
        %dma_wait3A_330 = arith.constant 0 : i32
        %dma_wait3A_331 = arith.constant 0 : i32
        %dma_wait3A_332 = tpu.memref_slice %arg16[%dma_wait3A_330, %dma_wait3A_331] : memref<10000x128xf32, #tpu.memory_space<vmem_shared>> -> memref<10000x128xf32, #tpu.memory_space<vmem_shared>>
        tpu.wait_indirect_dma semaphore(%arg31 : memref<!tpu.dma_semaphore, #tpu.memory_space<semaphore_mem>>) src(%arg14 : memref<40x128xf32, #tpu.memory_space<vmem>>) dst(%dma_wait3A_332 : memref<10000x128xf32, #tpu.memory_space<vmem_shared>>)
        %add3A_333 = arith.constant 5 : i32
        %add3A_334 = arith.addi %add3A_316, %add3A_333 : i32
        %add3A_335 = arith.constant 160000 : i32
        %add3A_336 = arith.addi %add3A_335, %add3A : i32
        %mul3A_337 = arith.constant 40 : i32
        %mul3A_338 = arith.muli %add3A_334, %mul3A_337 : i32
        %add3A_339 = arith.addi %add3A_336, %mul3A_338 : i32
        %multiple_of3A_340 = tpu.assume_multiple %add3A_339, 8 : i32
        %dma_start3A_341 = tpu.memref_slice %arg3[%multiple_of3A_340] : memref<320000xi32, #tpu.memory_space<hbm>> -> memref<40xi32, #tpu.memory_space<hbm>>
        %dma_start3A_342 = tpu.memref_slice %arg3[%multiple_of3A_340] : memref<320000xi32, #tpu.memory_space<hbm>> -> memref<40xi32, #tpu.memory_space<hbm>>
        tpu.enqueue_dma source(%dma_start3A_342 : memref<40xi32, #tpu.memory_space<hbm>>) target(%arg9 : memref<40xi32, #tpu.memory_space<vmem>>) target_semaphore(%arg21 : memref<!tpu.dma_semaphore, #tpu.memory_space<semaphore_mem>>)
        %dma_start3A_343 = arith.constant 0 : i32
        %dma_start3A_344 = tpu.memref_slice %arg2[%multiple_of3A_329, %dma_start3A_343] : memref<160000x128xf32, #tpu.memory_space<hbm>> -> memref<40x128xf32, #tpu.memory_space<hbm>>
        %dma_start3A_345 = arith.constant 0 : i32
        %dma_start3A_346 = tpu.memref_slice %arg2[%multiple_of3A_329, %dma_start3A_345] : memref<160000x128xf32, #tpu.memory_space<hbm>> -> memref<40x128xf32, #tpu.memory_space<hbm>>
        tpu.enqueue_dma source(%dma_start3A_346 : memref<40x128xf32, #tpu.memory_space<hbm>>) target(%arg14 : memref<40x128xf32, #tpu.memory_space<vmem>>) target_semaphore(%arg26 : memref<!tpu.dma_semaphore, #tpu.memory_space<semaphore_mem>>)
      } else {
      }
    }
    %scan3A_120 = arith.constant 25 : i32
    %dma_wait3A = arith.constant 0 : i32
    %dma_wait3A_121 = arith.constant 0 : i32
    %dma_wait3A_122 = tpu.memref_slice %arg16[%dma_wait3A, %dma_wait3A_121] : memref<10000x128xf32, #tpu.memory_space<vmem_shared>> -> memref<10000x128xf32, #tpu.memory_space<vmem_shared>>
    tpu.wait_indirect_dma semaphore(%arg27 : memref<!tpu.dma_semaphore, #tpu.memory_space<semaphore_mem>>) src(%arg10 : memref<40x128xf32, #tpu.memory_space<vmem>>) dst(%dma_wait3A_122 : memref<10000x128xf32, #tpu.memory_space<vmem_shared>>)
    %dma_wait3A_123 = arith.constant 0 : i32
    %dma_wait3A_124 = arith.constant 0 : i32
    %dma_wait3A_125 = tpu.memref_slice %arg16[%dma_wait3A_123, %dma_wait3A_124] : memref<10000x128xf32, #tpu.memory_space<vmem_shared>> -> memref<10000x128xf32, #tpu.memory_space<vmem_shared>>
    tpu.wait_indirect_dma semaphore(%arg28 : memref<!tpu.dma_semaphore, #tpu.memory_space<semaphore_mem>>) src(%arg11 : memref<40x128xf32, #tpu.memory_space<vmem>>) dst(%dma_wait3A_125 : memref<10000x128xf32, #tpu.memory_space<vmem_shared>>)
    %dma_wait3A_126 = arith.constant 0 : i32
    %dma_wait3A_127 = arith.constant 0 : i32
    %dma_wait3A_128 = tpu.memref_slice %arg16[%dma_wait3A_126, %dma_wait3A_127] : memref<10000x128xf32, #tpu.memory_space<vmem_shared>> -> memref<10000x128xf32, #tpu.memory_space<vmem_shared>>
    tpu.wait_indirect_dma semaphore(%arg29 : memref<!tpu.dma_semaphore, #tpu.memory_space<semaphore_mem>>) src(%arg12 : memref<40x128xf32, #tpu.memory_space<vmem>>) dst(%dma_wait3A_128 : memref<10000x128xf32, #tpu.memory_space<vmem_shared>>)
    %dma_wait3A_129 = arith.constant 0 : i32
    %dma_wait3A_130 = arith.constant 0 : i32
    %dma_wait3A_131 = tpu.memref_slice %arg16[%dma_wait3A_129, %dma_wait3A_130] : memref<10000x128xf32, #tpu.memory_space<vmem_shared>> -> memref<10000x128xf32, #tpu.memory_space<vmem_shared>>
    tpu.wait_indirect_dma semaphore(%arg30 : memref<!tpu.dma_semaphore, #tpu.memory_space<semaphore_mem>>) src(%arg13 : memref<40x128xf32, #tpu.memory_space<vmem>>) dst(%dma_wait3A_131 : memref<10000x128xf32, #tpu.memory_space<vmem_shared>>)
    %dma_wait3A_132 = arith.constant 0 : i32
    %dma_wait3A_133 = arith.constant 0 : i32
    %dma_wait3A_134 = tpu.memref_slice %arg16[%dma_wait3A_132, %dma_wait3A_133] : memref<10000x128xf32, #tpu.memory_space<vmem_shared>> -> memref<10000x128xf32, #tpu.memory_space<vmem_shared>>
    tpu.wait_indirect_dma semaphore(%arg31 : memref<!tpu.dma_semaphore, #tpu.memory_space<semaphore_mem>>) src(%arg14 : memref<40x128xf32, #tpu.memory_space<vmem>>) dst(%dma_wait3A_134 : memref<10000x128xf32, #tpu.memory_space<vmem_shared>>)
    %barrier3A_135 = arith.constant 0 : index
    tpu.barrier barrier_id(%barrier3A_135)
    %while3A_136 = arith.constant 0 : i32
    %while3A_137 = arith.constant 0 : i32
    %while3A_138 = arith.subi %add3A_27, %while3A_137 : i32
    %while3A_139 = arith.addi %while3A_137, %while3A_138 : i32
    %while3A_140 = arith.constant 1 : i32
    %while3A_141 = arith.divsi %while3A_138, %while3A_140 : i32
    %while3A_142 = arith.muli %while3A_141, %while3A_140 : i32
    %while3A_143 = arith.addi %while3A_137, %while3A_142 : i32
    %while3A_144 = arith.constant 1 : i32
    scf.for %while3A_156 = %while3A_137 to %while3A_143 step %while3A_144  : i32 {
      %mul3A_157 = arith.constant 16 : i32
      %mul3A_158 = arith.muli %while3A_156, %mul3A_157 : i32
      %add3A_159 = arith.addi %arg1, %mul3A_158 : i32
      %mul3A_160 = arith.constant 80 : i32
      %mul3A_161 = arith.muli %add3A_159, %mul3A_160 : i32
      %multiple_of3A_162 = tpu.assume_multiple %mul3A_161, 8 : i32
      %mul3A_163 = arith.constant 10000 : i32
      %mul3A_164 = arith.muli %arg0, %mul3A_163 : i32
      %add3A_165 = arith.addi %mul3A_164, %multiple_of3A_162 : i32
      %multiple_of3A_166 = tpu.assume_multiple %add3A_165, 8 : i32
      %dma_start3A_167 = arith.constant 0 : i32
      %dma_start3A_168 = tpu.memref_slice %arg4[%multiple_of3A_166, %dma_start3A_167] : memref<20000x128xf32, #tpu.memory_space<hbm>> -> memref<80x128xf32, #tpu.memory_space<hbm>>
      %dma_start3A_169 = arith.constant 0 : i32
      %dma_start3A_170 = tpu.memref_slice %arg16[%multiple_of3A_162, %dma_start3A_169] : memref<10000x128xf32, #tpu.memory_space<vmem_shared>> -> memref<80x128xf32, #tpu.memory_space<vmem_shared>>
      tpu.enqueue_dma source(%dma_start3A_170 : memref<80x128xf32, #tpu.memory_space<vmem_shared>>) target(%dma_start3A_168 : memref<80x128xf32, #tpu.memory_space<hbm>>) target_semaphore(%arg32 : memref<!tpu.dma_semaphore, #tpu.memory_space<semaphore_mem>>)
    }
    %while3A_145 = arith.constant 1 : i32
    scf.for %while3A_156 = %while3A_143 to %while3A_139 step %while3A_145  : i32 {
      %mul3A_157 = arith.constant 16 : i32
      %mul3A_158 = arith.muli %while3A_156, %mul3A_157 : i32
      %add3A_159 = arith.addi %arg1, %mul3A_158 : i32
      %mul3A_160 = arith.constant 80 : i32
      %mul3A_161 = arith.muli %add3A_159, %mul3A_160 : i32
      %multiple_of3A_162 = tpu.assume_multiple %mul3A_161, 8 : i32
      %mul3A_163 = arith.constant 10000 : i32
      %mul3A_164 = arith.muli %arg0, %mul3A_163 : i32
      %add3A_165 = arith.addi %mul3A_164, %multiple_of3A_162 : i32
      %multiple_of3A_166 = tpu.assume_multiple %add3A_165, 8 : i32
      %dma_start3A_167 = arith.constant 0 : i32
      %dma_start3A_168 = tpu.memref_slice %arg4[%multiple_of3A_166, %dma_start3A_167] : memref<20000x128xf32, #tpu.memory_space<hbm>> -> memref<80x128xf32, #tpu.memory_space<hbm>>
      %dma_start3A_169 = arith.constant 0 : i32
      %dma_start3A_170 = tpu.memref_slice %arg16[%multiple_of3A_162, %dma_start3A_169] : memref<10000x128xf32, #tpu.memory_space<vmem_shared>> -> memref<80x128xf32, #tpu.memory_space<vmem_shared>>
      tpu.enqueue_dma source(%dma_start3A_170 : memref<80x128xf32, #tpu.memory_space<vmem_shared>>) target(%dma_start3A_168 : memref<80x128xf32, #tpu.memory_space<hbm>>) target_semaphore(%arg32 : memref<!tpu.dma_semaphore, #tpu.memory_space<semaphore_mem>>)
    }
    %while3A_146 = arith.constant 0 : i32
    %while3A_147 = arith.constant 0 : i32
    %while3A_148 = arith.subi %add3A_27, %while3A_147 : i32
    %while3A_149 = arith.addi %while3A_147, %while3A_148 : i32
    %while3A_150 = arith.constant 1 : i32
    %while3A_151 = arith.divsi %while3A_148, %while3A_150 : i32
    %while3A_152 = arith.muli %while3A_151, %while3A_150 : i32
    %while3A_153 = arith.addi %while3A_147, %while3A_152 : i32
    %while3A_154 = arith.constant 1 : i32
    scf.for %while3A_156 = %while3A_147 to %while3A_153 step %while3A_154  : i32 {
      %mul3A_157 = arith.constant 16 : i32
      %mul3A_158 = arith.muli %while3A_156, %mul3A_157 : i32
      %add3A_159 = arith.addi %arg1, %mul3A_158 : i32
      %mul3A_160 = arith.constant 80 : i32
      %mul3A_161 = arith.muli %add3A_159, %mul3A_160 : i32
      %multiple_of3A_162 = tpu.assume_multiple %mul3A_161, 8 : i32
      %mul3A_163 = arith.constant 10000 : i32
      %mul3A_164 = arith.muli %arg0, %mul3A_163 : i32
      %add3A_165 = arith.addi %mul3A_164, %multiple_of3A_162 : i32
      %multiple_of3A_166 = tpu.assume_multiple %add3A_165, 8 : i32
      %dma_wait3A_167 = arith.constant 0 : i32
      %dma_wait3A_168 = tpu.memref_slice %arg4[%multiple_of3A_166, %dma_wait3A_167] : memref<20000x128xf32, #tpu.memory_space<hbm>> -> memref<80x128xf32, #tpu.memory_space<hbm>>
      %dma_wait3A_169 = arith.constant 0 : i32
      %dma_wait3A_170 = tpu.memref_slice %arg16[%multiple_of3A_162, %dma_wait3A_169] : memref<10000x128xf32, #tpu.memory_space<vmem_shared>> -> memref<80x128xf32, #tpu.memory_space<vmem_shared>>
      tpu.wait_dma2 semaphore(%arg32 : memref<!tpu.dma_semaphore, #tpu.memory_space<semaphore_mem>>) src(%dma_wait3A_170 : memref<80x128xf32, #tpu.memory_space<vmem_shared>>) dst(%dma_wait3A_168 : memref<80x128xf32, #tpu.memory_space<hbm>>)
    }
    %while3A_155 = arith.constant 1 : i32
    scf.for %while3A_156 = %while3A_153 to %while3A_149 step %while3A_155  : i32 {
      %mul3A_157 = arith.constant 16 : i32
      %mul3A_158 = arith.muli %while3A_156, %mul3A_157 : i32
      %add3A_159 = arith.addi %arg1, %mul3A_158 : i32
      %mul3A_160 = arith.constant 80 : i32
      %mul3A_161 = arith.muli %add3A_159, %mul3A_160 : i32
      %multiple_of3A_162 = tpu.assume_multiple %mul3A_161, 8 : i32
      %mul3A_163 = arith.constant 10000 : i32
      %mul3A_164 = arith.muli %arg0, %mul3A_163 : i32
      %add3A_165 = arith.addi %mul3A_164, %multiple_of3A_162 : i32
      %multiple_of3A_166 = tpu.assume_multiple %add3A_165, 8 : i32
      %dma_wait3A_167 = arith.constant 0 : i32
      %dma_wait3A_168 = tpu.memref_slice %arg4[%multiple_of3A_166, %dma_wait3A_167] : memref<20000x128xf32, #tpu.memory_space<hbm>> -> memref<80x128xf32, #tpu.memory_space<hbm>>
      %dma_wait3A_169 = arith.constant 0 : i32
      %dma_wait3A_170 = tpu.memref_slice %arg16[%multiple_of3A_162, %dma_wait3A_169] : memref<10000x128xf32, #tpu.memory_space<vmem_shared>> -> memref<80x128xf32, #tpu.memory_space<vmem_shared>>
      tpu.wait_dma2 semaphore(%arg32 : memref<!tpu.dma_semaphore, #tpu.memory_space<semaphore_mem>>) src(%dma_wait3A_170 : memref<80x128xf32, #tpu.memory_space<vmem_shared>>) dst(%dma_wait3A_168 : memref<80x128xf32, #tpu.memory_space<hbm>>)
    }
    return
  }
}

#map = affine_map<(d0, d1) -> (0, 0)>
#map1 = affine_map<(d0, d1) -> (0)>
module attributes {stable_mosaic.version = 14 : i64} {
  func.func @_gather_body(%arg0: i32, %arg1: i32, %arg2: memref<10000x128xf32, #tpu.memory_space<hbm>>, %arg3: memref<10000x128xf32, #tpu.memory_space<hbm>>, %arg4: memref<320000xi32, #tpu.memory_space<hbm>>, %arg5: memref<320000xi32, #tpu.memory_space<hbm>>, %arg6: memref<160000x128xf32, #tpu.memory_space<hbm>>, %arg7: memref<160000x128xf32, #tpu.memory_space<hbm>>, %arg8: memref<10000xi32, #tpu.memory_space<vmem>>, %arg9: memref<40x128xf32, #tpu.memory_space<vmem>>, %arg10: memref<40x128xf32, #tpu.memory_space<vmem>>, %arg11: memref<40x128xf32, #tpu.memory_space<vmem>>, %arg12: memref<40x128xf32, #tpu.memory_space<vmem>>, %arg13: memref<40x128xf32, #tpu.memory_space<vmem>>, %arg14: memref<10000x128xf32, #tpu.memory_space<vmem_shared>>, %arg15: memref<!tpu.dma_semaphore, #tpu.memory_space<semaphore_mem>>, %arg16: memref<!tpu.dma_semaphore, #tpu.memory_space<semaphore_mem>>, %arg17: memref<!tpu.dma_semaphore, #tpu.memory_space<semaphore_mem>>, %arg18: memref<!tpu.dma_semaphore, #tpu.memory_space<semaphore_mem>>, %arg19: memref<!tpu.dma_semaphore, #tpu.memory_space<semaphore_mem>>, %arg20: memref<!tpu.dma_semaphore, #tpu.memory_space<semaphore_mem>>, %arg21: memref<!tpu.dma_semaphore, #tpu.memory_space<semaphore_mem>>, %arg22: memref<!tpu.dma_semaphore, #tpu.memory_space<semaphore_mem>>, %arg23: memref<!tpu.dma_semaphore, #tpu.memory_space<semaphore_mem>>, %arg24: memref<!tpu.dma_semaphore, #tpu.memory_space<semaphore_mem>>, %arg25: memref<!tpu.dma_semaphore, #tpu.memory_space<semaphore_mem>>) attributes {dimension_semantics = [#tpu.dimension_semantics<core_parallel>, #tpu.dimension_semantics<subcore_parallel>], iteration_bounds = array<i64: 2, 16>, scalar_prefetch = 0 : i64, scratch_operands = 18 : i64, tpu.core_type = #tpu.core_type<sc_vector_subcore>, window_params = [{transform_indices = #map}, {transform_indices = #map}, {transform_indices = #map1}, {transform_indices = #map1}, {transform_indices = #map}, {transform_indices = #map}]} {
    %mul3A = arith.constant 10000 : i32
    %mul3A_0 = arith.muli %arg1, %mul3A : i32
    %sub3A = arith.constant 124 : i32
    %sub3A_1 = arith.subi %sub3A, %arg1 : i32
    %jit3A = arith.constant 16 : i32
    %div3A = arith.divsi %sub3A_1, %jit3A : i32
    %sign3A = arith.constant 0 : i32
    %sign3A_2 = arith.cmpi sgt, %sub3A_1, %sign3A : i32
    %sign3A_3 = arith.extui %sign3A_2 : i1 to i32
    %sign3A_4 = arith.constant 0 : i32
    %sign3A_5 = arith.cmpi slt, %sub3A_1, %sign3A_4 : i32
    %sign3A_6 = arith.extui %sign3A_5 : i1 to i32
    %sign3A_7 = arith.subi %sign3A_3, %sign3A_6 : i32
    %sign3A_8 = arith.constant 0 : i32
    %sign3A_9 = arith.cmpi sgt, %jit3A, %sign3A_8 : i32
    %sign3A_10 = arith.extui %sign3A_9 : i1 to i32
    %sign3A_11 = arith.constant 0 : i32
    %sign3A_12 = arith.cmpi slt, %jit3A, %sign3A_11 : i32
    %sign3A_13 = arith.extui %sign3A_12 : i1 to i32
    %sign3A_14 = arith.subi %sign3A_10, %sign3A_13 : i32
    %ne3A = arith.cmpi ne, %sign3A_7, %sign3A_14 : i32
    %rem3A = arith.remsi %sub3A_1, %jit3A : i32
    %ne3A_15 = arith.constant 0 : i32
    %ne3A_16 = arith.cmpi ne, %rem3A, %ne3A_15 : i32
    %and3A = arith.andi %ne3A, %ne3A_16 : i1
    %sub3A_17 = arith.constant 1 : i32
    %sub3A_18 = arith.subi %div3A, %sub3A_17 : i32
    %select_n3A = arith.select %and3A, %sub3A_18, %div3A : i32
    %add3A = arith.constant 1 : i32
    %add3A_19 = arith.addi %select_n3A, %add3A : i32
    %while3A = arith.constant 0 : i32
    %while3A_20 = arith.constant 0 : i32
    %while3A_21 = arith.subi %add3A_19, %while3A_20 : i32
    %while3A_22 = arith.addi %while3A_20, %while3A_21 : i32
    %while3A_23 = arith.constant 1 : i32
    %while3A_24 = arith.divsi %while3A_21, %while3A_23 : i32
    %while3A_25 = arith.muli %while3A_24, %while3A_23 : i32
    %while3A_26 = arith.addi %while3A_20, %while3A_25 : i32
    %while3A_27 = arith.constant 1 : i32
    scf.for %while3A_144 = %while3A_20 to %while3A_26 step %while3A_27  : i32 {
      %mul3A_145 = arith.constant 16 : i32
      %mul3A_146 = arith.muli %while3A_144, %mul3A_145 : i32
      %add3A_147 = arith.addi %arg1, %mul3A_146 : i32
      %mul3A_148 = arith.constant 80 : i32
      %mul3A_149 = arith.muli %add3A_147, %mul3A_148 : i32
      %multiple_of3A_150 = tpu.assume_multiple %mul3A_149, 8 : i32
      %eq3A_151 = arith.constant 0 : i32
      %eq3A_152 = arith.cmpi eq, %arg0, %eq3A_151 : i32
      %convert_element_type3A_153 = arith.extui %eq3A_152 : i1 to i32
      %cond3A_154 = arith.constant 0 : i32
      %cond3A_155 = arith.cmpi ne, %convert_element_type3A_153, %cond3A_154 : i32
      scf.if %cond3A_155 {
        %dma_start3A_161 = arith.constant 0 : i32
        %dma_start3A_162 = tpu.memref_slice %arg14[%multiple_of3A_150, %dma_start3A_161] : memref<10000x128xf32, #tpu.memory_space<vmem_shared>> -> memref<80x128xf32, #tpu.memory_space<vmem_shared>>
        %dma_start3A_163 = arith.constant 0 : i32
        %dma_start3A_164 = tpu.memref_slice %arg2[%multiple_of3A_150, %dma_start3A_163] : memref<10000x128xf32, #tpu.memory_space<hbm>> -> memref<80x128xf32, #tpu.memory_space<hbm>>
        tpu.enqueue_dma source(%dma_start3A_164 : memref<80x128xf32, #tpu.memory_space<hbm>>) target(%dma_start3A_162 : memref<80x128xf32, #tpu.memory_space<vmem_shared>>) target_semaphore(%arg25 : memref<!tpu.dma_semaphore, #tpu.memory_space<semaphore_mem>>)
      } else {
      }
      %eq3A_156 = arith.constant 1 : i32
      %eq3A_157 = arith.cmpi eq, %arg0, %eq3A_156 : i32
      %convert_element_type3A_158 = arith.extui %eq3A_157 : i1 to i32
      %cond3A_159 = arith.constant 0 : i32
      %cond3A_160 = arith.cmpi ne, %convert_element_type3A_158, %cond3A_159 : i32
      scf.if %cond3A_160 {
        %dma_start3A_161 = arith.constant 0 : i32
        %dma_start3A_162 = tpu.memref_slice %arg14[%multiple_of3A_150, %dma_start3A_161] : memref<10000x128xf32, #tpu.memory_space<vmem_shared>> -> memref<80x128xf32, #tpu.memory_space<vmem_shared>>
        %dma_start3A_163 = arith.constant 0 : i32
        %dma_start3A_164 = tpu.memref_slice %arg3[%multiple_of3A_150, %dma_start3A_163] : memref<10000x128xf32, #tpu.memory_space<hbm>> -> memref<80x128xf32, #tpu.memory_space<hbm>>
        tpu.enqueue_dma source(%dma_start3A_164 : memref<80x128xf32, #tpu.memory_space<hbm>>) target(%dma_start3A_162 : memref<80x128xf32, #tpu.memory_space<vmem_shared>>) target_semaphore(%arg25 : memref<!tpu.dma_semaphore, #tpu.memory_space<semaphore_mem>>)
      } else {
      }
    }
    %while3A_28 = arith.constant 1 : i32
    scf.for %while3A_144 = %while3A_26 to %while3A_22 step %while3A_28  : i32 {
      %mul3A_145 = arith.constant 16 : i32
      %mul3A_146 = arith.muli %while3A_144, %mul3A_145 : i32
      %add3A_147 = arith.addi %arg1, %mul3A_146 : i32
      %mul3A_148 = arith.constant 80 : i32
      %mul3A_149 = arith.muli %add3A_147, %mul3A_148 : i32
      %multiple_of3A_150 = tpu.assume_multiple %mul3A_149, 8 : i32
      %eq3A_151 = arith.constant 0 : i32
      %eq3A_152 = arith.cmpi eq, %arg0, %eq3A_151 : i32
      %convert_element_type3A_153 = arith.extui %eq3A_152 : i1 to i32
      %cond3A_154 = arith.constant 0 : i32
      %cond3A_155 = arith.cmpi ne, %convert_element_type3A_153, %cond3A_154 : i32
      scf.if %cond3A_155 {
        %dma_start3A_161 = arith.constant 0 : i32
        %dma_start3A_162 = tpu.memref_slice %arg14[%multiple_of3A_150, %dma_start3A_161] : memref<10000x128xf32, #tpu.memory_space<vmem_shared>> -> memref<80x128xf32, #tpu.memory_space<vmem_shared>>
        %dma_start3A_163 = arith.constant 0 : i32
        %dma_start3A_164 = tpu.memref_slice %arg2[%multiple_of3A_150, %dma_start3A_163] : memref<10000x128xf32, #tpu.memory_space<hbm>> -> memref<80x128xf32, #tpu.memory_space<hbm>>
        tpu.enqueue_dma source(%dma_start3A_164 : memref<80x128xf32, #tpu.memory_space<hbm>>) target(%dma_start3A_162 : memref<80x128xf32, #tpu.memory_space<vmem_shared>>) target_semaphore(%arg25 : memref<!tpu.dma_semaphore, #tpu.memory_space<semaphore_mem>>)
      } else {
      }
      %eq3A_156 = arith.constant 1 : i32
      %eq3A_157 = arith.cmpi eq, %arg0, %eq3A_156 : i32
      %convert_element_type3A_158 = arith.extui %eq3A_157 : i1 to i32
      %cond3A_159 = arith.constant 0 : i32
      %cond3A_160 = arith.cmpi ne, %convert_element_type3A_158, %cond3A_159 : i32
      scf.if %cond3A_160 {
        %dma_start3A_161 = arith.constant 0 : i32
        %dma_start3A_162 = tpu.memref_slice %arg14[%multiple_of3A_150, %dma_start3A_161] : memref<10000x128xf32, #tpu.memory_space<vmem_shared>> -> memref<80x128xf32, #tpu.memory_space<vmem_shared>>
        %dma_start3A_163 = arith.constant 0 : i32
        %dma_start3A_164 = tpu.memref_slice %arg3[%multiple_of3A_150, %dma_start3A_163] : memref<10000x128xf32, #tpu.memory_space<hbm>> -> memref<80x128xf32, #tpu.memory_space<hbm>>
        tpu.enqueue_dma source(%dma_start3A_164 : memref<80x128xf32, #tpu.memory_space<hbm>>) target(%dma_start3A_162 : memref<80x128xf32, #tpu.memory_space<vmem_shared>>) target_semaphore(%arg25 : memref<!tpu.dma_semaphore, #tpu.memory_space<semaphore_mem>>)
      } else {
      }
    }
    %eq3A = arith.constant 0 : i32
    %eq3A_29 = arith.cmpi eq, %arg0, %eq3A : i32
    %convert_element_type3A = arith.extui %eq3A_29 : i1 to i32
    %cond3A = arith.constant 0 : i32
    %cond3A_30 = arith.cmpi ne, %convert_element_type3A, %cond3A : i32
    scf.if %cond3A_30 {
      %add3A_144 = arith.constant 0 : i32
      %add3A_145 = arith.addi %add3A_144, %mul3A_0 : i32
      %multiple_of3A_146 = tpu.assume_multiple %add3A_145, 8 : i32
      "tpu.region"() ({
        %run_scoped3A = tpu.sem_alloc : memref<!tpu.dma_semaphore, #tpu.memory_space<semaphore_mem>>
        %dma_start3A_147 = tpu.memref_slice %arg4[%multiple_of3A_146] : memref<320000xi32, #tpu.memory_space<hbm>> -> memref<10000xi32, #tpu.memory_space<hbm>>
        %dma_start3A_148 = tpu.memref_slice %arg4[%multiple_of3A_146] : memref<320000xi32, #tpu.memory_space<hbm>> -> memref<10000xi32, #tpu.memory_space<hbm>>
        tpu.enqueue_dma source(%dma_start3A_148 : memref<10000xi32, #tpu.memory_space<hbm>>) target(%arg8 : memref<10000xi32, #tpu.memory_space<vmem>>) target_semaphore(%run_scoped3A : memref<!tpu.dma_semaphore, #tpu.memory_space<semaphore_mem>>)
        %dma_wait3A = tpu.memref_slice %arg4[%multiple_of3A_146] : memref<320000xi32, #tpu.memory_space<hbm>> -> memref<10000xi32, #tpu.memory_space<hbm>>
        %dma_wait3A_149 = tpu.memref_slice %arg4[%multiple_of3A_146] : memref<320000xi32, #tpu.memory_space<hbm>> -> memref<10000xi32, #tpu.memory_space<hbm>>
        tpu.wait_dma2 semaphore(%run_scoped3A : memref<!tpu.dma_semaphore, #tpu.memory_space<semaphore_mem>>) src(%dma_wait3A_149 : memref<10000xi32, #tpu.memory_space<hbm>>) dst(%arg8 : memref<10000xi32, #tpu.memory_space<vmem>>)
        tpu.yield
      }) : () -> ()
    } else {
    }
    %eq3A_31 = arith.constant 1 : i32
    %eq3A_32 = arith.cmpi eq, %arg0, %eq3A_31 : i32
    %convert_element_type3A_33 = arith.extui %eq3A_32 : i1 to i32
    %cond3A_34 = arith.constant 0 : i32
    %cond3A_35 = arith.cmpi ne, %convert_element_type3A_33, %cond3A_34 : i32
    scf.if %cond3A_35 {
      %add3A_144 = arith.constant 0 : i32
      %add3A_145 = arith.addi %add3A_144, %mul3A_0 : i32
      %multiple_of3A_146 = tpu.assume_multiple %add3A_145, 8 : i32
      "tpu.region"() ({
        %run_scoped3A = tpu.sem_alloc : memref<!tpu.dma_semaphore, #tpu.memory_space<semaphore_mem>>
        %dma_start3A_147 = tpu.memref_slice %arg5[%multiple_of3A_146] : memref<320000xi32, #tpu.memory_space<hbm>> -> memref<10000xi32, #tpu.memory_space<hbm>>
        %dma_start3A_148 = tpu.memref_slice %arg5[%multiple_of3A_146] : memref<320000xi32, #tpu.memory_space<hbm>> -> memref<10000xi32, #tpu.memory_space<hbm>>
        tpu.enqueue_dma source(%dma_start3A_148 : memref<10000xi32, #tpu.memory_space<hbm>>) target(%arg8 : memref<10000xi32, #tpu.memory_space<vmem>>) target_semaphore(%run_scoped3A : memref<!tpu.dma_semaphore, #tpu.memory_space<semaphore_mem>>)
        %dma_wait3A = tpu.memref_slice %arg5[%multiple_of3A_146] : memref<320000xi32, #tpu.memory_space<hbm>> -> memref<10000xi32, #tpu.memory_space<hbm>>
        %dma_wait3A_149 = tpu.memref_slice %arg5[%multiple_of3A_146] : memref<320000xi32, #tpu.memory_space<hbm>> -> memref<10000xi32, #tpu.memory_space<hbm>>
        tpu.wait_dma2 semaphore(%run_scoped3A : memref<!tpu.dma_semaphore, #tpu.memory_space<semaphore_mem>>) src(%dma_wait3A_149 : memref<10000xi32, #tpu.memory_space<hbm>>) dst(%arg8 : memref<10000xi32, #tpu.memory_space<vmem>>)
        tpu.yield
      }) : () -> ()
    } else {
    }
    %while3A_36 = arith.constant 0 : i32
    %while3A_37 = arith.constant 0 : i32
    %while3A_38 = arith.subi %add3A_19, %while3A_37 : i32
    %while3A_39 = arith.addi %while3A_37, %while3A_38 : i32
    %while3A_40 = arith.constant 1 : i32
    %while3A_41 = arith.divsi %while3A_38, %while3A_40 : i32
    %while3A_42 = arith.muli %while3A_41, %while3A_40 : i32
    %while3A_43 = arith.addi %while3A_37, %while3A_42 : i32
    %while3A_44 = arith.constant 1 : i32
    scf.for %while3A_144 = %while3A_37 to %while3A_43 step %while3A_44  : i32 {
      %mul3A_145 = arith.constant 16 : i32
      %mul3A_146 = arith.muli %while3A_144, %mul3A_145 : i32
      %add3A_147 = arith.addi %arg1, %mul3A_146 : i32
      %mul3A_148 = arith.constant 80 : i32
      %mul3A_149 = arith.muli %add3A_147, %mul3A_148 : i32
      %multiple_of3A_150 = tpu.assume_multiple %mul3A_149, 8 : i32
      %dma_wait3A = arith.constant 0 : i32
      %dma_wait3A_151 = tpu.memref_slice %arg14[%multiple_of3A_150, %dma_wait3A] : memref<10000x128xf32, #tpu.memory_space<vmem_shared>> -> memref<80x128xf32, #tpu.memory_space<vmem_shared>>
      %dma_wait3A_152 = arith.constant 0 : i32
      %dma_wait3A_153 = tpu.memref_slice %arg2[%multiple_of3A_150, %dma_wait3A_152] : memref<10000x128xf32, #tpu.memory_space<hbm>> -> memref<80x128xf32, #tpu.memory_space<hbm>>
      tpu.wait_dma2 semaphore(%arg25 : memref<!tpu.dma_semaphore, #tpu.memory_space<semaphore_mem>>) src(%dma_wait3A_153 : memref<80x128xf32, #tpu.memory_space<hbm>>) dst(%dma_wait3A_151 : memref<80x128xf32, #tpu.memory_space<vmem_shared>>)
    }
    %while3A_45 = arith.constant 1 : i32
    scf.for %while3A_144 = %while3A_43 to %while3A_39 step %while3A_45  : i32 {
      %mul3A_145 = arith.constant 16 : i32
      %mul3A_146 = arith.muli %while3A_144, %mul3A_145 : i32
      %add3A_147 = arith.addi %arg1, %mul3A_146 : i32
      %mul3A_148 = arith.constant 80 : i32
      %mul3A_149 = arith.muli %add3A_147, %mul3A_148 : i32
      %multiple_of3A_150 = tpu.assume_multiple %mul3A_149, 8 : i32
      %dma_wait3A = arith.constant 0 : i32
      %dma_wait3A_151 = tpu.memref_slice %arg14[%multiple_of3A_150, %dma_wait3A] : memref<10000x128xf32, #tpu.memory_space<vmem_shared>> -> memref<80x128xf32, #tpu.memory_space<vmem_shared>>
      %dma_wait3A_152 = arith.constant 0 : i32
      %dma_wait3A_153 = tpu.memref_slice %arg2[%multiple_of3A_150, %dma_wait3A_152] : memref<10000x128xf32, #tpu.memory_space<hbm>> -> memref<80x128xf32, #tpu.memory_space<hbm>>
      tpu.wait_dma2 semaphore(%arg25 : memref<!tpu.dma_semaphore, #tpu.memory_space<semaphore_mem>>) src(%dma_wait3A_153 : memref<80x128xf32, #tpu.memory_space<hbm>>) dst(%dma_wait3A_151 : memref<80x128xf32, #tpu.memory_space<vmem_shared>>)
    }
    %barrier3A = arith.constant 0 : index
    tpu.barrier barrier_id(%barrier3A)
    %multiple_of3A = arith.constant 0 : i32
    %multiple_of3A_46 = tpu.assume_multiple %multiple_of3A, 8 : i32
    %dma_start3A = tpu.memref_slice %arg8[%multiple_of3A_46] : memref<10000xi32, #tpu.memory_space<vmem>> -> memref<40xi32, #tpu.memory_space<vmem>>
    %dma_start3A_47 = arith.constant 0 : i32
    %dma_start3A_48 = arith.constant 0 : i32
    %dma_start3A_49 = tpu.memref_slice %arg14[%dma_start3A_47, %dma_start3A_48] : memref<10000x128xf32, #tpu.memory_space<vmem_shared>> -> memref<10000x128xf32, #tpu.memory_space<vmem_shared>>
    tpu.enqueue_indirect_dma source(%dma_start3A_49 : memref<10000x128xf32, #tpu.memory_space<vmem_shared>>) target(%arg9 : memref<40x128xf32, #tpu.memory_space<vmem>>) offsets(%dma_start3A : memref<40xi32, #tpu.memory_space<vmem>>) semaphore(%arg15 : memref<!tpu.dma_semaphore, #tpu.memory_space<semaphore_mem>>)
    %multiple_of3A_50 = arith.constant 40 : i32
    %multiple_of3A_51 = tpu.assume_multiple %multiple_of3A_50, 8 : i32
    %dma_start3A_52 = tpu.memref_slice %arg8[%multiple_of3A_51] : memref<10000xi32, #tpu.memory_space<vmem>> -> memref<40xi32, #tpu.memory_space<vmem>>
    %dma_start3A_53 = arith.constant 0 : i32
    %dma_start3A_54 = arith.constant 0 : i32
    %dma_start3A_55 = tpu.memref_slice %arg14[%dma_start3A_53, %dma_start3A_54] : memref<10000x128xf32, #tpu.memory_space<vmem_shared>> -> memref<10000x128xf32, #tpu.memory_space<vmem_shared>>
    tpu.enqueue_indirect_dma source(%dma_start3A_55 : memref<10000x128xf32, #tpu.memory_space<vmem_shared>>) target(%arg10 : memref<40x128xf32, #tpu.memory_space<vmem>>) offsets(%dma_start3A_52 : memref<40xi32, #tpu.memory_space<vmem>>) semaphore(%arg16 : memref<!tpu.dma_semaphore, #tpu.memory_space<semaphore_mem>>)
    %multiple_of3A_56 = arith.constant 80 : i32
    %multiple_of3A_57 = tpu.assume_multiple %multiple_of3A_56, 8 : i32
    %dma_start3A_58 = tpu.memref_slice %arg8[%multiple_of3A_57] : memref<10000xi32, #tpu.memory_space<vmem>> -> memref<40xi32, #tpu.memory_space<vmem>>
    %dma_start3A_59 = arith.constant 0 : i32
    %dma_start3A_60 = arith.constant 0 : i32
    %dma_start3A_61 = tpu.memref_slice %arg14[%dma_start3A_59, %dma_start3A_60] : memref<10000x128xf32, #tpu.memory_space<vmem_shared>> -> memref<10000x128xf32, #tpu.memory_space<vmem_shared>>
    tpu.enqueue_indirect_dma source(%dma_start3A_61 : memref<10000x128xf32, #tpu.memory_space<vmem_shared>>) target(%arg11 : memref<40x128xf32, #tpu.memory_space<vmem>>) offsets(%dma_start3A_58 : memref<40xi32, #tpu.memory_space<vmem>>) semaphore(%arg17 : memref<!tpu.dma_semaphore, #tpu.memory_space<semaphore_mem>>)
    %multiple_of3A_62 = arith.constant 120 : i32
    %multiple_of3A_63 = tpu.assume_multiple %multiple_of3A_62, 8 : i32
    %dma_start3A_64 = tpu.memref_slice %arg8[%multiple_of3A_63] : memref<10000xi32, #tpu.memory_space<vmem>> -> memref<40xi32, #tpu.memory_space<vmem>>
    %dma_start3A_65 = arith.constant 0 : i32
    %dma_start3A_66 = arith.constant 0 : i32
    %dma_start3A_67 = tpu.memref_slice %arg14[%dma_start3A_65, %dma_start3A_66] : memref<10000x128xf32, #tpu.memory_space<vmem_shared>> -> memref<10000x128xf32, #tpu.memory_space<vmem_shared>>
    tpu.enqueue_indirect_dma source(%dma_start3A_67 : memref<10000x128xf32, #tpu.memory_space<vmem_shared>>) target(%arg12 : memref<40x128xf32, #tpu.memory_space<vmem>>) offsets(%dma_start3A_64 : memref<40xi32, #tpu.memory_space<vmem>>) semaphore(%arg18 : memref<!tpu.dma_semaphore, #tpu.memory_space<semaphore_mem>>)
    %multiple_of3A_68 = arith.constant 160 : i32
    %multiple_of3A_69 = tpu.assume_multiple %multiple_of3A_68, 8 : i32
    %dma_start3A_70 = tpu.memref_slice %arg8[%multiple_of3A_69] : memref<10000xi32, #tpu.memory_space<vmem>> -> memref<40xi32, #tpu.memory_space<vmem>>
    %dma_start3A_71 = arith.constant 0 : i32
    %dma_start3A_72 = arith.constant 0 : i32
    %dma_start3A_73 = tpu.memref_slice %arg14[%dma_start3A_71, %dma_start3A_72] : memref<10000x128xf32, #tpu.memory_space<vmem_shared>> -> memref<10000x128xf32, #tpu.memory_space<vmem_shared>>
    tpu.enqueue_indirect_dma source(%dma_start3A_73 : memref<10000x128xf32, #tpu.memory_space<vmem_shared>>) target(%arg13 : memref<40x128xf32, #tpu.memory_space<vmem>>) offsets(%dma_start3A_70 : memref<40xi32, #tpu.memory_space<vmem>>) semaphore(%arg19 : memref<!tpu.dma_semaphore, #tpu.memory_space<semaphore_mem>>)
    %scan3A = arith.constant 0 : i32
    %scan3A_74 = arith.constant 0 : i32
    %scan3A_75 = arith.constant 50 : i32
    %scan3A_76 = arith.addi %scan3A_74, %scan3A_75 : i32
    %scan3A_77 = arith.constant 1 : i32
    scf.for %scan3A_144 = %scan3A_74 to %scan3A_76 step %scan3A_77  : i32 {
      %mul3A_145 = arith.constant 5 : i32
      %mul3A_146 = arith.muli %mul3A_145, %scan3A_144 : i32
      %add3A_147 = arith.constant 0 : i32
      %add3A_148 = arith.addi %mul3A_146, %add3A_147 : i32
      %mul3A_149 = arith.constant 40 : i32
      %mul3A_150 = arith.muli %add3A_148, %mul3A_149 : i32
      %multiple_of3A_151 = tpu.assume_multiple %mul3A_150, 8 : i32
      %dma_wait3A = tpu.memref_slice %arg8[%multiple_of3A_151] : memref<10000xi32, #tpu.memory_space<vmem>> -> memref<40xi32, #tpu.memory_space<vmem>>
      %dma_wait3A_152 = arith.constant 0 : i32
      %dma_wait3A_153 = arith.constant 0 : i32
      %dma_wait3A_154 = tpu.memref_slice %arg14[%dma_wait3A_152, %dma_wait3A_153] : memref<10000x128xf32, #tpu.memory_space<vmem_shared>> -> memref<10000x128xf32, #tpu.memory_space<vmem_shared>>
      tpu.wait_indirect_dma semaphore(%arg15 : memref<!tpu.dma_semaphore, #tpu.memory_space<semaphore_mem>>) src(%dma_wait3A_154 : memref<10000x128xf32, #tpu.memory_space<vmem_shared>>) dst(%arg9 : memref<40x128xf32, #tpu.memory_space<vmem>>)
      %mul3A_155 = arith.constant 40 : i32
      %mul3A_156 = arith.muli %add3A_148, %mul3A_155 : i32
      %add3A_157 = arith.addi %mul3A_0, %mul3A_156 : i32
      %multiple_of3A_158 = tpu.assume_multiple %add3A_157, 8 : i32
      %eq3A_159 = arith.constant 0 : i32
      %eq3A_160 = arith.cmpi eq, %arg0, %eq3A_159 : i32
      %convert_element_type3A_161 = arith.extui %eq3A_160 : i1 to i32
      %cond3A_162 = arith.constant 0 : i32
      %cond3A_163 = arith.cmpi ne, %convert_element_type3A_161, %cond3A_162 : i32
      scf.if %cond3A_163 {
        %dma_start3A_343 = arith.constant 0 : i32
        %dma_start3A_344 = tpu.memref_slice %arg6[%multiple_of3A_158, %dma_start3A_343] : memref<160000x128xf32, #tpu.memory_space<hbm>> -> memref<40x128xf32, #tpu.memory_space<hbm>>
        %dma_start3A_345 = arith.constant 0 : i32
        %dma_start3A_346 = tpu.memref_slice %arg6[%multiple_of3A_158, %dma_start3A_345] : memref<160000x128xf32, #tpu.memory_space<hbm>> -> memref<40x128xf32, #tpu.memory_space<hbm>>
        tpu.enqueue_dma source(%arg9 : memref<40x128xf32, #tpu.memory_space<vmem>>) target(%dma_start3A_346 : memref<40x128xf32, #tpu.memory_space<hbm>>) target_semaphore(%arg20 : memref<!tpu.dma_semaphore, #tpu.memory_space<semaphore_mem>>)
      } else {
      }
      %eq3A_164 = arith.constant 1 : i32
      %eq3A_165 = arith.cmpi eq, %arg0, %eq3A_164 : i32
      %convert_element_type3A_166 = arith.extui %eq3A_165 : i1 to i32
      %cond3A_167 = arith.constant 0 : i32
      %cond3A_168 = arith.cmpi ne, %convert_element_type3A_166, %cond3A_167 : i32
      scf.if %cond3A_168 {
        %dma_start3A_343 = arith.constant 0 : i32
        %dma_start3A_344 = tpu.memref_slice %arg7[%multiple_of3A_158, %dma_start3A_343] : memref<160000x128xf32, #tpu.memory_space<hbm>> -> memref<40x128xf32, #tpu.memory_space<hbm>>
        %dma_start3A_345 = arith.constant 0 : i32
        %dma_start3A_346 = tpu.memref_slice %arg7[%multiple_of3A_158, %dma_start3A_345] : memref<160000x128xf32, #tpu.memory_space<hbm>> -> memref<40x128xf32, #tpu.memory_space<hbm>>
        tpu.enqueue_dma source(%arg9 : memref<40x128xf32, #tpu.memory_space<vmem>>) target(%dma_start3A_346 : memref<40x128xf32, #tpu.memory_space<hbm>>) target_semaphore(%arg20 : memref<!tpu.dma_semaphore, #tpu.memory_space<semaphore_mem>>)
      } else {
      }
      %mul3A_169 = arith.constant 5 : i32
      %mul3A_170 = arith.muli %mul3A_169, %scan3A_144 : i32
      %add3A_171 = arith.constant 1 : i32
      %add3A_172 = arith.addi %mul3A_170, %add3A_171 : i32
      %mul3A_173 = arith.constant 40 : i32
      %mul3A_174 = arith.muli %add3A_172, %mul3A_173 : i32
      %multiple_of3A_175 = tpu.assume_multiple %mul3A_174, 8 : i32
      %dma_wait3A_176 = tpu.memref_slice %arg8[%multiple_of3A_175] : memref<10000xi32, #tpu.memory_space<vmem>> -> memref<40xi32, #tpu.memory_space<vmem>>
      %dma_wait3A_177 = arith.constant 0 : i32
      %dma_wait3A_178 = arith.constant 0 : i32
      %dma_wait3A_179 = tpu.memref_slice %arg14[%dma_wait3A_177, %dma_wait3A_178] : memref<10000x128xf32, #tpu.memory_space<vmem_shared>> -> memref<10000x128xf32, #tpu.memory_space<vmem_shared>>
      tpu.wait_indirect_dma semaphore(%arg16 : memref<!tpu.dma_semaphore, #tpu.memory_space<semaphore_mem>>) src(%dma_wait3A_179 : memref<10000x128xf32, #tpu.memory_space<vmem_shared>>) dst(%arg10 : memref<40x128xf32, #tpu.memory_space<vmem>>)
      %mul3A_180 = arith.constant 40 : i32
      %mul3A_181 = arith.muli %add3A_172, %mul3A_180 : i32
      %add3A_182 = arith.addi %mul3A_0, %mul3A_181 : i32
      %multiple_of3A_183 = tpu.assume_multiple %add3A_182, 8 : i32
      %eq3A_184 = arith.constant 0 : i32
      %eq3A_185 = arith.cmpi eq, %arg0, %eq3A_184 : i32
      %convert_element_type3A_186 = arith.extui %eq3A_185 : i1 to i32
      %cond3A_187 = arith.constant 0 : i32
      %cond3A_188 = arith.cmpi ne, %convert_element_type3A_186, %cond3A_187 : i32
      scf.if %cond3A_188 {
        %dma_start3A_343 = arith.constant 0 : i32
        %dma_start3A_344 = tpu.memref_slice %arg6[%multiple_of3A_183, %dma_start3A_343] : memref<160000x128xf32, #tpu.memory_space<hbm>> -> memref<40x128xf32, #tpu.memory_space<hbm>>
        %dma_start3A_345 = arith.constant 0 : i32
        %dma_start3A_346 = tpu.memref_slice %arg6[%multiple_of3A_183, %dma_start3A_345] : memref<160000x128xf32, #tpu.memory_space<hbm>> -> memref<40x128xf32, #tpu.memory_space<hbm>>
        tpu.enqueue_dma source(%arg10 : memref<40x128xf32, #tpu.memory_space<vmem>>) target(%dma_start3A_346 : memref<40x128xf32, #tpu.memory_space<hbm>>) target_semaphore(%arg21 : memref<!tpu.dma_semaphore, #tpu.memory_space<semaphore_mem>>)
      } else {
      }
      %eq3A_189 = arith.constant 1 : i32
      %eq3A_190 = arith.cmpi eq, %arg0, %eq3A_189 : i32
      %convert_element_type3A_191 = arith.extui %eq3A_190 : i1 to i32
      %cond3A_192 = arith.constant 0 : i32
      %cond3A_193 = arith.cmpi ne, %convert_element_type3A_191, %cond3A_192 : i32
      scf.if %cond3A_193 {
        %dma_start3A_343 = arith.constant 0 : i32
        %dma_start3A_344 = tpu.memref_slice %arg7[%multiple_of3A_183, %dma_start3A_343] : memref<160000x128xf32, #tpu.memory_space<hbm>> -> memref<40x128xf32, #tpu.memory_space<hbm>>
        %dma_start3A_345 = arith.constant 0 : i32
        %dma_start3A_346 = tpu.memref_slice %arg7[%multiple_of3A_183, %dma_start3A_345] : memref<160000x128xf32, #tpu.memory_space<hbm>> -> memref<40x128xf32, #tpu.memory_space<hbm>>
        tpu.enqueue_dma source(%arg10 : memref<40x128xf32, #tpu.memory_space<vmem>>) target(%dma_start3A_346 : memref<40x128xf32, #tpu.memory_space<hbm>>) target_semaphore(%arg21 : memref<!tpu.dma_semaphore, #tpu.memory_space<semaphore_mem>>)
      } else {
      }
      %mul3A_194 = arith.constant 5 : i32
      %mul3A_195 = arith.muli %mul3A_194, %scan3A_144 : i32
      %add3A_196 = arith.constant 2 : i32
      %add3A_197 = arith.addi %mul3A_195, %add3A_196 : i32
      %mul3A_198 = arith.constant 40 : i32
      %mul3A_199 = arith.muli %add3A_197, %mul3A_198 : i32
      %multiple_of3A_200 = tpu.assume_multiple %mul3A_199, 8 : i32
      %dma_wait3A_201 = tpu.memref_slice %arg8[%multiple_of3A_200] : memref<10000xi32, #tpu.memory_space<vmem>> -> memref<40xi32, #tpu.memory_space<vmem>>
      %dma_wait3A_202 = arith.constant 0 : i32
      %dma_wait3A_203 = arith.constant 0 : i32
      %dma_wait3A_204 = tpu.memref_slice %arg14[%dma_wait3A_202, %dma_wait3A_203] : memref<10000x128xf32, #tpu.memory_space<vmem_shared>> -> memref<10000x128xf32, #tpu.memory_space<vmem_shared>>
      tpu.wait_indirect_dma semaphore(%arg17 : memref<!tpu.dma_semaphore, #tpu.memory_space<semaphore_mem>>) src(%dma_wait3A_204 : memref<10000x128xf32, #tpu.memory_space<vmem_shared>>) dst(%arg11 : memref<40x128xf32, #tpu.memory_space<vmem>>)
      %mul3A_205 = arith.constant 40 : i32
      %mul3A_206 = arith.muli %add3A_197, %mul3A_205 : i32
      %add3A_207 = arith.addi %mul3A_0, %mul3A_206 : i32
      %multiple_of3A_208 = tpu.assume_multiple %add3A_207, 8 : i32
      %eq3A_209 = arith.constant 0 : i32
      %eq3A_210 = arith.cmpi eq, %arg0, %eq3A_209 : i32
      %convert_element_type3A_211 = arith.extui %eq3A_210 : i1 to i32
      %cond3A_212 = arith.constant 0 : i32
      %cond3A_213 = arith.cmpi ne, %convert_element_type3A_211, %cond3A_212 : i32
      scf.if %cond3A_213 {
        %dma_start3A_343 = arith.constant 0 : i32
        %dma_start3A_344 = tpu.memref_slice %arg6[%multiple_of3A_208, %dma_start3A_343] : memref<160000x128xf32, #tpu.memory_space<hbm>> -> memref<40x128xf32, #tpu.memory_space<hbm>>
        %dma_start3A_345 = arith.constant 0 : i32
        %dma_start3A_346 = tpu.memref_slice %arg6[%multiple_of3A_208, %dma_start3A_345] : memref<160000x128xf32, #tpu.memory_space<hbm>> -> memref<40x128xf32, #tpu.memory_space<hbm>>
        tpu.enqueue_dma source(%arg11 : memref<40x128xf32, #tpu.memory_space<vmem>>) target(%dma_start3A_346 : memref<40x128xf32, #tpu.memory_space<hbm>>) target_semaphore(%arg22 : memref<!tpu.dma_semaphore, #tpu.memory_space<semaphore_mem>>)
      } else {
      }
      %eq3A_214 = arith.constant 1 : i32
      %eq3A_215 = arith.cmpi eq, %arg0, %eq3A_214 : i32
      %convert_element_type3A_216 = arith.extui %eq3A_215 : i1 to i32
      %cond3A_217 = arith.constant 0 : i32
      %cond3A_218 = arith.cmpi ne, %convert_element_type3A_216, %cond3A_217 : i32
      scf.if %cond3A_218 {
        %dma_start3A_343 = arith.constant 0 : i32
        %dma_start3A_344 = tpu.memref_slice %arg7[%multiple_of3A_208, %dma_start3A_343] : memref<160000x128xf32, #tpu.memory_space<hbm>> -> memref<40x128xf32, #tpu.memory_space<hbm>>
        %dma_start3A_345 = arith.constant 0 : i32
        %dma_start3A_346 = tpu.memref_slice %arg7[%multiple_of3A_208, %dma_start3A_345] : memref<160000x128xf32, #tpu.memory_space<hbm>> -> memref<40x128xf32, #tpu.memory_space<hbm>>
        tpu.enqueue_dma source(%arg11 : memref<40x128xf32, #tpu.memory_space<vmem>>) target(%dma_start3A_346 : memref<40x128xf32, #tpu.memory_space<hbm>>) target_semaphore(%arg22 : memref<!tpu.dma_semaphore, #tpu.memory_space<semaphore_mem>>)
      } else {
      }
      %mul3A_219 = arith.constant 5 : i32
      %mul3A_220 = arith.muli %mul3A_219, %scan3A_144 : i32
      %add3A_221 = arith.constant 3 : i32
      %add3A_222 = arith.addi %mul3A_220, %add3A_221 : i32
      %mul3A_223 = arith.constant 40 : i32
      %mul3A_224 = arith.muli %add3A_222, %mul3A_223 : i32
      %multiple_of3A_225 = tpu.assume_multiple %mul3A_224, 8 : i32
      %dma_wait3A_226 = tpu.memref_slice %arg8[%multiple_of3A_225] : memref<10000xi32, #tpu.memory_space<vmem>> -> memref<40xi32, #tpu.memory_space<vmem>>
      %dma_wait3A_227 = arith.constant 0 : i32
      %dma_wait3A_228 = arith.constant 0 : i32
      %dma_wait3A_229 = tpu.memref_slice %arg14[%dma_wait3A_227, %dma_wait3A_228] : memref<10000x128xf32, #tpu.memory_space<vmem_shared>> -> memref<10000x128xf32, #tpu.memory_space<vmem_shared>>
      tpu.wait_indirect_dma semaphore(%arg18 : memref<!tpu.dma_semaphore, #tpu.memory_space<semaphore_mem>>) src(%dma_wait3A_229 : memref<10000x128xf32, #tpu.memory_space<vmem_shared>>) dst(%arg12 : memref<40x128xf32, #tpu.memory_space<vmem>>)
      %mul3A_230 = arith.constant 40 : i32
      %mul3A_231 = arith.muli %add3A_222, %mul3A_230 : i32
      %add3A_232 = arith.addi %mul3A_0, %mul3A_231 : i32
      %multiple_of3A_233 = tpu.assume_multiple %add3A_232, 8 : i32
      %eq3A_234 = arith.constant 0 : i32
      %eq3A_235 = arith.cmpi eq, %arg0, %eq3A_234 : i32
      %convert_element_type3A_236 = arith.extui %eq3A_235 : i1 to i32
      %cond3A_237 = arith.constant 0 : i32
      %cond3A_238 = arith.cmpi ne, %convert_element_type3A_236, %cond3A_237 : i32
      scf.if %cond3A_238 {
        %dma_start3A_343 = arith.constant 0 : i32
        %dma_start3A_344 = tpu.memref_slice %arg6[%multiple_of3A_233, %dma_start3A_343] : memref<160000x128xf32, #tpu.memory_space<hbm>> -> memref<40x128xf32, #tpu.memory_space<hbm>>
        %dma_start3A_345 = arith.constant 0 : i32
        %dma_start3A_346 = tpu.memref_slice %arg6[%multiple_of3A_233, %dma_start3A_345] : memref<160000x128xf32, #tpu.memory_space<hbm>> -> memref<40x128xf32, #tpu.memory_space<hbm>>
        tpu.enqueue_dma source(%arg12 : memref<40x128xf32, #tpu.memory_space<vmem>>) target(%dma_start3A_346 : memref<40x128xf32, #tpu.memory_space<hbm>>) target_semaphore(%arg23 : memref<!tpu.dma_semaphore, #tpu.memory_space<semaphore_mem>>)
      } else {
      }
      %eq3A_239 = arith.constant 1 : i32
      %eq3A_240 = arith.cmpi eq, %arg0, %eq3A_239 : i32
      %convert_element_type3A_241 = arith.extui %eq3A_240 : i1 to i32
      %cond3A_242 = arith.constant 0 : i32
      %cond3A_243 = arith.cmpi ne, %convert_element_type3A_241, %cond3A_242 : i32
      scf.if %cond3A_243 {
        %dma_start3A_343 = arith.constant 0 : i32
        %dma_start3A_344 = tpu.memref_slice %arg7[%multiple_of3A_233, %dma_start3A_343] : memref<160000x128xf32, #tpu.memory_space<hbm>> -> memref<40x128xf32, #tpu.memory_space<hbm>>
        %dma_start3A_345 = arith.constant 0 : i32
        %dma_start3A_346 = tpu.memref_slice %arg7[%multiple_of3A_233, %dma_start3A_345] : memref<160000x128xf32, #tpu.memory_space<hbm>> -> memref<40x128xf32, #tpu.memory_space<hbm>>
        tpu.enqueue_dma source(%arg12 : memref<40x128xf32, #tpu.memory_space<vmem>>) target(%dma_start3A_346 : memref<40x128xf32, #tpu.memory_space<hbm>>) target_semaphore(%arg23 : memref<!tpu.dma_semaphore, #tpu.memory_space<semaphore_mem>>)
      } else {
      }
      %mul3A_244 = arith.constant 5 : i32
      %mul3A_245 = arith.muli %mul3A_244, %scan3A_144 : i32
      %add3A_246 = arith.constant 4 : i32
      %add3A_247 = arith.addi %mul3A_245, %add3A_246 : i32
      %mul3A_248 = arith.constant 40 : i32
      %mul3A_249 = arith.muli %add3A_247, %mul3A_248 : i32
      %multiple_of3A_250 = tpu.assume_multiple %mul3A_249, 8 : i32
      %dma_wait3A_251 = tpu.memref_slice %arg8[%multiple_of3A_250] : memref<10000xi32, #tpu.memory_space<vmem>> -> memref<40xi32, #tpu.memory_space<vmem>>
      %dma_wait3A_252 = arith.constant 0 : i32
      %dma_wait3A_253 = arith.constant 0 : i32
      %dma_wait3A_254 = tpu.memref_slice %arg14[%dma_wait3A_252, %dma_wait3A_253] : memref<10000x128xf32, #tpu.memory_space<vmem_shared>> -> memref<10000x128xf32, #tpu.memory_space<vmem_shared>>
      tpu.wait_indirect_dma semaphore(%arg19 : memref<!tpu.dma_semaphore, #tpu.memory_space<semaphore_mem>>) src(%dma_wait3A_254 : memref<10000x128xf32, #tpu.memory_space<vmem_shared>>) dst(%arg13 : memref<40x128xf32, #tpu.memory_space<vmem>>)
      %mul3A_255 = arith.constant 40 : i32
      %mul3A_256 = arith.muli %add3A_247, %mul3A_255 : i32
      %add3A_257 = arith.addi %mul3A_0, %mul3A_256 : i32
      %multiple_of3A_258 = tpu.assume_multiple %add3A_257, 8 : i32
      %eq3A_259 = arith.constant 0 : i32
      %eq3A_260 = arith.cmpi eq, %arg0, %eq3A_259 : i32
      %convert_element_type3A_261 = arith.extui %eq3A_260 : i1 to i32
      %cond3A_262 = arith.constant 0 : i32
      %cond3A_263 = arith.cmpi ne, %convert_element_type3A_261, %cond3A_262 : i32
      scf.if %cond3A_263 {
        %dma_start3A_343 = arith.constant 0 : i32
        %dma_start3A_344 = tpu.memref_slice %arg6[%multiple_of3A_258, %dma_start3A_343] : memref<160000x128xf32, #tpu.memory_space<hbm>> -> memref<40x128xf32, #tpu.memory_space<hbm>>
        %dma_start3A_345 = arith.constant 0 : i32
        %dma_start3A_346 = tpu.memref_slice %arg6[%multiple_of3A_258, %dma_start3A_345] : memref<160000x128xf32, #tpu.memory_space<hbm>> -> memref<40x128xf32, #tpu.memory_space<hbm>>
        tpu.enqueue_dma source(%arg13 : memref<40x128xf32, #tpu.memory_space<vmem>>) target(%dma_start3A_346 : memref<40x128xf32, #tpu.memory_space<hbm>>) target_semaphore(%arg24 : memref<!tpu.dma_semaphore, #tpu.memory_space<semaphore_mem>>)
      } else {
      }
      %eq3A_264 = arith.constant 1 : i32
      %eq3A_265 = arith.cmpi eq, %arg0, %eq3A_264 : i32
      %convert_element_type3A_266 = arith.extui %eq3A_265 : i1 to i32
      %cond3A_267 = arith.constant 0 : i32
      %cond3A_268 = arith.cmpi ne, %convert_element_type3A_266, %cond3A_267 : i32
      scf.if %cond3A_268 {
        %dma_start3A_343 = arith.constant 0 : i32
        %dma_start3A_344 = tpu.memref_slice %arg7[%multiple_of3A_258, %dma_start3A_343] : memref<160000x128xf32, #tpu.memory_space<hbm>> -> memref<40x128xf32, #tpu.memory_space<hbm>>
        %dma_start3A_345 = arith.constant 0 : i32
        %dma_start3A_346 = tpu.memref_slice %arg7[%multiple_of3A_258, %dma_start3A_345] : memref<160000x128xf32, #tpu.memory_space<hbm>> -> memref<40x128xf32, #tpu.memory_space<hbm>>
        tpu.enqueue_dma source(%arg13 : memref<40x128xf32, #tpu.memory_space<vmem>>) target(%dma_start3A_346 : memref<40x128xf32, #tpu.memory_space<hbm>>) target_semaphore(%arg24 : memref<!tpu.dma_semaphore, #tpu.memory_space<semaphore_mem>>)
      } else {
      }
      %mul3A_269 = arith.constant 5 : i32
      %mul3A_270 = arith.muli %mul3A_269, %scan3A_144 : i32
      %add3A_271 = arith.constant 0 : i32
      %add3A_272 = arith.addi %mul3A_270, %add3A_271 : i32
      %mul3A_273 = arith.constant 40 : i32
      %mul3A_274 = arith.muli %add3A_272, %mul3A_273 : i32
      %add3A_275 = arith.addi %mul3A_0, %mul3A_274 : i32
      %multiple_of3A_276 = tpu.assume_multiple %add3A_275, 8 : i32
      %add3A_277 = arith.constant 5 : i32
      %add3A_278 = arith.addi %add3A_272, %add3A_277 : i32
      %lt3A = arith.constant 250 : i32
      %lt3A_279 = arith.cmpi slt, %add3A_278, %lt3A : i32
      %convert_element_type3A_280 = arith.extui %lt3A_279 : i1 to i32
      %cond3A_281 = arith.constant 0 : i32
      %cond3A_282 = arith.cmpi ne, %convert_element_type3A_280, %cond3A_281 : i32
      scf.if %cond3A_282 {
        %eq3A_343 = arith.constant 0 : i32
        %eq3A_344 = arith.cmpi eq, %arg0, %eq3A_343 : i32
        %convert_element_type3A_345 = arith.extui %eq3A_344 : i1 to i32
        %cond3A_346 = arith.constant 0 : i32
        %cond3A_347 = arith.cmpi ne, %convert_element_type3A_345, %cond3A_346 : i32
        scf.if %cond3A_347 {
          %dma_wait3A_362 = arith.constant 0 : i32
          %dma_wait3A_363 = tpu.memref_slice %arg6[%multiple_of3A_276, %dma_wait3A_362] : memref<160000x128xf32, #tpu.memory_space<hbm>> -> memref<40x128xf32, #tpu.memory_space<hbm>>
          %dma_wait3A_364 = arith.constant 0 : i32
          %dma_wait3A_365 = tpu.memref_slice %arg6[%multiple_of3A_276, %dma_wait3A_364] : memref<160000x128xf32, #tpu.memory_space<hbm>> -> memref<40x128xf32, #tpu.memory_space<hbm>>
          tpu.wait_dma2 semaphore(%arg20 : memref<!tpu.dma_semaphore, #tpu.memory_space<semaphore_mem>>) src(%arg9 : memref<40x128xf32, #tpu.memory_space<vmem>>) dst(%dma_wait3A_365 : memref<40x128xf32, #tpu.memory_space<hbm>>)
        } else {
        }
        %eq3A_348 = arith.constant 1 : i32
        %eq3A_349 = arith.cmpi eq, %arg0, %eq3A_348 : i32
        %convert_element_type3A_350 = arith.extui %eq3A_349 : i1 to i32
        %cond3A_351 = arith.constant 0 : i32
        %cond3A_352 = arith.cmpi ne, %convert_element_type3A_350, %cond3A_351 : i32
        scf.if %cond3A_352 {
          %dma_wait3A_362 = arith.constant 0 : i32
          %dma_wait3A_363 = tpu.memref_slice %arg7[%multiple_of3A_276, %dma_wait3A_362] : memref<160000x128xf32, #tpu.memory_space<hbm>> -> memref<40x128xf32, #tpu.memory_space<hbm>>
          %dma_wait3A_364 = arith.constant 0 : i32
          %dma_wait3A_365 = tpu.memref_slice %arg7[%multiple_of3A_276, %dma_wait3A_364] : memref<160000x128xf32, #tpu.memory_space<hbm>> -> memref<40x128xf32, #tpu.memory_space<hbm>>
          tpu.wait_dma2 semaphore(%arg20 : memref<!tpu.dma_semaphore, #tpu.memory_space<semaphore_mem>>) src(%arg9 : memref<40x128xf32, #tpu.memory_space<vmem>>) dst(%dma_wait3A_365 : memref<40x128xf32, #tpu.memory_space<hbm>>)
        } else {
        }
        %add3A_353 = arith.constant 5 : i32
        %add3A_354 = arith.addi %add3A_272, %add3A_353 : i32
        %mul3A_355 = arith.constant 40 : i32
        %mul3A_356 = arith.muli %add3A_354, %mul3A_355 : i32
        %multiple_of3A_357 = tpu.assume_multiple %mul3A_356, 8 : i32
        %dma_start3A_358 = tpu.memref_slice %arg8[%multiple_of3A_357] : memref<10000xi32, #tpu.memory_space<vmem>> -> memref<40xi32, #tpu.memory_space<vmem>>
        %dma_start3A_359 = arith.constant 0 : i32
        %dma_start3A_360 = arith.constant 0 : i32
        %dma_start3A_361 = tpu.memref_slice %arg14[%dma_start3A_359, %dma_start3A_360] : memref<10000x128xf32, #tpu.memory_space<vmem_shared>> -> memref<10000x128xf32, #tpu.memory_space<vmem_shared>>
        tpu.enqueue_indirect_dma source(%dma_start3A_361 : memref<10000x128xf32, #tpu.memory_space<vmem_shared>>) target(%arg9 : memref<40x128xf32, #tpu.memory_space<vmem>>) offsets(%dma_start3A_358 : memref<40xi32, #tpu.memory_space<vmem>>) semaphore(%arg15 : memref<!tpu.dma_semaphore, #tpu.memory_space<semaphore_mem>>)
      } else {
      }
      %mul3A_283 = arith.constant 5 : i32
      %mul3A_284 = arith.muli %mul3A_283, %scan3A_144 : i32
      %add3A_285 = arith.constant 1 : i32
      %add3A_286 = arith.addi %mul3A_284, %add3A_285 : i32
      %mul3A_287 = arith.constant 40 : i32
      %mul3A_288 = arith.muli %add3A_286, %mul3A_287 : i32
      %add3A_289 = arith.addi %mul3A_0, %mul3A_288 : i32
      %multiple_of3A_290 = tpu.assume_multiple %add3A_289, 8 : i32
      %add3A_291 = arith.constant 5 : i32
      %add3A_292 = arith.addi %add3A_286, %add3A_291 : i32
      %lt3A_293 = arith.constant 250 : i32
      %lt3A_294 = arith.cmpi slt, %add3A_292, %lt3A_293 : i32
      %convert_element_type3A_295 = arith.extui %lt3A_294 : i1 to i32
      %cond3A_296 = arith.constant 0 : i32
      %cond3A_297 = arith.cmpi ne, %convert_element_type3A_295, %cond3A_296 : i32
      scf.if %cond3A_297 {
        %eq3A_343 = arith.constant 0 : i32
        %eq3A_344 = arith.cmpi eq, %arg0, %eq3A_343 : i32
        %convert_element_type3A_345 = arith.extui %eq3A_344 : i1 to i32
        %cond3A_346 = arith.constant 0 : i32
        %cond3A_347 = arith.cmpi ne, %convert_element_type3A_345, %cond3A_346 : i32
        scf.if %cond3A_347 {
          %dma_wait3A_362 = arith.constant 0 : i32
          %dma_wait3A_363 = tpu.memref_slice %arg6[%multiple_of3A_290, %dma_wait3A_362] : memref<160000x128xf32, #tpu.memory_space<hbm>> -> memref<40x128xf32, #tpu.memory_space<hbm>>
          %dma_wait3A_364 = arith.constant 0 : i32
          %dma_wait3A_365 = tpu.memref_slice %arg6[%multiple_of3A_290, %dma_wait3A_364] : memref<160000x128xf32, #tpu.memory_space<hbm>> -> memref<40x128xf32, #tpu.memory_space<hbm>>
          tpu.wait_dma2 semaphore(%arg21 : memref<!tpu.dma_semaphore, #tpu.memory_space<semaphore_mem>>) src(%arg10 : memref<40x128xf32, #tpu.memory_space<vmem>>) dst(%dma_wait3A_365 : memref<40x128xf32, #tpu.memory_space<hbm>>)
        } else {
        }
        %eq3A_348 = arith.constant 1 : i32
        %eq3A_349 = arith.cmpi eq, %arg0, %eq3A_348 : i32
        %convert_element_type3A_350 = arith.extui %eq3A_349 : i1 to i32
        %cond3A_351 = arith.constant 0 : i32
        %cond3A_352 = arith.cmpi ne, %convert_element_type3A_350, %cond3A_351 : i32
        scf.if %cond3A_352 {
          %dma_wait3A_362 = arith.constant 0 : i32
          %dma_wait3A_363 = tpu.memref_slice %arg7[%multiple_of3A_290, %dma_wait3A_362] : memref<160000x128xf32, #tpu.memory_space<hbm>> -> memref<40x128xf32, #tpu.memory_space<hbm>>
          %dma_wait3A_364 = arith.constant 0 : i32
          %dma_wait3A_365 = tpu.memref_slice %arg7[%multiple_of3A_290, %dma_wait3A_364] : memref<160000x128xf32, #tpu.memory_space<hbm>> -> memref<40x128xf32, #tpu.memory_space<hbm>>
          tpu.wait_dma2 semaphore(%arg21 : memref<!tpu.dma_semaphore, #tpu.memory_space<semaphore_mem>>) src(%arg10 : memref<40x128xf32, #tpu.memory_space<vmem>>) dst(%dma_wait3A_365 : memref<40x128xf32, #tpu.memory_space<hbm>>)
        } else {
        }
        %add3A_353 = arith.constant 5 : i32
        %add3A_354 = arith.addi %add3A_286, %add3A_353 : i32
        %mul3A_355 = arith.constant 40 : i32
        %mul3A_356 = arith.muli %add3A_354, %mul3A_355 : i32
        %multiple_of3A_357 = tpu.assume_multiple %mul3A_356, 8 : i32
        %dma_start3A_358 = tpu.memref_slice %arg8[%multiple_of3A_357] : memref<10000xi32, #tpu.memory_space<vmem>> -> memref<40xi32, #tpu.memory_space<vmem>>
        %dma_start3A_359 = arith.constant 0 : i32
        %dma_start3A_360 = arith.constant 0 : i32
        %dma_start3A_361 = tpu.memref_slice %arg14[%dma_start3A_359, %dma_start3A_360] : memref<10000x128xf32, #tpu.memory_space<vmem_shared>> -> memref<10000x128xf32, #tpu.memory_space<vmem_shared>>
        tpu.enqueue_indirect_dma source(%dma_start3A_361 : memref<10000x128xf32, #tpu.memory_space<vmem_shared>>) target(%arg10 : memref<40x128xf32, #tpu.memory_space<vmem>>) offsets(%dma_start3A_358 : memref<40xi32, #tpu.memory_space<vmem>>) semaphore(%arg16 : memref<!tpu.dma_semaphore, #tpu.memory_space<semaphore_mem>>)
      } else {
      }
      %mul3A_298 = arith.constant 5 : i32
      %mul3A_299 = arith.muli %mul3A_298, %scan3A_144 : i32
      %add3A_300 = arith.constant 2 : i32
      %add3A_301 = arith.addi %mul3A_299, %add3A_300 : i32
      %mul3A_302 = arith.constant 40 : i32
      %mul3A_303 = arith.muli %add3A_301, %mul3A_302 : i32
      %add3A_304 = arith.addi %mul3A_0, %mul3A_303 : i32
      %multiple_of3A_305 = tpu.assume_multiple %add3A_304, 8 : i32
      %add3A_306 = arith.constant 5 : i32
      %add3A_307 = arith.addi %add3A_301, %add3A_306 : i32
      %lt3A_308 = arith.constant 250 : i32
      %lt3A_309 = arith.cmpi slt, %add3A_307, %lt3A_308 : i32
      %convert_element_type3A_310 = arith.extui %lt3A_309 : i1 to i32
      %cond3A_311 = arith.constant 0 : i32
      %cond3A_312 = arith.cmpi ne, %convert_element_type3A_310, %cond3A_311 : i32
      scf.if %cond3A_312 {
        %eq3A_343 = arith.constant 0 : i32
        %eq3A_344 = arith.cmpi eq, %arg0, %eq3A_343 : i32
        %convert_element_type3A_345 = arith.extui %eq3A_344 : i1 to i32
        %cond3A_346 = arith.constant 0 : i32
        %cond3A_347 = arith.cmpi ne, %convert_element_type3A_345, %cond3A_346 : i32
        scf.if %cond3A_347 {
          %dma_wait3A_362 = arith.constant 0 : i32
          %dma_wait3A_363 = tpu.memref_slice %arg6[%multiple_of3A_305, %dma_wait3A_362] : memref<160000x128xf32, #tpu.memory_space<hbm>> -> memref<40x128xf32, #tpu.memory_space<hbm>>
          %dma_wait3A_364 = arith.constant 0 : i32
          %dma_wait3A_365 = tpu.memref_slice %arg6[%multiple_of3A_305, %dma_wait3A_364] : memref<160000x128xf32, #tpu.memory_space<hbm>> -> memref<40x128xf32, #tpu.memory_space<hbm>>
          tpu.wait_dma2 semaphore(%arg22 : memref<!tpu.dma_semaphore, #tpu.memory_space<semaphore_mem>>) src(%arg11 : memref<40x128xf32, #tpu.memory_space<vmem>>) dst(%dma_wait3A_365 : memref<40x128xf32, #tpu.memory_space<hbm>>)
        } else {
        }
        %eq3A_348 = arith.constant 1 : i32
        %eq3A_349 = arith.cmpi eq, %arg0, %eq3A_348 : i32
        %convert_element_type3A_350 = arith.extui %eq3A_349 : i1 to i32
        %cond3A_351 = arith.constant 0 : i32
        %cond3A_352 = arith.cmpi ne, %convert_element_type3A_350, %cond3A_351 : i32
        scf.if %cond3A_352 {
          %dma_wait3A_362 = arith.constant 0 : i32
          %dma_wait3A_363 = tpu.memref_slice %arg7[%multiple_of3A_305, %dma_wait3A_362] : memref<160000x128xf32, #tpu.memory_space<hbm>> -> memref<40x128xf32, #tpu.memory_space<hbm>>
          %dma_wait3A_364 = arith.constant 0 : i32
          %dma_wait3A_365 = tpu.memref_slice %arg7[%multiple_of3A_305, %dma_wait3A_364] : memref<160000x128xf32, #tpu.memory_space<hbm>> -> memref<40x128xf32, #tpu.memory_space<hbm>>
          tpu.wait_dma2 semaphore(%arg22 : memref<!tpu.dma_semaphore, #tpu.memory_space<semaphore_mem>>) src(%arg11 : memref<40x128xf32, #tpu.memory_space<vmem>>) dst(%dma_wait3A_365 : memref<40x128xf32, #tpu.memory_space<hbm>>)
        } else {
        }
        %add3A_353 = arith.constant 5 : i32
        %add3A_354 = arith.addi %add3A_301, %add3A_353 : i32
        %mul3A_355 = arith.constant 40 : i32
        %mul3A_356 = arith.muli %add3A_354, %mul3A_355 : i32
        %multiple_of3A_357 = tpu.assume_multiple %mul3A_356, 8 : i32
        %dma_start3A_358 = tpu.memref_slice %arg8[%multiple_of3A_357] : memref<10000xi32, #tpu.memory_space<vmem>> -> memref<40xi32, #tpu.memory_space<vmem>>
        %dma_start3A_359 = arith.constant 0 : i32
        %dma_start3A_360 = arith.constant 0 : i32
        %dma_start3A_361 = tpu.memref_slice %arg14[%dma_start3A_359, %dma_start3A_360] : memref<10000x128xf32, #tpu.memory_space<vmem_shared>> -> memref<10000x128xf32, #tpu.memory_space<vmem_shared>>
        tpu.enqueue_indirect_dma source(%dma_start3A_361 : memref<10000x128xf32, #tpu.memory_space<vmem_shared>>) target(%arg11 : memref<40x128xf32, #tpu.memory_space<vmem>>) offsets(%dma_start3A_358 : memref<40xi32, #tpu.memory_space<vmem>>) semaphore(%arg17 : memref<!tpu.dma_semaphore, #tpu.memory_space<semaphore_mem>>)
      } else {
      }
      %mul3A_313 = arith.constant 5 : i32
      %mul3A_314 = arith.muli %mul3A_313, %scan3A_144 : i32
      %add3A_315 = arith.constant 3 : i32
      %add3A_316 = arith.addi %mul3A_314, %add3A_315 : i32
      %mul3A_317 = arith.constant 40 : i32
      %mul3A_318 = arith.muli %add3A_316, %mul3A_317 : i32
      %add3A_319 = arith.addi %mul3A_0, %mul3A_318 : i32
      %multiple_of3A_320 = tpu.assume_multiple %add3A_319, 8 : i32
      %add3A_321 = arith.constant 5 : i32
      %add3A_322 = arith.addi %add3A_316, %add3A_321 : i32
      %lt3A_323 = arith.constant 250 : i32
      %lt3A_324 = arith.cmpi slt, %add3A_322, %lt3A_323 : i32
      %convert_element_type3A_325 = arith.extui %lt3A_324 : i1 to i32
      %cond3A_326 = arith.constant 0 : i32
      %cond3A_327 = arith.cmpi ne, %convert_element_type3A_325, %cond3A_326 : i32
      scf.if %cond3A_327 {
        %eq3A_343 = arith.constant 0 : i32
        %eq3A_344 = arith.cmpi eq, %arg0, %eq3A_343 : i32
        %convert_element_type3A_345 = arith.extui %eq3A_344 : i1 to i32
        %cond3A_346 = arith.constant 0 : i32
        %cond3A_347 = arith.cmpi ne, %convert_element_type3A_345, %cond3A_346 : i32
        scf.if %cond3A_347 {
          %dma_wait3A_362 = arith.constant 0 : i32
          %dma_wait3A_363 = tpu.memref_slice %arg6[%multiple_of3A_320, %dma_wait3A_362] : memref<160000x128xf32, #tpu.memory_space<hbm>> -> memref<40x128xf32, #tpu.memory_space<hbm>>
          %dma_wait3A_364 = arith.constant 0 : i32
          %dma_wait3A_365 = tpu.memref_slice %arg6[%multiple_of3A_320, %dma_wait3A_364] : memref<160000x128xf32, #tpu.memory_space<hbm>> -> memref<40x128xf32, #tpu.memory_space<hbm>>
          tpu.wait_dma2 semaphore(%arg23 : memref<!tpu.dma_semaphore, #tpu.memory_space<semaphore_mem>>) src(%arg12 : memref<40x128xf32, #tpu.memory_space<vmem>>) dst(%dma_wait3A_365 : memref<40x128xf32, #tpu.memory_space<hbm>>)
        } else {
        }
        %eq3A_348 = arith.constant 1 : i32
        %eq3A_349 = arith.cmpi eq, %arg0, %eq3A_348 : i32
        %convert_element_type3A_350 = arith.extui %eq3A_349 : i1 to i32
        %cond3A_351 = arith.constant 0 : i32
        %cond3A_352 = arith.cmpi ne, %convert_element_type3A_350, %cond3A_351 : i32
        scf.if %cond3A_352 {
          %dma_wait3A_362 = arith.constant 0 : i32
          %dma_wait3A_363 = tpu.memref_slice %arg7[%multiple_of3A_320, %dma_wait3A_362] : memref<160000x128xf32, #tpu.memory_space<hbm>> -> memref<40x128xf32, #tpu.memory_space<hbm>>
          %dma_wait3A_364 = arith.constant 0 : i32
          %dma_wait3A_365 = tpu.memref_slice %arg7[%multiple_of3A_320, %dma_wait3A_364] : memref<160000x128xf32, #tpu.memory_space<hbm>> -> memref<40x128xf32, #tpu.memory_space<hbm>>
          tpu.wait_dma2 semaphore(%arg23 : memref<!tpu.dma_semaphore, #tpu.memory_space<semaphore_mem>>) src(%arg12 : memref<40x128xf32, #tpu.memory_space<vmem>>) dst(%dma_wait3A_365 : memref<40x128xf32, #tpu.memory_space<hbm>>)
        } else {
        }
        %add3A_353 = arith.constant 5 : i32
        %add3A_354 = arith.addi %add3A_316, %add3A_353 : i32
        %mul3A_355 = arith.constant 40 : i32
        %mul3A_356 = arith.muli %add3A_354, %mul3A_355 : i32
        %multiple_of3A_357 = tpu.assume_multiple %mul3A_356, 8 : i32
        %dma_start3A_358 = tpu.memref_slice %arg8[%multiple_of3A_357] : memref<10000xi32, #tpu.memory_space<vmem>> -> memref<40xi32, #tpu.memory_space<vmem>>
        %dma_start3A_359 = arith.constant 0 : i32
        %dma_start3A_360 = arith.constant 0 : i32
        %dma_start3A_361 = tpu.memref_slice %arg14[%dma_start3A_359, %dma_start3A_360] : memref<10000x128xf32, #tpu.memory_space<vmem_shared>> -> memref<10000x128xf32, #tpu.memory_space<vmem_shared>>
        tpu.enqueue_indirect_dma source(%dma_start3A_361 : memref<10000x128xf32, #tpu.memory_space<vmem_shared>>) target(%arg12 : memref<40x128xf32, #tpu.memory_space<vmem>>) offsets(%dma_start3A_358 : memref<40xi32, #tpu.memory_space<vmem>>) semaphore(%arg18 : memref<!tpu.dma_semaphore, #tpu.memory_space<semaphore_mem>>)
      } else {
      }
      %mul3A_328 = arith.constant 5 : i32
      %mul3A_329 = arith.muli %mul3A_328, %scan3A_144 : i32
      %add3A_330 = arith.constant 4 : i32
      %add3A_331 = arith.addi %mul3A_329, %add3A_330 : i32
      %mul3A_332 = arith.constant 40 : i32
      %mul3A_333 = arith.muli %add3A_331, %mul3A_332 : i32
      %add3A_334 = arith.addi %mul3A_0, %mul3A_333 : i32
      %multiple_of3A_335 = tpu.assume_multiple %add3A_334, 8 : i32
      %add3A_336 = arith.constant 5 : i32
      %add3A_337 = arith.addi %add3A_331, %add3A_336 : i32
      %lt3A_338 = arith.constant 250 : i32
      %lt3A_339 = arith.cmpi slt, %add3A_337, %lt3A_338 : i32
      %convert_element_type3A_340 = arith.extui %lt3A_339 : i1 to i32
      %cond3A_341 = arith.constant 0 : i32
      %cond3A_342 = arith.cmpi ne, %convert_element_type3A_340, %cond3A_341 : i32
      scf.if %cond3A_342 {
        %eq3A_343 = arith.constant 0 : i32
        %eq3A_344 = arith.cmpi eq, %arg0, %eq3A_343 : i32
        %convert_element_type3A_345 = arith.extui %eq3A_344 : i1 to i32
        %cond3A_346 = arith.constant 0 : i32
        %cond3A_347 = arith.cmpi ne, %convert_element_type3A_345, %cond3A_346 : i32
        scf.if %cond3A_347 {
          %dma_wait3A_362 = arith.constant 0 : i32
          %dma_wait3A_363 = tpu.memref_slice %arg6[%multiple_of3A_335, %dma_wait3A_362] : memref<160000x128xf32, #tpu.memory_space<hbm>> -> memref<40x128xf32, #tpu.memory_space<hbm>>
          %dma_wait3A_364 = arith.constant 0 : i32
          %dma_wait3A_365 = tpu.memref_slice %arg6[%multiple_of3A_335, %dma_wait3A_364] : memref<160000x128xf32, #tpu.memory_space<hbm>> -> memref<40x128xf32, #tpu.memory_space<hbm>>
          tpu.wait_dma2 semaphore(%arg24 : memref<!tpu.dma_semaphore, #tpu.memory_space<semaphore_mem>>) src(%arg13 : memref<40x128xf32, #tpu.memory_space<vmem>>) dst(%dma_wait3A_365 : memref<40x128xf32, #tpu.memory_space<hbm>>)
        } else {
        }
        %eq3A_348 = arith.constant 1 : i32
        %eq3A_349 = arith.cmpi eq, %arg0, %eq3A_348 : i32
        %convert_element_type3A_350 = arith.extui %eq3A_349 : i1 to i32
        %cond3A_351 = arith.constant 0 : i32
        %cond3A_352 = arith.cmpi ne, %convert_element_type3A_350, %cond3A_351 : i32
        scf.if %cond3A_352 {
          %dma_wait3A_362 = arith.constant 0 : i32
          %dma_wait3A_363 = tpu.memref_slice %arg7[%multiple_of3A_335, %dma_wait3A_362] : memref<160000x128xf32, #tpu.memory_space<hbm>> -> memref<40x128xf32, #tpu.memory_space<hbm>>
          %dma_wait3A_364 = arith.constant 0 : i32
          %dma_wait3A_365 = tpu.memref_slice %arg7[%multiple_of3A_335, %dma_wait3A_364] : memref<160000x128xf32, #tpu.memory_space<hbm>> -> memref<40x128xf32, #tpu.memory_space<hbm>>
          tpu.wait_dma2 semaphore(%arg24 : memref<!tpu.dma_semaphore, #tpu.memory_space<semaphore_mem>>) src(%arg13 : memref<40x128xf32, #tpu.memory_space<vmem>>) dst(%dma_wait3A_365 : memref<40x128xf32, #tpu.memory_space<hbm>>)
        } else {
        }
        %add3A_353 = arith.constant 5 : i32
        %add3A_354 = arith.addi %add3A_331, %add3A_353 : i32
        %mul3A_355 = arith.constant 40 : i32
        %mul3A_356 = arith.muli %add3A_354, %mul3A_355 : i32
        %multiple_of3A_357 = tpu.assume_multiple %mul3A_356, 8 : i32
        %dma_start3A_358 = tpu.memref_slice %arg8[%multiple_of3A_357] : memref<10000xi32, #tpu.memory_space<vmem>> -> memref<40xi32, #tpu.memory_space<vmem>>
        %dma_start3A_359 = arith.constant 0 : i32
        %dma_start3A_360 = arith.constant 0 : i32
        %dma_start3A_361 = tpu.memref_slice %arg14[%dma_start3A_359, %dma_start3A_360] : memref<10000x128xf32, #tpu.memory_space<vmem_shared>> -> memref<10000x128xf32, #tpu.memory_space<vmem_shared>>
        tpu.enqueue_indirect_dma source(%dma_start3A_361 : memref<10000x128xf32, #tpu.memory_space<vmem_shared>>) target(%arg13 : memref<40x128xf32, #tpu.memory_space<vmem>>) offsets(%dma_start3A_358 : memref<40xi32, #tpu.memory_space<vmem>>) semaphore(%arg19 : memref<!tpu.dma_semaphore, #tpu.memory_space<semaphore_mem>>)
      } else {
      }
    }
    %scan3A_78 = arith.constant 50 : i32
    %add3A_79 = arith.constant 9800 : i32
    %add3A_80 = arith.addi %mul3A_0, %add3A_79 : i32
    %multiple_of3A_81 = tpu.assume_multiple %add3A_80, 8 : i32
    %eq3A_82 = arith.constant 0 : i32
    %eq3A_83 = arith.cmpi eq, %arg0, %eq3A_82 : i32
    %convert_element_type3A_84 = arith.extui %eq3A_83 : i1 to i32
    %cond3A_85 = arith.constant 0 : i32
    %cond3A_86 = arith.cmpi ne, %convert_element_type3A_84, %cond3A_85 : i32
    scf.if %cond3A_86 {
      %dma_wait3A = arith.constant 0 : i32
      %dma_wait3A_144 = tpu.memref_slice %arg6[%multiple_of3A_81, %dma_wait3A] : memref<160000x128xf32, #tpu.memory_space<hbm>> -> memref<40x128xf32, #tpu.memory_space<hbm>>
      %dma_wait3A_145 = arith.constant 0 : i32
      %dma_wait3A_146 = tpu.memref_slice %arg6[%multiple_of3A_81, %dma_wait3A_145] : memref<160000x128xf32, #tpu.memory_space<hbm>> -> memref<40x128xf32, #tpu.memory_space<hbm>>
      tpu.wait_dma2 semaphore(%arg20 : memref<!tpu.dma_semaphore, #tpu.memory_space<semaphore_mem>>) src(%arg9 : memref<40x128xf32, #tpu.memory_space<vmem>>) dst(%dma_wait3A_146 : memref<40x128xf32, #tpu.memory_space<hbm>>)
    } else {
    }
    %eq3A_87 = arith.constant 1 : i32
    %eq3A_88 = arith.cmpi eq, %arg0, %eq3A_87 : i32
    %convert_element_type3A_89 = arith.extui %eq3A_88 : i1 to i32
    %cond3A_90 = arith.constant 0 : i32
    %cond3A_91 = arith.cmpi ne, %convert_element_type3A_89, %cond3A_90 : i32
    scf.if %cond3A_91 {
      %dma_wait3A = arith.constant 0 : i32
      %dma_wait3A_144 = tpu.memref_slice %arg7[%multiple_of3A_81, %dma_wait3A] : memref<160000x128xf32, #tpu.memory_space<hbm>> -> memref<40x128xf32, #tpu.memory_space<hbm>>
      %dma_wait3A_145 = arith.constant 0 : i32
      %dma_wait3A_146 = tpu.memref_slice %arg7[%multiple_of3A_81, %dma_wait3A_145] : memref<160000x128xf32, #tpu.memory_space<hbm>> -> memref<40x128xf32, #tpu.memory_space<hbm>>
      tpu.wait_dma2 semaphore(%arg20 : memref<!tpu.dma_semaphore, #tpu.memory_space<semaphore_mem>>) src(%arg9 : memref<40x128xf32, #tpu.memory_space<vmem>>) dst(%dma_wait3A_146 : memref<40x128xf32, #tpu.memory_space<hbm>>)
    } else {
    }
    %add3A_92 = arith.constant 9840 : i32
    %add3A_93 = arith.addi %mul3A_0, %add3A_92 : i32
    %multiple_of3A_94 = tpu.assume_multiple %add3A_93, 8 : i32
    %eq3A_95 = arith.constant 0 : i32
    %eq3A_96 = arith.cmpi eq, %arg0, %eq3A_95 : i32
    %convert_element_type3A_97 = arith.extui %eq3A_96 : i1 to i32
    %cond3A_98 = arith.constant 0 : i32
    %cond3A_99 = arith.cmpi ne, %convert_element_type3A_97, %cond3A_98 : i32
    scf.if %cond3A_99 {
      %dma_wait3A = arith.constant 0 : i32
      %dma_wait3A_144 = tpu.memref_slice %arg6[%multiple_of3A_94, %dma_wait3A] : memref<160000x128xf32, #tpu.memory_space<hbm>> -> memref<40x128xf32, #tpu.memory_space<hbm>>
      %dma_wait3A_145 = arith.constant 0 : i32
      %dma_wait3A_146 = tpu.memref_slice %arg6[%multiple_of3A_94, %dma_wait3A_145] : memref<160000x128xf32, #tpu.memory_space<hbm>> -> memref<40x128xf32, #tpu.memory_space<hbm>>
      tpu.wait_dma2 semaphore(%arg21 : memref<!tpu.dma_semaphore, #tpu.memory_space<semaphore_mem>>) src(%arg10 : memref<40x128xf32, #tpu.memory_space<vmem>>) dst(%dma_wait3A_146 : memref<40x128xf32, #tpu.memory_space<hbm>>)
    } else {
    }
    %eq3A_100 = arith.constant 1 : i32
    %eq3A_101 = arith.cmpi eq, %arg0, %eq3A_100 : i32
    %convert_element_type3A_102 = arith.extui %eq3A_101 : i1 to i32
    %cond3A_103 = arith.constant 0 : i32
    %cond3A_104 = arith.cmpi ne, %convert_element_type3A_102, %cond3A_103 : i32
    scf.if %cond3A_104 {
      %dma_wait3A = arith.constant 0 : i32
      %dma_wait3A_144 = tpu.memref_slice %arg7[%multiple_of3A_94, %dma_wait3A] : memref<160000x128xf32, #tpu.memory_space<hbm>> -> memref<40x128xf32, #tpu.memory_space<hbm>>
      %dma_wait3A_145 = arith.constant 0 : i32
      %dma_wait3A_146 = tpu.memref_slice %arg7[%multiple_of3A_94, %dma_wait3A_145] : memref<160000x128xf32, #tpu.memory_space<hbm>> -> memref<40x128xf32, #tpu.memory_space<hbm>>
      tpu.wait_dma2 semaphore(%arg21 : memref<!tpu.dma_semaphore, #tpu.memory_space<semaphore_mem>>) src(%arg10 : memref<40x128xf32, #tpu.memory_space<vmem>>) dst(%dma_wait3A_146 : memref<40x128xf32, #tpu.memory_space<hbm>>)
    } else {
    }
    %add3A_105 = arith.constant 9880 : i32
    %add3A_106 = arith.addi %mul3A_0, %add3A_105 : i32
    %multiple_of3A_107 = tpu.assume_multiple %add3A_106, 8 : i32
    %eq3A_108 = arith.constant 0 : i32
    %eq3A_109 = arith.cmpi eq, %arg0, %eq3A_108 : i32
    %convert_element_type3A_110 = arith.extui %eq3A_109 : i1 to i32
    %cond3A_111 = arith.constant 0 : i32
    %cond3A_112 = arith.cmpi ne, %convert_element_type3A_110, %cond3A_111 : i32
    scf.if %cond3A_112 {
      %dma_wait3A = arith.constant 0 : i32
      %dma_wait3A_144 = tpu.memref_slice %arg6[%multiple_of3A_107, %dma_wait3A] : memref<160000x128xf32, #tpu.memory_space<hbm>> -> memref<40x128xf32, #tpu.memory_space<hbm>>
      %dma_wait3A_145 = arith.constant 0 : i32
      %dma_wait3A_146 = tpu.memref_slice %arg6[%multiple_of3A_107, %dma_wait3A_145] : memref<160000x128xf32, #tpu.memory_space<hbm>> -> memref<40x128xf32, #tpu.memory_space<hbm>>
      tpu.wait_dma2 semaphore(%arg22 : memref<!tpu.dma_semaphore, #tpu.memory_space<semaphore_mem>>) src(%arg11 : memref<40x128xf32, #tpu.memory_space<vmem>>) dst(%dma_wait3A_146 : memref<40x128xf32, #tpu.memory_space<hbm>>)
    } else {
    }
    %eq3A_113 = arith.constant 1 : i32
    %eq3A_114 = arith.cmpi eq, %arg0, %eq3A_113 : i32
    %convert_element_type3A_115 = arith.extui %eq3A_114 : i1 to i32
    %cond3A_116 = arith.constant 0 : i32
    %cond3A_117 = arith.cmpi ne, %convert_element_type3A_115, %cond3A_116 : i32
    scf.if %cond3A_117 {
      %dma_wait3A = arith.constant 0 : i32
      %dma_wait3A_144 = tpu.memref_slice %arg7[%multiple_of3A_107, %dma_wait3A] : memref<160000x128xf32, #tpu.memory_space<hbm>> -> memref<40x128xf32, #tpu.memory_space<hbm>>
      %dma_wait3A_145 = arith.constant 0 : i32
      %dma_wait3A_146 = tpu.memref_slice %arg7[%multiple_of3A_107, %dma_wait3A_145] : memref<160000x128xf32, #tpu.memory_space<hbm>> -> memref<40x128xf32, #tpu.memory_space<hbm>>
      tpu.wait_dma2 semaphore(%arg22 : memref<!tpu.dma_semaphore, #tpu.memory_space<semaphore_mem>>) src(%arg11 : memref<40x128xf32, #tpu.memory_space<vmem>>) dst(%dma_wait3A_146 : memref<40x128xf32, #tpu.memory_space<hbm>>)
    } else {
    }
    %add3A_118 = arith.constant 9920 : i32
    %add3A_119 = arith.addi %mul3A_0, %add3A_118 : i32
    %multiple_of3A_120 = tpu.assume_multiple %add3A_119, 8 : i32
    %eq3A_121 = arith.constant 0 : i32
    %eq3A_122 = arith.cmpi eq, %arg0, %eq3A_121 : i32
    %convert_element_type3A_123 = arith.extui %eq3A_122 : i1 to i32
    %cond3A_124 = arith.constant 0 : i32
    %cond3A_125 = arith.cmpi ne, %convert_element_type3A_123, %cond3A_124 : i32
    scf.if %cond3A_125 {
      %dma_wait3A = arith.constant 0 : i32
      %dma_wait3A_144 = tpu.memref_slice %arg6[%multiple_of3A_120, %dma_wait3A] : memref<160000x128xf32, #tpu.memory_space<hbm>> -> memref<40x128xf32, #tpu.memory_space<hbm>>
      %dma_wait3A_145 = arith.constant 0 : i32
      %dma_wait3A_146 = tpu.memref_slice %arg6[%multiple_of3A_120, %dma_wait3A_145] : memref<160000x128xf32, #tpu.memory_space<hbm>> -> memref<40x128xf32, #tpu.memory_space<hbm>>
      tpu.wait_dma2 semaphore(%arg23 : memref<!tpu.dma_semaphore, #tpu.memory_space<semaphore_mem>>) src(%arg12 : memref<40x128xf32, #tpu.memory_space<vmem>>) dst(%dma_wait3A_146 : memref<40x128xf32, #tpu.memory_space<hbm>>)
    } else {
    }
    %eq3A_126 = arith.constant 1 : i32
    %eq3A_127 = arith.cmpi eq, %arg0, %eq3A_126 : i32
    %convert_element_type3A_128 = arith.extui %eq3A_127 : i1 to i32
    %cond3A_129 = arith.constant 0 : i32
    %cond3A_130 = arith.cmpi ne, %convert_element_type3A_128, %cond3A_129 : i32
    scf.if %cond3A_130 {
      %dma_wait3A = arith.constant 0 : i32
      %dma_wait3A_144 = tpu.memref_slice %arg7[%multiple_of3A_120, %dma_wait3A] : memref<160000x128xf32, #tpu.memory_space<hbm>> -> memref<40x128xf32, #tpu.memory_space<hbm>>
      %dma_wait3A_145 = arith.constant 0 : i32
      %dma_wait3A_146 = tpu.memref_slice %arg7[%multiple_of3A_120, %dma_wait3A_145] : memref<160000x128xf32, #tpu.memory_space<hbm>> -> memref<40x128xf32, #tpu.memory_space<hbm>>
      tpu.wait_dma2 semaphore(%arg23 : memref<!tpu.dma_semaphore, #tpu.memory_space<semaphore_mem>>) src(%arg12 : memref<40x128xf32, #tpu.memory_space<vmem>>) dst(%dma_wait3A_146 : memref<40x128xf32, #tpu.memory_space<hbm>>)
    } else {
    }
    %add3A_131 = arith.constant 9960 : i32
    %add3A_132 = arith.addi %mul3A_0, %add3A_131 : i32
    %multiple_of3A_133 = tpu.assume_multiple %add3A_132, 8 : i32
    %eq3A_134 = arith.constant 0 : i32
    %eq3A_135 = arith.cmpi eq, %arg0, %eq3A_134 : i32
    %convert_element_type3A_136 = arith.extui %eq3A_135 : i1 to i32
    %cond3A_137 = arith.constant 0 : i32
    %cond3A_138 = arith.cmpi ne, %convert_element_type3A_136, %cond3A_137 : i32
    scf.if %cond3A_138 {
      %dma_wait3A = arith.constant 0 : i32
      %dma_wait3A_144 = tpu.memref_slice %arg6[%multiple_of3A_133, %dma_wait3A] : memref<160000x128xf32, #tpu.memory_space<hbm>> -> memref<40x128xf32, #tpu.memory_space<hbm>>
      %dma_wait3A_145 = arith.constant 0 : i32
      %dma_wait3A_146 = tpu.memref_slice %arg6[%multiple_of3A_133, %dma_wait3A_145] : memref<160000x128xf32, #tpu.memory_space<hbm>> -> memref<40x128xf32, #tpu.memory_space<hbm>>
      tpu.wait_dma2 semaphore(%arg24 : memref<!tpu.dma_semaphore, #tpu.memory_space<semaphore_mem>>) src(%arg13 : memref<40x128xf32, #tpu.memory_space<vmem>>) dst(%dma_wait3A_146 : memref<40x128xf32, #tpu.memory_space<hbm>>)
    } else {
    }
    %eq3A_139 = arith.constant 1 : i32
    %eq3A_140 = arith.cmpi eq, %arg0, %eq3A_139 : i32
    %convert_element_type3A_141 = arith.extui %eq3A_140 : i1 to i32
    %cond3A_142 = arith.constant 0 : i32
    %cond3A_143 = arith.cmpi ne, %convert_element_type3A_141, %cond3A_142 : i32
    scf.if %cond3A_143 {
      %dma_wait3A = arith.constant 0 : i32
      %dma_wait3A_144 = tpu.memref_slice %arg7[%multiple_of3A_133, %dma_wait3A] : memref<160000x128xf32, #tpu.memory_space<hbm>> -> memref<40x128xf32, #tpu.memory_space<hbm>>
      %dma_wait3A_145 = arith.constant 0 : i32
      %dma_wait3A_146 = tpu.memref_slice %arg7[%multiple_of3A_133, %dma_wait3A_145] : memref<160000x128xf32, #tpu.memory_space<hbm>> -> memref<40x128xf32, #tpu.memory_space<hbm>>
      tpu.wait_dma2 semaphore(%arg24 : memref<!tpu.dma_semaphore, #tpu.memory_space<semaphore_mem>>) src(%arg13 : memref<40x128xf32, #tpu.memory_space<vmem>>) dst(%dma_wait3A_146 : memref<40x128xf32, #tpu.memory_space<hbm>>)
    } else {
    }
    return
  }
}

#map = affine_map<(d0, d1) -> (0, 0)>
#map1 = affine_map<(d0, d1) -> (0)>
module attributes {stable_mosaic.version = 14 : i64} {
  func.func @_gather_body(%arg0: i32, %arg1: i32, %arg2: memref<10000x128xf32, #tpu.memory_space<hbm>>, %arg3: memref<10000x128xf32, #tpu.memory_space<hbm>>, %arg4: memref<320000xi32, #tpu.memory_space<hbm>>, %arg5: memref<320000xi32, #tpu.memory_space<hbm>>, %arg6: memref<160000x128xf32, #tpu.memory_space<hbm>>, %arg7: memref<160000x128xf32, #tpu.memory_space<hbm>>, %arg8: memref<10000xi32, #tpu.memory_space<vmem>>, %arg9: memref<40x128xf32, #tpu.memory_space<vmem>>, %arg10: memref<40x128xf32, #tpu.memory_space<vmem>>, %arg11: memref<40x128xf32, #tpu.memory_space<vmem>>, %arg12: memref<40x128xf32, #tpu.memory_space<vmem>>, %arg13: memref<40x128xf32, #tpu.memory_space<vmem>>, %arg14: memref<10000x128xf32, #tpu.memory_space<vmem_shared>>, %arg15: memref<!tpu.dma_semaphore, #tpu.memory_space<semaphore_mem>>, %arg16: memref<!tpu.dma_semaphore, #tpu.memory_space<semaphore_mem>>, %arg17: memref<!tpu.dma_semaphore, #tpu.memory_space<semaphore_mem>>, %arg18: memref<!tpu.dma_semaphore, #tpu.memory_space<semaphore_mem>>, %arg19: memref<!tpu.dma_semaphore, #tpu.memory_space<semaphore_mem>>, %arg20: memref<!tpu.dma_semaphore, #tpu.memory_space<semaphore_mem>>, %arg21: memref<!tpu.dma_semaphore, #tpu.memory_space<semaphore_mem>>, %arg22: memref<!tpu.dma_semaphore, #tpu.memory_space<semaphore_mem>>, %arg23: memref<!tpu.dma_semaphore, #tpu.memory_space<semaphore_mem>>, %arg24: memref<!tpu.dma_semaphore, #tpu.memory_space<semaphore_mem>>, %arg25: memref<!tpu.dma_semaphore, #tpu.memory_space<semaphore_mem>>) attributes {dimension_semantics = [#tpu.dimension_semantics<core_parallel>, #tpu.dimension_semantics<subcore_parallel>], iteration_bounds = array<i64: 2, 16>, scalar_prefetch = 0 : i64, scratch_operands = 18 : i64, tpu.core_type = #tpu.core_type<sc_vector_subcore>, window_params = [{transform_indices = #map}, {transform_indices = #map}, {transform_indices = #map1}, {transform_indices = #map1}, {transform_indices = #map}, {transform_indices = #map}]} {
    %mul3A = arith.constant 10000 : i32
    %mul3A_0 = arith.muli %arg1, %mul3A : i32
    %sub3A = arith.constant 124 : i32
    %sub3A_1 = arith.subi %sub3A, %arg1 : i32
    %jit3A = arith.constant 16 : i32
    %div3A = arith.divsi %sub3A_1, %jit3A : i32
    %sign3A = arith.constant 0 : i32
    %sign3A_2 = arith.cmpi sgt, %sub3A_1, %sign3A : i32
    %sign3A_3 = arith.extui %sign3A_2 : i1 to i32
    %sign3A_4 = arith.constant 0 : i32
    %sign3A_5 = arith.cmpi slt, %sub3A_1, %sign3A_4 : i32
    %sign3A_6 = arith.extui %sign3A_5 : i1 to i32
    %sign3A_7 = arith.subi %sign3A_3, %sign3A_6 : i32
    %sign3A_8 = arith.constant 0 : i32
    %sign3A_9 = arith.cmpi sgt, %jit3A, %sign3A_8 : i32
    %sign3A_10 = arith.extui %sign3A_9 : i1 to i32
    %sign3A_11 = arith.constant 0 : i32
    %sign3A_12 = arith.cmpi slt, %jit3A, %sign3A_11 : i32
    %sign3A_13 = arith.extui %sign3A_12 : i1 to i32
    %sign3A_14 = arith.subi %sign3A_10, %sign3A_13 : i32
    %ne3A = arith.cmpi ne, %sign3A_7, %sign3A_14 : i32
    %rem3A = arith.remsi %sub3A_1, %jit3A : i32
    %ne3A_15 = arith.constant 0 : i32
    %ne3A_16 = arith.cmpi ne, %rem3A, %ne3A_15 : i32
    %and3A = arith.andi %ne3A, %ne3A_16 : i1
    %sub3A_17 = arith.constant 1 : i32
    %sub3A_18 = arith.subi %div3A, %sub3A_17 : i32
    %select_n3A = arith.select %and3A, %sub3A_18, %div3A : i32
    %add3A = arith.constant 1 : i32
    %add3A_19 = arith.addi %select_n3A, %add3A : i32
    %while3A = arith.constant 0 : i32
    %while3A_20 = arith.constant 0 : i32
    %while3A_21 = arith.subi %add3A_19, %while3A_20 : i32
    %while3A_22 = arith.addi %while3A_20, %while3A_21 : i32
    %while3A_23 = arith.constant 1 : i32
    %while3A_24 = arith.divsi %while3A_21, %while3A_23 : i32
    %while3A_25 = arith.muli %while3A_24, %while3A_23 : i32
    %while3A_26 = arith.addi %while3A_20, %while3A_25 : i32
    %while3A_27 = arith.constant 1 : i32
    scf.for %while3A_144 = %while3A_20 to %while3A_26 step %while3A_27  : i32 {
      %mul3A_145 = arith.constant 16 : i32
      %mul3A_146 = arith.muli %while3A_144, %mul3A_145 : i32
      %add3A_147 = arith.addi %arg1, %mul3A_146 : i32
      %mul3A_148 = arith.constant 80 : i32
      %mul3A_149 = arith.muli %add3A_147, %mul3A_148 : i32
      %multiple_of3A_150 = tpu.assume_multiple %mul3A_149, 8 : i32
      %eq3A_151 = arith.constant 0 : i32
      %eq3A_152 = arith.cmpi eq, %arg0, %eq3A_151 : i32
      %convert_element_type3A_153 = arith.extui %eq3A_152 : i1 to i32
      %cond3A_154 = arith.constant 0 : i32
      %cond3A_155 = arith.cmpi ne, %convert_element_type3A_153, %cond3A_154 : i32
      scf.if %cond3A_155 {
        %dma_start3A_161 = arith.constant 0 : i32
        %dma_start3A_162 = tpu.memref_slice %arg14[%multiple_of3A_150, %dma_start3A_161] : memref<10000x128xf32, #tpu.memory_space<vmem_shared>> -> memref<80x128xf32, #tpu.memory_space<vmem_shared>>
        %dma_start3A_163 = arith.constant 0 : i32
        %dma_start3A_164 = tpu.memref_slice %arg2[%multiple_of3A_150, %dma_start3A_163] : memref<10000x128xf32, #tpu.memory_space<hbm>> -> memref<80x128xf32, #tpu.memory_space<hbm>>
        tpu.enqueue_dma source(%dma_start3A_164 : memref<80x128xf32, #tpu.memory_space<hbm>>) target(%dma_start3A_162 : memref<80x128xf32, #tpu.memory_space<vmem_shared>>) target_semaphore(%arg25 : memref<!tpu.dma_semaphore, #tpu.memory_space<semaphore_mem>>)
      } else {
      }
      %eq3A_156 = arith.constant 1 : i32
      %eq3A_157 = arith.cmpi eq, %arg0, %eq3A_156 : i32
      %convert_element_type3A_158 = arith.extui %eq3A_157 : i1 to i32
      %cond3A_159 = arith.constant 0 : i32
      %cond3A_160 = arith.cmpi ne, %convert_element_type3A_158, %cond3A_159 : i32
      scf.if %cond3A_160 {
        %dma_start3A_161 = arith.constant 0 : i32
        %dma_start3A_162 = tpu.memref_slice %arg14[%multiple_of3A_150, %dma_start3A_161] : memref<10000x128xf32, #tpu.memory_space<vmem_shared>> -> memref<80x128xf32, #tpu.memory_space<vmem_shared>>
        %dma_start3A_163 = arith.constant 0 : i32
        %dma_start3A_164 = tpu.memref_slice %arg3[%multiple_of3A_150, %dma_start3A_163] : memref<10000x128xf32, #tpu.memory_space<hbm>> -> memref<80x128xf32, #tpu.memory_space<hbm>>
        tpu.enqueue_dma source(%dma_start3A_164 : memref<80x128xf32, #tpu.memory_space<hbm>>) target(%dma_start3A_162 : memref<80x128xf32, #tpu.memory_space<vmem_shared>>) target_semaphore(%arg25 : memref<!tpu.dma_semaphore, #tpu.memory_space<semaphore_mem>>)
      } else {
      }
    }
    %while3A_28 = arith.constant 1 : i32
    scf.for %while3A_144 = %while3A_26 to %while3A_22 step %while3A_28  : i32 {
      %mul3A_145 = arith.constant 16 : i32
      %mul3A_146 = arith.muli %while3A_144, %mul3A_145 : i32
      %add3A_147 = arith.addi %arg1, %mul3A_146 : i32
      %mul3A_148 = arith.constant 80 : i32
      %mul3A_149 = arith.muli %add3A_147, %mul3A_148 : i32
      %multiple_of3A_150 = tpu.assume_multiple %mul3A_149, 8 : i32
      %eq3A_151 = arith.constant 0 : i32
      %eq3A_152 = arith.cmpi eq, %arg0, %eq3A_151 : i32
      %convert_element_type3A_153 = arith.extui %eq3A_152 : i1 to i32
      %cond3A_154 = arith.constant 0 : i32
      %cond3A_155 = arith.cmpi ne, %convert_element_type3A_153, %cond3A_154 : i32
      scf.if %cond3A_155 {
        %dma_start3A_161 = arith.constant 0 : i32
        %dma_start3A_162 = tpu.memref_slice %arg14[%multiple_of3A_150, %dma_start3A_161] : memref<10000x128xf32, #tpu.memory_space<vmem_shared>> -> memref<80x128xf32, #tpu.memory_space<vmem_shared>>
        %dma_start3A_163 = arith.constant 0 : i32
        %dma_start3A_164 = tpu.memref_slice %arg2[%multiple_of3A_150, %dma_start3A_163] : memref<10000x128xf32, #tpu.memory_space<hbm>> -> memref<80x128xf32, #tpu.memory_space<hbm>>
        tpu.enqueue_dma source(%dma_start3A_164 : memref<80x128xf32, #tpu.memory_space<hbm>>) target(%dma_start3A_162 : memref<80x128xf32, #tpu.memory_space<vmem_shared>>) target_semaphore(%arg25 : memref<!tpu.dma_semaphore, #tpu.memory_space<semaphore_mem>>)
      } else {
      }
      %eq3A_156 = arith.constant 1 : i32
      %eq3A_157 = arith.cmpi eq, %arg0, %eq3A_156 : i32
      %convert_element_type3A_158 = arith.extui %eq3A_157 : i1 to i32
      %cond3A_159 = arith.constant 0 : i32
      %cond3A_160 = arith.cmpi ne, %convert_element_type3A_158, %cond3A_159 : i32
      scf.if %cond3A_160 {
        %dma_start3A_161 = arith.constant 0 : i32
        %dma_start3A_162 = tpu.memref_slice %arg14[%multiple_of3A_150, %dma_start3A_161] : memref<10000x128xf32, #tpu.memory_space<vmem_shared>> -> memref<80x128xf32, #tpu.memory_space<vmem_shared>>
        %dma_start3A_163 = arith.constant 0 : i32
        %dma_start3A_164 = tpu.memref_slice %arg3[%multiple_of3A_150, %dma_start3A_163] : memref<10000x128xf32, #tpu.memory_space<hbm>> -> memref<80x128xf32, #tpu.memory_space<hbm>>
        tpu.enqueue_dma source(%dma_start3A_164 : memref<80x128xf32, #tpu.memory_space<hbm>>) target(%dma_start3A_162 : memref<80x128xf32, #tpu.memory_space<vmem_shared>>) target_semaphore(%arg25 : memref<!tpu.dma_semaphore, #tpu.memory_space<semaphore_mem>>)
      } else {
      }
    }
    %eq3A = arith.constant 0 : i32
    %eq3A_29 = arith.cmpi eq, %arg0, %eq3A : i32
    %convert_element_type3A = arith.extui %eq3A_29 : i1 to i32
    %cond3A = arith.constant 0 : i32
    %cond3A_30 = arith.cmpi ne, %convert_element_type3A, %cond3A : i32
    scf.if %cond3A_30 {
      %add3A_144 = arith.constant 160000 : i32
      %add3A_145 = arith.addi %add3A_144, %mul3A_0 : i32
      %multiple_of3A_146 = tpu.assume_multiple %add3A_145, 8 : i32
      "tpu.region"() ({
        %run_scoped3A = tpu.sem_alloc : memref<!tpu.dma_semaphore, #tpu.memory_space<semaphore_mem>>
        %dma_start3A_147 = tpu.memref_slice %arg4[%multiple_of3A_146] : memref<320000xi32, #tpu.memory_space<hbm>> -> memref<10000xi32, #tpu.memory_space<hbm>>
        %dma_start3A_148 = tpu.memref_slice %arg4[%multiple_of3A_146] : memref<320000xi32, #tpu.memory_space<hbm>> -> memref<10000xi32, #tpu.memory_space<hbm>>
        tpu.enqueue_dma source(%dma_start3A_148 : memref<10000xi32, #tpu.memory_space<hbm>>) target(%arg8 : memref<10000xi32, #tpu.memory_space<vmem>>) target_semaphore(%run_scoped3A : memref<!tpu.dma_semaphore, #tpu.memory_space<semaphore_mem>>)
        %dma_wait3A = tpu.memref_slice %arg4[%multiple_of3A_146] : memref<320000xi32, #tpu.memory_space<hbm>> -> memref<10000xi32, #tpu.memory_space<hbm>>
        %dma_wait3A_149 = tpu.memref_slice %arg4[%multiple_of3A_146] : memref<320000xi32, #tpu.memory_space<hbm>> -> memref<10000xi32, #tpu.memory_space<hbm>>
        tpu.wait_dma2 semaphore(%run_scoped3A : memref<!tpu.dma_semaphore, #tpu.memory_space<semaphore_mem>>) src(%dma_wait3A_149 : memref<10000xi32, #tpu.memory_space<hbm>>) dst(%arg8 : memref<10000xi32, #tpu.memory_space<vmem>>)
        tpu.yield
      }) : () -> ()
    } else {
    }
    %eq3A_31 = arith.constant 1 : i32
    %eq3A_32 = arith.cmpi eq, %arg0, %eq3A_31 : i32
    %convert_element_type3A_33 = arith.extui %eq3A_32 : i1 to i32
    %cond3A_34 = arith.constant 0 : i32
    %cond3A_35 = arith.cmpi ne, %convert_element_type3A_33, %cond3A_34 : i32
    scf.if %cond3A_35 {
      %add3A_144 = arith.constant 160000 : i32
      %add3A_145 = arith.addi %add3A_144, %mul3A_0 : i32
      %multiple_of3A_146 = tpu.assume_multiple %add3A_145, 8 : i32
      "tpu.region"() ({
        %run_scoped3A = tpu.sem_alloc : memref<!tpu.dma_semaphore, #tpu.memory_space<semaphore_mem>>
        %dma_start3A_147 = tpu.memref_slice %arg5[%multiple_of3A_146] : memref<320000xi32, #tpu.memory_space<hbm>> -> memref<10000xi32, #tpu.memory_space<hbm>>
        %dma_start3A_148 = tpu.memref_slice %arg5[%multiple_of3A_146] : memref<320000xi32, #tpu.memory_space<hbm>> -> memref<10000xi32, #tpu.memory_space<hbm>>
        tpu.enqueue_dma source(%dma_start3A_148 : memref<10000xi32, #tpu.memory_space<hbm>>) target(%arg8 : memref<10000xi32, #tpu.memory_space<vmem>>) target_semaphore(%run_scoped3A : memref<!tpu.dma_semaphore, #tpu.memory_space<semaphore_mem>>)
        %dma_wait3A = tpu.memref_slice %arg5[%multiple_of3A_146] : memref<320000xi32, #tpu.memory_space<hbm>> -> memref<10000xi32, #tpu.memory_space<hbm>>
        %dma_wait3A_149 = tpu.memref_slice %arg5[%multiple_of3A_146] : memref<320000xi32, #tpu.memory_space<hbm>> -> memref<10000xi32, #tpu.memory_space<hbm>>
        tpu.wait_dma2 semaphore(%run_scoped3A : memref<!tpu.dma_semaphore, #tpu.memory_space<semaphore_mem>>) src(%dma_wait3A_149 : memref<10000xi32, #tpu.memory_space<hbm>>) dst(%arg8 : memref<10000xi32, #tpu.memory_space<vmem>>)
        tpu.yield
      }) : () -> ()
    } else {
    }
    %while3A_36 = arith.constant 0 : i32
    %while3A_37 = arith.constant 0 : i32
    %while3A_38 = arith.subi %add3A_19, %while3A_37 : i32
    %while3A_39 = arith.addi %while3A_37, %while3A_38 : i32
    %while3A_40 = arith.constant 1 : i32
    %while3A_41 = arith.divsi %while3A_38, %while3A_40 : i32
    %while3A_42 = arith.muli %while3A_41, %while3A_40 : i32
    %while3A_43 = arith.addi %while3A_37, %while3A_42 : i32
    %while3A_44 = arith.constant 1 : i32
    scf.for %while3A_144 = %while3A_37 to %while3A_43 step %while3A_44  : i32 {
      %mul3A_145 = arith.constant 16 : i32
      %mul3A_146 = arith.muli %while3A_144, %mul3A_145 : i32
      %add3A_147 = arith.addi %arg1, %mul3A_146 : i32
      %mul3A_148 = arith.constant 80 : i32
      %mul3A_149 = arith.muli %add3A_147, %mul3A_148 : i32
      %multiple_of3A_150 = tpu.assume_multiple %mul3A_149, 8 : i32
      %dma_wait3A = arith.constant 0 : i32
      %dma_wait3A_151 = tpu.memref_slice %arg14[%multiple_of3A_150, %dma_wait3A] : memref<10000x128xf32, #tpu.memory_space<vmem_shared>> -> memref<80x128xf32, #tpu.memory_space<vmem_shared>>
      %dma_wait3A_152 = arith.constant 0 : i32
      %dma_wait3A_153 = tpu.memref_slice %arg2[%multiple_of3A_150, %dma_wait3A_152] : memref<10000x128xf32, #tpu.memory_space<hbm>> -> memref<80x128xf32, #tpu.memory_space<hbm>>
      tpu.wait_dma2 semaphore(%arg25 : memref<!tpu.dma_semaphore, #tpu.memory_space<semaphore_mem>>) src(%dma_wait3A_153 : memref<80x128xf32, #tpu.memory_space<hbm>>) dst(%dma_wait3A_151 : memref<80x128xf32, #tpu.memory_space<vmem_shared>>)
    }
    %while3A_45 = arith.constant 1 : i32
    scf.for %while3A_144 = %while3A_43 to %while3A_39 step %while3A_45  : i32 {
      %mul3A_145 = arith.constant 16 : i32
      %mul3A_146 = arith.muli %while3A_144, %mul3A_145 : i32
      %add3A_147 = arith.addi %arg1, %mul3A_146 : i32
      %mul3A_148 = arith.constant 80 : i32
      %mul3A_149 = arith.muli %add3A_147, %mul3A_148 : i32
      %multiple_of3A_150 = tpu.assume_multiple %mul3A_149, 8 : i32
      %dma_wait3A = arith.constant 0 : i32
      %dma_wait3A_151 = tpu.memref_slice %arg14[%multiple_of3A_150, %dma_wait3A] : memref<10000x128xf32, #tpu.memory_space<vmem_shared>> -> memref<80x128xf32, #tpu.memory_space<vmem_shared>>
      %dma_wait3A_152 = arith.constant 0 : i32
      %dma_wait3A_153 = tpu.memref_slice %arg2[%multiple_of3A_150, %dma_wait3A_152] : memref<10000x128xf32, #tpu.memory_space<hbm>> -> memref<80x128xf32, #tpu.memory_space<hbm>>
      tpu.wait_dma2 semaphore(%arg25 : memref<!tpu.dma_semaphore, #tpu.memory_space<semaphore_mem>>) src(%dma_wait3A_153 : memref<80x128xf32, #tpu.memory_space<hbm>>) dst(%dma_wait3A_151 : memref<80x128xf32, #tpu.memory_space<vmem_shared>>)
    }
    %barrier3A = arith.constant 0 : index
    tpu.barrier barrier_id(%barrier3A)
    %multiple_of3A = arith.constant 0 : i32
    %multiple_of3A_46 = tpu.assume_multiple %multiple_of3A, 8 : i32
    %dma_start3A = tpu.memref_slice %arg8[%multiple_of3A_46] : memref<10000xi32, #tpu.memory_space<vmem>> -> memref<40xi32, #tpu.memory_space<vmem>>
    %dma_start3A_47 = arith.constant 0 : i32
    %dma_start3A_48 = arith.constant 0 : i32
    %dma_start3A_49 = tpu.memref_slice %arg14[%dma_start3A_47, %dma_start3A_48] : memref<10000x128xf32, #tpu.memory_space<vmem_shared>> -> memref<10000x128xf32, #tpu.memory_space<vmem_shared>>
    tpu.enqueue_indirect_dma source(%dma_start3A_49 : memref<10000x128xf32, #tpu.memory_space<vmem_shared>>) target(%arg9 : memref<40x128xf32, #tpu.memory_space<vmem>>) offsets(%dma_start3A : memref<40xi32, #tpu.memory_space<vmem>>) semaphore(%arg15 : memref<!tpu.dma_semaphore, #tpu.memory_space<semaphore_mem>>)
    %multiple_of3A_50 = arith.constant 40 : i32
    %multiple_of3A_51 = tpu.assume_multiple %multiple_of3A_50, 8 : i32
    %dma_start3A_52 = tpu.memref_slice %arg8[%multiple_of3A_51] : memref<10000xi32, #tpu.memory_space<vmem>> -> memref<40xi32, #tpu.memory_space<vmem>>
    %dma_start3A_53 = arith.constant 0 : i32
    %dma_start3A_54 = arith.constant 0 : i32
    %dma_start3A_55 = tpu.memref_slice %arg14[%dma_start3A_53, %dma_start3A_54] : memref<10000x128xf32, #tpu.memory_space<vmem_shared>> -> memref<10000x128xf32, #tpu.memory_space<vmem_shared>>
    tpu.enqueue_indirect_dma source(%dma_start3A_55 : memref<10000x128xf32, #tpu.memory_space<vmem_shared>>) target(%arg10 : memref<40x128xf32, #tpu.memory_space<vmem>>) offsets(%dma_start3A_52 : memref<40xi32, #tpu.memory_space<vmem>>) semaphore(%arg16 : memref<!tpu.dma_semaphore, #tpu.memory_space<semaphore_mem>>)
    %multiple_of3A_56 = arith.constant 80 : i32
    %multiple_of3A_57 = tpu.assume_multiple %multiple_of3A_56, 8 : i32
    %dma_start3A_58 = tpu.memref_slice %arg8[%multiple_of3A_57] : memref<10000xi32, #tpu.memory_space<vmem>> -> memref<40xi32, #tpu.memory_space<vmem>>
    %dma_start3A_59 = arith.constant 0 : i32
    %dma_start3A_60 = arith.constant 0 : i32
    %dma_start3A_61 = tpu.memref_slice %arg14[%dma_start3A_59, %dma_start3A_60] : memref<10000x128xf32, #tpu.memory_space<vmem_shared>> -> memref<10000x128xf32, #tpu.memory_space<vmem_shared>>
    tpu.enqueue_indirect_dma source(%dma_start3A_61 : memref<10000x128xf32, #tpu.memory_space<vmem_shared>>) target(%arg11 : memref<40x128xf32, #tpu.memory_space<vmem>>) offsets(%dma_start3A_58 : memref<40xi32, #tpu.memory_space<vmem>>) semaphore(%arg17 : memref<!tpu.dma_semaphore, #tpu.memory_space<semaphore_mem>>)
    %multiple_of3A_62 = arith.constant 120 : i32
    %multiple_of3A_63 = tpu.assume_multiple %multiple_of3A_62, 8 : i32
    %dma_start3A_64 = tpu.memref_slice %arg8[%multiple_of3A_63] : memref<10000xi32, #tpu.memory_space<vmem>> -> memref<40xi32, #tpu.memory_space<vmem>>
    %dma_start3A_65 = arith.constant 0 : i32
    %dma_start3A_66 = arith.constant 0 : i32
    %dma_start3A_67 = tpu.memref_slice %arg14[%dma_start3A_65, %dma_start3A_66] : memref<10000x128xf32, #tpu.memory_space<vmem_shared>> -> memref<10000x128xf32, #tpu.memory_space<vmem_shared>>
    tpu.enqueue_indirect_dma source(%dma_start3A_67 : memref<10000x128xf32, #tpu.memory_space<vmem_shared>>) target(%arg12 : memref<40x128xf32, #tpu.memory_space<vmem>>) offsets(%dma_start3A_64 : memref<40xi32, #tpu.memory_space<vmem>>) semaphore(%arg18 : memref<!tpu.dma_semaphore, #tpu.memory_space<semaphore_mem>>)
    %multiple_of3A_68 = arith.constant 160 : i32
    %multiple_of3A_69 = tpu.assume_multiple %multiple_of3A_68, 8 : i32
    %dma_start3A_70 = tpu.memref_slice %arg8[%multiple_of3A_69] : memref<10000xi32, #tpu.memory_space<vmem>> -> memref<40xi32, #tpu.memory_space<vmem>>
    %dma_start3A_71 = arith.constant 0 : i32
    %dma_start3A_72 = arith.constant 0 : i32
    %dma_start3A_73 = tpu.memref_slice %arg14[%dma_start3A_71, %dma_start3A_72] : memref<10000x128xf32, #tpu.memory_space<vmem_shared>> -> memref<10000x128xf32, #tpu.memory_space<vmem_shared>>
    tpu.enqueue_indirect_dma source(%dma_start3A_73 : memref<10000x128xf32, #tpu.memory_space<vmem_shared>>) target(%arg13 : memref<40x128xf32, #tpu.memory_space<vmem>>) offsets(%dma_start3A_70 : memref<40xi32, #tpu.memory_space<vmem>>) semaphore(%arg19 : memref<!tpu.dma_semaphore, #tpu.memory_space<semaphore_mem>>)
    %scan3A = arith.constant 0 : i32
    %scan3A_74 = arith.constant 0 : i32
    %scan3A_75 = arith.constant 50 : i32
    %scan3A_76 = arith.addi %scan3A_74, %scan3A_75 : i32
    %scan3A_77 = arith.constant 1 : i32
    scf.for %scan3A_144 = %scan3A_74 to %scan3A_76 step %scan3A_77  : i32 {
      %mul3A_145 = arith.constant 5 : i32
      %mul3A_146 = arith.muli %mul3A_145, %scan3A_144 : i32
      %add3A_147 = arith.constant 0 : i32
      %add3A_148 = arith.addi %mul3A_146, %add3A_147 : i32
      %mul3A_149 = arith.constant 40 : i32
      %mul3A_150 = arith.muli %add3A_148, %mul3A_149 : i32
      %multiple_of3A_151 = tpu.assume_multiple %mul3A_150, 8 : i32
      %dma_wait3A = tpu.memref_slice %arg8[%multiple_of3A_151] : memref<10000xi32, #tpu.memory_space<vmem>> -> memref<40xi32, #tpu.memory_space<vmem>>
      %dma_wait3A_152 = arith.constant 0 : i32
      %dma_wait3A_153 = arith.constant 0 : i32
      %dma_wait3A_154 = tpu.memref_slice %arg14[%dma_wait3A_152, %dma_wait3A_153] : memref<10000x128xf32, #tpu.memory_space<vmem_shared>> -> memref<10000x128xf32, #tpu.memory_space<vmem_shared>>
      tpu.wait_indirect_dma semaphore(%arg15 : memref<!tpu.dma_semaphore, #tpu.memory_space<semaphore_mem>>) src(%dma_wait3A_154 : memref<10000x128xf32, #tpu.memory_space<vmem_shared>>) dst(%arg9 : memref<40x128xf32, #tpu.memory_space<vmem>>)
      %mul3A_155 = arith.constant 40 : i32
      %mul3A_156 = arith.muli %add3A_148, %mul3A_155 : i32
      %add3A_157 = arith.addi %mul3A_0, %mul3A_156 : i32
      %multiple_of3A_158 = tpu.assume_multiple %add3A_157, 8 : i32
      %eq3A_159 = arith.constant 0 : i32
      %eq3A_160 = arith.cmpi eq, %arg0, %eq3A_159 : i32
      %convert_element_type3A_161 = arith.extui %eq3A_160 : i1 to i32
      %cond3A_162 = arith.constant 0 : i32
      %cond3A_163 = arith.cmpi ne, %convert_element_type3A_161, %cond3A_162 : i32
      scf.if %cond3A_163 {
        %dma_start3A_343 = arith.constant 0 : i32
        %dma_start3A_344 = tpu.memref_slice %arg6[%multiple_of3A_158, %dma_start3A_343] : memref<160000x128xf32, #tpu.memory_space<hbm>> -> memref<40x128xf32, #tpu.memory_space<hbm>>
        %dma_start3A_345 = arith.constant 0 : i32
        %dma_start3A_346 = tpu.memref_slice %arg6[%multiple_of3A_158, %dma_start3A_345] : memref<160000x128xf32, #tpu.memory_space<hbm>> -> memref<40x128xf32, #tpu.memory_space<hbm>>
        tpu.enqueue_dma source(%arg9 : memref<40x128xf32, #tpu.memory_space<vmem>>) target(%dma_start3A_346 : memref<40x128xf32, #tpu.memory_space<hbm>>) target_semaphore(%arg20 : memref<!tpu.dma_semaphore, #tpu.memory_space<semaphore_mem>>)
      } else {
      }
      %eq3A_164 = arith.constant 1 : i32
      %eq3A_165 = arith.cmpi eq, %arg0, %eq3A_164 : i32
      %convert_element_type3A_166 = arith.extui %eq3A_165 : i1 to i32
      %cond3A_167 = arith.constant 0 : i32
      %cond3A_168 = arith.cmpi ne, %convert_element_type3A_166, %cond3A_167 : i32
      scf.if %cond3A_168 {
        %dma_start3A_343 = arith.constant 0 : i32
        %dma_start3A_344 = tpu.memref_slice %arg7[%multiple_of3A_158, %dma_start3A_343] : memref<160000x128xf32, #tpu.memory_space<hbm>> -> memref<40x128xf32, #tpu.memory_space<hbm>>
        %dma_start3A_345 = arith.constant 0 : i32
        %dma_start3A_346 = tpu.memref_slice %arg7[%multiple_of3A_158, %dma_start3A_345] : memref<160000x128xf32, #tpu.memory_space<hbm>> -> memref<40x128xf32, #tpu.memory_space<hbm>>
        tpu.enqueue_dma source(%arg9 : memref<40x128xf32, #tpu.memory_space<vmem>>) target(%dma_start3A_346 : memref<40x128xf32, #tpu.memory_space<hbm>>) target_semaphore(%arg20 : memref<!tpu.dma_semaphore, #tpu.memory_space<semaphore_mem>>)
      } else {
      }
      %mul3A_169 = arith.constant 5 : i32
      %mul3A_170 = arith.muli %mul3A_169, %scan3A_144 : i32
      %add3A_171 = arith.constant 1 : i32
      %add3A_172 = arith.addi %mul3A_170, %add3A_171 : i32
      %mul3A_173 = arith.constant 40 : i32
      %mul3A_174 = arith.muli %add3A_172, %mul3A_173 : i32
      %multiple_of3A_175 = tpu.assume_multiple %mul3A_174, 8 : i32
      %dma_wait3A_176 = tpu.memref_slice %arg8[%multiple_of3A_175] : memref<10000xi32, #tpu.memory_space<vmem>> -> memref<40xi32, #tpu.memory_space<vmem>>
      %dma_wait3A_177 = arith.constant 0 : i32
      %dma_wait3A_178 = arith.constant 0 : i32
      %dma_wait3A_179 = tpu.memref_slice %arg14[%dma_wait3A_177, %dma_wait3A_178] : memref<10000x128xf32, #tpu.memory_space<vmem_shared>> -> memref<10000x128xf32, #tpu.memory_space<vmem_shared>>
      tpu.wait_indirect_dma semaphore(%arg16 : memref<!tpu.dma_semaphore, #tpu.memory_space<semaphore_mem>>) src(%dma_wait3A_179 : memref<10000x128xf32, #tpu.memory_space<vmem_shared>>) dst(%arg10 : memref<40x128xf32, #tpu.memory_space<vmem>>)
      %mul3A_180 = arith.constant 40 : i32
      %mul3A_181 = arith.muli %add3A_172, %mul3A_180 : i32
      %add3A_182 = arith.addi %mul3A_0, %mul3A_181 : i32
      %multiple_of3A_183 = tpu.assume_multiple %add3A_182, 8 : i32
      %eq3A_184 = arith.constant 0 : i32
      %eq3A_185 = arith.cmpi eq, %arg0, %eq3A_184 : i32
      %convert_element_type3A_186 = arith.extui %eq3A_185 : i1 to i32
      %cond3A_187 = arith.constant 0 : i32
      %cond3A_188 = arith.cmpi ne, %convert_element_type3A_186, %cond3A_187 : i32
      scf.if %cond3A_188 {
        %dma_start3A_343 = arith.constant 0 : i32
        %dma_start3A_344 = tpu.memref_slice %arg6[%multiple_of3A_183, %dma_start3A_343] : memref<160000x128xf32, #tpu.memory_space<hbm>> -> memref<40x128xf32, #tpu.memory_space<hbm>>
        %dma_start3A_345 = arith.constant 0 : i32
        %dma_start3A_346 = tpu.memref_slice %arg6[%multiple_of3A_183, %dma_start3A_345] : memref<160000x128xf32, #tpu.memory_space<hbm>> -> memref<40x128xf32, #tpu.memory_space<hbm>>
        tpu.enqueue_dma source(%arg10 : memref<40x128xf32, #tpu.memory_space<vmem>>) target(%dma_start3A_346 : memref<40x128xf32, #tpu.memory_space<hbm>>) target_semaphore(%arg21 : memref<!tpu.dma_semaphore, #tpu.memory_space<semaphore_mem>>)
      } else {
      }
      %eq3A_189 = arith.constant 1 : i32
      %eq3A_190 = arith.cmpi eq, %arg0, %eq3A_189 : i32
      %convert_element_type3A_191 = arith.extui %eq3A_190 : i1 to i32
      %cond3A_192 = arith.constant 0 : i32
      %cond3A_193 = arith.cmpi ne, %convert_element_type3A_191, %cond3A_192 : i32
      scf.if %cond3A_193 {
        %dma_start3A_343 = arith.constant 0 : i32
        %dma_start3A_344 = tpu.memref_slice %arg7[%multiple_of3A_183, %dma_start3A_343] : memref<160000x128xf32, #tpu.memory_space<hbm>> -> memref<40x128xf32, #tpu.memory_space<hbm>>
        %dma_start3A_345 = arith.constant 0 : i32
        %dma_start3A_346 = tpu.memref_slice %arg7[%multiple_of3A_183, %dma_start3A_345] : memref<160000x128xf32, #tpu.memory_space<hbm>> -> memref<40x128xf32, #tpu.memory_space<hbm>>
        tpu.enqueue_dma source(%arg10 : memref<40x128xf32, #tpu.memory_space<vmem>>) target(%dma_start3A_346 : memref<40x128xf32, #tpu.memory_space<hbm>>) target_semaphore(%arg21 : memref<!tpu.dma_semaphore, #tpu.memory_space<semaphore_mem>>)
      } else {
      }
      %mul3A_194 = arith.constant 5 : i32
      %mul3A_195 = arith.muli %mul3A_194, %scan3A_144 : i32
      %add3A_196 = arith.constant 2 : i32
      %add3A_197 = arith.addi %mul3A_195, %add3A_196 : i32
      %mul3A_198 = arith.constant 40 : i32
      %mul3A_199 = arith.muli %add3A_197, %mul3A_198 : i32
      %multiple_of3A_200 = tpu.assume_multiple %mul3A_199, 8 : i32
      %dma_wait3A_201 = tpu.memref_slice %arg8[%multiple_of3A_200] : memref<10000xi32, #tpu.memory_space<vmem>> -> memref<40xi32, #tpu.memory_space<vmem>>
      %dma_wait3A_202 = arith.constant 0 : i32
      %dma_wait3A_203 = arith.constant 0 : i32
      %dma_wait3A_204 = tpu.memref_slice %arg14[%dma_wait3A_202, %dma_wait3A_203] : memref<10000x128xf32, #tpu.memory_space<vmem_shared>> -> memref<10000x128xf32, #tpu.memory_space<vmem_shared>>
      tpu.wait_indirect_dma semaphore(%arg17 : memref<!tpu.dma_semaphore, #tpu.memory_space<semaphore_mem>>) src(%dma_wait3A_204 : memref<10000x128xf32, #tpu.memory_space<vmem_shared>>) dst(%arg11 : memref<40x128xf32, #tpu.memory_space<vmem>>)
      %mul3A_205 = arith.constant 40 : i32
      %mul3A_206 = arith.muli %add3A_197, %mul3A_205 : i32
      %add3A_207 = arith.addi %mul3A_0, %mul3A_206 : i32
      %multiple_of3A_208 = tpu.assume_multiple %add3A_207, 8 : i32
      %eq3A_209 = arith.constant 0 : i32
      %eq3A_210 = arith.cmpi eq, %arg0, %eq3A_209 : i32
      %convert_element_type3A_211 = arith.extui %eq3A_210 : i1 to i32
      %cond3A_212 = arith.constant 0 : i32
      %cond3A_213 = arith.cmpi ne, %convert_element_type3A_211, %cond3A_212 : i32
      scf.if %cond3A_213 {
        %dma_start3A_343 = arith.constant 0 : i32
        %dma_start3A_344 = tpu.memref_slice %arg6[%multiple_of3A_208, %dma_start3A_343] : memref<160000x128xf32, #tpu.memory_space<hbm>> -> memref<40x128xf32, #tpu.memory_space<hbm>>
        %dma_start3A_345 = arith.constant 0 : i32
        %dma_start3A_346 = tpu.memref_slice %arg6[%multiple_of3A_208, %dma_start3A_345] : memref<160000x128xf32, #tpu.memory_space<hbm>> -> memref<40x128xf32, #tpu.memory_space<hbm>>
        tpu.enqueue_dma source(%arg11 : memref<40x128xf32, #tpu.memory_space<vmem>>) target(%dma_start3A_346 : memref<40x128xf32, #tpu.memory_space<hbm>>) target_semaphore(%arg22 : memref<!tpu.dma_semaphore, #tpu.memory_space<semaphore_mem>>)
      } else {
      }
      %eq3A_214 = arith.constant 1 : i32
      %eq3A_215 = arith.cmpi eq, %arg0, %eq3A_214 : i32
      %convert_element_type3A_216 = arith.extui %eq3A_215 : i1 to i32
      %cond3A_217 = arith.constant 0 : i32
      %cond3A_218 = arith.cmpi ne, %convert_element_type3A_216, %cond3A_217 : i32
      scf.if %cond3A_218 {
        %dma_start3A_343 = arith.constant 0 : i32
        %dma_start3A_344 = tpu.memref_slice %arg7[%multiple_of3A_208, %dma_start3A_343] : memref<160000x128xf32, #tpu.memory_space<hbm>> -> memref<40x128xf32, #tpu.memory_space<hbm>>
        %dma_start3A_345 = arith.constant 0 : i32
        %dma_start3A_346 = tpu.memref_slice %arg7[%multiple_of3A_208, %dma_start3A_345] : memref<160000x128xf32, #tpu.memory_space<hbm>> -> memref<40x128xf32, #tpu.memory_space<hbm>>
        tpu.enqueue_dma source(%arg11 : memref<40x128xf32, #tpu.memory_space<vmem>>) target(%dma_start3A_346 : memref<40x128xf32, #tpu.memory_space<hbm>>) target_semaphore(%arg22 : memref<!tpu.dma_semaphore, #tpu.memory_space<semaphore_mem>>)
      } else {
      }
      %mul3A_219 = arith.constant 5 : i32
      %mul3A_220 = arith.muli %mul3A_219, %scan3A_144 : i32
      %add3A_221 = arith.constant 3 : i32
      %add3A_222 = arith.addi %mul3A_220, %add3A_221 : i32
      %mul3A_223 = arith.constant 40 : i32
      %mul3A_224 = arith.muli %add3A_222, %mul3A_223 : i32
      %multiple_of3A_225 = tpu.assume_multiple %mul3A_224, 8 : i32
      %dma_wait3A_226 = tpu.memref_slice %arg8[%multiple_of3A_225] : memref<10000xi32, #tpu.memory_space<vmem>> -> memref<40xi32, #tpu.memory_space<vmem>>
      %dma_wait3A_227 = arith.constant 0 : i32
      %dma_wait3A_228 = arith.constant 0 : i32
      %dma_wait3A_229 = tpu.memref_slice %arg14[%dma_wait3A_227, %dma_wait3A_228] : memref<10000x128xf32, #tpu.memory_space<vmem_shared>> -> memref<10000x128xf32, #tpu.memory_space<vmem_shared>>
      tpu.wait_indirect_dma semaphore(%arg18 : memref<!tpu.dma_semaphore, #tpu.memory_space<semaphore_mem>>) src(%dma_wait3A_229 : memref<10000x128xf32, #tpu.memory_space<vmem_shared>>) dst(%arg12 : memref<40x128xf32, #tpu.memory_space<vmem>>)
      %mul3A_230 = arith.constant 40 : i32
      %mul3A_231 = arith.muli %add3A_222, %mul3A_230 : i32
      %add3A_232 = arith.addi %mul3A_0, %mul3A_231 : i32
      %multiple_of3A_233 = tpu.assume_multiple %add3A_232, 8 : i32
      %eq3A_234 = arith.constant 0 : i32
      %eq3A_235 = arith.cmpi eq, %arg0, %eq3A_234 : i32
      %convert_element_type3A_236 = arith.extui %eq3A_235 : i1 to i32
      %cond3A_237 = arith.constant 0 : i32
      %cond3A_238 = arith.cmpi ne, %convert_element_type3A_236, %cond3A_237 : i32
      scf.if %cond3A_238 {
        %dma_start3A_343 = arith.constant 0 : i32
        %dma_start3A_344 = tpu.memref_slice %arg6[%multiple_of3A_233, %dma_start3A_343] : memref<160000x128xf32, #tpu.memory_space<hbm>> -> memref<40x128xf32, #tpu.memory_space<hbm>>
        %dma_start3A_345 = arith.constant 0 : i32
        %dma_start3A_346 = tpu.memref_slice %arg6[%multiple_of3A_233, %dma_start3A_345] : memref<160000x128xf32, #tpu.memory_space<hbm>> -> memref<40x128xf32, #tpu.memory_space<hbm>>
        tpu.enqueue_dma source(%arg12 : memref<40x128xf32, #tpu.memory_space<vmem>>) target(%dma_start3A_346 : memref<40x128xf32, #tpu.memory_space<hbm>>) target_semaphore(%arg23 : memref<!tpu.dma_semaphore, #tpu.memory_space<semaphore_mem>>)
      } else {
      }
      %eq3A_239 = arith.constant 1 : i32
      %eq3A_240 = arith.cmpi eq, %arg0, %eq3A_239 : i32
      %convert_element_type3A_241 = arith.extui %eq3A_240 : i1 to i32
      %cond3A_242 = arith.constant 0 : i32
      %cond3A_243 = arith.cmpi ne, %convert_element_type3A_241, %cond3A_242 : i32
      scf.if %cond3A_243 {
        %dma_start3A_343 = arith.constant 0 : i32
        %dma_start3A_344 = tpu.memref_slice %arg7[%multiple_of3A_233, %dma_start3A_343] : memref<160000x128xf32, #tpu.memory_space<hbm>> -> memref<40x128xf32, #tpu.memory_space<hbm>>
        %dma_start3A_345 = arith.constant 0 : i32
        %dma_start3A_346 = tpu.memref_slice %arg7[%multiple_of3A_233, %dma_start3A_345] : memref<160000x128xf32, #tpu.memory_space<hbm>> -> memref<40x128xf32, #tpu.memory_space<hbm>>
        tpu.enqueue_dma source(%arg12 : memref<40x128xf32, #tpu.memory_space<vmem>>) target(%dma_start3A_346 : memref<40x128xf32, #tpu.memory_space<hbm>>) target_semaphore(%arg23 : memref<!tpu.dma_semaphore, #tpu.memory_space<semaphore_mem>>)
      } else {
      }
      %mul3A_244 = arith.constant 5 : i32
      %mul3A_245 = arith.muli %mul3A_244, %scan3A_144 : i32
      %add3A_246 = arith.constant 4 : i32
      %add3A_247 = arith.addi %mul3A_245, %add3A_246 : i32
      %mul3A_248 = arith.constant 40 : i32
      %mul3A_249 = arith.muli %add3A_247, %mul3A_248 : i32
      %multiple_of3A_250 = tpu.assume_multiple %mul3A_249, 8 : i32
      %dma_wait3A_251 = tpu.memref_slice %arg8[%multiple_of3A_250] : memref<10000xi32, #tpu.memory_space<vmem>> -> memref<40xi32, #tpu.memory_space<vmem>>
      %dma_wait3A_252 = arith.constant 0 : i32
      %dma_wait3A_253 = arith.constant 0 : i32
      %dma_wait3A_254 = tpu.memref_slice %arg14[%dma_wait3A_252, %dma_wait3A_253] : memref<10000x128xf32, #tpu.memory_space<vmem_shared>> -> memref<10000x128xf32, #tpu.memory_space<vmem_shared>>
      tpu.wait_indirect_dma semaphore(%arg19 : memref<!tpu.dma_semaphore, #tpu.memory_space<semaphore_mem>>) src(%dma_wait3A_254 : memref<10000x128xf32, #tpu.memory_space<vmem_shared>>) dst(%arg13 : memref<40x128xf32, #tpu.memory_space<vmem>>)
      %mul3A_255 = arith.constant 40 : i32
      %mul3A_256 = arith.muli %add3A_247, %mul3A_255 : i32
      %add3A_257 = arith.addi %mul3A_0, %mul3A_256 : i32
      %multiple_of3A_258 = tpu.assume_multiple %add3A_257, 8 : i32
      %eq3A_259 = arith.constant 0 : i32
      %eq3A_260 = arith.cmpi eq, %arg0, %eq3A_259 : i32
      %convert_element_type3A_261 = arith.extui %eq3A_260 : i1 to i32
      %cond3A_262 = arith.constant 0 : i32
      %cond3A_263 = arith.cmpi ne, %convert_element_type3A_261, %cond3A_262 : i32
      scf.if %cond3A_263 {
        %dma_start3A_343 = arith.constant 0 : i32
        %dma_start3A_344 = tpu.memref_slice %arg6[%multiple_of3A_258, %dma_start3A_343] : memref<160000x128xf32, #tpu.memory_space<hbm>> -> memref<40x128xf32, #tpu.memory_space<hbm>>
        %dma_start3A_345 = arith.constant 0 : i32
        %dma_start3A_346 = tpu.memref_slice %arg6[%multiple_of3A_258, %dma_start3A_345] : memref<160000x128xf32, #tpu.memory_space<hbm>> -> memref<40x128xf32, #tpu.memory_space<hbm>>
        tpu.enqueue_dma source(%arg13 : memref<40x128xf32, #tpu.memory_space<vmem>>) target(%dma_start3A_346 : memref<40x128xf32, #tpu.memory_space<hbm>>) target_semaphore(%arg24 : memref<!tpu.dma_semaphore, #tpu.memory_space<semaphore_mem>>)
      } else {
      }
      %eq3A_264 = arith.constant 1 : i32
      %eq3A_265 = arith.cmpi eq, %arg0, %eq3A_264 : i32
      %convert_element_type3A_266 = arith.extui %eq3A_265 : i1 to i32
      %cond3A_267 = arith.constant 0 : i32
      %cond3A_268 = arith.cmpi ne, %convert_element_type3A_266, %cond3A_267 : i32
      scf.if %cond3A_268 {
        %dma_start3A_343 = arith.constant 0 : i32
        %dma_start3A_344 = tpu.memref_slice %arg7[%multiple_of3A_258, %dma_start3A_343] : memref<160000x128xf32, #tpu.memory_space<hbm>> -> memref<40x128xf32, #tpu.memory_space<hbm>>
        %dma_start3A_345 = arith.constant 0 : i32
        %dma_start3A_346 = tpu.memref_slice %arg7[%multiple_of3A_258, %dma_start3A_345] : memref<160000x128xf32, #tpu.memory_space<hbm>> -> memref<40x128xf32, #tpu.memory_space<hbm>>
        tpu.enqueue_dma source(%arg13 : memref<40x128xf32, #tpu.memory_space<vmem>>) target(%dma_start3A_346 : memref<40x128xf32, #tpu.memory_space<hbm>>) target_semaphore(%arg24 : memref<!tpu.dma_semaphore, #tpu.memory_space<semaphore_mem>>)
      } else {
      }
      %mul3A_269 = arith.constant 5 : i32
      %mul3A_270 = arith.muli %mul3A_269, %scan3A_144 : i32
      %add3A_271 = arith.constant 0 : i32
      %add3A_272 = arith.addi %mul3A_270, %add3A_271 : i32
      %mul3A_273 = arith.constant 40 : i32
      %mul3A_274 = arith.muli %add3A_272, %mul3A_273 : i32
      %add3A_275 = arith.addi %mul3A_0, %mul3A_274 : i32
      %multiple_of3A_276 = tpu.assume_multiple %add3A_275, 8 : i32
      %add3A_277 = arith.constant 5 : i32
      %add3A_278 = arith.addi %add3A_272, %add3A_277 : i32
      %lt3A = arith.constant 250 : i32
      %lt3A_279 = arith.cmpi slt, %add3A_278, %lt3A : i32
      %convert_element_type3A_280 = arith.extui %lt3A_279 : i1 to i32
      %cond3A_281 = arith.constant 0 : i32
      %cond3A_282 = arith.cmpi ne, %convert_element_type3A_280, %cond3A_281 : i32
      scf.if %cond3A_282 {
        %eq3A_343 = arith.constant 0 : i32
        %eq3A_344 = arith.cmpi eq, %arg0, %eq3A_343 : i32
        %convert_element_type3A_345 = arith.extui %eq3A_344 : i1 to i32
        %cond3A_346 = arith.constant 0 : i32
        %cond3A_347 = arith.cmpi ne, %convert_element_type3A_345, %cond3A_346 : i32
        scf.if %cond3A_347 {
          %dma_wait3A_362 = arith.constant 0 : i32
          %dma_wait3A_363 = tpu.memref_slice %arg6[%multiple_of3A_276, %dma_wait3A_362] : memref<160000x128xf32, #tpu.memory_space<hbm>> -> memref<40x128xf32, #tpu.memory_space<hbm>>
          %dma_wait3A_364 = arith.constant 0 : i32
          %dma_wait3A_365 = tpu.memref_slice %arg6[%multiple_of3A_276, %dma_wait3A_364] : memref<160000x128xf32, #tpu.memory_space<hbm>> -> memref<40x128xf32, #tpu.memory_space<hbm>>
          tpu.wait_dma2 semaphore(%arg20 : memref<!tpu.dma_semaphore, #tpu.memory_space<semaphore_mem>>) src(%arg9 : memref<40x128xf32, #tpu.memory_space<vmem>>) dst(%dma_wait3A_365 : memref<40x128xf32, #tpu.memory_space<hbm>>)
        } else {
        }
        %eq3A_348 = arith.constant 1 : i32
        %eq3A_349 = arith.cmpi eq, %arg0, %eq3A_348 : i32
        %convert_element_type3A_350 = arith.extui %eq3A_349 : i1 to i32
        %cond3A_351 = arith.constant 0 : i32
        %cond3A_352 = arith.cmpi ne, %convert_element_type3A_350, %cond3A_351 : i32
        scf.if %cond3A_352 {
          %dma_wait3A_362 = arith.constant 0 : i32
          %dma_wait3A_363 = tpu.memref_slice %arg7[%multiple_of3A_276, %dma_wait3A_362] : memref<160000x128xf32, #tpu.memory_space<hbm>> -> memref<40x128xf32, #tpu.memory_space<hbm>>
          %dma_wait3A_364 = arith.constant 0 : i32
          %dma_wait3A_365 = tpu.memref_slice %arg7[%multiple_of3A_276, %dma_wait3A_364] : memref<160000x128xf32, #tpu.memory_space<hbm>> -> memref<40x128xf32, #tpu.memory_space<hbm>>
          tpu.wait_dma2 semaphore(%arg20 : memref<!tpu.dma_semaphore, #tpu.memory_space<semaphore_mem>>) src(%arg9 : memref<40x128xf32, #tpu.memory_space<vmem>>) dst(%dma_wait3A_365 : memref<40x128xf32, #tpu.memory_space<hbm>>)
        } else {
        }
        %add3A_353 = arith.constant 5 : i32
        %add3A_354 = arith.addi %add3A_272, %add3A_353 : i32
        %mul3A_355 = arith.constant 40 : i32
        %mul3A_356 = arith.muli %add3A_354, %mul3A_355 : i32
        %multiple_of3A_357 = tpu.assume_multiple %mul3A_356, 8 : i32
        %dma_start3A_358 = tpu.memref_slice %arg8[%multiple_of3A_357] : memref<10000xi32, #tpu.memory_space<vmem>> -> memref<40xi32, #tpu.memory_space<vmem>>
        %dma_start3A_359 = arith.constant 0 : i32
        %dma_start3A_360 = arith.constant 0 : i32
        %dma_start3A_361 = tpu.memref_slice %arg14[%dma_start3A_359, %dma_start3A_360] : memref<10000x128xf32, #tpu.memory_space<vmem_shared>> -> memref<10000x128xf32, #tpu.memory_space<vmem_shared>>
        tpu.enqueue_indirect_dma source(%dma_start3A_361 : memref<10000x128xf32, #tpu.memory_space<vmem_shared>>) target(%arg9 : memref<40x128xf32, #tpu.memory_space<vmem>>) offsets(%dma_start3A_358 : memref<40xi32, #tpu.memory_space<vmem>>) semaphore(%arg15 : memref<!tpu.dma_semaphore, #tpu.memory_space<semaphore_mem>>)
      } else {
      }
      %mul3A_283 = arith.constant 5 : i32
      %mul3A_284 = arith.muli %mul3A_283, %scan3A_144 : i32
      %add3A_285 = arith.constant 1 : i32
      %add3A_286 = arith.addi %mul3A_284, %add3A_285 : i32
      %mul3A_287 = arith.constant 40 : i32
      %mul3A_288 = arith.muli %add3A_286, %mul3A_287 : i32
      %add3A_289 = arith.addi %mul3A_0, %mul3A_288 : i32
      %multiple_of3A_290 = tpu.assume_multiple %add3A_289, 8 : i32
      %add3A_291 = arith.constant 5 : i32
      %add3A_292 = arith.addi %add3A_286, %add3A_291 : i32
      %lt3A_293 = arith.constant 250 : i32
      %lt3A_294 = arith.cmpi slt, %add3A_292, %lt3A_293 : i32
      %convert_element_type3A_295 = arith.extui %lt3A_294 : i1 to i32
      %cond3A_296 = arith.constant 0 : i32
      %cond3A_297 = arith.cmpi ne, %convert_element_type3A_295, %cond3A_296 : i32
      scf.if %cond3A_297 {
        %eq3A_343 = arith.constant 0 : i32
        %eq3A_344 = arith.cmpi eq, %arg0, %eq3A_343 : i32
        %convert_element_type3A_345 = arith.extui %eq3A_344 : i1 to i32
        %cond3A_346 = arith.constant 0 : i32
        %cond3A_347 = arith.cmpi ne, %convert_element_type3A_345, %cond3A_346 : i32
        scf.if %cond3A_347 {
          %dma_wait3A_362 = arith.constant 0 : i32
          %dma_wait3A_363 = tpu.memref_slice %arg6[%multiple_of3A_290, %dma_wait3A_362] : memref<160000x128xf32, #tpu.memory_space<hbm>> -> memref<40x128xf32, #tpu.memory_space<hbm>>
          %dma_wait3A_364 = arith.constant 0 : i32
          %dma_wait3A_365 = tpu.memref_slice %arg6[%multiple_of3A_290, %dma_wait3A_364] : memref<160000x128xf32, #tpu.memory_space<hbm>> -> memref<40x128xf32, #tpu.memory_space<hbm>>
          tpu.wait_dma2 semaphore(%arg21 : memref<!tpu.dma_semaphore, #tpu.memory_space<semaphore_mem>>) src(%arg10 : memref<40x128xf32, #tpu.memory_space<vmem>>) dst(%dma_wait3A_365 : memref<40x128xf32, #tpu.memory_space<hbm>>)
        } else {
        }
        %eq3A_348 = arith.constant 1 : i32
        %eq3A_349 = arith.cmpi eq, %arg0, %eq3A_348 : i32
        %convert_element_type3A_350 = arith.extui %eq3A_349 : i1 to i32
        %cond3A_351 = arith.constant 0 : i32
        %cond3A_352 = arith.cmpi ne, %convert_element_type3A_350, %cond3A_351 : i32
        scf.if %cond3A_352 {
          %dma_wait3A_362 = arith.constant 0 : i32
          %dma_wait3A_363 = tpu.memref_slice %arg7[%multiple_of3A_290, %dma_wait3A_362] : memref<160000x128xf32, #tpu.memory_space<hbm>> -> memref<40x128xf32, #tpu.memory_space<hbm>>
          %dma_wait3A_364 = arith.constant 0 : i32
          %dma_wait3A_365 = tpu.memref_slice %arg7[%multiple_of3A_290, %dma_wait3A_364] : memref<160000x128xf32, #tpu.memory_space<hbm>> -> memref<40x128xf32, #tpu.memory_space<hbm>>
          tpu.wait_dma2 semaphore(%arg21 : memref<!tpu.dma_semaphore, #tpu.memory_space<semaphore_mem>>) src(%arg10 : memref<40x128xf32, #tpu.memory_space<vmem>>) dst(%dma_wait3A_365 : memref<40x128xf32, #tpu.memory_space<hbm>>)
        } else {
        }
        %add3A_353 = arith.constant 5 : i32
        %add3A_354 = arith.addi %add3A_286, %add3A_353 : i32
        %mul3A_355 = arith.constant 40 : i32
        %mul3A_356 = arith.muli %add3A_354, %mul3A_355 : i32
        %multiple_of3A_357 = tpu.assume_multiple %mul3A_356, 8 : i32
        %dma_start3A_358 = tpu.memref_slice %arg8[%multiple_of3A_357] : memref<10000xi32, #tpu.memory_space<vmem>> -> memref<40xi32, #tpu.memory_space<vmem>>
        %dma_start3A_359 = arith.constant 0 : i32
        %dma_start3A_360 = arith.constant 0 : i32
        %dma_start3A_361 = tpu.memref_slice %arg14[%dma_start3A_359, %dma_start3A_360] : memref<10000x128xf32, #tpu.memory_space<vmem_shared>> -> memref<10000x128xf32, #tpu.memory_space<vmem_shared>>
        tpu.enqueue_indirect_dma source(%dma_start3A_361 : memref<10000x128xf32, #tpu.memory_space<vmem_shared>>) target(%arg10 : memref<40x128xf32, #tpu.memory_space<vmem>>) offsets(%dma_start3A_358 : memref<40xi32, #tpu.memory_space<vmem>>) semaphore(%arg16 : memref<!tpu.dma_semaphore, #tpu.memory_space<semaphore_mem>>)
      } else {
      }
      %mul3A_298 = arith.constant 5 : i32
      %mul3A_299 = arith.muli %mul3A_298, %scan3A_144 : i32
      %add3A_300 = arith.constant 2 : i32
      %add3A_301 = arith.addi %mul3A_299, %add3A_300 : i32
      %mul3A_302 = arith.constant 40 : i32
      %mul3A_303 = arith.muli %add3A_301, %mul3A_302 : i32
      %add3A_304 = arith.addi %mul3A_0, %mul3A_303 : i32
      %multiple_of3A_305 = tpu.assume_multiple %add3A_304, 8 : i32
      %add3A_306 = arith.constant 5 : i32
      %add3A_307 = arith.addi %add3A_301, %add3A_306 : i32
      %lt3A_308 = arith.constant 250 : i32
      %lt3A_309 = arith.cmpi slt, %add3A_307, %lt3A_308 : i32
      %convert_element_type3A_310 = arith.extui %lt3A_309 : i1 to i32
      %cond3A_311 = arith.constant 0 : i32
      %cond3A_312 = arith.cmpi ne, %convert_element_type3A_310, %cond3A_311 : i32
      scf.if %cond3A_312 {
        %eq3A_343 = arith.constant 0 : i32
        %eq3A_344 = arith.cmpi eq, %arg0, %eq3A_343 : i32
        %convert_element_type3A_345 = arith.extui %eq3A_344 : i1 to i32
        %cond3A_346 = arith.constant 0 : i32
        %cond3A_347 = arith.cmpi ne, %convert_element_type3A_345, %cond3A_346 : i32
        scf.if %cond3A_347 {
          %dma_wait3A_362 = arith.constant 0 : i32
          %dma_wait3A_363 = tpu.memref_slice %arg6[%multiple_of3A_305, %dma_wait3A_362] : memref<160000x128xf32, #tpu.memory_space<hbm>> -> memref<40x128xf32, #tpu.memory_space<hbm>>
          %dma_wait3A_364 = arith.constant 0 : i32
          %dma_wait3A_365 = tpu.memref_slice %arg6[%multiple_of3A_305, %dma_wait3A_364] : memref<160000x128xf32, #tpu.memory_space<hbm>> -> memref<40x128xf32, #tpu.memory_space<hbm>>
          tpu.wait_dma2 semaphore(%arg22 : memref<!tpu.dma_semaphore, #tpu.memory_space<semaphore_mem>>) src(%arg11 : memref<40x128xf32, #tpu.memory_space<vmem>>) dst(%dma_wait3A_365 : memref<40x128xf32, #tpu.memory_space<hbm>>)
        } else {
        }
        %eq3A_348 = arith.constant 1 : i32
        %eq3A_349 = arith.cmpi eq, %arg0, %eq3A_348 : i32
        %convert_element_type3A_350 = arith.extui %eq3A_349 : i1 to i32
        %cond3A_351 = arith.constant 0 : i32
        %cond3A_352 = arith.cmpi ne, %convert_element_type3A_350, %cond3A_351 : i32
        scf.if %cond3A_352 {
          %dma_wait3A_362 = arith.constant 0 : i32
          %dma_wait3A_363 = tpu.memref_slice %arg7[%multiple_of3A_305, %dma_wait3A_362] : memref<160000x128xf32, #tpu.memory_space<hbm>> -> memref<40x128xf32, #tpu.memory_space<hbm>>
          %dma_wait3A_364 = arith.constant 0 : i32
          %dma_wait3A_365 = tpu.memref_slice %arg7[%multiple_of3A_305, %dma_wait3A_364] : memref<160000x128xf32, #tpu.memory_space<hbm>> -> memref<40x128xf32, #tpu.memory_space<hbm>>
          tpu.wait_dma2 semaphore(%arg22 : memref<!tpu.dma_semaphore, #tpu.memory_space<semaphore_mem>>) src(%arg11 : memref<40x128xf32, #tpu.memory_space<vmem>>) dst(%dma_wait3A_365 : memref<40x128xf32, #tpu.memory_space<hbm>>)
        } else {
        }
        %add3A_353 = arith.constant 5 : i32
        %add3A_354 = arith.addi %add3A_301, %add3A_353 : i32
        %mul3A_355 = arith.constant 40 : i32
        %mul3A_356 = arith.muli %add3A_354, %mul3A_355 : i32
        %multiple_of3A_357 = tpu.assume_multiple %mul3A_356, 8 : i32
        %dma_start3A_358 = tpu.memref_slice %arg8[%multiple_of3A_357] : memref<10000xi32, #tpu.memory_space<vmem>> -> memref<40xi32, #tpu.memory_space<vmem>>
        %dma_start3A_359 = arith.constant 0 : i32
        %dma_start3A_360 = arith.constant 0 : i32
        %dma_start3A_361 = tpu.memref_slice %arg14[%dma_start3A_359, %dma_start3A_360] : memref<10000x128xf32, #tpu.memory_space<vmem_shared>> -> memref<10000x128xf32, #tpu.memory_space<vmem_shared>>
        tpu.enqueue_indirect_dma source(%dma_start3A_361 : memref<10000x128xf32, #tpu.memory_space<vmem_shared>>) target(%arg11 : memref<40x128xf32, #tpu.memory_space<vmem>>) offsets(%dma_start3A_358 : memref<40xi32, #tpu.memory_space<vmem>>) semaphore(%arg17 : memref<!tpu.dma_semaphore, #tpu.memory_space<semaphore_mem>>)
      } else {
      }
      %mul3A_313 = arith.constant 5 : i32
      %mul3A_314 = arith.muli %mul3A_313, %scan3A_144 : i32
      %add3A_315 = arith.constant 3 : i32
      %add3A_316 = arith.addi %mul3A_314, %add3A_315 : i32
      %mul3A_317 = arith.constant 40 : i32
      %mul3A_318 = arith.muli %add3A_316, %mul3A_317 : i32
      %add3A_319 = arith.addi %mul3A_0, %mul3A_318 : i32
      %multiple_of3A_320 = tpu.assume_multiple %add3A_319, 8 : i32
      %add3A_321 = arith.constant 5 : i32
      %add3A_322 = arith.addi %add3A_316, %add3A_321 : i32
      %lt3A_323 = arith.constant 250 : i32
      %lt3A_324 = arith.cmpi slt, %add3A_322, %lt3A_323 : i32
      %convert_element_type3A_325 = arith.extui %lt3A_324 : i1 to i32
      %cond3A_326 = arith.constant 0 : i32
      %cond3A_327 = arith.cmpi ne, %convert_element_type3A_325, %cond3A_326 : i32
      scf.if %cond3A_327 {
        %eq3A_343 = arith.constant 0 : i32
        %eq3A_344 = arith.cmpi eq, %arg0, %eq3A_343 : i32
        %convert_element_type3A_345 = arith.extui %eq3A_344 : i1 to i32
        %cond3A_346 = arith.constant 0 : i32
        %cond3A_347 = arith.cmpi ne, %convert_element_type3A_345, %cond3A_346 : i32
        scf.if %cond3A_347 {
          %dma_wait3A_362 = arith.constant 0 : i32
          %dma_wait3A_363 = tpu.memref_slice %arg6[%multiple_of3A_320, %dma_wait3A_362] : memref<160000x128xf32, #tpu.memory_space<hbm>> -> memref<40x128xf32, #tpu.memory_space<hbm>>
          %dma_wait3A_364 = arith.constant 0 : i32
          %dma_wait3A_365 = tpu.memref_slice %arg6[%multiple_of3A_320, %dma_wait3A_364] : memref<160000x128xf32, #tpu.memory_space<hbm>> -> memref<40x128xf32, #tpu.memory_space<hbm>>
          tpu.wait_dma2 semaphore(%arg23 : memref<!tpu.dma_semaphore, #tpu.memory_space<semaphore_mem>>) src(%arg12 : memref<40x128xf32, #tpu.memory_space<vmem>>) dst(%dma_wait3A_365 : memref<40x128xf32, #tpu.memory_space<hbm>>)
        } else {
        }
        %eq3A_348 = arith.constant 1 : i32
        %eq3A_349 = arith.cmpi eq, %arg0, %eq3A_348 : i32
        %convert_element_type3A_350 = arith.extui %eq3A_349 : i1 to i32
        %cond3A_351 = arith.constant 0 : i32
        %cond3A_352 = arith.cmpi ne, %convert_element_type3A_350, %cond3A_351 : i32
        scf.if %cond3A_352 {
          %dma_wait3A_362 = arith.constant 0 : i32
          %dma_wait3A_363 = tpu.memref_slice %arg7[%multiple_of3A_320, %dma_wait3A_362] : memref<160000x128xf32, #tpu.memory_space<hbm>> -> memref<40x128xf32, #tpu.memory_space<hbm>>
          %dma_wait3A_364 = arith.constant 0 : i32
          %dma_wait3A_365 = tpu.memref_slice %arg7[%multiple_of3A_320, %dma_wait3A_364] : memref<160000x128xf32, #tpu.memory_space<hbm>> -> memref<40x128xf32, #tpu.memory_space<hbm>>
          tpu.wait_dma2 semaphore(%arg23 : memref<!tpu.dma_semaphore, #tpu.memory_space<semaphore_mem>>) src(%arg12 : memref<40x128xf32, #tpu.memory_space<vmem>>) dst(%dma_wait3A_365 : memref<40x128xf32, #tpu.memory_space<hbm>>)
        } else {
        }
        %add3A_353 = arith.constant 5 : i32
        %add3A_354 = arith.addi %add3A_316, %add3A_353 : i32
        %mul3A_355 = arith.constant 40 : i32
        %mul3A_356 = arith.muli %add3A_354, %mul3A_355 : i32
        %multiple_of3A_357 = tpu.assume_multiple %mul3A_356, 8 : i32
        %dma_start3A_358 = tpu.memref_slice %arg8[%multiple_of3A_357] : memref<10000xi32, #tpu.memory_space<vmem>> -> memref<40xi32, #tpu.memory_space<vmem>>
        %dma_start3A_359 = arith.constant 0 : i32
        %dma_start3A_360 = arith.constant 0 : i32
        %dma_start3A_361 = tpu.memref_slice %arg14[%dma_start3A_359, %dma_start3A_360] : memref<10000x128xf32, #tpu.memory_space<vmem_shared>> -> memref<10000x128xf32, #tpu.memory_space<vmem_shared>>
        tpu.enqueue_indirect_dma source(%dma_start3A_361 : memref<10000x128xf32, #tpu.memory_space<vmem_shared>>) target(%arg12 : memref<40x128xf32, #tpu.memory_space<vmem>>) offsets(%dma_start3A_358 : memref<40xi32, #tpu.memory_space<vmem>>) semaphore(%arg18 : memref<!tpu.dma_semaphore, #tpu.memory_space<semaphore_mem>>)
      } else {
      }
      %mul3A_328 = arith.constant 5 : i32
      %mul3A_329 = arith.muli %mul3A_328, %scan3A_144 : i32
      %add3A_330 = arith.constant 4 : i32
      %add3A_331 = arith.addi %mul3A_329, %add3A_330 : i32
      %mul3A_332 = arith.constant 40 : i32
      %mul3A_333 = arith.muli %add3A_331, %mul3A_332 : i32
      %add3A_334 = arith.addi %mul3A_0, %mul3A_333 : i32
      %multiple_of3A_335 = tpu.assume_multiple %add3A_334, 8 : i32
      %add3A_336 = arith.constant 5 : i32
      %add3A_337 = arith.addi %add3A_331, %add3A_336 : i32
      %lt3A_338 = arith.constant 250 : i32
      %lt3A_339 = arith.cmpi slt, %add3A_337, %lt3A_338 : i32
      %convert_element_type3A_340 = arith.extui %lt3A_339 : i1 to i32
      %cond3A_341 = arith.constant 0 : i32
      %cond3A_342 = arith.cmpi ne, %convert_element_type3A_340, %cond3A_341 : i32
      scf.if %cond3A_342 {
        %eq3A_343 = arith.constant 0 : i32
        %eq3A_344 = arith.cmpi eq, %arg0, %eq3A_343 : i32
        %convert_element_type3A_345 = arith.extui %eq3A_344 : i1 to i32
        %cond3A_346 = arith.constant 0 : i32
        %cond3A_347 = arith.cmpi ne, %convert_element_type3A_345, %cond3A_346 : i32
        scf.if %cond3A_347 {
          %dma_wait3A_362 = arith.constant 0 : i32
          %dma_wait3A_363 = tpu.memref_slice %arg6[%multiple_of3A_335, %dma_wait3A_362] : memref<160000x128xf32, #tpu.memory_space<hbm>> -> memref<40x128xf32, #tpu.memory_space<hbm>>
          %dma_wait3A_364 = arith.constant 0 : i32
          %dma_wait3A_365 = tpu.memref_slice %arg6[%multiple_of3A_335, %dma_wait3A_364] : memref<160000x128xf32, #tpu.memory_space<hbm>> -> memref<40x128xf32, #tpu.memory_space<hbm>>
          tpu.wait_dma2 semaphore(%arg24 : memref<!tpu.dma_semaphore, #tpu.memory_space<semaphore_mem>>) src(%arg13 : memref<40x128xf32, #tpu.memory_space<vmem>>) dst(%dma_wait3A_365 : memref<40x128xf32, #tpu.memory_space<hbm>>)
        } else {
        }
        %eq3A_348 = arith.constant 1 : i32
        %eq3A_349 = arith.cmpi eq, %arg0, %eq3A_348 : i32
        %convert_element_type3A_350 = arith.extui %eq3A_349 : i1 to i32
        %cond3A_351 = arith.constant 0 : i32
        %cond3A_352 = arith.cmpi ne, %convert_element_type3A_350, %cond3A_351 : i32
        scf.if %cond3A_352 {
          %dma_wait3A_362 = arith.constant 0 : i32
          %dma_wait3A_363 = tpu.memref_slice %arg7[%multiple_of3A_335, %dma_wait3A_362] : memref<160000x128xf32, #tpu.memory_space<hbm>> -> memref<40x128xf32, #tpu.memory_space<hbm>>
          %dma_wait3A_364 = arith.constant 0 : i32
          %dma_wait3A_365 = tpu.memref_slice %arg7[%multiple_of3A_335, %dma_wait3A_364] : memref<160000x128xf32, #tpu.memory_space<hbm>> -> memref<40x128xf32, #tpu.memory_space<hbm>>
          tpu.wait_dma2 semaphore(%arg24 : memref<!tpu.dma_semaphore, #tpu.memory_space<semaphore_mem>>) src(%arg13 : memref<40x128xf32, #tpu.memory_space<vmem>>) dst(%dma_wait3A_365 : memref<40x128xf32, #tpu.memory_space<hbm>>)
        } else {
        }
        %add3A_353 = arith.constant 5 : i32
        %add3A_354 = arith.addi %add3A_331, %add3A_353 : i32
        %mul3A_355 = arith.constant 40 : i32
        %mul3A_356 = arith.muli %add3A_354, %mul3A_355 : i32
        %multiple_of3A_357 = tpu.assume_multiple %mul3A_356, 8 : i32
        %dma_start3A_358 = tpu.memref_slice %arg8[%multiple_of3A_357] : memref<10000xi32, #tpu.memory_space<vmem>> -> memref<40xi32, #tpu.memory_space<vmem>>
        %dma_start3A_359 = arith.constant 0 : i32
        %dma_start3A_360 = arith.constant 0 : i32
        %dma_start3A_361 = tpu.memref_slice %arg14[%dma_start3A_359, %dma_start3A_360] : memref<10000x128xf32, #tpu.memory_space<vmem_shared>> -> memref<10000x128xf32, #tpu.memory_space<vmem_shared>>
        tpu.enqueue_indirect_dma source(%dma_start3A_361 : memref<10000x128xf32, #tpu.memory_space<vmem_shared>>) target(%arg13 : memref<40x128xf32, #tpu.memory_space<vmem>>) offsets(%dma_start3A_358 : memref<40xi32, #tpu.memory_space<vmem>>) semaphore(%arg19 : memref<!tpu.dma_semaphore, #tpu.memory_space<semaphore_mem>>)
      } else {
      }
    }
    %scan3A_78 = arith.constant 50 : i32
    %add3A_79 = arith.constant 9800 : i32
    %add3A_80 = arith.addi %mul3A_0, %add3A_79 : i32
    %multiple_of3A_81 = tpu.assume_multiple %add3A_80, 8 : i32
    %eq3A_82 = arith.constant 0 : i32
    %eq3A_83 = arith.cmpi eq, %arg0, %eq3A_82 : i32
    %convert_element_type3A_84 = arith.extui %eq3A_83 : i1 to i32
    %cond3A_85 = arith.constant 0 : i32
    %cond3A_86 = arith.cmpi ne, %convert_element_type3A_84, %cond3A_85 : i32
    scf.if %cond3A_86 {
      %dma_wait3A = arith.constant 0 : i32
      %dma_wait3A_144 = tpu.memref_slice %arg6[%multiple_of3A_81, %dma_wait3A] : memref<160000x128xf32, #tpu.memory_space<hbm>> -> memref<40x128xf32, #tpu.memory_space<hbm>>
      %dma_wait3A_145 = arith.constant 0 : i32
      %dma_wait3A_146 = tpu.memref_slice %arg6[%multiple_of3A_81, %dma_wait3A_145] : memref<160000x128xf32, #tpu.memory_space<hbm>> -> memref<40x128xf32, #tpu.memory_space<hbm>>
      tpu.wait_dma2 semaphore(%arg20 : memref<!tpu.dma_semaphore, #tpu.memory_space<semaphore_mem>>) src(%arg9 : memref<40x128xf32, #tpu.memory_space<vmem>>) dst(%dma_wait3A_146 : memref<40x128xf32, #tpu.memory_space<hbm>>)
    } else {
    }
    %eq3A_87 = arith.constant 1 : i32
    %eq3A_88 = arith.cmpi eq, %arg0, %eq3A_87 : i32
    %convert_element_type3A_89 = arith.extui %eq3A_88 : i1 to i32
    %cond3A_90 = arith.constant 0 : i32
    %cond3A_91 = arith.cmpi ne, %convert_element_type3A_89, %cond3A_90 : i32
    scf.if %cond3A_91 {
      %dma_wait3A = arith.constant 0 : i32
      %dma_wait3A_144 = tpu.memref_slice %arg7[%multiple_of3A_81, %dma_wait3A] : memref<160000x128xf32, #tpu.memory_space<hbm>> -> memref<40x128xf32, #tpu.memory_space<hbm>>
      %dma_wait3A_145 = arith.constant 0 : i32
      %dma_wait3A_146 = tpu.memref_slice %arg7[%multiple_of3A_81, %dma_wait3A_145] : memref<160000x128xf32, #tpu.memory_space<hbm>> -> memref<40x128xf32, #tpu.memory_space<hbm>>
      tpu.wait_dma2 semaphore(%arg20 : memref<!tpu.dma_semaphore, #tpu.memory_space<semaphore_mem>>) src(%arg9 : memref<40x128xf32, #tpu.memory_space<vmem>>) dst(%dma_wait3A_146 : memref<40x128xf32, #tpu.memory_space<hbm>>)
    } else {
    }
    %add3A_92 = arith.constant 9840 : i32
    %add3A_93 = arith.addi %mul3A_0, %add3A_92 : i32
    %multiple_of3A_94 = tpu.assume_multiple %add3A_93, 8 : i32
    %eq3A_95 = arith.constant 0 : i32
    %eq3A_96 = arith.cmpi eq, %arg0, %eq3A_95 : i32
    %convert_element_type3A_97 = arith.extui %eq3A_96 : i1 to i32
    %cond3A_98 = arith.constant 0 : i32
    %cond3A_99 = arith.cmpi ne, %convert_element_type3A_97, %cond3A_98 : i32
    scf.if %cond3A_99 {
      %dma_wait3A = arith.constant 0 : i32
      %dma_wait3A_144 = tpu.memref_slice %arg6[%multiple_of3A_94, %dma_wait3A] : memref<160000x128xf32, #tpu.memory_space<hbm>> -> memref<40x128xf32, #tpu.memory_space<hbm>>
      %dma_wait3A_145 = arith.constant 0 : i32
      %dma_wait3A_146 = tpu.memref_slice %arg6[%multiple_of3A_94, %dma_wait3A_145] : memref<160000x128xf32, #tpu.memory_space<hbm>> -> memref<40x128xf32, #tpu.memory_space<hbm>>
      tpu.wait_dma2 semaphore(%arg21 : memref<!tpu.dma_semaphore, #tpu.memory_space<semaphore_mem>>) src(%arg10 : memref<40x128xf32, #tpu.memory_space<vmem>>) dst(%dma_wait3A_146 : memref<40x128xf32, #tpu.memory_space<hbm>>)
    } else {
    }
    %eq3A_100 = arith.constant 1 : i32
    %eq3A_101 = arith.cmpi eq, %arg0, %eq3A_100 : i32
    %convert_element_type3A_102 = arith.extui %eq3A_101 : i1 to i32
    %cond3A_103 = arith.constant 0 : i32
    %cond3A_104 = arith.cmpi ne, %convert_element_type3A_102, %cond3A_103 : i32
    scf.if %cond3A_104 {
      %dma_wait3A = arith.constant 0 : i32
      %dma_wait3A_144 = tpu.memref_slice %arg7[%multiple_of3A_94, %dma_wait3A] : memref<160000x128xf32, #tpu.memory_space<hbm>> -> memref<40x128xf32, #tpu.memory_space<hbm>>
      %dma_wait3A_145 = arith.constant 0 : i32
      %dma_wait3A_146 = tpu.memref_slice %arg7[%multiple_of3A_94, %dma_wait3A_145] : memref<160000x128xf32, #tpu.memory_space<hbm>> -> memref<40x128xf32, #tpu.memory_space<hbm>>
      tpu.wait_dma2 semaphore(%arg21 : memref<!tpu.dma_semaphore, #tpu.memory_space<semaphore_mem>>) src(%arg10 : memref<40x128xf32, #tpu.memory_space<vmem>>) dst(%dma_wait3A_146 : memref<40x128xf32, #tpu.memory_space<hbm>>)
    } else {
    }
    %add3A_105 = arith.constant 9880 : i32
    %add3A_106 = arith.addi %mul3A_0, %add3A_105 : i32
    %multiple_of3A_107 = tpu.assume_multiple %add3A_106, 8 : i32
    %eq3A_108 = arith.constant 0 : i32
    %eq3A_109 = arith.cmpi eq, %arg0, %eq3A_108 : i32
    %convert_element_type3A_110 = arith.extui %eq3A_109 : i1 to i32
    %cond3A_111 = arith.constant 0 : i32
    %cond3A_112 = arith.cmpi ne, %convert_element_type3A_110, %cond3A_111 : i32
    scf.if %cond3A_112 {
      %dma_wait3A = arith.constant 0 : i32
      %dma_wait3A_144 = tpu.memref_slice %arg6[%multiple_of3A_107, %dma_wait3A] : memref<160000x128xf32, #tpu.memory_space<hbm>> -> memref<40x128xf32, #tpu.memory_space<hbm>>
      %dma_wait3A_145 = arith.constant 0 : i32
      %dma_wait3A_146 = tpu.memref_slice %arg6[%multiple_of3A_107, %dma_wait3A_145] : memref<160000x128xf32, #tpu.memory_space<hbm>> -> memref<40x128xf32, #tpu.memory_space<hbm>>
      tpu.wait_dma2 semaphore(%arg22 : memref<!tpu.dma_semaphore, #tpu.memory_space<semaphore_mem>>) src(%arg11 : memref<40x128xf32, #tpu.memory_space<vmem>>) dst(%dma_wait3A_146 : memref<40x128xf32, #tpu.memory_space<hbm>>)
    } else {
    }
    %eq3A_113 = arith.constant 1 : i32
    %eq3A_114 = arith.cmpi eq, %arg0, %eq3A_113 : i32
    %convert_element_type3A_115 = arith.extui %eq3A_114 : i1 to i32
    %cond3A_116 = arith.constant 0 : i32
    %cond3A_117 = arith.cmpi ne, %convert_element_type3A_115, %cond3A_116 : i32
    scf.if %cond3A_117 {
      %dma_wait3A = arith.constant 0 : i32
      %dma_wait3A_144 = tpu.memref_slice %arg7[%multiple_of3A_107, %dma_wait3A] : memref<160000x128xf32, #tpu.memory_space<hbm>> -> memref<40x128xf32, #tpu.memory_space<hbm>>
      %dma_wait3A_145 = arith.constant 0 : i32
      %dma_wait3A_146 = tpu.memref_slice %arg7[%multiple_of3A_107, %dma_wait3A_145] : memref<160000x128xf32, #tpu.memory_space<hbm>> -> memref<40x128xf32, #tpu.memory_space<hbm>>
      tpu.wait_dma2 semaphore(%arg22 : memref<!tpu.dma_semaphore, #tpu.memory_space<semaphore_mem>>) src(%arg11 : memref<40x128xf32, #tpu.memory_space<vmem>>) dst(%dma_wait3A_146 : memref<40x128xf32, #tpu.memory_space<hbm>>)
    } else {
    }
    %add3A_118 = arith.constant 9920 : i32
    %add3A_119 = arith.addi %mul3A_0, %add3A_118 : i32
    %multiple_of3A_120 = tpu.assume_multiple %add3A_119, 8 : i32
    %eq3A_121 = arith.constant 0 : i32
    %eq3A_122 = arith.cmpi eq, %arg0, %eq3A_121 : i32
    %convert_element_type3A_123 = arith.extui %eq3A_122 : i1 to i32
    %cond3A_124 = arith.constant 0 : i32
    %cond3A_125 = arith.cmpi ne, %convert_element_type3A_123, %cond3A_124 : i32
    scf.if %cond3A_125 {
      %dma_wait3A = arith.constant 0 : i32
      %dma_wait3A_144 = tpu.memref_slice %arg6[%multiple_of3A_120, %dma_wait3A] : memref<160000x128xf32, #tpu.memory_space<hbm>> -> memref<40x128xf32, #tpu.memory_space<hbm>>
      %dma_wait3A_145 = arith.constant 0 : i32
      %dma_wait3A_146 = tpu.memref_slice %arg6[%multiple_of3A_120, %dma_wait3A_145] : memref<160000x128xf32, #tpu.memory_space<hbm>> -> memref<40x128xf32, #tpu.memory_space<hbm>>
      tpu.wait_dma2 semaphore(%arg23 : memref<!tpu.dma_semaphore, #tpu.memory_space<semaphore_mem>>) src(%arg12 : memref<40x128xf32, #tpu.memory_space<vmem>>) dst(%dma_wait3A_146 : memref<40x128xf32, #tpu.memory_space<hbm>>)
    } else {
    }
    %eq3A_126 = arith.constant 1 : i32
    %eq3A_127 = arith.cmpi eq, %arg0, %eq3A_126 : i32
    %convert_element_type3A_128 = arith.extui %eq3A_127 : i1 to i32
    %cond3A_129 = arith.constant 0 : i32
    %cond3A_130 = arith.cmpi ne, %convert_element_type3A_128, %cond3A_129 : i32
    scf.if %cond3A_130 {
      %dma_wait3A = arith.constant 0 : i32
      %dma_wait3A_144 = tpu.memref_slice %arg7[%multiple_of3A_120, %dma_wait3A] : memref<160000x128xf32, #tpu.memory_space<hbm>> -> memref<40x128xf32, #tpu.memory_space<hbm>>
      %dma_wait3A_145 = arith.constant 0 : i32
      %dma_wait3A_146 = tpu.memref_slice %arg7[%multiple_of3A_120, %dma_wait3A_145] : memref<160000x128xf32, #tpu.memory_space<hbm>> -> memref<40x128xf32, #tpu.memory_space<hbm>>
      tpu.wait_dma2 semaphore(%arg23 : memref<!tpu.dma_semaphore, #tpu.memory_space<semaphore_mem>>) src(%arg12 : memref<40x128xf32, #tpu.memory_space<vmem>>) dst(%dma_wait3A_146 : memref<40x128xf32, #tpu.memory_space<hbm>>)
    } else {
    }
    %add3A_131 = arith.constant 9960 : i32
    %add3A_132 = arith.addi %mul3A_0, %add3A_131 : i32
    %multiple_of3A_133 = tpu.assume_multiple %add3A_132, 8 : i32
    %eq3A_134 = arith.constant 0 : i32
    %eq3A_135 = arith.cmpi eq, %arg0, %eq3A_134 : i32
    %convert_element_type3A_136 = arith.extui %eq3A_135 : i1 to i32
    %cond3A_137 = arith.constant 0 : i32
    %cond3A_138 = arith.cmpi ne, %convert_element_type3A_136, %cond3A_137 : i32
    scf.if %cond3A_138 {
      %dma_wait3A = arith.constant 0 : i32
      %dma_wait3A_144 = tpu.memref_slice %arg6[%multiple_of3A_133, %dma_wait3A] : memref<160000x128xf32, #tpu.memory_space<hbm>> -> memref<40x128xf32, #tpu.memory_space<hbm>>
      %dma_wait3A_145 = arith.constant 0 : i32
      %dma_wait3A_146 = tpu.memref_slice %arg6[%multiple_of3A_133, %dma_wait3A_145] : memref<160000x128xf32, #tpu.memory_space<hbm>> -> memref<40x128xf32, #tpu.memory_space<hbm>>
      tpu.wait_dma2 semaphore(%arg24 : memref<!tpu.dma_semaphore, #tpu.memory_space<semaphore_mem>>) src(%arg13 : memref<40x128xf32, #tpu.memory_space<vmem>>) dst(%dma_wait3A_146 : memref<40x128xf32, #tpu.memory_space<hbm>>)
    } else {
    }
    %eq3A_139 = arith.constant 1 : i32
    %eq3A_140 = arith.cmpi eq, %arg0, %eq3A_139 : i32
    %convert_element_type3A_141 = arith.extui %eq3A_140 : i1 to i32
    %cond3A_142 = arith.constant 0 : i32
    %cond3A_143 = arith.cmpi ne, %convert_element_type3A_141, %cond3A_142 : i32
    scf.if %cond3A_143 {
      %dma_wait3A = arith.constant 0 : i32
      %dma_wait3A_144 = tpu.memref_slice %arg7[%multiple_of3A_133, %dma_wait3A] : memref<160000x128xf32, #tpu.memory_space<hbm>> -> memref<40x128xf32, #tpu.memory_space<hbm>>
      %dma_wait3A_145 = arith.constant 0 : i32
      %dma_wait3A_146 = tpu.memref_slice %arg7[%multiple_of3A_133, %dma_wait3A_145] : memref<160000x128xf32, #tpu.memory_space<hbm>> -> memref<40x128xf32, #tpu.memory_space<hbm>>
      tpu.wait_dma2 semaphore(%arg24 : memref<!tpu.dma_semaphore, #tpu.memory_space<semaphore_mem>>) src(%arg13 : memref<40x128xf32, #tpu.memory_space<vmem>>) dst(%dma_wait3A_146 : memref<40x128xf32, #tpu.memory_space<hbm>>)
    } else {
    }
    return
  }
}

#map = affine_map<(d0, d1) -> (0, 0)>
#map1 = affine_map<(d0, d1) -> (0)>
module attributes {stable_mosaic.version = 14 : i64} {
  func.func @_scatter_body(%arg0: i32, %arg1: i32, %arg2: memref<160000x128xf32, #tpu.memory_space<hbm>>, %arg3: memref<320000xi32, #tpu.memory_space<hbm>>, %arg4: memref<20000x128xf32, #tpu.memory_space<hbm>>, %arg5: memref<40xi32, #tpu.memory_space<vmem>>, %arg6: memref<40xi32, #tpu.memory_space<vmem>>, %arg7: memref<40xi32, #tpu.memory_space<vmem>>, %arg8: memref<40xi32, #tpu.memory_space<vmem>>, %arg9: memref<40xi32, #tpu.memory_space<vmem>>, %arg10: memref<40x128xf32, #tpu.memory_space<vmem>>, %arg11: memref<40x128xf32, #tpu.memory_space<vmem>>, %arg12: memref<40x128xf32, #tpu.memory_space<vmem>>, %arg13: memref<40x128xf32, #tpu.memory_space<vmem>>, %arg14: memref<40x128xf32, #tpu.memory_space<vmem>>, %arg15: memref<80x128xf32, #tpu.memory_space<vmem>>, %arg16: memref<10000x128xf32, #tpu.memory_space<vmem_shared>>, %arg17: memref<!tpu.dma_semaphore, #tpu.memory_space<semaphore_mem>>, %arg18: memref<!tpu.dma_semaphore, #tpu.memory_space<semaphore_mem>>, %arg19: memref<!tpu.dma_semaphore, #tpu.memory_space<semaphore_mem>>, %arg20: memref<!tpu.dma_semaphore, #tpu.memory_space<semaphore_mem>>, %arg21: memref<!tpu.dma_semaphore, #tpu.memory_space<semaphore_mem>>, %arg22: memref<!tpu.dma_semaphore, #tpu.memory_space<semaphore_mem>>, %arg23: memref<!tpu.dma_semaphore, #tpu.memory_space<semaphore_mem>>, %arg24: memref<!tpu.dma_semaphore, #tpu.memory_space<semaphore_mem>>, %arg25: memref<!tpu.dma_semaphore, #tpu.memory_space<semaphore_mem>>, %arg26: memref<!tpu.dma_semaphore, #tpu.memory_space<semaphore_mem>>, %arg27: memref<!tpu.dma_semaphore, #tpu.memory_space<semaphore_mem>>, %arg28: memref<!tpu.dma_semaphore, #tpu.memory_space<semaphore_mem>>, %arg29: memref<!tpu.dma_semaphore, #tpu.memory_space<semaphore_mem>>, %arg30: memref<!tpu.dma_semaphore, #tpu.memory_space<semaphore_mem>>, %arg31: memref<!tpu.dma_semaphore, #tpu.memory_space<semaphore_mem>>, %arg32: memref<!tpu.dma_semaphore, #tpu.memory_space<semaphore_mem>>) attributes {dimension_semantics = [#tpu.dimension_semantics<core_parallel>, #tpu.dimension_semantics<subcore_parallel>], iteration_bounds = array<i64: 2, 16>, scalar_prefetch = 0 : i64, scratch_operands = 28 : i64, tpu.core_type = #tpu.core_type<sc_vector_subcore>, window_params = [{transform_indices = #map}, {transform_indices = #map1}, {transform_indices = #map}]} {
    %mul3A = arith.constant 80000 : i32
    %mul3A_0 = arith.muli %arg0, %mul3A : i32
    %mul3A_1 = arith.constant 5000 : i32
    %mul3A_2 = arith.muli %arg1, %mul3A_1 : i32
    %add3A = arith.addi %mul3A_0, %mul3A_2 : i32
    %scan3A = arith.constant 0 : i32
    %scan3A_3 = arith.constant 0 : i32
    %scan3A_4 = arith.constant 80 : i32
    %scan3A_5 = arith.addi %scan3A_3, %scan3A_4 : i32
    %scan3A_6 = arith.constant 1 : i32
    scf.for %scan3A_156 = %scan3A_3 to %scan3A_5 step %scan3A_6  : i32 {
      %broadcast_in_dim3A = arith.constant 0.000000e+00 : f32
      %broadcast_in_dim3A_157 = vector.broadcast %broadcast_in_dim3A : f32 to vector<16xf32>
      %swap3A = arith.index_cast %scan3A_156 : i32 to index
      %swap3A_158 = arith.constant 0 : index
      %swap3A_159 = tpu.vector_load %arg15[%swap3A, %swap3A_158] {strides = array<i32>} : memref<80x128xf32, #tpu.memory_space<vmem>>, vector<1x16xf32>,
      %swap3A_160 = vector.shape_cast %swap3A_159 : vector<1x16xf32> to vector<16xf32>
      %swap3A_161 = vector.shape_cast %broadcast_in_dim3A_157 : vector<16xf32> to vector<1x16xf32>
      tpu.vector_store %arg15[%swap3A, %swap3A_158], %swap3A_161 {strides = array<i32>} : memref<80x128xf32, #tpu.memory_space<vmem>>, vector<1x16xf32>,
      %broadcast_in_dim3A_162 = arith.constant 0.000000e+00 : f32
      %broadcast_in_dim3A_163 = vector.broadcast %broadcast_in_dim3A_162 : f32 to vector<16xf32>
      %swap3A_164 = arith.index_cast %scan3A_156 : i32 to index
      %swap3A_165 = arith.constant 16 : index
      %swap3A_166 = tpu.vector_load %arg15[%swap3A_164, %swap3A_165] {strides = array<i32>} : memref<80x128xf32, #tpu.memory_space<vmem>>, vector<1x16xf32>,
      %swap3A_167 = vector.shape_cast %swap3A_166 : vector<1x16xf32> to vector<16xf32>
      %swap3A_168 = vector.shape_cast %broadcast_in_dim3A_163 : vector<16xf32> to vector<1x16xf32>
      tpu.vector_store %arg15[%swap3A_164, %swap3A_165], %swap3A_168 {strides = array<i32>} : memref<80x128xf32, #tpu.memory_space<vmem>>, vector<1x16xf32>,
      %broadcast_in_dim3A_169 = arith.constant 0.000000e+00 : f32
      %broadcast_in_dim3A_170 = vector.broadcast %broadcast_in_dim3A_169 : f32 to vector<16xf32>
      %swap3A_171 = arith.index_cast %scan3A_156 : i32 to index
      %swap3A_172 = arith.constant 32 : index
      %swap3A_173 = tpu.vector_load %arg15[%swap3A_171, %swap3A_172] {strides = array<i32>} : memref<80x128xf32, #tpu.memory_space<vmem>>, vector<1x16xf32>,
      %swap3A_174 = vector.shape_cast %swap3A_173 : vector<1x16xf32> to vector<16xf32>
      %swap3A_175 = vector.shape_cast %broadcast_in_dim3A_170 : vector<16xf32> to vector<1x16xf32>
      tpu.vector_store %arg15[%swap3A_171, %swap3A_172], %swap3A_175 {strides = array<i32>} : memref<80x128xf32, #tpu.memory_space<vmem>>, vector<1x16xf32>,
      %broadcast_in_dim3A_176 = arith.constant 0.000000e+00 : f32
      %broadcast_in_dim3A_177 = vector.broadcast %broadcast_in_dim3A_176 : f32 to vector<16xf32>
      %swap3A_178 = arith.index_cast %scan3A_156 : i32 to index
      %swap3A_179 = arith.constant 48 : index
      %swap3A_180 = tpu.vector_load %arg15[%swap3A_178, %swap3A_179] {strides = array<i32>} : memref<80x128xf32, #tpu.memory_space<vmem>>, vector<1x16xf32>,
      %swap3A_181 = vector.shape_cast %swap3A_180 : vector<1x16xf32> to vector<16xf32>
      %swap3A_182 = vector.shape_cast %broadcast_in_dim3A_177 : vector<16xf32> to vector<1x16xf32>
      tpu.vector_store %arg15[%swap3A_178, %swap3A_179], %swap3A_182 {strides = array<i32>} : memref<80x128xf32, #tpu.memory_space<vmem>>, vector<1x16xf32>,
      %broadcast_in_dim3A_183 = arith.constant 0.000000e+00 : f32
      %broadcast_in_dim3A_184 = vector.broadcast %broadcast_in_dim3A_183 : f32 to vector<16xf32>
      %swap3A_185 = arith.index_cast %scan3A_156 : i32 to index
      %swap3A_186 = arith.constant 64 : index
      %swap3A_187 = tpu.vector_load %arg15[%swap3A_185, %swap3A_186] {strides = array<i32>} : memref<80x128xf32, #tpu.memory_space<vmem>>, vector<1x16xf32>,
      %swap3A_188 = vector.shape_cast %swap3A_187 : vector<1x16xf32> to vector<16xf32>
      %swap3A_189 = vector.shape_cast %broadcast_in_dim3A_184 : vector<16xf32> to vector<1x16xf32>
      tpu.vector_store %arg15[%swap3A_185, %swap3A_186], %swap3A_189 {strides = array<i32>} : memref<80x128xf32, #tpu.memory_space<vmem>>, vector<1x16xf32>,
      %broadcast_in_dim3A_190 = arith.constant 0.000000e+00 : f32
      %broadcast_in_dim3A_191 = vector.broadcast %broadcast_in_dim3A_190 : f32 to vector<16xf32>
      %swap3A_192 = arith.index_cast %scan3A_156 : i32 to index
      %swap3A_193 = arith.constant 80 : index
      %swap3A_194 = tpu.vector_load %arg15[%swap3A_192, %swap3A_193] {strides = array<i32>} : memref<80x128xf32, #tpu.memory_space<vmem>>, vector<1x16xf32>,
      %swap3A_195 = vector.shape_cast %swap3A_194 : vector<1x16xf32> to vector<16xf32>
      %swap3A_196 = vector.shape_cast %broadcast_in_dim3A_191 : vector<16xf32> to vector<1x16xf32>
      tpu.vector_store %arg15[%swap3A_192, %swap3A_193], %swap3A_196 {strides = array<i32>} : memref<80x128xf32, #tpu.memory_space<vmem>>, vector<1x16xf32>,
      %broadcast_in_dim3A_197 = arith.constant 0.000000e+00 : f32
      %broadcast_in_dim3A_198 = vector.broadcast %broadcast_in_dim3A_197 : f32 to vector<16xf32>
      %swap3A_199 = arith.index_cast %scan3A_156 : i32 to index
      %swap3A_200 = arith.constant 96 : index
      %swap3A_201 = tpu.vector_load %arg15[%swap3A_199, %swap3A_200] {strides = array<i32>} : memref<80x128xf32, #tpu.memory_space<vmem>>, vector<1x16xf32>,
      %swap3A_202 = vector.shape_cast %swap3A_201 : vector<1x16xf32> to vector<16xf32>
      %swap3A_203 = vector.shape_cast %broadcast_in_dim3A_198 : vector<16xf32> to vector<1x16xf32>
      tpu.vector_store %arg15[%swap3A_199, %swap3A_200], %swap3A_203 {strides = array<i32>} : memref<80x128xf32, #tpu.memory_space<vmem>>, vector<1x16xf32>,
      %broadcast_in_dim3A_204 = arith.constant 0.000000e+00 : f32
      %broadcast_in_dim3A_205 = vector.broadcast %broadcast_in_dim3A_204 : f32 to vector<16xf32>
      %swap3A_206 = arith.index_cast %scan3A_156 : i32 to index
      %swap3A_207 = arith.constant 112 : index
      %swap3A_208 = tpu.vector_load %arg15[%swap3A_206, %swap3A_207] {strides = array<i32>} : memref<80x128xf32, #tpu.memory_space<vmem>>, vector<1x16xf32>,
      %swap3A_209 = vector.shape_cast %swap3A_208 : vector<1x16xf32> to vector<16xf32>
      %swap3A_210 = vector.shape_cast %broadcast_in_dim3A_205 : vector<16xf32> to vector<1x16xf32>
      tpu.vector_store %arg15[%swap3A_206, %swap3A_207], %swap3A_210 {strides = array<i32>} : memref<80x128xf32, #tpu.memory_space<vmem>>, vector<1x16xf32>,
    }
    %scan3A_7 = arith.constant 80 : i32
    %sub3A = arith.constant 124 : i32
    %sub3A_8 = arith.subi %sub3A, %arg1 : i32
    %jit3A = arith.constant 16 : i32
    %div3A = arith.divsi %sub3A_8, %jit3A : i32
    %sign3A = arith.constant 0 : i32
    %sign3A_9 = arith.cmpi sgt, %sub3A_8, %sign3A : i32
    %sign3A_10 = arith.extui %sign3A_9 : i1 to i32
    %sign3A_11 = arith.constant 0 : i32
    %sign3A_12 = arith.cmpi slt, %sub3A_8, %sign3A_11 : i32
    %sign3A_13 = arith.extui %sign3A_12 : i1 to i32
    %sign3A_14 = arith.subi %sign3A_10, %sign3A_13 : i32
    %sign3A_15 = arith.constant 0 : i32
    %sign3A_16 = arith.cmpi sgt, %jit3A, %sign3A_15 : i32
    %sign3A_17 = arith.extui %sign3A_16 : i1 to i32
    %sign3A_18 = arith.constant 0 : i32
    %sign3A_19 = arith.cmpi slt, %jit3A, %sign3A_18 : i32
    %sign3A_20 = arith.extui %sign3A_19 : i1 to i32
    %sign3A_21 = arith.subi %sign3A_17, %sign3A_20 : i32
    %ne3A = arith.cmpi ne, %sign3A_14, %sign3A_21 : i32
    %rem3A = arith.remsi %sub3A_8, %jit3A : i32
    %ne3A_22 = arith.constant 0 : i32
    %ne3A_23 = arith.cmpi ne, %rem3A, %ne3A_22 : i32
    %and3A = arith.andi %ne3A, %ne3A_23 : i1
    %sub3A_24 = arith.constant 1 : i32
    %sub3A_25 = arith.subi %div3A, %sub3A_24 : i32
    %select_n3A = arith.select %and3A, %sub3A_25, %div3A : i32
    %add3A_26 = arith.constant 1 : i32
    %add3A_27 = arith.addi %select_n3A, %add3A_26 : i32
    %while3A = arith.constant 0 : i32
    %while3A_28 = arith.constant 0 : i32
    %while3A_29 = arith.subi %add3A_27, %while3A_28 : i32
    %while3A_30 = arith.addi %while3A_28, %while3A_29 : i32
    %while3A_31 = arith.constant 1 : i32
    %while3A_32 = arith.divsi %while3A_29, %while3A_31 : i32
    %while3A_33 = arith.muli %while3A_32, %while3A_31 : i32
    %while3A_34 = arith.addi %while3A_28, %while3A_33 : i32
    %while3A_35 = arith.constant 1 : i32
    scf.for %while3A_156 = %while3A_28 to %while3A_34 step %while3A_35  : i32 {
      %mul3A_157 = arith.constant 16 : i32
      %mul3A_158 = arith.muli %while3A_156, %mul3A_157 : i32
      %add3A_159 = arith.addi %arg1, %mul3A_158 : i32
      %mul3A_160 = arith.constant 80 : i32
      %mul3A_161 = arith.muli %add3A_159, %mul3A_160 : i32
      %multiple_of3A_162 = tpu.assume_multiple %mul3A_161, 8 : i32
      %dma_start3A_163 = arith.constant 0 : i32
      %dma_start3A_164 = tpu.memref_slice %arg16[%multiple_of3A_162, %dma_start3A_163] : memref<10000x128xf32, #tpu.memory_space<vmem_shared>> -> memref<80x128xf32, #tpu.memory_space<vmem_shared>>
      %dma_start3A_165 = arith.constant 0 : i32
      %dma_start3A_166 = tpu.memref_slice %arg16[%multiple_of3A_162, %dma_start3A_165] : memref<10000x128xf32, #tpu.memory_space<vmem_shared>> -> memref<80x128xf32, #tpu.memory_space<vmem_shared>>
      tpu.enqueue_dma source(%arg15 : memref<80x128xf32, #tpu.memory_space<vmem>>) target(%dma_start3A_166 : memref<80x128xf32, #tpu.memory_space<vmem_shared>>) target_semaphore(%arg32 : memref<!tpu.dma_semaphore, #tpu.memory_space<semaphore_mem>>)
    }
    %while3A_36 = arith.constant 1 : i32
    scf.for %while3A_156 = %while3A_34 to %while3A_30 step %while3A_36  : i32 {
      %mul3A_157 = arith.constant 16 : i32
      %mul3A_158 = arith.muli %while3A_156, %mul3A_157 : i32
      %add3A_159 = arith.addi %arg1, %mul3A_158 : i32
      %mul3A_160 = arith.constant 80 : i32
      %mul3A_161 = arith.muli %add3A_159, %mul3A_160 : i32
      %multiple_of3A_162 = tpu.assume_multiple %mul3A_161, 8 : i32
      %dma_start3A_163 = arith.constant 0 : i32
      %dma_start3A_164 = tpu.memref_slice %arg16[%multiple_of3A_162, %dma_start3A_163] : memref<10000x128xf32, #tpu.memory_space<vmem_shared>> -> memref<80x128xf32, #tpu.memory_space<vmem_shared>>
      %dma_start3A_165 = arith.constant 0 : i32
      %dma_start3A_166 = tpu.memref_slice %arg16[%multiple_of3A_162, %dma_start3A_165] : memref<10000x128xf32, #tpu.memory_space<vmem_shared>> -> memref<80x128xf32, #tpu.memory_space<vmem_shared>>
      tpu.enqueue_dma source(%arg15 : memref<80x128xf32, #tpu.memory_space<vmem>>) target(%dma_start3A_166 : memref<80x128xf32, #tpu.memory_space<vmem_shared>>) target_semaphore(%arg32 : memref<!tpu.dma_semaphore, #tpu.memory_space<semaphore_mem>>)
    }
    %while3A_37 = arith.constant 0 : i32
    %while3A_38 = arith.constant 0 : i32
    %while3A_39 = arith.subi %add3A_27, %while3A_38 : i32
    %while3A_40 = arith.addi %while3A_38, %while3A_39 : i32
    %while3A_41 = arith.constant 1 : i32
    %while3A_42 = arith.divsi %while3A_39, %while3A_41 : i32
    %while3A_43 = arith.muli %while3A_42, %while3A_41 : i32
    %while3A_44 = arith.addi %while3A_38, %while3A_43 : i32
    %while3A_45 = arith.constant 1 : i32
    scf.for %while3A_156 = %while3A_38 to %while3A_44 step %while3A_45  : i32 {
      %mul3A_157 = arith.constant 16 : i32
      %mul3A_158 = arith.muli %while3A_156, %mul3A_157 : i32
      %add3A_159 = arith.addi %arg1, %mul3A_158 : i32
      %mul3A_160 = arith.constant 80 : i32
      %mul3A_161 = arith.muli %add3A_159, %mul3A_160 : i32
      %multiple_of3A_162 = tpu.assume_multiple %mul3A_161, 8 : i32
      %dma_wait3A_163 = arith.constant 0 : i32
      %dma_wait3A_164 = tpu.memref_slice %arg16[%multiple_of3A_162, %dma_wait3A_163] : memref<10000x128xf32, #tpu.memory_space<vmem_shared>> -> memref<80x128xf32, #tpu.memory_space<vmem_shared>>
      %dma_wait3A_165 = arith.constant 0 : i32
      %dma_wait3A_166 = tpu.memref_slice %arg16[%multiple_of3A_162, %dma_wait3A_165] : memref<10000x128xf32, #tpu.memory_space<vmem_shared>> -> memref<80x128xf32, #tpu.memory_space<vmem_shared>>
      tpu.wait_dma2 semaphore(%arg32 : memref<!tpu.dma_semaphore, #tpu.memory_space<semaphore_mem>>) src(%arg15 : memref<80x128xf32, #tpu.memory_space<vmem>>) dst(%dma_wait3A_166 : memref<80x128xf32, #tpu.memory_space<vmem_shared>>)
    }
    %while3A_46 = arith.constant 1 : i32
    scf.for %while3A_156 = %while3A_44 to %while3A_40 step %while3A_46  : i32 {
      %mul3A_157 = arith.constant 16 : i32
      %mul3A_158 = arith.muli %while3A_156, %mul3A_157 : i32
      %add3A_159 = arith.addi %arg1, %mul3A_158 : i32
      %mul3A_160 = arith.constant 80 : i32
      %mul3A_161 = arith.muli %add3A_159, %mul3A_160 : i32
      %multiple_of3A_162 = tpu.assume_multiple %mul3A_161, 8 : i32
      %dma_wait3A_163 = arith.constant 0 : i32
      %dma_wait3A_164 = tpu.memref_slice %arg16[%multiple_of3A_162, %dma_wait3A_163] : memref<10000x128xf32, #tpu.memory_space<vmem_shared>> -> memref<80x128xf32, #tpu.memory_space<vmem_shared>>
      %dma_wait3A_165 = arith.constant 0 : i32
      %dma_wait3A_166 = tpu.memref_slice %arg16[%multiple_of3A_162, %dma_wait3A_165] : memref<10000x128xf32, #tpu.memory_space<vmem_shared>> -> memref<80x128xf32, #tpu.memory_space<vmem_shared>>
      tpu.wait_dma2 semaphore(%arg32 : memref<!tpu.dma_semaphore, #tpu.memory_space<semaphore_mem>>) src(%arg15 : memref<80x128xf32, #tpu.memory_space<vmem>>) dst(%dma_wait3A_166 : memref<80x128xf32, #tpu.memory_space<vmem_shared>>)
    }
    %barrier3A = arith.constant 0 : index
    tpu.barrier barrier_id(%barrier3A)
    %add3A_47 = arith.constant 0 : i32
    %add3A_48 = arith.addi %add3A, %add3A_47 : i32
    %multiple_of3A = tpu.assume_multiple %add3A_48, 8 : i32
    %add3A_49 = arith.constant 0 : i32
    %add3A_50 = arith.addi %add3A_49, %add3A : i32
    %add3A_51 = arith.constant 0 : i32
    %add3A_52 = arith.addi %add3A_50, %add3A_51 : i32
    %multiple_of3A_53 = tpu.assume_multiple %add3A_52, 8 : i32
    %dma_start3A = tpu.memref_slice %arg3[%multiple_of3A_53] : memref<320000xi32, #tpu.memory_space<hbm>> -> memref<40xi32, #tpu.memory_space<hbm>>
    %dma_start3A_54 = tpu.memref_slice %arg3[%multiple_of3A_53] : memref<320000xi32, #tpu.memory_space<hbm>> -> memref<40xi32, #tpu.memory_space<hbm>>
    tpu.enqueue_dma source(%dma_start3A_54 : memref<40xi32, #tpu.memory_space<hbm>>) target(%arg5 : memref<40xi32, #tpu.memory_space<vmem>>) target_semaphore(%arg17 : memref<!tpu.dma_semaphore, #tpu.memory_space<semaphore_mem>>)
    %dma_start3A_55 = arith.constant 0 : i32
    %dma_start3A_56 = tpu.memref_slice %arg2[%multiple_of3A, %dma_start3A_55] : memref<160000x128xf32, #tpu.memory_space<hbm>> -> memref<40x128xf32, #tpu.memory_space<hbm>>
    %dma_start3A_57 = arith.constant 0 : i32
    %dma_start3A_58 = tpu.memref_slice %arg2[%multiple_of3A, %dma_start3A_57] : memref<160000x128xf32, #tpu.memory_space<hbm>> -> memref<40x128xf32, #tpu.memory_space<hbm>>
    tpu.enqueue_dma source(%dma_start3A_58 : memref<40x128xf32, #tpu.memory_space<hbm>>) target(%arg10 : memref<40x128xf32, #tpu.memory_space<vmem>>) target_semaphore(%arg22 : memref<!tpu.dma_semaphore, #tpu.memory_space<semaphore_mem>>)
    %add3A_59 = arith.constant 40 : i32
    %add3A_60 = arith.addi %add3A, %add3A_59 : i32
    %multiple_of3A_61 = tpu.assume_multiple %add3A_60, 8 : i32
    %add3A_62 = arith.constant 0 : i32
    %add3A_63 = arith.addi %add3A_62, %add3A : i32
    %add3A_64 = arith.constant 40 : i32
    %add3A_65 = arith.addi %add3A_63, %add3A_64 : i32
    %multiple_of3A_66 = tpu.assume_multiple %add3A_65, 8 : i32
    %dma_start3A_67 = tpu.memref_slice %arg3[%multiple_of3A_66] : memref<320000xi32, #tpu.memory_space<hbm>> -> memref<40xi32, #tpu.memory_space<hbm>>
    %dma_start3A_68 = tpu.memref_slice %arg3[%multiple_of3A_66] : memref<320000xi32, #tpu.memory_space<hbm>> -> memref<40xi32, #tpu.memory_space<hbm>>
    tpu.enqueue_dma source(%dma_start3A_68 : memref<40xi32, #tpu.memory_space<hbm>>) target(%arg6 : memref<40xi32, #tpu.memory_space<vmem>>) target_semaphore(%arg18 : memref<!tpu.dma_semaphore, #tpu.memory_space<semaphore_mem>>)
    %dma_start3A_69 = arith.constant 0 : i32
    %dma_start3A_70 = tpu.memref_slice %arg2[%multiple_of3A_61, %dma_start3A_69] : memref<160000x128xf32, #tpu.memory_space<hbm>> -> memref<40x128xf32, #tpu.memory_space<hbm>>
    %dma_start3A_71 = arith.constant 0 : i32
    %dma_start3A_72 = tpu.memref_slice %arg2[%multiple_of3A_61, %dma_start3A_71] : memref<160000x128xf32, #tpu.memory_space<hbm>> -> memref<40x128xf32, #tpu.memory_space<hbm>>
    tpu.enqueue_dma source(%dma_start3A_72 : memref<40x128xf32, #tpu.memory_space<hbm>>) target(%arg11 : memref<40x128xf32, #tpu.memory_space<vmem>>) target_semaphore(%arg23 : memref<!tpu.dma_semaphore, #tpu.memory_space<semaphore_mem>>)
    %add3A_73 = arith.constant 80 : i32
    %add3A_74 = arith.addi %add3A, %add3A_73 : i32
    %multiple_of3A_75 = tpu.assume_multiple %add3A_74, 8 : i32
    %add3A_76 = arith.constant 0 : i32
    %add3A_77 = arith.addi %add3A_76, %add3A : i32
    %add3A_78 = arith.constant 80 : i32
    %add3A_79 = arith.addi %add3A_77, %add3A_78 : i32
    %multiple_of3A_80 = tpu.assume_multiple %add3A_79, 8 : i32
    %dma_start3A_81 = tpu.memref_slice %arg3[%multiple_of3A_80] : memref<320000xi32, #tpu.memory_space<hbm>> -> memref<40xi32, #tpu.memory_space<hbm>>
    %dma_start3A_82 = tpu.memref_slice %arg3[%multiple_of3A_80] : memref<320000xi32, #tpu.memory_space<hbm>> -> memref<40xi32, #tpu.memory_space<hbm>>
    tpu.enqueue_dma source(%dma_start3A_82 : memref<40xi32, #tpu.memory_space<hbm>>) target(%arg7 : memref<40xi32, #tpu.memory_space<vmem>>) target_semaphore(%arg19 : memref<!tpu.dma_semaphore, #tpu.memory_space<semaphore_mem>>)
    %dma_start3A_83 = arith.constant 0 : i32
    %dma_start3A_84 = tpu.memref_slice %arg2[%multiple_of3A_75, %dma_start3A_83] : memref<160000x128xf32, #tpu.memory_space<hbm>> -> memref<40x128xf32, #tpu.memory_space<hbm>>
    %dma_start3A_85 = arith.constant 0 : i32
    %dma_start3A_86 = tpu.memref_slice %arg2[%multiple_of3A_75, %dma_start3A_85] : memref<160000x128xf32, #tpu.memory_space<hbm>> -> memref<40x128xf32, #tpu.memory_space<hbm>>
    tpu.enqueue_dma source(%dma_start3A_86 : memref<40x128xf32, #tpu.memory_space<hbm>>) target(%arg12 : memref<40x128xf32, #tpu.memory_space<vmem>>) target_semaphore(%arg24 : memref<!tpu.dma_semaphore, #tpu.memory_space<semaphore_mem>>)
    %add3A_87 = arith.constant 120 : i32
    %add3A_88 = arith.addi %add3A, %add3A_87 : i32
    %multiple_of3A_89 = tpu.assume_multiple %add3A_88, 8 : i32
    %add3A_90 = arith.constant 0 : i32
    %add3A_91 = arith.addi %add3A_90, %add3A : i32
    %add3A_92 = arith.constant 120 : i32
    %add3A_93 = arith.addi %add3A_91, %add3A_92 : i32
    %multiple_of3A_94 = tpu.assume_multiple %add3A_93, 8 : i32
    %dma_start3A_95 = tpu.memref_slice %arg3[%multiple_of3A_94] : memref<320000xi32, #tpu.memory_space<hbm>> -> memref<40xi32, #tpu.memory_space<hbm>>
    %dma_start3A_96 = tpu.memref_slice %arg3[%multiple_of3A_94] : memref<320000xi32, #tpu.memory_space<hbm>> -> memref<40xi32, #tpu.memory_space<hbm>>
    tpu.enqueue_dma source(%dma_start3A_96 : memref<40xi32, #tpu.memory_space<hbm>>) target(%arg8 : memref<40xi32, #tpu.memory_space<vmem>>) target_semaphore(%arg20 : memref<!tpu.dma_semaphore, #tpu.memory_space<semaphore_mem>>)
    %dma_start3A_97 = arith.constant 0 : i32
    %dma_start3A_98 = tpu.memref_slice %arg2[%multiple_of3A_89, %dma_start3A_97] : memref<160000x128xf32, #tpu.memory_space<hbm>> -> memref<40x128xf32, #tpu.memory_space<hbm>>
    %dma_start3A_99 = arith.constant 0 : i32
    %dma_start3A_100 = tpu.memref_slice %arg2[%multiple_of3A_89, %dma_start3A_99] : memref<160000x128xf32, #tpu.memory_space<hbm>> -> memref<40x128xf32, #tpu.memory_space<hbm>>
    tpu.enqueue_dma source(%dma_start3A_100 : memref<40x128xf32, #tpu.memory_space<hbm>>) target(%arg13 : memref<40x128xf32, #tpu.memory_space<vmem>>) target_semaphore(%arg25 : memref<!tpu.dma_semaphore, #tpu.memory_space<semaphore_mem>>)
    %add3A_101 = arith.constant 160 : i32
    %add3A_102 = arith.addi %add3A, %add3A_101 : i32
    %multiple_of3A_103 = tpu.assume_multiple %add3A_102, 8 : i32
    %add3A_104 = arith.constant 0 : i32
    %add3A_105 = arith.addi %add3A_104, %add3A : i32
    %add3A_106 = arith.constant 160 : i32
    %add3A_107 = arith.addi %add3A_105, %add3A_106 : i32
    %multiple_of3A_108 = tpu.assume_multiple %add3A_107, 8 : i32
    %dma_start3A_109 = tpu.memref_slice %arg3[%multiple_of3A_108] : memref<320000xi32, #tpu.memory_space<hbm>> -> memref<40xi32, #tpu.memory_space<hbm>>
    %dma_start3A_110 = tpu.memref_slice %arg3[%multiple_of3A_108] : memref<320000xi32, #tpu.memory_space<hbm>> -> memref<40xi32, #tpu.memory_space<hbm>>
    tpu.enqueue_dma source(%dma_start3A_110 : memref<40xi32, #tpu.memory_space<hbm>>) target(%arg9 : memref<40xi32, #tpu.memory_space<vmem>>) target_semaphore(%arg21 : memref<!tpu.dma_semaphore, #tpu.memory_space<semaphore_mem>>)
    %dma_start3A_111 = arith.constant 0 : i32
    %dma_start3A_112 = tpu.memref_slice %arg2[%multiple_of3A_103, %dma_start3A_111] : memref<160000x128xf32, #tpu.memory_space<hbm>> -> memref<40x128xf32, #tpu.memory_space<hbm>>
    %dma_start3A_113 = arith.constant 0 : i32
    %dma_start3A_114 = tpu.memref_slice %arg2[%multiple_of3A_103, %dma_start3A_113] : memref<160000x128xf32, #tpu.memory_space<hbm>> -> memref<40x128xf32, #tpu.memory_space<hbm>>
    tpu.enqueue_dma source(%dma_start3A_114 : memref<40x128xf32, #tpu.memory_space<hbm>>) target(%arg14 : memref<40x128xf32, #tpu.memory_space<vmem>>) target_semaphore(%arg26 : memref<!tpu.dma_semaphore, #tpu.memory_space<semaphore_mem>>)
    %scan3A_115 = arith.constant 0 : i32
    %scan3A_116 = arith.constant 0 : i32
    %scan3A_117 = arith.constant 25 : i32
    %scan3A_118 = arith.addi %scan3A_116, %scan3A_117 : i32
    %scan3A_119 = arith.constant 1 : i32
    scf.for %scan3A_156 = %scan3A_116 to %scan3A_118 step %scan3A_119  : i32 {
      %mul3A_157 = arith.constant 5 : i32
      %mul3A_158 = arith.muli %mul3A_157, %scan3A_156 : i32
      %add3A_159 = arith.constant 0 : i32
      %add3A_160 = arith.addi %mul3A_158, %add3A_159 : i32
      %mul3A_161 = arith.constant 40 : i32
      %mul3A_162 = arith.muli %add3A_160, %mul3A_161 : i32
      %add3A_163 = arith.addi %add3A, %mul3A_162 : i32
      %multiple_of3A_164 = tpu.assume_multiple %add3A_163, 8 : i32
      %add3A_165 = arith.constant 0 : i32
      %add3A_166 = arith.addi %add3A_165, %add3A : i32
      %mul3A_167 = arith.constant 40 : i32
      %mul3A_168 = arith.muli %add3A_160, %mul3A_167 : i32
      %add3A_169 = arith.addi %add3A_166, %mul3A_168 : i32
      %multiple_of3A_170 = tpu.assume_multiple %add3A_169, 8 : i32
      %dma_wait3A_171 = tpu.memref_slice %arg3[%multiple_of3A_170] : memref<320000xi32, #tpu.memory_space<hbm>> -> memref<40xi32, #tpu.memory_space<hbm>>
      %dma_wait3A_172 = tpu.memref_slice %arg3[%multiple_of3A_170] : memref<320000xi32, #tpu.memory_space<hbm>> -> memref<40xi32, #tpu.memory_space<hbm>>
      tpu.wait_dma2 semaphore(%arg17 : memref<!tpu.dma_semaphore, #tpu.memory_space<semaphore_mem>>) src(%dma_wait3A_172 : memref<40xi32, #tpu.memory_space<hbm>>) dst(%arg5 : memref<40xi32, #tpu.memory_space<vmem>>)
      %dma_wait3A_173 = arith.constant 0 : i32
      %dma_wait3A_174 = tpu.memref_slice %arg2[%multiple_of3A_164, %dma_wait3A_173] : memref<160000x128xf32, #tpu.memory_space<hbm>> -> memref<40x128xf32, #tpu.memory_space<hbm>>
      %dma_wait3A_175 = arith.constant 0 : i32
      %dma_wait3A_176 = tpu.memref_slice %arg2[%multiple_of3A_164, %dma_wait3A_175] : memref<160000x128xf32, #tpu.memory_space<hbm>> -> memref<40x128xf32, #tpu.memory_space<hbm>>
      tpu.wait_dma2 semaphore(%arg22 : memref<!tpu.dma_semaphore, #tpu.memory_space<semaphore_mem>>) src(%dma_wait3A_176 : memref<40x128xf32, #tpu.memory_space<hbm>>) dst(%arg10 : memref<40x128xf32, #tpu.memory_space<vmem>>)
      %dma_start3A_177 = arith.constant 0 : i32
      %dma_start3A_178 = arith.constant 0 : i32
      %dma_start3A_179 = tpu.memref_slice %arg16[%dma_start3A_177, %dma_start3A_178] : memref<10000x128xf32, #tpu.memory_space<vmem_shared>> -> memref<10000x128xf32, #tpu.memory_space<vmem_shared>>
      tpu.enqueue_indirect_dma source(%arg10 : memref<40x128xf32, #tpu.memory_space<vmem>>) target(%dma_start3A_179 : memref<10000x128xf32, #tpu.memory_space<vmem_shared>>) offsets(%arg5 : memref<40xi32, #tpu.memory_space<vmem>>) semaphore(%arg27 : memref<!tpu.dma_semaphore, #tpu.memory_space<semaphore_mem>>) {add = true}
      %mul3A_180 = arith.constant 5 : i32
      %mul3A_181 = arith.muli %mul3A_180, %scan3A_156 : i32
      %add3A_182 = arith.constant 1 : i32
      %add3A_183 = arith.addi %mul3A_181, %add3A_182 : i32
      %mul3A_184 = arith.constant 40 : i32
      %mul3A_185 = arith.muli %add3A_183, %mul3A_184 : i32
      %add3A_186 = arith.addi %add3A, %mul3A_185 : i32
      %multiple_of3A_187 = tpu.assume_multiple %add3A_186, 8 : i32
      %add3A_188 = arith.constant 0 : i32
      %add3A_189 = arith.addi %add3A_188, %add3A : i32
      %mul3A_190 = arith.constant 40 : i32
      %mul3A_191 = arith.muli %add3A_183, %mul3A_190 : i32
      %add3A_192 = arith.addi %add3A_189, %mul3A_191 : i32
      %multiple_of3A_193 = tpu.assume_multiple %add3A_192, 8 : i32
      %dma_wait3A_194 = tpu.memref_slice %arg3[%multiple_of3A_193] : memref<320000xi32, #tpu.memory_space<hbm>> -> memref<40xi32, #tpu.memory_space<hbm>>
      %dma_wait3A_195 = tpu.memref_slice %arg3[%multiple_of3A_193] : memref<320000xi32, #tpu.memory_space<hbm>> -> memref<40xi32, #tpu.memory_space<hbm>>
      tpu.wait_dma2 semaphore(%arg18 : memref<!tpu.dma_semaphore, #tpu.memory_space<semaphore_mem>>) src(%dma_wait3A_195 : memref<40xi32, #tpu.memory_space<hbm>>) dst(%arg6 : memref<40xi32, #tpu.memory_space<vmem>>)
      %dma_wait3A_196 = arith.constant 0 : i32
      %dma_wait3A_197 = tpu.memref_slice %arg2[%multiple_of3A_187, %dma_wait3A_196] : memref<160000x128xf32, #tpu.memory_space<hbm>> -> memref<40x128xf32, #tpu.memory_space<hbm>>
      %dma_wait3A_198 = arith.constant 0 : i32
      %dma_wait3A_199 = tpu.memref_slice %arg2[%multiple_of3A_187, %dma_wait3A_198] : memref<160000x128xf32, #tpu.memory_space<hbm>> -> memref<40x128xf32, #tpu.memory_space<hbm>>
      tpu.wait_dma2 semaphore(%arg23 : memref<!tpu.dma_semaphore, #tpu.memory_space<semaphore_mem>>) src(%dma_wait3A_199 : memref<40x128xf32, #tpu.memory_space<hbm>>) dst(%arg11 : memref<40x128xf32, #tpu.memory_space<vmem>>)
      %dma_start3A_200 = arith.constant 0 : i32
      %dma_start3A_201 = arith.constant 0 : i32
      %dma_start3A_202 = tpu.memref_slice %arg16[%dma_start3A_200, %dma_start3A_201] : memref<10000x128xf32, #tpu.memory_space<vmem_shared>> -> memref<10000x128xf32, #tpu.memory_space<vmem_shared>>
      tpu.enqueue_indirect_dma source(%arg11 : memref<40x128xf32, #tpu.memory_space<vmem>>) target(%dma_start3A_202 : memref<10000x128xf32, #tpu.memory_space<vmem_shared>>) offsets(%arg6 : memref<40xi32, #tpu.memory_space<vmem>>) semaphore(%arg28 : memref<!tpu.dma_semaphore, #tpu.memory_space<semaphore_mem>>) {add = true}
      %mul3A_203 = arith.constant 5 : i32
      %mul3A_204 = arith.muli %mul3A_203, %scan3A_156 : i32
      %add3A_205 = arith.constant 2 : i32
      %add3A_206 = arith.addi %mul3A_204, %add3A_205 : i32
      %mul3A_207 = arith.constant 40 : i32
      %mul3A_208 = arith.muli %add3A_206, %mul3A_207 : i32
      %add3A_209 = arith.addi %add3A, %mul3A_208 : i32
      %multiple_of3A_210 = tpu.assume_multiple %add3A_209, 8 : i32
      %add3A_211 = arith.constant 0 : i32
      %add3A_212 = arith.addi %add3A_211, %add3A : i32
      %mul3A_213 = arith.constant 40 : i32
      %mul3A_214 = arith.muli %add3A_206, %mul3A_213 : i32
      %add3A_215 = arith.addi %add3A_212, %mul3A_214 : i32
      %multiple_of3A_216 = tpu.assume_multiple %add3A_215, 8 : i32
      %dma_wait3A_217 = tpu.memref_slice %arg3[%multiple_of3A_216] : memref<320000xi32, #tpu.memory_space<hbm>> -> memref<40xi32, #tpu.memory_space<hbm>>
      %dma_wait3A_218 = tpu.memref_slice %arg3[%multiple_of3A_216] : memref<320000xi32, #tpu.memory_space<hbm>> -> memref<40xi32, #tpu.memory_space<hbm>>
      tpu.wait_dma2 semaphore(%arg19 : memref<!tpu.dma_semaphore, #tpu.memory_space<semaphore_mem>>) src(%dma_wait3A_218 : memref<40xi32, #tpu.memory_space<hbm>>) dst(%arg7 : memref<40xi32, #tpu.memory_space<vmem>>)
      %dma_wait3A_219 = arith.constant 0 : i32
      %dma_wait3A_220 = tpu.memref_slice %arg2[%multiple_of3A_210, %dma_wait3A_219] : memref<160000x128xf32, #tpu.memory_space<hbm>> -> memref<40x128xf32, #tpu.memory_space<hbm>>
      %dma_wait3A_221 = arith.constant 0 : i32
      %dma_wait3A_222 = tpu.memref_slice %arg2[%multiple_of3A_210, %dma_wait3A_221] : memref<160000x128xf32, #tpu.memory_space<hbm>> -> memref<40x128xf32, #tpu.memory_space<hbm>>
      tpu.wait_dma2 semaphore(%arg24 : memref<!tpu.dma_semaphore, #tpu.memory_space<semaphore_mem>>) src(%dma_wait3A_222 : memref<40x128xf32, #tpu.memory_space<hbm>>) dst(%arg12 : memref<40x128xf32, #tpu.memory_space<vmem>>)
      %dma_start3A_223 = arith.constant 0 : i32
      %dma_start3A_224 = arith.constant 0 : i32
      %dma_start3A_225 = tpu.memref_slice %arg16[%dma_start3A_223, %dma_start3A_224] : memref<10000x128xf32, #tpu.memory_space<vmem_shared>> -> memref<10000x128xf32, #tpu.memory_space<vmem_shared>>
      tpu.enqueue_indirect_dma source(%arg12 : memref<40x128xf32, #tpu.memory_space<vmem>>) target(%dma_start3A_225 : memref<10000x128xf32, #tpu.memory_space<vmem_shared>>) offsets(%arg7 : memref<40xi32, #tpu.memory_space<vmem>>) semaphore(%arg29 : memref<!tpu.dma_semaphore, #tpu.memory_space<semaphore_mem>>) {add = true}
      %mul3A_226 = arith.constant 5 : i32
      %mul3A_227 = arith.muli %mul3A_226, %scan3A_156 : i32
      %add3A_228 = arith.constant 3 : i32
      %add3A_229 = arith.addi %mul3A_227, %add3A_228 : i32
      %mul3A_230 = arith.constant 40 : i32
      %mul3A_231 = arith.muli %add3A_229, %mul3A_230 : i32
      %add3A_232 = arith.addi %add3A, %mul3A_231 : i32
      %multiple_of3A_233 = tpu.assume_multiple %add3A_232, 8 : i32
      %add3A_234 = arith.constant 0 : i32
      %add3A_235 = arith.addi %add3A_234, %add3A : i32
      %mul3A_236 = arith.constant 40 : i32
      %mul3A_237 = arith.muli %add3A_229, %mul3A_236 : i32
      %add3A_238 = arith.addi %add3A_235, %mul3A_237 : i32
      %multiple_of3A_239 = tpu.assume_multiple %add3A_238, 8 : i32
      %dma_wait3A_240 = tpu.memref_slice %arg3[%multiple_of3A_239] : memref<320000xi32, #tpu.memory_space<hbm>> -> memref<40xi32, #tpu.memory_space<hbm>>
      %dma_wait3A_241 = tpu.memref_slice %arg3[%multiple_of3A_239] : memref<320000xi32, #tpu.memory_space<hbm>> -> memref<40xi32, #tpu.memory_space<hbm>>
      tpu.wait_dma2 semaphore(%arg20 : memref<!tpu.dma_semaphore, #tpu.memory_space<semaphore_mem>>) src(%dma_wait3A_241 : memref<40xi32, #tpu.memory_space<hbm>>) dst(%arg8 : memref<40xi32, #tpu.memory_space<vmem>>)
      %dma_wait3A_242 = arith.constant 0 : i32
      %dma_wait3A_243 = tpu.memref_slice %arg2[%multiple_of3A_233, %dma_wait3A_242] : memref<160000x128xf32, #tpu.memory_space<hbm>> -> memref<40x128xf32, #tpu.memory_space<hbm>>
      %dma_wait3A_244 = arith.constant 0 : i32
      %dma_wait3A_245 = tpu.memref_slice %arg2[%multiple_of3A_233, %dma_wait3A_244] : memref<160000x128xf32, #tpu.memory_space<hbm>> -> memref<40x128xf32, #tpu.memory_space<hbm>>
      tpu.wait_dma2 semaphore(%arg25 : memref<!tpu.dma_semaphore, #tpu.memory_space<semaphore_mem>>) src(%dma_wait3A_245 : memref<40x128xf32, #tpu.memory_space<hbm>>) dst(%arg13 : memref<40x128xf32, #tpu.memory_space<vmem>>)
      %dma_start3A_246 = arith.constant 0 : i32
      %dma_start3A_247 = arith.constant 0 : i32
      %dma_start3A_248 = tpu.memref_slice %arg16[%dma_start3A_246, %dma_start3A_247] : memref<10000x128xf32, #tpu.memory_space<vmem_shared>> -> memref<10000x128xf32, #tpu.memory_space<vmem_shared>>
      tpu.enqueue_indirect_dma source(%arg13 : memref<40x128xf32, #tpu.memory_space<vmem>>) target(%dma_start3A_248 : memref<10000x128xf32, #tpu.memory_space<vmem_shared>>) offsets(%arg8 : memref<40xi32, #tpu.memory_space<vmem>>) semaphore(%arg30 : memref<!tpu.dma_semaphore, #tpu.memory_space<semaphore_mem>>) {add = true}
      %mul3A_249 = arith.constant 5 : i32
      %mul3A_250 = arith.muli %mul3A_249, %scan3A_156 : i32
      %add3A_251 = arith.constant 4 : i32
      %add3A_252 = arith.addi %mul3A_250, %add3A_251 : i32
      %mul3A_253 = arith.constant 40 : i32
      %mul3A_254 = arith.muli %add3A_252, %mul3A_253 : i32
      %add3A_255 = arith.addi %add3A, %mul3A_254 : i32
      %multiple_of3A_256 = tpu.assume_multiple %add3A_255, 8 : i32
      %add3A_257 = arith.constant 0 : i32
      %add3A_258 = arith.addi %add3A_257, %add3A : i32
      %mul3A_259 = arith.constant 40 : i32
      %mul3A_260 = arith.muli %add3A_252, %mul3A_259 : i32
      %add3A_261 = arith.addi %add3A_258, %mul3A_260 : i32
      %multiple_of3A_262 = tpu.assume_multiple %add3A_261, 8 : i32
      %dma_wait3A_263 = tpu.memref_slice %arg3[%multiple_of3A_262] : memref<320000xi32, #tpu.memory_space<hbm>> -> memref<40xi32, #tpu.memory_space<hbm>>
      %dma_wait3A_264 = tpu.memref_slice %arg3[%multiple_of3A_262] : memref<320000xi32, #tpu.memory_space<hbm>> -> memref<40xi32, #tpu.memory_space<hbm>>
      tpu.wait_dma2 semaphore(%arg21 : memref<!tpu.dma_semaphore, #tpu.memory_space<semaphore_mem>>) src(%dma_wait3A_264 : memref<40xi32, #tpu.memory_space<hbm>>) dst(%arg9 : memref<40xi32, #tpu.memory_space<vmem>>)
      %dma_wait3A_265 = arith.constant 0 : i32
      %dma_wait3A_266 = tpu.memref_slice %arg2[%multiple_of3A_256, %dma_wait3A_265] : memref<160000x128xf32, #tpu.memory_space<hbm>> -> memref<40x128xf32, #tpu.memory_space<hbm>>
      %dma_wait3A_267 = arith.constant 0 : i32
      %dma_wait3A_268 = tpu.memref_slice %arg2[%multiple_of3A_256, %dma_wait3A_267] : memref<160000x128xf32, #tpu.memory_space<hbm>> -> memref<40x128xf32, #tpu.memory_space<hbm>>
      tpu.wait_dma2 semaphore(%arg26 : memref<!tpu.dma_semaphore, #tpu.memory_space<semaphore_mem>>) src(%dma_wait3A_268 : memref<40x128xf32, #tpu.memory_space<hbm>>) dst(%arg14 : memref<40x128xf32, #tpu.memory_space<vmem>>)
      %dma_start3A_269 = arith.constant 0 : i32
      %dma_start3A_270 = arith.constant 0 : i32
      %dma_start3A_271 = tpu.memref_slice %arg16[%dma_start3A_269, %dma_start3A_270] : memref<10000x128xf32, #tpu.memory_space<vmem_shared>> -> memref<10000x128xf32, #tpu.memory_space<vmem_shared>>
      tpu.enqueue_indirect_dma source(%arg14 : memref<40x128xf32, #tpu.memory_space<vmem>>) target(%dma_start3A_271 : memref<10000x128xf32, #tpu.memory_space<vmem_shared>>) offsets(%arg9 : memref<40xi32, #tpu.memory_space<vmem>>) semaphore(%arg31 : memref<!tpu.dma_semaphore, #tpu.memory_space<semaphore_mem>>) {add = true}
      %mul3A_272 = arith.constant 5 : i32
      %mul3A_273 = arith.muli %mul3A_272, %scan3A_156 : i32
      %add3A_274 = arith.constant 0 : i32
      %add3A_275 = arith.addi %mul3A_273, %add3A_274 : i32
      %add3A_276 = arith.constant 5 : i32
      %add3A_277 = arith.addi %add3A_275, %add3A_276 : i32
      %lt3A = arith.constant 125 : i32
      %lt3A_278 = arith.cmpi slt, %add3A_277, %lt3A : i32
      %convert_element_type3A = arith.extui %lt3A_278 : i1 to i32
      %cond3A = arith.constant 0 : i32
      %cond3A_279 = arith.cmpi ne, %convert_element_type3A, %cond3A : i32
      scf.if %cond3A_279 {
        %add3A_324 = arith.constant 5 : i32
        %add3A_325 = arith.addi %add3A_275, %add3A_324 : i32
        %mul3A_326 = arith.constant 40 : i32
        %mul3A_327 = arith.muli %add3A_325, %mul3A_326 : i32
        %add3A_328 = arith.addi %add3A, %mul3A_327 : i32
        %multiple_of3A_329 = tpu.assume_multiple %add3A_328, 8 : i32
        %dma_wait3A_330 = arith.constant 0 : i32
        %dma_wait3A_331 = arith.constant 0 : i32
        %dma_wait3A_332 = tpu.memref_slice %arg16[%dma_wait3A_330, %dma_wait3A_331] : memref<10000x128xf32, #tpu.memory_space<vmem_shared>> -> memref<10000x128xf32, #tpu.memory_space<vmem_shared>>
        tpu.wait_indirect_dma semaphore(%arg27 : memref<!tpu.dma_semaphore, #tpu.memory_space<semaphore_mem>>) src(%arg10 : memref<40x128xf32, #tpu.memory_space<vmem>>) dst(%dma_wait3A_332 : memref<10000x128xf32, #tpu.memory_space<vmem_shared>>)
        %add3A_333 = arith.constant 5 : i32
        %add3A_334 = arith.addi %add3A_275, %add3A_333 : i32
        %add3A_335 = arith.constant 0 : i32
        %add3A_336 = arith.addi %add3A_335, %add3A : i32
        %mul3A_337 = arith.constant 40 : i32
        %mul3A_338 = arith.muli %add3A_334, %mul3A_337 : i32
        %add3A_339 = arith.addi %add3A_336, %mul3A_338 : i32
        %multiple_of3A_340 = tpu.assume_multiple %add3A_339, 8 : i32
        %dma_start3A_341 = tpu.memref_slice %arg3[%multiple_of3A_340] : memref<320000xi32, #tpu.memory_space<hbm>> -> memref<40xi32, #tpu.memory_space<hbm>>
        %dma_start3A_342 = tpu.memref_slice %arg3[%multiple_of3A_340] : memref<320000xi32, #tpu.memory_space<hbm>> -> memref<40xi32, #tpu.memory_space<hbm>>
        tpu.enqueue_dma source(%dma_start3A_342 : memref<40xi32, #tpu.memory_space<hbm>>) target(%arg5 : memref<40xi32, #tpu.memory_space<vmem>>) target_semaphore(%arg17 : memref<!tpu.dma_semaphore, #tpu.memory_space<semaphore_mem>>)
        %dma_start3A_343 = arith.constant 0 : i32
        %dma_start3A_344 = tpu.memref_slice %arg2[%multiple_of3A_329, %dma_start3A_343] : memref<160000x128xf32, #tpu.memory_space<hbm>> -> memref<40x128xf32, #tpu.memory_space<hbm>>
        %dma_start3A_345 = arith.constant 0 : i32
        %dma_start3A_346 = tpu.memref_slice %arg2[%multiple_of3A_329, %dma_start3A_345] : memref<160000x128xf32, #tpu.memory_space<hbm>> -> memref<40x128xf32, #tpu.memory_space<hbm>>
        tpu.enqueue_dma source(%dma_start3A_346 : memref<40x128xf32, #tpu.memory_space<hbm>>) target(%arg10 : memref<40x128xf32, #tpu.memory_space<vmem>>) target_semaphore(%arg22 : memref<!tpu.dma_semaphore, #tpu.memory_space<semaphore_mem>>)
      } else {
      }
      %mul3A_280 = arith.constant 5 : i32
      %mul3A_281 = arith.muli %mul3A_280, %scan3A_156 : i32
      %add3A_282 = arith.constant 1 : i32
      %add3A_283 = arith.addi %mul3A_281, %add3A_282 : i32
      %add3A_284 = arith.constant 5 : i32
      %add3A_285 = arith.addi %add3A_283, %add3A_284 : i32
      %lt3A_286 = arith.constant 125 : i32
      %lt3A_287 = arith.cmpi slt, %add3A_285, %lt3A_286 : i32
      %convert_element_type3A_288 = arith.extui %lt3A_287 : i1 to i32
      %cond3A_289 = arith.constant 0 : i32
      %cond3A_290 = arith.cmpi ne, %convert_element_type3A_288, %cond3A_289 : i32
      scf.if %cond3A_290 {
        %add3A_324 = arith.constant 5 : i32
        %add3A_325 = arith.addi %add3A_283, %add3A_324 : i32
        %mul3A_326 = arith.constant 40 : i32
        %mul3A_327 = arith.muli %add3A_325, %mul3A_326 : i32
        %add3A_328 = arith.addi %add3A, %mul3A_327 : i32
        %multiple_of3A_329 = tpu.assume_multiple %add3A_328, 8 : i32
        %dma_wait3A_330 = arith.constant 0 : i32
        %dma_wait3A_331 = arith.constant 0 : i32
        %dma_wait3A_332 = tpu.memref_slice %arg16[%dma_wait3A_330, %dma_wait3A_331] : memref<10000x128xf32, #tpu.memory_space<vmem_shared>> -> memref<10000x128xf32, #tpu.memory_space<vmem_shared>>
        tpu.wait_indirect_dma semaphore(%arg28 : memref<!tpu.dma_semaphore, #tpu.memory_space<semaphore_mem>>) src(%arg11 : memref<40x128xf32, #tpu.memory_space<vmem>>) dst(%dma_wait3A_332 : memref<10000x128xf32, #tpu.memory_space<vmem_shared>>)
        %add3A_333 = arith.constant 5 : i32
        %add3A_334 = arith.addi %add3A_283, %add3A_333 : i32
        %add3A_335 = arith.constant 0 : i32
        %add3A_336 = arith.addi %add3A_335, %add3A : i32
        %mul3A_337 = arith.constant 40 : i32
        %mul3A_338 = arith.muli %add3A_334, %mul3A_337 : i32
        %add3A_339 = arith.addi %add3A_336, %mul3A_338 : i32
        %multiple_of3A_340 = tpu.assume_multiple %add3A_339, 8 : i32
        %dma_start3A_341 = tpu.memref_slice %arg3[%multiple_of3A_340] : memref<320000xi32, #tpu.memory_space<hbm>> -> memref<40xi32, #tpu.memory_space<hbm>>
        %dma_start3A_342 = tpu.memref_slice %arg3[%multiple_of3A_340] : memref<320000xi32, #tpu.memory_space<hbm>> -> memref<40xi32, #tpu.memory_space<hbm>>
        tpu.enqueue_dma source(%dma_start3A_342 : memref<40xi32, #tpu.memory_space<hbm>>) target(%arg6 : memref<40xi32, #tpu.memory_space<vmem>>) target_semaphore(%arg18 : memref<!tpu.dma_semaphore, #tpu.memory_space<semaphore_mem>>)
        %dma_start3A_343 = arith.constant 0 : i32
        %dma_start3A_344 = tpu.memref_slice %arg2[%multiple_of3A_329, %dma_start3A_343] : memref<160000x128xf32, #tpu.memory_space<hbm>> -> memref<40x128xf32, #tpu.memory_space<hbm>>
        %dma_start3A_345 = arith.constant 0 : i32
        %dma_start3A_346 = tpu.memref_slice %arg2[%multiple_of3A_329, %dma_start3A_345] : memref<160000x128xf32, #tpu.memory_space<hbm>> -> memref<40x128xf32, #tpu.memory_space<hbm>>
        tpu.enqueue_dma source(%dma_start3A_346 : memref<40x128xf32, #tpu.memory_space<hbm>>) target(%arg11 : memref<40x128xf32, #tpu.memory_space<vmem>>) target_semaphore(%arg23 : memref<!tpu.dma_semaphore, #tpu.memory_space<semaphore_mem>>)
      } else {
      }
      %mul3A_291 = arith.constant 5 : i32
      %mul3A_292 = arith.muli %mul3A_291, %scan3A_156 : i32
      %add3A_293 = arith.constant 2 : i32
      %add3A_294 = arith.addi %mul3A_292, %add3A_293 : i32
      %add3A_295 = arith.constant 5 : i32
      %add3A_296 = arith.addi %add3A_294, %add3A_295 : i32
      %lt3A_297 = arith.constant 125 : i32
      %lt3A_298 = arith.cmpi slt, %add3A_296, %lt3A_297 : i32
      %convert_element_type3A_299 = arith.extui %lt3A_298 : i1 to i32
      %cond3A_300 = arith.constant 0 : i32
      %cond3A_301 = arith.cmpi ne, %convert_element_type3A_299, %cond3A_300 : i32
      scf.if %cond3A_301 {
        %add3A_324 = arith.constant 5 : i32
        %add3A_325 = arith.addi %add3A_294, %add3A_324 : i32
        %mul3A_326 = arith.constant 40 : i32
        %mul3A_327 = arith.muli %add3A_325, %mul3A_326 : i32
        %add3A_328 = arith.addi %add3A, %mul3A_327 : i32
        %multiple_of3A_329 = tpu.assume_multiple %add3A_328, 8 : i32
        %dma_wait3A_330 = arith.constant 0 : i32
        %dma_wait3A_331 = arith.constant 0 : i32
        %dma_wait3A_332 = tpu.memref_slice %arg16[%dma_wait3A_330, %dma_wait3A_331] : memref<10000x128xf32, #tpu.memory_space<vmem_shared>> -> memref<10000x128xf32, #tpu.memory_space<vmem_shared>>
        tpu.wait_indirect_dma semaphore(%arg29 : memref<!tpu.dma_semaphore, #tpu.memory_space<semaphore_mem>>) src(%arg12 : memref<40x128xf32, #tpu.memory_space<vmem>>) dst(%dma_wait3A_332 : memref<10000x128xf32, #tpu.memory_space<vmem_shared>>)
        %add3A_333 = arith.constant 5 : i32
        %add3A_334 = arith.addi %add3A_294, %add3A_333 : i32
        %add3A_335 = arith.constant 0 : i32
        %add3A_336 = arith.addi %add3A_335, %add3A : i32
        %mul3A_337 = arith.constant 40 : i32
        %mul3A_338 = arith.muli %add3A_334, %mul3A_337 : i32
        %add3A_339 = arith.addi %add3A_336, %mul3A_338 : i32
        %multiple_of3A_340 = tpu.assume_multiple %add3A_339, 8 : i32
        %dma_start3A_341 = tpu.memref_slice %arg3[%multiple_of3A_340] : memref<320000xi32, #tpu.memory_space<hbm>> -> memref<40xi32, #tpu.memory_space<hbm>>
        %dma_start3A_342 = tpu.memref_slice %arg3[%multiple_of3A_340] : memref<320000xi32, #tpu.memory_space<hbm>> -> memref<40xi32, #tpu.memory_space<hbm>>
        tpu.enqueue_dma source(%dma_start3A_342 : memref<40xi32, #tpu.memory_space<hbm>>) target(%arg7 : memref<40xi32, #tpu.memory_space<vmem>>) target_semaphore(%arg19 : memref<!tpu.dma_semaphore, #tpu.memory_space<semaphore_mem>>)
        %dma_start3A_343 = arith.constant 0 : i32
        %dma_start3A_344 = tpu.memref_slice %arg2[%multiple_of3A_329, %dma_start3A_343] : memref<160000x128xf32, #tpu.memory_space<hbm>> -> memref<40x128xf32, #tpu.memory_space<hbm>>
        %dma_start3A_345 = arith.constant 0 : i32
        %dma_start3A_346 = tpu.memref_slice %arg2[%multiple_of3A_329, %dma_start3A_345] : memref<160000x128xf32, #tpu.memory_space<hbm>> -> memref<40x128xf32, #tpu.memory_space<hbm>>
        tpu.enqueue_dma source(%dma_start3A_346 : memref<40x128xf32, #tpu.memory_space<hbm>>) target(%arg12 : memref<40x128xf32, #tpu.memory_space<vmem>>) target_semaphore(%arg24 : memref<!tpu.dma_semaphore, #tpu.memory_space<semaphore_mem>>)
      } else {
      }
      %mul3A_302 = arith.constant 5 : i32
      %mul3A_303 = arith.muli %mul3A_302, %scan3A_156 : i32
      %add3A_304 = arith.constant 3 : i32
      %add3A_305 = arith.addi %mul3A_303, %add3A_304 : i32
      %add3A_306 = arith.constant 5 : i32
      %add3A_307 = arith.addi %add3A_305, %add3A_306 : i32
      %lt3A_308 = arith.constant 125 : i32
      %lt3A_309 = arith.cmpi slt, %add3A_307, %lt3A_308 : i32
      %convert_element_type3A_310 = arith.extui %lt3A_309 : i1 to i32
      %cond3A_311 = arith.constant 0 : i32
      %cond3A_312 = arith.cmpi ne, %convert_element_type3A_310, %cond3A_311 : i32
      scf.if %cond3A_312 {
        %add3A_324 = arith.constant 5 : i32
        %add3A_325 = arith.addi %add3A_305, %add3A_324 : i32
        %mul3A_326 = arith.constant 40 : i32
        %mul3A_327 = arith.muli %add3A_325, %mul3A_326 : i32
        %add3A_328 = arith.addi %add3A, %mul3A_327 : i32
        %multiple_of3A_329 = tpu.assume_multiple %add3A_328, 8 : i32
        %dma_wait3A_330 = arith.constant 0 : i32
        %dma_wait3A_331 = arith.constant 0 : i32
        %dma_wait3A_332 = tpu.memref_slice %arg16[%dma_wait3A_330, %dma_wait3A_331] : memref<10000x128xf32, #tpu.memory_space<vmem_shared>> -> memref<10000x128xf32, #tpu.memory_space<vmem_shared>>
        tpu.wait_indirect_dma semaphore(%arg30 : memref<!tpu.dma_semaphore, #tpu.memory_space<semaphore_mem>>) src(%arg13 : memref<40x128xf32, #tpu.memory_space<vmem>>) dst(%dma_wait3A_332 : memref<10000x128xf32, #tpu.memory_space<vmem_shared>>)
        %add3A_333 = arith.constant 5 : i32
        %add3A_334 = arith.addi %add3A_305, %add3A_333 : i32
        %add3A_335 = arith.constant 0 : i32
        %add3A_336 = arith.addi %add3A_335, %add3A : i32
        %mul3A_337 = arith.constant 40 : i32
        %mul3A_338 = arith.muli %add3A_334, %mul3A_337 : i32
        %add3A_339 = arith.addi %add3A_336, %mul3A_338 : i32
        %multiple_of3A_340 = tpu.assume_multiple %add3A_339, 8 : i32
        %dma_start3A_341 = tpu.memref_slice %arg3[%multiple_of3A_340] : memref<320000xi32, #tpu.memory_space<hbm>> -> memref<40xi32, #tpu.memory_space<hbm>>
        %dma_start3A_342 = tpu.memref_slice %arg3[%multiple_of3A_340] : memref<320000xi32, #tpu.memory_space<hbm>> -> memref<40xi32, #tpu.memory_space<hbm>>
        tpu.enqueue_dma source(%dma_start3A_342 : memref<40xi32, #tpu.memory_space<hbm>>) target(%arg8 : memref<40xi32, #tpu.memory_space<vmem>>) target_semaphore(%arg20 : memref<!tpu.dma_semaphore, #tpu.memory_space<semaphore_mem>>)
        %dma_start3A_343 = arith.constant 0 : i32
        %dma_start3A_344 = tpu.memref_slice %arg2[%multiple_of3A_329, %dma_start3A_343] : memref<160000x128xf32, #tpu.memory_space<hbm>> -> memref<40x128xf32, #tpu.memory_space<hbm>>
        %dma_start3A_345 = arith.constant 0 : i32
        %dma_start3A_346 = tpu.memref_slice %arg2[%multiple_of3A_329, %dma_start3A_345] : memref<160000x128xf32, #tpu.memory_space<hbm>> -> memref<40x128xf32, #tpu.memory_space<hbm>>
        tpu.enqueue_dma source(%dma_start3A_346 : memref<40x128xf32, #tpu.memory_space<hbm>>) target(%arg13 : memref<40x128xf32, #tpu.memory_space<vmem>>) target_semaphore(%arg25 : memref<!tpu.dma_semaphore, #tpu.memory_space<semaphore_mem>>)
      } else {
      }
      %mul3A_313 = arith.constant 5 : i32
      %mul3A_314 = arith.muli %mul3A_313, %scan3A_156 : i32
      %add3A_315 = arith.constant 4 : i32
      %add3A_316 = arith.addi %mul3A_314, %add3A_315 : i32
      %add3A_317 = arith.constant 5 : i32
      %add3A_318 = arith.addi %add3A_316, %add3A_317 : i32
      %lt3A_319 = arith.constant 125 : i32
      %lt3A_320 = arith.cmpi slt, %add3A_318, %lt3A_319 : i32
      %convert_element_type3A_321 = arith.extui %lt3A_320 : i1 to i32
      %cond3A_322 = arith.constant 0 : i32
      %cond3A_323 = arith.cmpi ne, %convert_element_type3A_321, %cond3A_322 : i32
      scf.if %cond3A_323 {
        %add3A_324 = arith.constant 5 : i32
        %add3A_325 = arith.addi %add3A_316, %add3A_324 : i32
        %mul3A_326 = arith.constant 40 : i32
        %mul3A_327 = arith.muli %add3A_325, %mul3A_326 : i32
        %add3A_328 = arith.addi %add3A, %mul3A_327 : i32
        %multiple_of3A_329 = tpu.assume_multiple %add3A_328, 8 : i32
        %dma_wait3A_330 = arith.constant 0 : i32
        %dma_wait3A_331 = arith.constant 0 : i32
        %dma_wait3A_332 = tpu.memref_slice %arg16[%dma_wait3A_330, %dma_wait3A_331] : memref<10000x128xf32, #tpu.memory_space<vmem_shared>> -> memref<10000x128xf32, #tpu.memory_space<vmem_shared>>
        tpu.wait_indirect_dma semaphore(%arg31 : memref<!tpu.dma_semaphore, #tpu.memory_space<semaphore_mem>>) src(%arg14 : memref<40x128xf32, #tpu.memory_space<vmem>>) dst(%dma_wait3A_332 : memref<10000x128xf32, #tpu.memory_space<vmem_shared>>)
        %add3A_333 = arith.constant 5 : i32
        %add3A_334 = arith.addi %add3A_316, %add3A_333 : i32
        %add3A_335 = arith.constant 0 : i32
        %add3A_336 = arith.addi %add3A_335, %add3A : i32
        %mul3A_337 = arith.constant 40 : i32
        %mul3A_338 = arith.muli %add3A_334, %mul3A_337 : i32
        %add3A_339 = arith.addi %add3A_336, %mul3A_338 : i32
        %multiple_of3A_340 = tpu.assume_multiple %add3A_339, 8 : i32
        %dma_start3A_341 = tpu.memref_slice %arg3[%multiple_of3A_340] : memref<320000xi32, #tpu.memory_space<hbm>> -> memref<40xi32, #tpu.memory_space<hbm>>
        %dma_start3A_342 = tpu.memref_slice %arg3[%multiple_of3A_340] : memref<320000xi32, #tpu.memory_space<hbm>> -> memref<40xi32, #tpu.memory_space<hbm>>
        tpu.enqueue_dma source(%dma_start3A_342 : memref<40xi32, #tpu.memory_space<hbm>>) target(%arg9 : memref<40xi32, #tpu.memory_space<vmem>>) target_semaphore(%arg21 : memref<!tpu.dma_semaphore, #tpu.memory_space<semaphore_mem>>)
        %dma_start3A_343 = arith.constant 0 : i32
        %dma_start3A_344 = tpu.memref_slice %arg2[%multiple_of3A_329, %dma_start3A_343] : memref<160000x128xf32, #tpu.memory_space<hbm>> -> memref<40x128xf32, #tpu.memory_space<hbm>>
        %dma_start3A_345 = arith.constant 0 : i32
        %dma_start3A_346 = tpu.memref_slice %arg2[%multiple_of3A_329, %dma_start3A_345] : memref<160000x128xf32, #tpu.memory_space<hbm>> -> memref<40x128xf32, #tpu.memory_space<hbm>>
        tpu.enqueue_dma source(%dma_start3A_346 : memref<40x128xf32, #tpu.memory_space<hbm>>) target(%arg14 : memref<40x128xf32, #tpu.memory_space<vmem>>) target_semaphore(%arg26 : memref<!tpu.dma_semaphore, #tpu.memory_space<semaphore_mem>>)
      } else {
      }
    }
    %scan3A_120 = arith.constant 25 : i32
    %dma_wait3A = arith.constant 0 : i32
    %dma_wait3A_121 = arith.constant 0 : i32
    %dma_wait3A_122 = tpu.memref_slice %arg16[%dma_wait3A, %dma_wait3A_121] : memref<10000x128xf32, #tpu.memory_space<vmem_shared>> -> memref<10000x128xf32, #tpu.memory_space<vmem_shared>>
    tpu.wait_indirect_dma semaphore(%arg27 : memref<!tpu.dma_semaphore, #tpu.memory_space<semaphore_mem>>) src(%arg10 : memref<40x128xf32, #tpu.memory_space<vmem>>) dst(%dma_wait3A_122 : memref<10000x128xf32, #tpu.memory_space<vmem_shared>>)
    %dma_wait3A_123 = arith.constant 0 : i32
    %dma_wait3A_124 = arith.constant 0 : i32
    %dma_wait3A_125 = tpu.memref_slice %arg16[%dma_wait3A_123, %dma_wait3A_124] : memref<10000x128xf32, #tpu.memory_space<vmem_shared>> -> memref<10000x128xf32, #tpu.memory_space<vmem_shared>>
    tpu.wait_indirect_dma semaphore(%arg28 : memref<!tpu.dma_semaphore, #tpu.memory_space<semaphore_mem>>) src(%arg11 : memref<40x128xf32, #tpu.memory_space<vmem>>) dst(%dma_wait3A_125 : memref<10000x128xf32, #tpu.memory_space<vmem_shared>>)
    %dma_wait3A_126 = arith.constant 0 : i32
    %dma_wait3A_127 = arith.constant 0 : i32
    %dma_wait3A_128 = tpu.memref_slice %arg16[%dma_wait3A_126, %dma_wait3A_127] : memref<10000x128xf32, #tpu.memory_space<vmem_shared>> -> memref<10000x128xf32, #tpu.memory_space<vmem_shared>>
    tpu.wait_indirect_dma semaphore(%arg29 : memref<!tpu.dma_semaphore, #tpu.memory_space<semaphore_mem>>) src(%arg12 : memref<40x128xf32, #tpu.memory_space<vmem>>) dst(%dma_wait3A_128 : memref<10000x128xf32, #tpu.memory_space<vmem_shared>>)
    %dma_wait3A_129 = arith.constant 0 : i32
    %dma_wait3A_130 = arith.constant 0 : i32
    %dma_wait3A_131 = tpu.memref_slice %arg16[%dma_wait3A_129, %dma_wait3A_130] : memref<10000x128xf32, #tpu.memory_space<vmem_shared>> -> memref<10000x128xf32, #tpu.memory_space<vmem_shared>>
    tpu.wait_indirect_dma semaphore(%arg30 : memref<!tpu.dma_semaphore, #tpu.memory_space<semaphore_mem>>) src(%arg13 : memref<40x128xf32, #tpu.memory_space<vmem>>) dst(%dma_wait3A_131 : memref<10000x128xf32, #tpu.memory_space<vmem_shared>>)
    %dma_wait3A_132 = arith.constant 0 : i32
    %dma_wait3A_133 = arith.constant 0 : i32
    %dma_wait3A_134 = tpu.memref_slice %arg16[%dma_wait3A_132, %dma_wait3A_133] : memref<10000x128xf32, #tpu.memory_space<vmem_shared>> -> memref<10000x128xf32, #tpu.memory_space<vmem_shared>>
    tpu.wait_indirect_dma semaphore(%arg31 : memref<!tpu.dma_semaphore, #tpu.memory_space<semaphore_mem>>) src(%arg14 : memref<40x128xf32, #tpu.memory_space<vmem>>) dst(%dma_wait3A_134 : memref<10000x128xf32, #tpu.memory_space<vmem_shared>>)
    %barrier3A_135 = arith.constant 0 : index
    tpu.barrier barrier_id(%barrier3A_135)
    %while3A_136 = arith.constant 0 : i32
    %while3A_137 = arith.constant 0 : i32
    %while3A_138 = arith.subi %add3A_27, %while3A_137 : i32
    %while3A_139 = arith.addi %while3A_137, %while3A_138 : i32
    %while3A_140 = arith.constant 1 : i32
    %while3A_141 = arith.divsi %while3A_138, %while3A_140 : i32
    %while3A_142 = arith.muli %while3A_141, %while3A_140 : i32
    %while3A_143 = arith.addi %while3A_137, %while3A_142 : i32
    %while3A_144 = arith.constant 1 : i32
    scf.for %while3A_156 = %while3A_137 to %while3A_143 step %while3A_144  : i32 {
      %mul3A_157 = arith.constant 16 : i32
      %mul3A_158 = arith.muli %while3A_156, %mul3A_157 : i32
      %add3A_159 = arith.addi %arg1, %mul3A_158 : i32
      %mul3A_160 = arith.constant 80 : i32
      %mul3A_161 = arith.muli %add3A_159, %mul3A_160 : i32
      %multiple_of3A_162 = tpu.assume_multiple %mul3A_161, 8 : i32
      %mul3A_163 = arith.constant 10000 : i32
      %mul3A_164 = arith.muli %arg0, %mul3A_163 : i32
      %add3A_165 = arith.addi %mul3A_164, %multiple_of3A_162 : i32
      %multiple_of3A_166 = tpu.assume_multiple %add3A_165, 8 : i32
      %dma_start3A_167 = arith.constant 0 : i32
      %dma_start3A_168 = tpu.memref_slice %arg4[%multiple_of3A_166, %dma_start3A_167] : memref<20000x128xf32, #tpu.memory_space<hbm>> -> memref<80x128xf32, #tpu.memory_space<hbm>>
      %dma_start3A_169 = arith.constant 0 : i32
      %dma_start3A_170 = tpu.memref_slice %arg16[%multiple_of3A_162, %dma_start3A_169] : memref<10000x128xf32, #tpu.memory_space<vmem_shared>> -> memref<80x128xf32, #tpu.memory_space<vmem_shared>>
      tpu.enqueue_dma source(%dma_start3A_170 : memref<80x128xf32, #tpu.memory_space<vmem_shared>>) target(%dma_start3A_168 : memref<80x128xf32, #tpu.memory_space<hbm>>) target_semaphore(%arg32 : memref<!tpu.dma_semaphore, #tpu.memory_space<semaphore_mem>>)
    }
    %while3A_145 = arith.constant 1 : i32
    scf.for %while3A_156 = %while3A_143 to %while3A_139 step %while3A_145  : i32 {
      %mul3A_157 = arith.constant 16 : i32
      %mul3A_158 = arith.muli %while3A_156, %mul3A_157 : i32
      %add3A_159 = arith.addi %arg1, %mul3A_158 : i32
      %mul3A_160 = arith.constant 80 : i32
      %mul3A_161 = arith.muli %add3A_159, %mul3A_160 : i32
      %multiple_of3A_162 = tpu.assume_multiple %mul3A_161, 8 : i32
      %mul3A_163 = arith.constant 10000 : i32
      %mul3A_164 = arith.muli %arg0, %mul3A_163 : i32
      %add3A_165 = arith.addi %mul3A_164, %multiple_of3A_162 : i32
      %multiple_of3A_166 = tpu.assume_multiple %add3A_165, 8 : i32
      %dma_start3A_167 = arith.constant 0 : i32
      %dma_start3A_168 = tpu.memref_slice %arg4[%multiple_of3A_166, %dma_start3A_167] : memref<20000x128xf32, #tpu.memory_space<hbm>> -> memref<80x128xf32, #tpu.memory_space<hbm>>
      %dma_start3A_169 = arith.constant 0 : i32
      %dma_start3A_170 = tpu.memref_slice %arg16[%multiple_of3A_162, %dma_start3A_169] : memref<10000x128xf32, #tpu.memory_space<vmem_shared>> -> memref<80x128xf32, #tpu.memory_space<vmem_shared>>
      tpu.enqueue_dma source(%dma_start3A_170 : memref<80x128xf32, #tpu.memory_space<vmem_shared>>) target(%dma_start3A_168 : memref<80x128xf32, #tpu.memory_space<hbm>>) target_semaphore(%arg32 : memref<!tpu.dma_semaphore, #tpu.memory_space<semaphore_mem>>)
    }
    %while3A_146 = arith.constant 0 : i32
    %while3A_147 = arith.constant 0 : i32
    %while3A_148 = arith.subi %add3A_27, %while3A_147 : i32
    %while3A_149 = arith.addi %while3A_147, %while3A_148 : i32
    %while3A_150 = arith.constant 1 : i32
    %while3A_151 = arith.divsi %while3A_148, %while3A_150 : i32
    %while3A_152 = arith.muli %while3A_151, %while3A_150 : i32
    %while3A_153 = arith.addi %while3A_147, %while3A_152 : i32
    %while3A_154 = arith.constant 1 : i32
    scf.for %while3A_156 = %while3A_147 to %while3A_153 step %while3A_154  : i32 {
      %mul3A_157 = arith.constant 16 : i32
      %mul3A_158 = arith.muli %while3A_156, %mul3A_157 : i32
      %add3A_159 = arith.addi %arg1, %mul3A_158 : i32
      %mul3A_160 = arith.constant 80 : i32
      %mul3A_161 = arith.muli %add3A_159, %mul3A_160 : i32
      %multiple_of3A_162 = tpu.assume_multiple %mul3A_161, 8 : i32
      %mul3A_163 = arith.constant 10000 : i32
      %mul3A_164 = arith.muli %arg0, %mul3A_163 : i32
      %add3A_165 = arith.addi %mul3A_164, %multiple_of3A_162 : i32
      %multiple_of3A_166 = tpu.assume_multiple %add3A_165, 8 : i32
      %dma_wait3A_167 = arith.constant 0 : i32
      %dma_wait3A_168 = tpu.memref_slice %arg4[%multiple_of3A_166, %dma_wait3A_167] : memref<20000x128xf32, #tpu.memory_space<hbm>> -> memref<80x128xf32, #tpu.memory_space<hbm>>
      %dma_wait3A_169 = arith.constant 0 : i32
      %dma_wait3A_170 = tpu.memref_slice %arg16[%multiple_of3A_162, %dma_wait3A_169] : memref<10000x128xf32, #tpu.memory_space<vmem_shared>> -> memref<80x128xf32, #tpu.memory_space<vmem_shared>>
      tpu.wait_dma2 semaphore(%arg32 : memref<!tpu.dma_semaphore, #tpu.memory_space<semaphore_mem>>) src(%dma_wait3A_170 : memref<80x128xf32, #tpu.memory_space<vmem_shared>>) dst(%dma_wait3A_168 : memref<80x128xf32, #tpu.memory_space<hbm>>)
    }
    %while3A_155 = arith.constant 1 : i32
    scf.for %while3A_156 = %while3A_153 to %while3A_149 step %while3A_155  : i32 {
      %mul3A_157 = arith.constant 16 : i32
      %mul3A_158 = arith.muli %while3A_156, %mul3A_157 : i32
      %add3A_159 = arith.addi %arg1, %mul3A_158 : i32
      %mul3A_160 = arith.constant 80 : i32
      %mul3A_161 = arith.muli %add3A_159, %mul3A_160 : i32
      %multiple_of3A_162 = tpu.assume_multiple %mul3A_161, 8 : i32
      %mul3A_163 = arith.constant 10000 : i32
      %mul3A_164 = arith.muli %arg0, %mul3A_163 : i32
      %add3A_165 = arith.addi %mul3A_164, %multiple_of3A_162 : i32
      %multiple_of3A_166 = tpu.assume_multiple %add3A_165, 8 : i32
      %dma_wait3A_167 = arith.constant 0 : i32
      %dma_wait3A_168 = tpu.memref_slice %arg4[%multiple_of3A_166, %dma_wait3A_167] : memref<20000x128xf32, #tpu.memory_space<hbm>> -> memref<80x128xf32, #tpu.memory_space<hbm>>
      %dma_wait3A_169 = arith.constant 0 : i32
      %dma_wait3A_170 = tpu.memref_slice %arg16[%multiple_of3A_162, %dma_wait3A_169] : memref<10000x128xf32, #tpu.memory_space<vmem_shared>> -> memref<80x128xf32, #tpu.memory_space<vmem_shared>>
      tpu.wait_dma2 semaphore(%arg32 : memref<!tpu.dma_semaphore, #tpu.memory_space<semaphore_mem>>) src(%dma_wait3A_170 : memref<80x128xf32, #tpu.memory_space<vmem_shared>>) dst(%dma_wait3A_168 : memref<80x128xf32, #tpu.memory_space<hbm>>)
    }
    return
  }
}

module attributes {stable_mosaic.version = 14 : i64} {
  func.func @_prep_body(%arg0: i32, %arg1: memref<1000x128xf32, #tpu.memory_space<vmem>>, %arg2: memref<1000x3xf32, #tpu.memory_space<vmem>>, %arg3: memref<275x128xf32, #tpu.memory_space<vmem>>, %arg4: memref<128xf32, #tpu.memory_space<vmem>>, %arg5: memref<1000x128xf32, #tpu.memory_space<vmem>>, %arg6: memref<1000x128xf32, #tpu.memory_space<vmem>>) attributes {dimension_semantics = [#tpu.dimension_semantics<arbitrary>], iteration_bounds = array<i64: 10>, scalar_prefetch = 0 : i64, scratch_operands = 0 : i64, tpu.core_type = #tpu.core_type<tc>, window_params = [{transform_indices = @transform_0, window_bounds = array<i64: 1000, 128>}, {transform_indices = @transform_1, window_bounds = array<i64: 1000, 3>}, {pipeline_mode = #tpu.pipeline_mode<synchronous>, transform_indices = @transform_2, window_bounds = array<i64: 275, 128>}, {pipeline_mode = #tpu.pipeline_mode<synchronous>, transform_indices = @transform_3, window_bounds = array<i64: 128>}, {transform_indices = @transform_4, window_bounds = array<i64: 1000, 128>}, {transform_indices = @transform_5, window_bounds = array<i64: 1000, 128>}]} {
    %get3A = arith.constant 0 : index
    %get3A_0 = arith.constant 0 : index
    %get3A_1 = vector.load %arg1[%get3A, %get3A_0] : memref<1000x128xf32, #tpu.memory_space<vmem>>, vector<1000x128xf32>
    %get3A_2 = arith.constant 0 : index
    %get3A_3 = arith.constant 0 : index
    %get3A_4 = vector.load %arg3[%get3A_2, %get3A_3] : memref<275x128xf32, #tpu.memory_space<vmem>>, vector<275x128xf32>
    %get3A_5 = arith.constant 0 : index
    %get3A_6 = arith.constant 0 : index
    %get3A_7 = vector.load %arg2[%get3A_5, %get3A_6] : memref<1000x3xf32, #tpu.memory_space<vmem>>, vector<1000x3xf32>
    %slice3A = vector.extract_strided_slice %get3A_4 {offsets = [272, 0], sizes = [3, 128], strides = [1, 1]} : vector<275x128xf32> to vector<3x128xf32>
    %dot_general3A = arith.constant dense<0.000000e+00> : vector<1000x128xf32>
    %dot_general3A_8 = tpu.matmul %get3A_7, %slice3A, %dot_general3A {dimension_numbers = #tpu.dot_dimension_numbers<[1], [0], [0], [1], [0, 0, 1, 1], [], []>, transpose_lhs_hint = false} : vector<1000x3xf32>, vector<3x128xf32>, vector<1000x128xf32> -> vector<1000x128xf32>
    %slice3A_9 = vector.extract_strided_slice %get3A_4 {offsets = [0, 0], sizes = [128, 128], strides = [1, 1]} : vector<275x128xf32> to vector<128x128xf32>
    %dot_general3A_10 = arith.constant dense<0.000000e+00> : vector<1000x128xf32>
    %dot_general3A_11 = tpu.matmul %get3A_1, %slice3A_9, %dot_general3A_10 {dimension_numbers = #tpu.dot_dimension_numbers<[1], [0], [0], [1], [0, 0, 1, 1], [], []>, transpose_lhs_hint = false} : vector<1000x128xf32>, vector<128x128xf32>, vector<1000x128xf32> -> vector<1000x128xf32>
    %sub3A = arith.subf %dot_general3A_11, %dot_general3A_8 : vector<1000x128xf32>
    %swap3A = arith.constant 0 : index
    %swap3A_12 = arith.constant 0 : index
    %swap3A_13 = vector.load %arg5[%swap3A, %swap3A_12] : memref<1000x128xf32, #tpu.memory_space<vmem>>, vector<1000x128xf32>
    tpu.vector_store %arg5[%swap3A, %swap3A_12], %sub3A {strides = array<i32>} : memref<1000x128xf32, #tpu.memory_space<vmem>>, vector<1000x128xf32>,
    %slice3A_14 = vector.extract_strided_slice %get3A_4 {offsets = [128, 0], sizes = [128, 128], strides = [1, 1]} : vector<275x128xf32> to vector<128x128xf32>
    %dot_general3A_15 = arith.constant dense<0.000000e+00> : vector<1000x128xf32>
    %dot_general3A_16 = tpu.matmul %get3A_1, %slice3A_14, %dot_general3A_15 {dimension_numbers = #tpu.dot_dimension_numbers<[1], [0], [0], [1], [0, 0, 1, 1], [], []>, transpose_lhs_hint = false} : vector<1000x128xf32>, vector<128x128xf32>, vector<1000x128xf32> -> vector<1000x128xf32>
    %add3A = arith.addf %dot_general3A_16, %dot_general3A_8 : vector<1000x128xf32>
    %get3A_17 = arith.constant 0 : index
    %get3A_18 = vector.load %arg4[%get3A_17] : memref<128xf32, #tpu.memory_space<vmem>>, vector<128xf32>
    %broadcast_in_dim3A = vector.shape_cast %get3A_18 : vector<128xf32> to vector<1x128xf32>
    %add3A_19 = vector.broadcast %broadcast_in_dim3A : vector<1x128xf32> to vector<1000x128xf32>
    %add3A_20 = arith.addf %add3A, %add3A_19 : vector<1000x128xf32>
    %swap3A_21 = arith.constant 0 : index
    %swap3A_22 = arith.constant 0 : index
    %swap3A_23 = vector.load %arg6[%swap3A_21, %swap3A_22] : memref<1000x128xf32, #tpu.memory_space<vmem>>, vector<1000x128xf32>
    tpu.vector_store %arg6[%swap3A_21, %swap3A_22], %add3A_20 {strides = array<i32>} : memref<1000x128xf32, #tpu.memory_space<vmem>>, vector<1000x128xf32>,
    return
  }
  func.func @transform_0(%arg0: i32) -> (i32, i32) {
    %c0_i32 = arith.constant 0 : i32
    %c0_i32_0 = arith.constant 0 : i32
    return %arg0, %c0_i32 : i32, i32
  }
  func.func @transform_1(%arg0: i32) -> (i32, i32) {
    %c0_i32 = arith.constant 0 : i32
    %c0_i32_0 = arith.constant 0 : i32
    return %arg0, %c0_i32 : i32, i32
  }
  func.func @transform_2(%arg0: i32) -> (i32, i32) {
    %c0_i32 = arith.constant 0 : i32
    %c0_i32_0 = arith.constant 0 : i32
    %c0_i32_1 = arith.constant 0 : i32
    return %c0_i32, %c0_i32_0 : i32, i32
  }
  func.func @transform_3(%arg0: i32) -> i32 {
    %c0_i32 = arith.constant 0 : i32
    %c0_i32_0 = arith.constant 0 : i32
    return %c0_i32 : i32
  }
  func.func @transform_4(%arg0: i32) -> (i32, i32) {
    %c0_i32 = arith.constant 0 : i32
    %c0_i32_0 = arith.constant 0 : i32
    return %arg0, %c0_i32 : i32, i32
  }
  func.func @transform_5(%arg0: i32) -> (i32, i32) {
    %c0_i32 = arith.constant 0 : i32
    %c0_i32_0 = arith.constant 0 : i32
    return %arg0, %c0_i32 : i32, i32
  }
}

module attributes {stable_mosaic.version = 14 : i64} {
  func.func @_edge_body(%arg0: i32, %arg1: memref<3200x128xf32, #tpu.memory_space<vmem>>, %arg2: memref<3200x128xf32, #tpu.memory_space<vmem>>, %arg3: memref<3200x16xf32, #tpu.memory_space<vmem>>, %arg4: memref<275x128xf32, #tpu.memory_space<vmem>>, %arg5: memref<128x128xf32, #tpu.memory_space<vmem>>, %arg6: memref<128xf32, #tpu.memory_space<vmem>>, %arg7: memref<3200x128xf32, #tpu.memory_space<vmem>>) attributes {dimension_semantics = [#tpu.dimension_semantics<arbitrary>], iteration_bounds = array<i64: 50>, scalar_prefetch = 0 : i64, scratch_operands = 0 : i64, tpu.core_type = #tpu.core_type<tc>, window_params = [{transform_indices = @transform_0, window_bounds = array<i64: 3200, 128>}, {transform_indices = @transform_1, window_bounds = array<i64: 3200, 128>}, {transform_indices = @transform_2, window_bounds = array<i64: 3200, 16>}, {pipeline_mode = #tpu.pipeline_mode<synchronous>, transform_indices = @transform_3, window_bounds = array<i64: 275, 128>}, {pipeline_mode = #tpu.pipeline_mode<synchronous>, transform_indices = @transform_4, window_bounds = array<i64: 128, 128>}, {pipeline_mode = #tpu.pipeline_mode<synchronous>, transform_indices = @transform_5, window_bounds = array<i64: 128>}, {transform_indices = @transform_6, window_bounds = array<i64: 3200, 128>}]} {
    %get3A = arith.constant 0 : index
    %get3A_0 = arith.constant 0 : index
    %get3A_1 = vector.load %arg4[%get3A, %get3A_0] : memref<275x128xf32, #tpu.memory_space<vmem>>, vector<275x128xf32>
    %slice3A = vector.extract_strided_slice %get3A_1 {offsets = [256, 0], sizes = [16, 128], strides = [1, 1]} : vector<275x128xf32> to vector<16x128xf32>
    %get3A_2 = arith.constant 0 : index
    %get3A_3 = arith.constant 0 : index
    %get3A_4 = vector.load %arg1[%get3A_2, %get3A_3] : memref<3200x128xf32, #tpu.memory_space<vmem>>, vector<3200x128xf32>
    %get3A_5 = arith.constant 0 : index
    %get3A_6 = arith.constant 0 : index
    %get3A_7 = vector.load %arg2[%get3A_5, %get3A_6] : memref<3200x128xf32, #tpu.memory_space<vmem>>, vector<3200x128xf32>
    %add3A = arith.addf %get3A_4, %get3A_7 : vector<3200x128xf32>
    %get3A_8 = arith.constant 0 : index
    %get3A_9 = arith.constant 0 : index
    %get3A_10 = vector.load %arg3[%get3A_8, %get3A_9] : memref<3200x16xf32, #tpu.memory_space<vmem>>, vector<3200x16xf32>
    %dot_general3A = arith.constant dense<0.000000e+00> : vector<3200x128xf32>
    %dot_general3A_11 = tpu.matmul %get3A_10, %slice3A, %dot_general3A {dimension_numbers = #tpu.dot_dimension_numbers<[1], [0], [0], [1], [0, 0, 1, 1], [], []>, transpose_lhs_hint = false} : vector<3200x16xf32>, vector<16x128xf32>, vector<3200x128xf32> -> vector<3200x128xf32>
    %add3A_12 = arith.addf %add3A, %dot_general3A_11 : vector<3200x128xf32>
    %max3A = arith.constant 0.000000e+00 : f32
    %max3A_13 = vector.broadcast %max3A : f32 to vector<3200x128xf32>
    %max3A_14 = arith.maximumf %add3A_12, %max3A_13 : vector<3200x128xf32>
    %get3A_15 = arith.constant 0 : index
    %get3A_16 = arith.constant 0 : index
    %get3A_17 = vector.load %arg5[%get3A_15, %get3A_16] : memref<128x128xf32, #tpu.memory_space<vmem>>, vector<128x128xf32>
    %dot_general3A_18 = arith.constant dense<0.000000e+00> : vector<3200x128xf32>
    %dot_general3A_19 = tpu.matmul %max3A_14, %get3A_17, %dot_general3A_18 {dimension_numbers = #tpu.dot_dimension_numbers<[1], [0], [0], [1], [0, 0, 1, 1], [], []>, transpose_lhs_hint = false} : vector<3200x128xf32>, vector<128x128xf32>, vector<3200x128xf32> -> vector<3200x128xf32>
    %get3A_20 = arith.constant 0 : index
    %get3A_21 = vector.load %arg6[%get3A_20] : memref<128xf32, #tpu.memory_space<vmem>>, vector<128xf32>
    %broadcast_in_dim3A = vector.shape_cast %get3A_21 : vector<128xf32> to vector<1x128xf32>
    %add3A_22 = vector.broadcast %broadcast_in_dim3A : vector<1x128xf32> to vector<3200x128xf32>
    %add3A_23 = arith.addf %dot_general3A_19, %add3A_22 : vector<3200x128xf32>
    %max3A_24 = arith.constant 0.000000e+00 : f32
    %max3A_25 = vector.broadcast %max3A_24 : f32 to vector<3200x128xf32>
    %max3A_26 = arith.maximumf %add3A_23, %max3A_25 : vector<3200x128xf32>
    %swap3A = arith.constant 0 : index
    %swap3A_27 = arith.constant 0 : index
    %swap3A_28 = vector.load %arg7[%swap3A, %swap3A_27] : memref<3200x128xf32, #tpu.memory_space<vmem>>, vector<3200x128xf32>
    tpu.vector_store %arg7[%swap3A, %swap3A_27], %max3A_26 {strides = array<i32>} : memref<3200x128xf32, #tpu.memory_space<vmem>>, vector<3200x128xf32>,
    return
  }
  func.func @transform_0(%arg0: i32) -> (i32, i32) {
    %c0_i32 = arith.constant 0 : i32
    %c0_i32_0 = arith.constant 0 : i32
    return %arg0, %c0_i32 : i32, i32
  }
  func.func @transform_1(%arg0: i32) -> (i32, i32) {
    %c0_i32 = arith.constant 0 : i32
    %c0_i32_0 = arith.constant 0 : i32
    return %arg0, %c0_i32 : i32, i32
  }
  func.func @transform_2(%arg0: i32) -> (i32, i32) {
    %add3A = arith.constant 50 : i32
    %add3A_0 = arith.addi %arg0, %add3A : i32
    %c0_i32 = arith.constant 0 : i32
    %c0_i32_1 = arith.constant 0 : i32
    return %add3A_0, %c0_i32 : i32, i32
  }
  func.func @transform_3(%arg0: i32) -> (i32, i32) {
    %c0_i32 = arith.constant 0 : i32
    %c0_i32_0 = arith.constant 0 : i32
    %c0_i32_1 = arith.constant 0 : i32
    return %c0_i32, %c0_i32_0 : i32, i32
  }
  func.func @transform_4(%arg0: i32) -> (i32, i32) {
    %c0_i32 = arith.constant 0 : i32
    %c0_i32_0 = arith.constant 0 : i32
    %c0_i32_1 = arith.constant 0 : i32
    return %c0_i32, %c0_i32_0 : i32, i32
  }
  func.func @transform_5(%arg0: i32) -> i32 {
    %c0_i32 = arith.constant 0 : i32
    %c0_i32_0 = arith.constant 0 : i32
    return %c0_i32 : i32
  }
  func.func @transform_6(%arg0: i32) -> (i32, i32) {
    %c0_i32 = arith.constant 0 : i32
    %c0_i32_0 = arith.constant 0 : i32
    return %arg0, %c0_i32 : i32, i32
  }
}

module attributes {stable_mosaic.version = 14 : i64} {
  func.func @_edge_body(%arg0: i32, %arg1: memref<3200x128xf32, #tpu.memory_space<vmem>>, %arg2: memref<3200x128xf32, #tpu.memory_space<vmem>>, %arg3: memref<3200x16xf32, #tpu.memory_space<vmem>>, %arg4: memref<275x128xf32, #tpu.memory_space<vmem>>, %arg5: memref<128x128xf32, #tpu.memory_space<vmem>>, %arg6: memref<128xf32, #tpu.memory_space<vmem>>, %arg7: memref<3200x128xf32, #tpu.memory_space<vmem>>) attributes {dimension_semantics = [#tpu.dimension_semantics<arbitrary>], iteration_bounds = array<i64: 50>, scalar_prefetch = 0 : i64, scratch_operands = 0 : i64, tpu.core_type = #tpu.core_type<tc>, window_params = [{transform_indices = @transform_0, window_bounds = array<i64: 3200, 128>}, {transform_indices = @transform_1, window_bounds = array<i64: 3200, 128>}, {transform_indices = @transform_2, window_bounds = array<i64: 3200, 16>}, {pipeline_mode = #tpu.pipeline_mode<synchronous>, transform_indices = @transform_3, window_bounds = array<i64: 275, 128>}, {pipeline_mode = #tpu.pipeline_mode<synchronous>, transform_indices = @transform_4, window_bounds = array<i64: 128, 128>}, {pipeline_mode = #tpu.pipeline_mode<synchronous>, transform_indices = @transform_5, window_bounds = array<i64: 128>}, {transform_indices = @transform_6, window_bounds = array<i64: 3200, 128>}]} {
    %get3A = arith.constant 0 : index
    %get3A_0 = arith.constant 0 : index
    %get3A_1 = vector.load %arg4[%get3A, %get3A_0] : memref<275x128xf32, #tpu.memory_space<vmem>>, vector<275x128xf32>
    %slice3A = vector.extract_strided_slice %get3A_1 {offsets = [256, 0], sizes = [16, 128], strides = [1, 1]} : vector<275x128xf32> to vector<16x128xf32>
    %get3A_2 = arith.constant 0 : index
    %get3A_3 = arith.constant 0 : index
    %get3A_4 = vector.load %arg1[%get3A_2, %get3A_3] : memref<3200x128xf32, #tpu.memory_space<vmem>>, vector<3200x128xf32>
    %get3A_5 = arith.constant 0 : index
    %get3A_6 = arith.constant 0 : index
    %get3A_7 = vector.load %arg2[%get3A_5, %get3A_6] : memref<3200x128xf32, #tpu.memory_space<vmem>>, vector<3200x128xf32>
    %add3A = arith.addf %get3A_4, %get3A_7 : vector<3200x128xf32>
    %get3A_8 = arith.constant 0 : index
    %get3A_9 = arith.constant 0 : index
    %get3A_10 = vector.load %arg3[%get3A_8, %get3A_9] : memref<3200x16xf32, #tpu.memory_space<vmem>>, vector<3200x16xf32>
    %dot_general3A = arith.constant dense<0.000000e+00> : vector<3200x128xf32>
    %dot_general3A_11 = tpu.matmul %get3A_10, %slice3A, %dot_general3A {dimension_numbers = #tpu.dot_dimension_numbers<[1], [0], [0], [1], [0, 0, 1, 1], [], []>, transpose_lhs_hint = false} : vector<3200x16xf32>, vector<16x128xf32>, vector<3200x128xf32> -> vector<3200x128xf32>
    %add3A_12 = arith.addf %add3A, %dot_general3A_11 : vector<3200x128xf32>
    %max3A = arith.constant 0.000000e+00 : f32
    %max3A_13 = vector.broadcast %max3A : f32 to vector<3200x128xf32>
    %max3A_14 = arith.maximumf %add3A_12, %max3A_13 : vector<3200x128xf32>
    %get3A_15 = arith.constant 0 : index
    %get3A_16 = arith.constant 0 : index
    %get3A_17 = vector.load %arg5[%get3A_15, %get3A_16] : memref<128x128xf32, #tpu.memory_space<vmem>>, vector<128x128xf32>
    %dot_general3A_18 = arith.constant dense<0.000000e+00> : vector<3200x128xf32>
    %dot_general3A_19 = tpu.matmul %max3A_14, %get3A_17, %dot_general3A_18 {dimension_numbers = #tpu.dot_dimension_numbers<[1], [0], [0], [1], [0, 0, 1, 1], [], []>, transpose_lhs_hint = false} : vector<3200x128xf32>, vector<128x128xf32>, vector<3200x128xf32> -> vector<3200x128xf32>
    %get3A_20 = arith.constant 0 : index
    %get3A_21 = vector.load %arg6[%get3A_20] : memref<128xf32, #tpu.memory_space<vmem>>, vector<128xf32>
    %broadcast_in_dim3A = vector.shape_cast %get3A_21 : vector<128xf32> to vector<1x128xf32>
    %add3A_22 = vector.broadcast %broadcast_in_dim3A : vector<1x128xf32> to vector<3200x128xf32>
    %add3A_23 = arith.addf %dot_general3A_19, %add3A_22 : vector<3200x128xf32>
    %max3A_24 = arith.constant 0.000000e+00 : f32
    %max3A_25 = vector.broadcast %max3A_24 : f32 to vector<3200x128xf32>
    %max3A_26 = arith.maximumf %add3A_23, %max3A_25 : vector<3200x128xf32>
    %swap3A = arith.constant 0 : index
    %swap3A_27 = arith.constant 0 : index
    %swap3A_28 = vector.load %arg7[%swap3A, %swap3A_27] : memref<3200x128xf32, #tpu.memory_space<vmem>>, vector<3200x128xf32>
    tpu.vector_store %arg7[%swap3A, %swap3A_27], %max3A_26 {strides = array<i32>} : memref<3200x128xf32, #tpu.memory_space<vmem>>, vector<3200x128xf32>,
    return
  }
  func.func @transform_0(%arg0: i32) -> (i32, i32) {
    %c0_i32 = arith.constant 0 : i32
    %c0_i32_0 = arith.constant 0 : i32
    return %arg0, %c0_i32 : i32, i32
  }
  func.func @transform_1(%arg0: i32) -> (i32, i32) {
    %c0_i32 = arith.constant 0 : i32
    %c0_i32_0 = arith.constant 0 : i32
    return %arg0, %c0_i32 : i32, i32
  }
  func.func @transform_2(%arg0: i32) -> (i32, i32) {
    %add3A = arith.constant 0 : i32
    %add3A_0 = arith.addi %arg0, %add3A : i32
    %c0_i32 = arith.constant 0 : i32
    %c0_i32_1 = arith.constant 0 : i32
    return %add3A_0, %c0_i32 : i32, i32
  }
  func.func @transform_3(%arg0: i32) -> (i32, i32) {
    %c0_i32 = arith.constant 0 : i32
    %c0_i32_0 = arith.constant 0 : i32
    %c0_i32_1 = arith.constant 0 : i32
    return %c0_i32, %c0_i32_0 : i32, i32
  }
  func.func @transform_4(%arg0: i32) -> (i32, i32) {
    %c0_i32 = arith.constant 0 : i32
    %c0_i32_0 = arith.constant 0 : i32
    %c0_i32_1 = arith.constant 0 : i32
    return %c0_i32, %c0_i32_0 : i32, i32
  }
  func.func @transform_5(%arg0: i32) -> i32 {
    %c0_i32 = arith.constant 0 : i32
    %c0_i32_0 = arith.constant 0 : i32
    return %c0_i32 : i32
  }
  func.func @transform_6(%arg0: i32) -> (i32, i32) {
    %c0_i32 = arith.constant 0 : i32
    %c0_i32_0 = arith.constant 0 : i32
    return %arg0, %c0_i32 : i32, i32
  }
}

module attributes {stable_mosaic.version = 14 : i64} {
  func.func @_node_body(%arg0: i32, %arg1: memref<1000x128xf32, #tpu.memory_space<vmem>>, %arg2: memref<2x1000x128xf32, #tpu.memory_space<vmem>>, %arg3: memref<2x1000x128xf32, #tpu.memory_space<vmem>>, %arg4: memref<256x128xf32, #tpu.memory_space<vmem>>, %arg5: memref<128xf32, #tpu.memory_space<vmem>>, %arg6: memref<128x128xf32, #tpu.memory_space<vmem>>, %arg7: memref<128xf32, #tpu.memory_space<vmem>>, %arg8: memref<128xf32, #tpu.memory_space<vmem>>, %arg9: memref<128xf32, #tpu.memory_space<vmem>>, %arg10: memref<1000x128xf32, #tpu.memory_space<vmem>>) attributes {dimension_semantics = [#tpu.dimension_semantics<arbitrary>], iteration_bounds = array<i64: 10>, scalar_prefetch = 0 : i64, scratch_operands = 0 : i64, tpu.core_type = #tpu.core_type<tc>, window_params = [{transform_indices = @transform_0, window_bounds = array<i64: 1000, 128>}, {transform_indices = @transform_1, window_bounds = array<i64: 2, 1000, 128>}, {transform_indices = @transform_2, window_bounds = array<i64: 2, 1000, 128>}, {pipeline_mode = #tpu.pipeline_mode<synchronous>, transform_indices = @transform_3, window_bounds = array<i64: 256, 128>}, {pipeline_mode = #tpu.pipeline_mode<synchronous>, transform_indices = @transform_4, window_bounds = array<i64: 128>}, {pipeline_mode = #tpu.pipeline_mode<synchronous>, transform_indices = @transform_5, window_bounds = array<i64: 128, 128>}, {pipeline_mode = #tpu.pipeline_mode<synchronous>, transform_indices = @transform_6, window_bounds = array<i64: 128>}, {pipeline_mode = #tpu.pipeline_mode<synchronous>, transform_indices = @transform_7, window_bounds = array<i64: 128>}, {pipeline_mode = #tpu.pipeline_mode<synchronous>, transform_indices = @transform_8, window_bounds = array<i64: 128>}, {transform_indices = @transform_9, window_bounds = array<i64: 1000, 128>}]} {
    %get3A = arith.constant 0 : index
    %get3A_0 = arith.constant 0 : index
    %get3A_1 = vector.load %arg1[%get3A, %get3A_0] : memref<1000x128xf32, #tpu.memory_space<vmem>>, vector<1000x128xf32>
    %get3A_2 = arith.constant 0 : index
    %get3A_3 = arith.constant 0 : index
    %get3A_4 = vector.load %arg4[%get3A_2, %get3A_3] : memref<256x128xf32, #tpu.memory_space<vmem>>, vector<256x128xf32>
    %get3A_5 = arith.constant 0 : index
    %get3A_6 = arith.constant 0 : index
    %get3A_7 = arith.constant 0 : index
    %get3A_8 = vector.load %arg2[%get3A_5, %get3A_6, %get3A_7] : memref<2x1000x128xf32, #tpu.memory_space<vmem>>, vector<1x1000x128xf32>
    %get3A_9 = vector.shape_cast %get3A_8 : vector<1x1000x128xf32> to vector<1000x128xf32>
    %get3A_10 = arith.constant 1 : index
    %get3A_11 = arith.constant 0 : index
    %get3A_12 = arith.constant 0 : index
    %get3A_13 = vector.load %arg2[%get3A_10, %get3A_11, %get3A_12] : memref<2x1000x128xf32, #tpu.memory_space<vmem>>, vector<1x1000x128xf32>
    %get3A_14 = vector.shape_cast %get3A_13 : vector<1x1000x128xf32> to vector<1000x128xf32>
    %add3A = arith.addf %get3A_9, %get3A_14 : vector<1000x128xf32>
    %get3A_15 = arith.constant 0 : index
    %get3A_16 = arith.constant 0 : index
    %get3A_17 = arith.constant 0 : index
    %get3A_18 = vector.load %arg3[%get3A_15, %get3A_16, %get3A_17] : memref<2x1000x128xf32, #tpu.memory_space<vmem>>, vector<1x1000x128xf32>
    %get3A_19 = vector.shape_cast %get3A_18 : vector<1x1000x128xf32> to vector<1000x128xf32>
    %get3A_20 = arith.constant 1 : index
    %get3A_21 = arith.constant 0 : index
    %get3A_22 = arith.constant 0 : index
    %get3A_23 = vector.load %arg3[%get3A_20, %get3A_21, %get3A_22] : memref<2x1000x128xf32, #tpu.memory_space<vmem>>, vector<1x1000x128xf32>
    %get3A_24 = vector.shape_cast %get3A_23 : vector<1x1000x128xf32> to vector<1000x128xf32>
    %add3A_25 = arith.addf %get3A_19, %get3A_24 : vector<1000x128xf32>
    %add3A_26 = arith.addf %add3A, %add3A_25 : vector<1000x128xf32>
    %slice3A = vector.extract_strided_slice %get3A_4 {offsets = [0, 0], sizes = [128, 128], strides = [1, 1]} : vector<256x128xf32> to vector<128x128xf32>
    %dot_general3A = arith.constant dense<0.000000e+00> : vector<1000x128xf32>
    %dot_general3A_27 = tpu.matmul %get3A_1, %slice3A, %dot_general3A {dimension_numbers = #tpu.dot_dimension_numbers<[1], [0], [0], [1], [0, 0, 1, 1], [], []>, transpose_lhs_hint = false} : vector<1000x128xf32>, vector<128x128xf32>, vector<1000x128xf32> -> vector<1000x128xf32>
    %slice3A_28 = vector.extract_strided_slice %get3A_4 {offsets = [128, 0], sizes = [128, 128], strides = [1, 1]} : vector<256x128xf32> to vector<128x128xf32>
    %dot_general3A_29 = arith.constant dense<0.000000e+00> : vector<1000x128xf32>
    %dot_general3A_30 = tpu.matmul %add3A_26, %slice3A_28, %dot_general3A_29 {dimension_numbers = #tpu.dot_dimension_numbers<[1], [0], [0], [1], [0, 0, 1, 1], [], []>, transpose_lhs_hint = false} : vector<1000x128xf32>, vector<128x128xf32>, vector<1000x128xf32> -> vector<1000x128xf32>
    %add3A_31 = arith.addf %dot_general3A_27, %dot_general3A_30 : vector<1000x128xf32>
    %get3A_32 = arith.constant 0 : index
    %get3A_33 = vector.load %arg5[%get3A_32] : memref<128xf32, #tpu.memory_space<vmem>>, vector<128xf32>
    %broadcast_in_dim3A = vector.shape_cast %get3A_33 : vector<128xf32> to vector<1x128xf32>
    %add3A_34 = vector.broadcast %broadcast_in_dim3A : vector<1x128xf32> to vector<1000x128xf32>
    %add3A_35 = arith.addf %add3A_31, %add3A_34 : vector<1000x128xf32>
    %max3A = arith.constant 0.000000e+00 : f32
    %max3A_36 = vector.broadcast %max3A : f32 to vector<1000x128xf32>
    %max3A_37 = arith.maximumf %add3A_35, %max3A_36 : vector<1000x128xf32>
    %get3A_38 = arith.constant 0 : index
    %get3A_39 = arith.constant 0 : index
    %get3A_40 = vector.load %arg6[%get3A_38, %get3A_39] : memref<128x128xf32, #tpu.memory_space<vmem>>, vector<128x128xf32>
    %dot_general3A_41 = arith.constant dense<0.000000e+00> : vector<1000x128xf32>
    %dot_general3A_42 = tpu.matmul %max3A_37, %get3A_40, %dot_general3A_41 {dimension_numbers = #tpu.dot_dimension_numbers<[1], [0], [0], [1], [0, 0, 1, 1], [], []>, transpose_lhs_hint = false} : vector<1000x128xf32>, vector<128x128xf32>, vector<1000x128xf32> -> vector<1000x128xf32>
    %get3A_43 = arith.constant 0 : index
    %get3A_44 = vector.load %arg7[%get3A_43] : memref<128xf32, #tpu.memory_space<vmem>>, vector<128xf32>
    %broadcast_in_dim3A_45 = vector.shape_cast %get3A_44 : vector<128xf32> to vector<1x128xf32>
    %add3A_46 = vector.broadcast %broadcast_in_dim3A_45 : vector<1x128xf32> to vector<1000x128xf32>
    %add3A_47 = arith.addf %dot_general3A_42, %add3A_46 : vector<1000x128xf32>
    %max3A_48 = arith.constant 0.000000e+00 : f32
    %max3A_49 = vector.broadcast %max3A_48 : f32 to vector<1000x128xf32>
    %max3A_50 = arith.maximumf %add3A_47, %max3A_49 : vector<1000x128xf32>
    %add3A_51 = arith.addf %get3A_1, %max3A_50 : vector<1000x128xf32>
    %reduce_sum3A = arith.constant dense<0.000000e+00> : vector<1000xf32>
    %reduce_sum3A_52 = vector.multi_reduction <add>, %add3A_51, %reduce_sum3A [1] : vector<1000x128xf32> to vector<1000xf32>
    %broadcast_in_dim3A_53 = vector.shape_cast %reduce_sum3A_52 : vector<1000xf32> to vector<1000x1xf32>
    %div3A = arith.constant 1.280000e+02 : f32
    %div3A_54 = vector.broadcast %div3A : f32 to vector<1000x1xf32>
    %div3A_55 = arith.divf %broadcast_in_dim3A_53, %div3A_54 : vector<1000x1xf32>
    %sub3A = vector.broadcast %div3A_55 : vector<1000x1xf32> to vector<1000x128xf32>
    %sub3A_56 = arith.subf %add3A_51, %sub3A : vector<1000x128xf32>
    %sub3A_57 = vector.broadcast %div3A_55 : vector<1000x1xf32> to vector<1000x128xf32>
    %sub3A_58 = arith.subf %add3A_51, %sub3A_57 : vector<1000x128xf32>
    %mul3A = arith.mulf %sub3A_56, %sub3A_58 : vector<1000x128xf32>
    %reduce_sum3A_59 = arith.constant dense<0.000000e+00> : vector<1000xf32>
    %reduce_sum3A_60 = vector.multi_reduction <add>, %mul3A, %reduce_sum3A_59 [1] : vector<1000x128xf32> to vector<1000xf32>
    %broadcast_in_dim3A_61 = vector.shape_cast %reduce_sum3A_60 : vector<1000xf32> to vector<1000x1xf32>
    %div3A_62 = arith.constant 1.280000e+02 : f32
    %div3A_63 = vector.broadcast %div3A_62 : f32 to vector<1000x1xf32>
    %div3A_64 = arith.divf %broadcast_in_dim3A_61, %div3A_63 : vector<1000x1xf32>
    %sub3A_65 = vector.broadcast %div3A_55 : vector<1000x1xf32> to vector<1000x128xf32>
    %sub3A_66 = arith.subf %add3A_51, %sub3A_65 : vector<1000x128xf32>
    %add3A_67 = arith.constant 9.99999974E-6 : f32
    %add3A_68 = vector.broadcast %add3A_67 : f32 to vector<1000x1xf32>
    %add3A_69 = arith.addf %div3A_64, %add3A_68 : vector<1000x1xf32>
    %rsqrt3A = math.rsqrt %add3A_69 : vector<1000x1xf32>
    %mul3A_70 = vector.broadcast %rsqrt3A : vector<1000x1xf32> to vector<1000x128xf32>
    %mul3A_71 = arith.mulf %sub3A_66, %mul3A_70 : vector<1000x128xf32>
    %get3A_72 = arith.constant 0 : index
    %get3A_73 = vector.load %arg8[%get3A_72] : memref<128xf32, #tpu.memory_space<vmem>>, vector<128xf32>
    %broadcast_in_dim3A_74 = vector.shape_cast %get3A_73 : vector<128xf32> to vector<1x128xf32>
    %mul3A_75 = vector.broadcast %broadcast_in_dim3A_74 : vector<1x128xf32> to vector<1000x128xf32>
    %mul3A_76 = arith.mulf %mul3A_71, %mul3A_75 : vector<1000x128xf32>
    %get3A_77 = arith.constant 0 : index
    %get3A_78 = vector.load %arg9[%get3A_77] : memref<128xf32, #tpu.memory_space<vmem>>, vector<128xf32>
    %broadcast_in_dim3A_79 = vector.shape_cast %get3A_78 : vector<128xf32> to vector<1x128xf32>
    %add3A_80 = vector.broadcast %broadcast_in_dim3A_79 : vector<1x128xf32> to vector<1000x128xf32>
    %add3A_81 = arith.addf %mul3A_76, %add3A_80 : vector<1000x128xf32>
    %swap3A = arith.constant 0 : index
    %swap3A_82 = arith.constant 0 : index
    %swap3A_83 = vector.load %arg10[%swap3A, %swap3A_82] : memref<1000x128xf32, #tpu.memory_space<vmem>>, vector<1000x128xf32>
    tpu.vector_store %arg10[%swap3A, %swap3A_82], %add3A_81 {strides = array<i32>} : memref<1000x128xf32, #tpu.memory_space<vmem>>, vector<1000x128xf32>,
    return
  }
  func.func @transform_0(%arg0: i32) -> (i32, i32) {
    %c0_i32 = arith.constant 0 : i32
    %c0_i32_0 = arith.constant 0 : i32
    return %arg0, %c0_i32 : i32, i32
  }
  func.func @transform_1(%arg0: i32) -> (i32, i32, i32) {
    %c0_i32 = arith.constant 0 : i32
    %c0_i32_0 = arith.constant 0 : i32
    %c0_i32_1 = arith.constant 0 : i32
    return %c0_i32, %arg0, %c0_i32_0 : i32, i32, i32
  }
  func.func @transform_2(%arg0: i32) -> (i32, i32, i32) {
    %c0_i32 = arith.constant 0 : i32
    %c0_i32_0 = arith.constant 0 : i32
    %c0_i32_1 = arith.constant 0 : i32
    return %c0_i32, %arg0, %c0_i32_0 : i32, i32, i32
  }
  func.func @transform_3(%arg0: i32) -> (i32, i32) {
    %c0_i32 = arith.constant 0 : i32
    %c0_i32_0 = arith.constant 0 : i32
    %c0_i32_1 = arith.constant 0 : i32
    return %c0_i32, %c0_i32_0 : i32, i32
  }
  func.func @transform_4(%arg0: i32) -> i32 {
    %c0_i32 = arith.constant 0 : i32
    %c0_i32_0 = arith.constant 0 : i32
    return %c0_i32 : i32
  }
  func.func @transform_5(%arg0: i32) -> (i32, i32) {
    %c0_i32 = arith.constant 0 : i32
    %c0_i32_0 = arith.constant 0 : i32
    %c0_i32_1 = arith.constant 0 : i32
    return %c0_i32, %c0_i32_0 : i32, i32
  }
  func.func @transform_6(%arg0: i32) -> i32 {
    %c0_i32 = arith.constant 0 : i32
    %c0_i32_0 = arith.constant 0 : i32
    return %c0_i32 : i32
  }
  func.func @transform_7(%arg0: i32) -> i32 {
    %c0_i32 = arith.constant 0 : i32
    %c0_i32_0 = arith.constant 0 : i32
    return %c0_i32 : i32
  }
  func.func @transform_8(%arg0: i32) -> i32 {
    %c0_i32 = arith.constant 0 : i32
    %c0_i32_0 = arith.constant 0 : i32
    return %c0_i32 : i32
  }
  func.func @transform_9(%arg0: i32) -> (i32, i32) {
    %c0_i32 = arith.constant 0 : i32
    %c0_i32_0 = arith.constant 0 : i32
    return %arg0, %c0_i32 : i32, i32
  }
}

</mosaic_0001>

<sc_bundles>
// kernel: kernel.10.cloned.1.call-start
scs
__scs_entry_jumppad:
0x0: {  	(pc) =	sbr.rel $0x88, $3  }
0x1: {  	(tag) =	ssettag $0x0;
	lr =	simm.s32 $0x1  }
0x2: {  	[smem:$0x3F93] =	sst lr;
	_ =	strace $0xD0000000  }
0x3: {  	_ = 	snop  }
0x4: {  	_ = 	snop  }
0x5: {  	_ = 	snop  }
0x6: {  	_ = 	snop  }
0x7: {  	_ = 	snop  }
__scs_overlays_trampoline_lowered:
0x8: {  	[smem:$0x3FA2] =	sst s0  }
0x9: {  	[smem:$0x3FA3] =	sst s1  }
0xa: {  	[smem:$0x3FA4] =	sst s2  }
0xb: {  	[smem:$0x3FA5] =	sst s3  }
0xc: {  	[smem:$0x3FA6] =	sst s4  }
0xd: {  	[smem:$0x3FA7] =	sst s5  }
0xe: {  	[smem:$0x3FA8] =	sst s6  }
0xf: {  	[smem:$0x3FA9] =	sst s7  }
0x10: {  	[smem:$0x3FAA] =	sst s8  }
0x11: {  	[smem:$0x3FAB] =	sst s9;
	s0 =	simm.s32 @!p0 $0x0  }
0x12: {  	s1 =	sld [smem:$0x3F91];
	s0 =	simm.s32 @p0 $0x1  }
0x13: {  	[smem:$0x3FAC] =	sst s0;
	s0 =	simm.s32 @!p1 $0x0  }
0x14: {  	s2 =	sld [smem:$0x3F90];
	s0 =	simm.s32 @p1 $0x1  }
0x15: {  	[smem:$0x3FAD] =	sst s0;
	s0 =	simm.s32 @!p2 $0x0  }
0x16: {  	s3 =	sld [smem:$0x3FDB];
	s0 =	simm.s32 @p2 $0x1  }
0x17: {  	s4 =	simm.s32 $0x1BF5;
	[smem:$0x3FAF] =	sst s0  }
0x18: {  	s0 =	sld [smem:$0x3F92];
	_ =	swait.ge [sflag:s4], $0x0  }
0x19: {  	s7 =	sld [smem:$0x3F93]  }
0x1a: {  	s8 =	sadd.s32 $0xFFFFE003, lr  }
0x1b: {  	s9 =	sadd.s32 $0xFFFFFEF7, lr;
	s5 =	simm.s32 $0xFFFFFFFF;
	p2 =	slt.u32 s8, $0xFFFFF086  }
0x1c: {  	p1 =	slt.u32 s9, $0xF7A;
	s5 =	simm.s32 @!p2 $0x0  }
0x1d: {  	s5 =	simm.s32 @p1 $0x1;
	p0 =	seq.s32 s7, s2  }
0x1e: {  	s7 =	smul.u32 @!p0 $0xF7A, s2;
	p2 =	seq.s32 @!p0 s5, $0x0  }
0x1f: {  	s9 =	smul.u32 $0xF7A, s1;
	s8 =	simm.s32 @!p0 $0x1BF5;
	p2 =	por !p2, p0  }
0x20: {  	[sflag:s8] =	ssyncset.s32 @!p0 $0xFFFFF086;
	s6 =	sadd.s32 @!p0 s3, s7;
	s7 =	simm.s32 @!p0 $0x108  }
0x21: {  	s3 =	sadd.s32 s3, s9;
	s6 =	sadd.s32 @!p0 $0x88, s6;
	s7 =	simm.s32 @p2 $0x1082  }
0x22: {  	[simem:s7], [sflag:s8] =	dma.local @!p0 [hbm:s6], $0xF7A  }
0x23: {  	s9 =	sor.u32 $0xD0000000, s2;
	s6 =	simm.s32 $0x108;
	_ =	swait.ge @!p0 [sflag:s8], $0x0  }
0x24: {  	s3 =	sadd.s32 $0x88, s3;
	s6 =	simm.s32 @!p1 $0x1082;
	[sflag:s4] =	ssyncset.s32 $0xFFFFF086  }
0x25: {  	[simem:s6], [sflag:s4] =	dma.local [hbm:s3], $0xF7A  }
0x26: {  	[smem:$0x3F93] =	sst s1;
	(tag) =	ssettag s2;
	_ =	strace s9  }
0x27: {  	s1 =	sld [smem:$0x3FA3]  }
0x28: {  	s2 =	sld [smem:$0x3FA4]  }
0x29: {  	s4 =	sld [smem:$0x3FA6]  }
0x2a: {  	p0 =	seq.s32 s5, $0x0;
	s5 =	sld [smem:$0x3FA7]  }
0x2b: {  	s6 =	sld [smem:$0x3FA8]  }
0x2c: {  	s7 =	sld [smem:$0x3FA9]  }
0x2d: {  	s3 =	simm.s32 $0x108;
	s8 =	sld [smem:$0x3FAA]  }
0x2e: {  	s3 =	simm.s32 @!p0 $0x1082;
	s9 =	sld [smem:$0x3FAB]  }
0x2f: {  	lr =	sadd.s32 s0, s3;
	s0 =	sld [smem:$0x3FA2]  }
0x30: {  	s3 =	sld [smem:$0x3FA5]  }
0x31: {  	[smem:$0x3FAE] =	sst s10  }
0x32: {  	s10 =	sld [smem:$0x3FAC];
	_ =	sdelay $0x3  }
0x33: {  	p0 =	seq.s32 s10, $0x1;
	s10 =	sld [smem:$0x3FAE];
	_ =	sdelay $0x3  }
0x34: {  	[smem:$0x3FAE] =	sst s10  }
0x35: {  	s10 =	sld [smem:$0x3FAD];
	_ =	sdelay $0x3  }
0x36: {  	p1 =	seq.s32 s10, $0x1;
	s10 =	sld [smem:$0x3FAE];
	_ =	sdelay $0x3  }
0x37: {  	[smem:$0x3FAE] =	sst s10  }
0x38: {  	s10 =	sld [smem:$0x3FAF]  }
0x39: {  	_ = 	snop;
	(pc) =	sbr.ind lr, $3  }
0x3a: {  	_ = 	snop  }
0x3b: {  	_ = 	snop  }
0x3c: {  	p2 =	seq.s32 s10, $0x1;
	s10 =	sld [smem:$0x3FAE]  }
0x3d: {  	_ =	shalt  }
0x3e: {  	_ =	shalt  }
0x3f: {  	_ =	shalt  }
0x40: {  	_ =	shalt  }
0x41: {  	_ =	shalt  }
0x42: {  	_ =	shalt  }
0x43: {  	_ =	shalt  }
0x44: {  	_ =	shalt  }
0x45: {  	_ =	shalt  }
0x46: {  	_ =	shalt  }
0x47: {  	_ =	shalt  }
0x48: {  	_ =	shalt  }
0x49: {  	_ =	shalt  }
0x4a: {  	_ =	shalt  }
0x4b: {  	_ =	shalt  }
0x4c: {  	_ =	shalt  }
0x4d: {  	_ =	shalt  }
0x4e: {  	_ =	shalt  }
0x4f: {  	_ =	shalt  }
0x50: {  	_ =	shalt  }
0x51: {  	_ =	shalt  }
0x52: {  	_ =	shalt  }
0x53: {  	_ =	shalt  }
0x54: {  	_ =	shalt  }
0x55: {  	_ =	shalt  }
0x56: {  	_ =	shalt  }
0x57: {  	_ =	shalt  }
0x58: {  	_ =	shalt  }
0x59: {  	_ =	shalt  }
0x5a: {  	_ =	shalt  }
0x5b: {  	_ =	shalt  }
0x5c: {  	_ =	shalt  }
0x5d: {  	_ =	shalt  }
0x5e: {  	_ =	shalt  }
0x5f: {  	_ =	shalt  }
0x60: {  	_ =	shalt  }
0x61: {  	_ =	shalt  }
0x62: {  	_ =	shalt  }
0x63: {  	_ =	shalt  }
0x64: {  	_ =	shalt  }
0x65: {  	_ =	shalt  }
0x66: {  	_ =	shalt  }
0x67: {  	_ =	shalt  }
0x68: {  	_ =	shalt  }
0x69: {  	_ =	shalt  }
0x6a: {  	_ =	shalt  }
0x6b: {  	_ =	shalt  }
0x6c: {  	_ =	shalt  }
0x6d: {  	_ =	shalt  }
0x6e: {  	_ =	shalt  }
0x6f: {  	_ =	shalt  }
0x70: {  	_ =	shalt  }
0x71: {  	_ =	shalt  }
0x72: {  	_ =	shalt  }
0x73: {  	_ =	shalt  }
0x74: {  	_ =	shalt  }
0x75: {  	_ =	shalt  }
0x76: {  	_ =	shalt  }
0x77: {  	_ =	shalt  }
0x78: {  	_ =	shalt  }
0x79: {  	_ =	shalt  }
0x7a: {  	_ =	shalt  }
0x7b: {  	_ =	shalt  }
0x7c: {  	_ =	shalt  }
0x7d: {  	_ =	shalt  }
0x7e: {  	_ =	shalt  }
0x7f: {  	_ =	shalt  }
0x80: {  	_ =	shalt  }
0x81: {  	_ =	shalt  }
0x82: {  	_ =	shalt  }
0x83: {  	_ =	shalt  }
0x84: {  	_ =	shalt  }
0x85: {  	_ =	shalt  }
0x86: {  	_ =	shalt  }
0x87: {  	_ =	shalt  }
.Lfunc_end0:
.L_simem_size_0:
called_computation_lowered:
.L_overlay_start_0:
0x88: {  	s2 =	sld [smem:$0x3FD9]  }
0x89: {  	s3 =	sld [smem:$0x3FFE];
	_ =	sdelay $0x1  }
0x8a: {  	s1 =	srdreg.scid  }
0x8b: {  	s0 =	sand.u32 $0x1, s1  }
0x8c: {  	s17 =	sshll.u32 s0, $0xA;
	s2 =	sadd.s32 s3, s2  }
0x8d: {  	s2 =	sadd.s32 s2, s17  }
0x8e: {  	[smem:$0x3FBA] =	sst s2  }
0x8f: {  	_ = 	snop  }
0x90: {  	s18 =	sld [smem:$0x3FD0];
	(tm) =	ssettm $0x1  }
0x91: {  	s19 =	sld [smem:$0x3FFB];
	_ =	sdelay $0x3  }
0x92: {  	_ =	strace s19  }
0x93: {  	s2 =	sld [smem:$0x3FFC];
	_ =	sdelay $0x3  }
0x94: {  	_ =	strace s2  }
0x95: {  	s2 =	sld [smem:$0x3FFD];
	_ =	sdelay $0x3  }
0x96: {  	_ =	strace s2  }
0x97: {  	_ =	strace $0x8FFFFFFF  }
0x98: {  	s20 =	sld [smem:$0x3FDB];
	_ =	sdelay $0x1  }
0x99: {  	s4 =	simm.s32 $_scs_section_size  }
0x9a: {  	s5 =	simm.s32 $_size__tile_overlayer_lowered;
	s6 =	simm.s32 $_tile_overlayer_lowered  }
0x9b: {  	s7 =	simm.s32 $0x1BFF;
	s21 =	sshll.u32 s6, $0x1;
	s4 =	sadd.s32 s4, s20  }
0x9c: {  	s22 =	simm.s32 $0x0;
	s5 =	sshll.u32 s5, $0x1;
	s6 =	sadd.s32 s21, s4  }
0x9d: {  	[timem:s22], [sflag:s7] =	dma.local [hbm:s6], s5  }
0x9e: {  	_ =	swait.ge [sflag:s7], s5  }
0x9f: {  	s5 =	ssub.s32 $0x0, s5;
	[sflag:s7] =	ssyncset.done $0x0  }
0xa0: {  	[sflag:s7] =	ssyncadd.s32 s5;
	_ =	sdelay $0x1  }
0xa1: {  	s23 =	simm.s32 $0x1B8B  }
0xa2: {  	_ =	swait.ge [sflag:s23], $0x1  }
0xa3: {  	[sflag:s23] =	ssyncset.done $0x0  }
0xa4: {  	[sflag:s23] =	ssyncadd.s32 $0xFFFFFFFF  }
0xa5: {  	s5 =	sld [smem:$0x0]  }
0xa6: {  	s6 =	sand.u32 $0xFFFFFFFE, s1  }
0xa7: {  	p0 =	sne.s32 s1, s6  }
0xa8: {  	s6 =	sshll.u32 @p0 s6, $0xE  }
0xa9: {  	s6 =	sadd.s32 @p0 $0x11B8D, s6;
	s7 =	sshll.u32 @p0 s5, $0x11  }
0xaa: {  	s6 =	sor.u32 @p0 s7, s6  }
0xab: {  	[sflag:s6] =	ssyncadd.remote.s32 @p0 $0x1;
	_ =	sdelay $0x1  }
0xac: {  	s6 =	simm.s32 @p0 $0x1B8D  }
0xad: {  	_ =	swait.eq @p0 [sflag:s6], $0x1  }
0xae: {  	[sflag:s6] =	ssyncadd.s32 @p0 $0xFFFFFFFF  }
0xaf: {  	s7 =	sshll.u32 @!p0 s1, $0xE  }
0xb0: {  	s7 =	sor.u32 @!p0 $0x4000, s7;
	s6 =	simm.s32 @!p0 $0x1B8D  }
0xb1: {  	s5 =	sshll.u32 @!p0 s5, $0x11;
	s7 =	sadd.s32 @!p0 $0x11B8D, s7;
	_ =	swait.eq @!p0 [sflag:s6], $0x1  }
0xb2: {  	s5 =	sor.u32 @!p0 s5, s7;
	[sflag:s6] =	ssyncadd.s32 @!p0 $0xFFFFFFFF  }
0xb3: {  	s25 =	simm.s32 $0x1B8E;
	s24 =	sld [smem:$0x3FFE];
	[sflag:s5] =	ssyncadd.remote.s32 @!p0 $0x1  }
0xb4: {  	s26 =	simm.s32 $execute0_lowered;
	[smem:$0x3FD2] =	sst s25  }
0xb5: {  	s6 =	sshll.u32 s26, $0x1;
	_ =	strace $0x80000049;
	[dreg:$0x1] =	wrdreg $0xFFFFFFFF  }
0xb6: {  	s28 =	simm.s32 $_size_execute0_lowered;
	s4 =	sadd.s32 s4, s6;
	[dreg:$0x0] =	wrdreg $0x0  }
0xb7: {  	s6 =	sshll.u32 s28, $0x1;
	[dreg:$0x2] =	wrdreg s4  }
0xb8: {  	[dreg:$0x3] =	wrdreg s6  }
0xb9: {  	[dreg:$0x4] =	wrdreg $0xC0  }
0xba: {  	_ =	task [dreg:s22], $0x5FFFF  }
0xbb: {  	[dreg:$0x1] =	wrdreg $0xFFFFFFFF  }
0xbc: {  	[dreg:$0x0] =	wrdreg $0x60  }
0xbd: {  	[dreg:$0x2] =	wrdreg s18  }
0xbe: {  	[dreg:$0x3] =	wrdreg s24  }
0xbf: {  	[dreg:$0x4] =	wrdreg $0x8B800  }
0xc0: {  	[dreg:$0x5] =	wrdreg $0x9  }
0xc1: {  	_ =	task.clear_ibuf [dreg:s22], $0x6FFFF;
	_ =	strace $0x90000049  }
0xc2: {  	s29 =	simm.s32 $0x9;
	_ =	strace $0x8000004B  }
0xc3: {  	_ =	swait.ge [sflag:s29], $0x1  }
0xc4: {  	[sflag:s29] =	ssyncadd.s32 $0xFFFFFFFF  }
0xc5: {  	_ =	strace $0x9000004B  }
0xc6: {  	_ =	sfence  }
0xc7: {  	s30 =	sld [smem:$0x0];
	_ =	sdelay $0x2  }
0xc8: {  	s31 =	sshll.u32 s1, $0xD;
	s1 =	sshrl.u32 s1, $0x2  }
0xc9: {  	s4 =	sand.u32 $0x4000, s31;
	s1 =	sadd.s32 s1, s30  }
0xca: {  	s0 =	sor.u32 s4, s0;
	s1 =	sshll.u32 s1, $0x11  }
0xcb: {  	s0 =	sor.u32 s1, s0  }
0xcc: {  	s0 =	sadd.s32 $0x8F2B, s0  }
0xcd: {  	[sflag:s0] =	ssyncadd.remote.s32 $0x1  }
0xce: {  	_ =	sfence.sel $0xFFFF  }
0xcf: {  	[dreg:$0x0] =	wrdreg $0xFFFFFFFF;
	(pc) =	sbr.abs _section_cstart, $3  }
0xd0: {  	[dreg:$0x1] =	wrdreg $0xFFFFFFFF  }
0xd1: {  	_ =	task.clear_ibuf [dreg:s22], $0x2FFFF;
	_ =	strace $0x9FFFFFFF  }
0xd2: {  	(tm) =	ssettm $0x7FFFFFFF  }
0xd3: {  	_ =	shalt  }
tec
execute0_lowered:
.L_overlay_start_1:
0x0: {  	(tag) =	ssettag $0x1  }
0x1: {  	s0 =	rddreg [dreg:$0x0]  }
0x2: {  	s3 =	rddreg [dreg:$0x1]  }
0x3: {  	s1 =	rddreg [dreg:$0x2];
	s2 =	simm.s32 $0x0;
	s5 =	srdreg.scid  }
0x4: {  	s13 =	stileid.u32;
	s15 =	simm.s32 $0xB;
	s16 =	simm.s32 $0x28  }
0x5: {  	s17 =	simm.s32 $0x2780;
	s18 =	simm.s32 $0x3B80;
	s28 =	simm.s32 $0x3  }
0x6: {  	s29 =	simm.s32 $0x4;
	s30 =	simm.s32 $0x5;
	s31 =	simm.s32 $0x6  }
0x7: {  	[smem:$0x7FF] =	sst s2;
	s4 =	sadd.s32 $0x18200, s3;
	s6 =	sadd.s32 $0x4600, s3  }
0x8: {  	s7 =	sadd.s32 $0xE400, s3;
	s8 =	sadd.s32 $0x521400, s3;
	s11 =	smul.u32 $0x2710, s13  }
0x9: {  	s5 =	sand.u32 $0x1, s5;
	s14 =	sadd.s32 $0x792400, s3;
	s20 =	smul.u32 $0xA000, s13  }
0xa: {  	s12 =	ssub.s32 $0x7C, s13;
	s22 =	smul.u32 $0x500, s13;
	s24 =	sadd.s32 $0x792E00, s3  }
0xb: {  	s25 =	sadd.s32 $0x521E00, s3;
	s26 =	sshll.u32 s13, $0x6;
	s3 =	simm.s32 $0x8  }
0xc: {  	_ =	strace $0x8000004A;
	s9 =	ssub.s32 $0x2, s5;
	s19 =	sshrl.u32 s12, $0x4  }
0xd: {  	p0 =	seq.s32 s5, $0x1;
	p1 =	seq.s32 s5, $0x0;
	[dreg:$0x8] =	wrdreg s24  }
0xe: {  	[dreg:$0x9] =	wrdreg s25;
	s24 =	simm.s32 $0x7780;
	s25 =	simm.s32 $0x1  }
0xf: {  	s10 =	sshrl.u32 s9, $0x1;
	s11 =	sshrl.u32 s11, $0x3;
	s7 =	smov.u32 @p1 s6  }
0x10: {  	s0 =	smov.u32 @p0 s4;
	s14 =	smov.u32 @p1 s8;
	s6 =	sshrl.u32 s20, $0x2  }
0x11: {  	s20 =	simm.s32 $0x4F80;
	p0 =	sne.s32 s5, $0x0;
	s9 =	ssub.s32 s9, s10  }
0x12: {  	s21 =	sadd.s32 s7, s11;
	[dreg:$0x4] =	wrdreg s14;
	s7 =	sadd.s32 $0x1, s19  }
.Ltmp0:
0x13: {  	s8 =	sadd.s32 s22, s0;
	s23 =	sadd.s32 s6, s1;
	(pc) =	sbr.rel .LBB2_1-.Ltmp0, $4  }
0x14: {  	s10 =	smul.u32 $0x27100, s13;
	s13 =	sor.u32 $0x1C0B, s26;
	s22 =	simm.s32 $0x6380  }
0x15: {  	s26 =	simm.s32 $0x2;
	s0 =	simm.s32 $0x7;
	[dreg:$0x6] =	wrdreg s21  }
0x16: {  	s19 =	simm.s32 $0x9;
	s9 =	smax.u32 s9, $0x1;
	[dreg:$0x7] =	wrdreg s23  }
0x17: {  	s21 =	simm.s32 $0xA;
	s23 =	simm.s32 $0x0;
	[dreg:$0x5] =	wrdreg s9  }
.LBB2_7:
0x18: {  	_ =	swait.ge [sflag:s31], $0x1400  }
0x19: {  	[sflag:s31] =	ssyncset.done $0x0  }
0x1a: {  	[sflag:s31] =	ssyncadd.s32 $0xFFFFEC00  }
0x1b: {  	_ =	swait.ge [sflag:s0], $0x1400  }
0x1c: {  	[sflag:s0] =	ssyncset.done $0x0  }
0x1d: {  	[sflag:s0] =	ssyncadd.s32 $0xFFFFEC00  }
0x1e: {  	_ =	swait.ge [sflag:s3], $0x1400  }
0x1f: {  	[sflag:s3] =	ssyncset.done $0x0  }
0x20: {  	[sflag:s3] =	ssyncadd.s32 $0xFFFFEC00  }
0x21: {  	_ =	swait.ge [sflag:s19], $0x1400  }
0x22: {  	[sflag:s19] =	ssyncset.done $0x0  }
0x23: {  	[sflag:s19] =	ssyncadd.s32 $0xFFFFEC00  }
0x24: {  	_ =	swait.ge [sflag:s21], $0x1400  }
0x25: {  	s23 =	sadd.s32 $0x1, s23;
	s4 =	rddreg [dreg:$0x5]  }
0x26: {  	p1 =	sne.s32 s23, s4  }
.Ltmp1:
0x27: {  	_ = 	snop;
	(pc) =	sbr.rel @!p1 .LBB2_8-.Ltmp1, $3  }
0x28: {  	_ =	sdelay $0x1  }
0x29: {  	[sflag:s21] =	ssyncset.done $0x0  }
0x2a: {  	[sflag:s21] =	ssyncadd.s32 $0xFFFFEC00  }
.LBB2_1:
0x2b: {  	p1 =	sne.s32 s7, $0x1  }
.Ltmp2:
0x2c: {  	_ = 	snop;
	(pc) =	sbr.rel @!p1 .LBB2_3-.Ltmp2, $3  }
0x2d: {  	_ =	sdelay $0x1  }
0x2e: {  	s4 =	sadd.s32 $0xFFFFFFFF, s7;
	s6 =	rddreg [dreg:$0x7];
	s5 =	sadd.s32 $0x5000, s8  }
0x2f: {  	s11 =	smov.u32 s8;
	s12 =	sshrl.u32 s6, $0x3;
	s6 =	sadd.s32 $0x28000, s6  }
.LBB2_2:
0x30: {  	[spmem:s12], [sflag:s13] =	dma.local [hbm:s11], $0x500  }
0x31: {  	p2 =	sne.s32 s4, $0x1  }
.Ltmp3:
0x32: {  	s4 =	sadd.s32 $0xFFFFFFFF, s4;
	(pc) =	sbr.rel @p2 .LBB2_2-.Ltmp3, $2  }
0x33: {  	s11 =	smov.u32 s5;
	_ =	sdelay $0x2  }
0x34: {  	s12 =	sshrl.u32 s6, $0x3;
	s5 =	sadd.s32 $0x5000, s5;
	s6 =	sadd.s32 $0x28000, s6  }
.LBB2_3:
0x35: {  	[spmem:s12], [sflag:s13] =	dma.local [hbm:s11], $0x500  }
0x36: {  	s14 =	simm.s32 $0xC;
	s4 =	rddreg [dreg:$0x6]  }
0x37: {  	[tilespmem:s2], [sflag:$0xC] =	stream.linear.gather [hbm4b:s4+s2], $0x2710, $0x38;
	[tilespmem:$0x1C400] =	vst v63  }
.Ltmp4:
0x38: {  	_ =	swait.ge [sflag:s14], $0x2710;
	(pc) =	sbr.rel @!p1 .LBB2_5-.Ltmp4, $4  }
0x39: {  	[sflag:s14] =	ssyncset.done $0x0  }
0x3a: {  	[sflag:s14] =	ssyncadd.s32 $0xFFFFD8F0  }
0x3b: {  	_ =	swait.ge [sflag:s15], $0x500  }
0x3c: {  	s4 =	sadd.s32 $0xFFFFFFFF, s7;
	[sflag:s15] =	ssyncset.done $0x0  }
.LBB2_4:
0x3d: {  	p1 =	sne.s32 s4, $0x1;
	s4 =	sadd.s32 $0xFFFFFFFF, s4;
	[sflag:s15] =	ssyncadd.s32 $0xFFFFFB00  }
.Ltmp5:
0x3e: {  	(pc) =	sbr.rel @p1 .LBB2_4-.Ltmp5, $3  }
0x3f: {  	_ =	sdelay $0x1  }
0x40: {  	_ =	swait.ge [sflag:s15], $0x500  }
0x41: {  	[sflag:s15] =	ssyncset.done $0x0  }
.LBB2_5:
0x42: {  	[sflag:s15] =	ssyncadd.s32 $0xFFFFFB00  }
0x43: {  	[bflag:$0x0] =	sbarrier.arrive $0xFFFF  }
0x44: {  	[tilespmem:s17], [sflag:$0x1] =	stream.indirect.gather [spmem:s1], $0x80, s2, s16, $0xb8;
	[tilespmem:$0x1C400] =	vst v63  }
0x45: {  	_ = 	snop  }
0x46: {  	[tilespmem:s18], [sflag:$0x2] =	stream.indirect.gather [spmem:s1], $0x80, s16, s16, $0xb8;
	[tilespmem:$0x1C400] =	vst v63  }
0x47: {  	s4 =	simm.s32 $0x50;
	s11 =	rddreg [dreg:$0x8]  }
0x48: {  	[tilespmem:s20], [sflag:$0x3] =	stream.indirect.gather [spmem:s1], $0x80, s4, s16, $0xb8;
	[tilespmem:$0x1C400] =	vst v63  }
0x49: {  	s12 =	simm.s32 $0x78;
	s14 =	simm.s32 $0xA0;
	s4 =	rddreg [dreg:$0x4]  }
0x4a: {  	[tilespmem:s22], [sflag:$0x4] =	stream.indirect.gather [spmem:s1], $0x80, s12, s16, $0xb8;
	[tilespmem:$0x1C400] =	vst v63  }
0x4b: {  	s5 =	simm.s32 $0x168;
	s6 =	simm.s32 $0x31;
	s12 =	rddreg [dreg:$0x9]  }
0x4c: {  	[tilespmem:s24], [sflag:$0x5] =	stream.indirect.gather [spmem:s1], $0x80, s14, s16, $0xb8;
	[tilespmem:$0x1C400] =	vst v63  }
.LBB2_6:
0x4d: {  	_ =	swait.ge [sflag:s25], $0x1400  }
0x4e: {  	[sflag:s25] =	ssyncset.done $0x0  }
0x4f: {  	s14 =	sadd.s32 s4, s10;
	[sflag:s25] =	ssyncadd.s32 $0xFFFFEC00  }
0x50: {  	[hbm4b:s14+s2] =	stream.linear.scatter [tilespmem:s17], [sflag:$0x6], $0x1400, $0x38;
	[tilespmem:$0x1C400] =	vst v63  }
0x51: {  	_ =	swait.ge [sflag:s26], $0x1400  }
0x52: {  	[sflag:s26] =	ssyncset.done $0x0  }
0x53: {  	s9 =	sadd.s32 $0x280, s14;
	[sflag:s26] =	ssyncadd.s32 $0xFFFFEC00  }
0x54: {  	[hbm4b:s9+s2] =	stream.linear.scatter [tilespmem:s18], [sflag:$0x7], $0x1400, $0x38;
	[tilespmem:$0x1C400] =	vst v63  }
0x55: {  	_ =	swait.ge [sflag:s28], $0x1400  }
0x56: {  	[sflag:s28] =	ssyncset.done $0x0  }
0x57: {  	s9 =	sadd.s32 $0x500, s14;
	[sflag:s28] =	ssyncadd.s32 $0xFFFFEC00  }
0x58: {  	[hbm4b:s9+s2] =	stream.linear.scatter [tilespmem:s20], [sflag:$0x8], $0x1400, $0x38;
	[tilespmem:$0x1C400] =	vst v63  }
0x59: {  	_ =	swait.ge [sflag:s29], $0x1400  }
0x5a: {  	[sflag:s29] =	ssyncset.done $0x0  }
0x5b: {  	p1 =	seq.s32 s6, $0x0;
	s14 =	sadd.s32 $0x780, s14;
	[sflag:s29] =	ssyncadd.s32 $0xFFFFEC00  }
0x5c: {  	[hbm4b:s14+s2] =	stream.linear.scatter [tilespmem:s22], [sflag:$0x9], $0x1400, $0x38;
	[tilespmem:$0x1C400] =	vst v63  }
.Ltmp6:
0x5d: {  	_ = 	snop;
	(pc) =	sbr.rel @p1 .LBB2_7-.Ltmp6, $4  }
0x5e: {  	_ =	swait.ge [sflag:s30], $0x1400  }
0x5f: {  	s9 =	sadd.s32 @p0 s11, s10;
	[sflag:s30] =	ssyncset.done $0x0  }
0x60: {  	s9 =	sadd.s32 @!p0 s12, s10;
	[sflag:s30] =	ssyncadd.s32 $0xFFFFEC00  }
0x61: {  	[hbm4b:s9+s2] =	stream.linear.scatter [tilespmem:s24], [sflag:$0xA], $0x1400, $0x38;
	[tilespmem:$0x1C400] =	vst v63  }
0x62: {  	_ =	swait.ge [sflag:s31], $0x1400  }
0x63: {  	[sflag:s31] =	ssyncset.done $0x0  }
0x64: {  	s9 =	sadd.s32 $0xFFFFFF60, s5;
	[sflag:s31] =	ssyncadd.s32 $0xFFFFEC00  }
0x65: {  	[tilespmem:s17], [sflag:$0x1] =	stream.indirect.gather [spmem:s1], $0x80, s9, s16, $0xb8;
	[tilespmem:$0x1C400] =	vst v63  }
0x66: {  	_ =	swait.ge [sflag:s0], $0x1400  }
0x67: {  	[sflag:s0] =	ssyncset.done $0x0  }
0x68: {  	s14 =	sadd.s32 $0xFFFFFF88, s5;
	[sflag:s0] =	ssyncadd.s32 $0xFFFFEC00  }
0x69: {  	[tilespmem:s18], [sflag:$0x2] =	stream.indirect.gather [spmem:s1], $0x80, s14, s16, $0xb8;
	[tilespmem:$0x1C400] =	vst v63  }
0x6a: {  	_ =	swait.ge [sflag:s3], $0x1400  }
0x6b: {  	[sflag:s3] =	ssyncset.done $0x0  }
0x6c: {  	s14 =	sadd.s32 $0xFFFFFFB0, s5;
	[sflag:s3] =	ssyncadd.s32 $0xFFFFEC00  }
0x6d: {  	[tilespmem:s20], [sflag:$0x3] =	stream.indirect.gather [spmem:s1], $0x80, s14, s16, $0xb8;
	[tilespmem:$0x1C400] =	vst v63  }
0x6e: {  	_ =	swait.ge [sflag:s19], $0x1400  }
0x6f: {  	[sflag:s19] =	ssyncset.done $0x0  }
0x70: {  	s14 =	sadd.s32 $0xFFFFFFD8, s5;
	[sflag:s19] =	ssyncadd.s32 $0xFFFFEC00  }
0x71: {  	[tilespmem:s22], [sflag:$0x4] =	stream.indirect.gather [spmem:s1], $0x80, s14, s16, $0xb8;
	[tilespmem:$0x1C400] =	vst v63  }
.Ltmp7:
0x72: {  	_ =	swait.ge [sflag:s21], $0x1400;
	(pc) =	sbr.rel .LBB2_6-.Ltmp7, $4  }
0x73: {  	[sflag:s21] =	ssyncset.done $0x0  }
0x74: {  	s11 =	sadd.s32 $0xC80, s11;
	s12 =	sadd.s32 $0xC80, s12;
	[sflag:s21] =	ssyncadd.s32 $0xFFFFEC00  }
0x75: {  	[tilespmem:s24], [sflag:$0x5] =	stream.indirect.gather [spmem:s1], $0x80, s5, s16, $0xb8;
	[tilespmem:$0x1C400] =	vst v63  }
0x76: {  	s4 =	sadd.s32 $0xC80, s4;
	s6 =	sadd.s32 $0xFFFFFFFF, s6;
	s5 =	sadd.s32 $0xC8, s5  }
.LBB2_8:
0x77: {  	_ =	sfence.sel $0x180000  }
0x78: {  	[bflag:$0x0] =	sbarrier.arrive $0xFFFF  }
0x79: {  	_ =	strace $0x9000004A  }
0x7a: {  	s0 =	stileid.u32;
	[bflag:$0x2] =	sbarrier.arrive $0xFFFF  }
0x7b: {  	p0 =	sne.s32 s0, $0x0;
	s0 =	rddreg [dreg:$0x3]  }
0x7c: {  	s0 =	sadd.s32 @!p0 $0x100000, s0  }
0x7d: {  	[sflag:s0] =	ssyncadd.tile.s32 @!p0 $0x1;
	_ =	shalt  }
.Lfunc_end2:
_tile_overlayer_lowered:
.L_overlay_start_2:
0x7e: {  	(tag) =	ssettag $0x2  }
0x7f: {  	s0 =	rddreg [dreg:$0x0];
	s2 =	stileid.u32  }
0x80: {  	s1 =	rddreg [dreg:$0x1];
	p0 =	sne.s32 s2, $0x0  }
0x81: {  	s3 =	rddreg [dreg:$0x2];
	[bflag:$0x3] =	sbarrier.arrive $0xFFFF;
	s2 =	simm.s32 @!p0 $0x1C0C  }
0x82: {  	[timem:s3], [sflag:s2] =	dma.local @!p0 [hbm:s0], s1  }
0x83: {  	s0 =	simm.s32 @!p0 $0xC  }
0x84: {  	_ =	swait.ge @!p0 [sflag:s0], s1  }
0x85: {  	s1 =	ssub.s32 @!p0 $0x0, s1;
	[sflag:s0] =	ssyncset.done @!p0 $0x0  }
0x86: {  	[sflag:s0] =	ssyncadd.s32 @!p0 s1  }
0x87: {  	[bflag:$0x3] =	sbarrier.arrive $0xFFFF  }
0x88: {  	_ =	shalt  }

// kernel: kernel.13.cloned.1.call-start
scs
__scs_entry_jumppad:
0x0: {  	(pc) =	sbr.rel $0x88, $3  }
0x1: {  	(tag) =	ssettag $0x0;
	lr =	simm.s32 $0x1  }
0x2: {  	[smem:$0x3F93] =	sst lr;
	_ =	strace $0xD0000000  }
0x3: {  	_ = 	snop  }
0x4: {  	_ = 	snop  }
0x5: {  	_ = 	snop  }
0x6: {  	_ = 	snop  }
0x7: {  	_ = 	snop  }
__scs_overlays_trampoline_lowered:
0x8: {  	[smem:$0x3FA2] =	sst s0  }
0x9: {  	[smem:$0x3FA3] =	sst s1  }
0xa: {  	[smem:$0x3FA4] =	sst s2  }
0xb: {  	[smem:$0x3FA5] =	sst s3  }
0xc: {  	[smem:$0x3FA6] =	sst s4  }
0xd: {  	[smem:$0x3FA7] =	sst s5  }
0xe: {  	[smem:$0x3FA8] =	sst s6  }
0xf: {  	[smem:$0x3FA9] =	sst s7  }
0x10: {  	[smem:$0x3FAA] =	sst s8  }
0x11: {  	[smem:$0x3FAB] =	sst s9;
	s0 =	simm.s32 @!p0 $0x0  }
0x12: {  	s1 =	sld [smem:$0x3F91];
	s0 =	simm.s32 @p0 $0x1  }
0x13: {  	[smem:$0x3FAC] =	sst s0;
	s0 =	simm.s32 @!p1 $0x0  }
0x14: {  	s2 =	sld [smem:$0x3F90];
	s0 =	simm.s32 @p1 $0x1  }
0x15: {  	[smem:$0x3FAD] =	sst s0;
	s0 =	simm.s32 @!p2 $0x0  }
0x16: {  	s3 =	sld [smem:$0x3FDB];
	s0 =	simm.s32 @p2 $0x1  }
0x17: {  	s4 =	simm.s32 $0x1BF5;
	[smem:$0x3FAF] =	sst s0  }
0x18: {  	s0 =	sld [smem:$0x3F92];
	_ =	swait.ge [sflag:s4], $0x0  }
0x19: {  	s7 =	sld [smem:$0x3F93]  }
0x1a: {  	s8 =	sadd.s32 $0xFFFFE003, lr  }
0x1b: {  	s9 =	sadd.s32 $0xFFFFFEF7, lr;
	s5 =	simm.s32 $0xFFFFFFFF;
	p2 =	slt.u32 s8, $0xFFFFF086  }
0x1c: {  	p1 =	slt.u32 s9, $0xF7A;
	s5 =	simm.s32 @!p2 $0x0  }
0x1d: {  	s5 =	simm.s32 @p1 $0x1;
	p0 =	seq.s32 s7, s2  }
0x1e: {  	s7 =	smul.u32 @!p0 $0xF7A, s2;
	p2 =	seq.s32 @!p0 s5, $0x0  }
0x1f: {  	s9 =	smul.u32 $0xF7A, s1;
	s8 =	simm.s32 @!p0 $0x1BF5;
	p2 =	por !p2, p0  }
0x20: {  	[sflag:s8] =	ssyncset.s32 @!p0 $0xFFFFF086;
	s6 =	sadd.s32 @!p0 s3, s7;
	s7 =	simm.s32 @!p0 $0x108  }
0x21: {  	s3 =	sadd.s32 s3, s9;
	s6 =	sadd.s32 @!p0 $0x88, s6;
	s7 =	simm.s32 @p2 $0x1082  }
0x22: {  	[simem:s7], [sflag:s8] =	dma.local @!p0 [hbm:s6], $0xF7A  }
0x23: {  	s9 =	sor.u32 $0xD0000000, s2;
	s6 =	simm.s32 $0x108;
	_ =	swait.ge @!p0 [sflag:s8], $0x0  }
0x24: {  	s3 =	sadd.s32 $0x88, s3;
	s6 =	simm.s32 @!p1 $0x1082;
	[sflag:s4] =	ssyncset.s32 $0xFFFFF086  }
0x25: {  	[simem:s6], [sflag:s4] =	dma.local [hbm:s3], $0xF7A  }
0x26: {  	[smem:$0x3F93] =	sst s1;
	(tag) =	ssettag s2;
	_ =	strace s9  }
0x27: {  	s1 =	sld [smem:$0x3FA3]  }
0x28: {  	s2 =	sld [smem:$0x3FA4]  }
0x29: {  	s4 =	sld [smem:$0x3FA6]  }
0x2a: {  	p0 =	seq.s32 s5, $0x0;
	s5 =	sld [smem:$0x3FA7]  }
0x2b: {  	s6 =	sld [smem:$0x3FA8]  }
0x2c: {  	s7 =	sld [smem:$0x3FA9]  }
0x2d: {  	s3 =	simm.s32 $0x108;
	s8 =	sld [smem:$0x3FAA]  }
0x2e: {  	s3 =	simm.s32 @!p0 $0x1082;
	s9 =	sld [smem:$0x3FAB]  }
0x2f: {  	lr =	sadd.s32 s0, s3;
	s0 =	sld [smem:$0x3FA2]  }
0x30: {  	s3 =	sld [smem:$0x3FA5]  }
0x31: {  	[smem:$0x3FAE] =	sst s10  }
0x32: {  	s10 =	sld [smem:$0x3FAC];
	_ =	sdelay $0x3  }
0x33: {  	p0 =	seq.s32 s10, $0x1;
	s10 =	sld [smem:$0x3FAE];
	_ =	sdelay $0x3  }
0x34: {  	[smem:$0x3FAE] =	sst s10  }
0x35: {  	s10 =	sld [smem:$0x3FAD];
	_ =	sdelay $0x3  }
0x36: {  	p1 =	seq.s32 s10, $0x1;
	s10 =	sld [smem:$0x3FAE];
	_ =	sdelay $0x3  }
0x37: {  	[smem:$0x3FAE] =	sst s10  }
0x38: {  	s10 =	sld [smem:$0x3FAF]  }
0x39: {  	_ = 	snop;
	(pc) =	sbr.ind lr, $3  }
0x3a: {  	_ = 	snop  }
0x3b: {  	_ = 	snop  }
0x3c: {  	p2 =	seq.s32 s10, $0x1;
	s10 =	sld [smem:$0x3FAE]  }
0x3d: {  	_ =	shalt  }
0x3e: {  	_ =	shalt  }
0x3f: {  	_ =	shalt  }
0x40: {  	_ =	shalt  }
0x41: {  	_ =	shalt  }
0x42: {  	_ =	shalt  }
0x43: {  	_ =	shalt  }
0x44: {  	_ =	shalt  }
0x45: {  	_ =	shalt  }
0x46: {  	_ =	shalt  }
0x47: {  	_ =	shalt  }
0x48: {  	_ =	shalt  }
0x49: {  	_ =	shalt  }
0x4a: {  	_ =	shalt  }
0x4b: {  	_ =	shalt  }
0x4c: {  	_ =	shalt  }
0x4d: {  	_ =	shalt  }
0x4e: {  	_ =	shalt  }
0x4f: {  	_ =	shalt  }
0x50: {  	_ =	shalt  }
0x51: {  	_ =	shalt  }
0x52: {  	_ =	shalt  }
0x53: {  	_ =	shalt  }
0x54: {  	_ =	shalt  }
0x55: {  	_ =	shalt  }
0x56: {  	_ =	shalt  }
0x57: {  	_ =	shalt  }
0x58: {  	_ =	shalt  }
0x59: {  	_ =	shalt  }
0x5a: {  	_ =	shalt  }
0x5b: {  	_ =	shalt  }
0x5c: {  	_ =	shalt  }
0x5d: {  	_ =	shalt  }
0x5e: {  	_ =	shalt  }
0x5f: {  	_ =	shalt  }
0x60: {  	_ =	shalt  }
0x61: {  	_ =	shalt  }
0x62: {  	_ =	shalt  }
0x63: {  	_ =	shalt  }
0x64: {  	_ =	shalt  }
0x65: {  	_ =	shalt  }
0x66: {  	_ =	shalt  }
0x67: {  	_ =	shalt  }
0x68: {  	_ =	shalt  }
0x69: {  	_ =	shalt  }
0x6a: {  	_ =	shalt  }
0x6b: {  	_ =	shalt  }
0x6c: {  	_ =	shalt  }
0x6d: {  	_ =	shalt  }
0x6e: {  	_ =	shalt  }
0x6f: {  	_ =	shalt  }
0x70: {  	_ =	shalt  }
0x71: {  	_ =	shalt  }
0x72: {  	_ =	shalt  }
0x73: {  	_ =	shalt  }
0x74: {  	_ =	shalt  }
0x75: {  	_ =	shalt  }
0x76: {  	_ =	shalt  }
0x77: {  	_ =	shalt  }
0x78: {  	_ =	shalt  }
0x79: {  	_ =	shalt  }
0x7a: {  	_ =	shalt  }
0x7b: {  	_ =	shalt  }
0x7c: {  	_ =	shalt  }
0x7d: {  	_ =	shalt  }
0x7e: {  	_ =	shalt  }
0x7f: {  	_ =	shalt  }
0x80: {  	_ =	shalt  }
0x81: {  	_ =	shalt  }
0x82: {  	_ =	shalt  }
0x83: {  	_ =	shalt  }
0x84: {  	_ =	shalt  }
0x85: {  	_ =	shalt  }
0x86: {  	_ =	shalt  }
0x87: {  	_ =	shalt  }
.Lfunc_end0:
.L_simem_size_0:
called_computation.1_lowered:
.L_overlay_start_0:
0x88: {  	s2 =	sld [smem:$0x3FD9]  }
0x89: {  	s3 =	sld [smem:$0x3FFE];
	_ =	sdelay $0x1  }
0x8a: {  	s1 =	srdreg.scid  }
0x8b: {  	s0 =	sand.u32 $0x1, s1  }
0x8c: {  	s17 =	sshll.u32 s0, $0xA;
	s2 =	sadd.s32 s3, s2  }
0x8d: {  	s2 =	sadd.s32 s2, s17  }
0x8e: {  	[smem:$0x3FBA] =	sst s2  }
0x8f: {  	_ = 	snop  }
0x90: {  	s2 =	sld [smem:$0x3FD0];
	(tm) =	ssettm $0x1  }
0x91: {  	s18 =	sld [smem:$0x3FFB];
	_ =	sdelay $0x3  }
0x92: {  	_ =	strace s18  }
0x93: {  	s3 =	sld [smem:$0x3FFC];
	_ =	sdelay $0x3  }
0x94: {  	_ =	strace s3  }
0x95: {  	s3 =	sld [smem:$0x3FFD];
	_ =	sdelay $0x3  }
0x96: {  	_ =	strace s3  }
0x97: {  	_ =	strace $0x8FFFFFFF  }
0x98: {  	s19 =	sld [smem:$0x3FDB];
	_ =	sdelay $0x1  }
0x99: {  	s4 =	simm.s32 $_scs_section_size  }
0x9a: {  	s5 =	simm.s32 $_size__tile_overlayer_lowered;
	s6 =	simm.s32 $_tile_overlayer_lowered  }
0x9b: {  	s22 =	simm.s32 $0x1BFF;
	s21 =	sshll.u32 s6, $0x1;
	s3 =	sadd.s32 s4, s19  }
0x9c: {  	s7 =	simm.s32 $0x0;
	s20 =	sshll.u32 s5, $0x1;
	s5 =	sadd.s32 s21, s3  }
0x9d: {  	[timem:s7], [sflag:s22] =	dma.local [hbm:s5], s20  }
0x9e: {  	_ =	swait.ge [sflag:s22], s20  }
0x9f: {  	s4 =	ssub.s32 $0x0, s20;
	[sflag:s22] =	ssyncset.done $0x0  }
0xa0: {  	[sflag:s22] =	ssyncadd.s32 s4;
	_ =	sdelay $0x1  }
0xa1: {  	s23 =	simm.s32 $0x1B8B  }
0xa2: {  	_ =	swait.ge [sflag:s23], $0x1  }
0xa3: {  	[sflag:s23] =	ssyncset.done $0x0  }
0xa4: {  	s25 =	simm.s32 $0x1B8E;
	s24 =	sld [smem:$0x3FFE];
	[sflag:s23] =	ssyncadd.s32 $0xFFFFFFFF  }
0xa5: {  	s26 =	simm.s32 $execute0_lowered;
	[smem:$0x3FD2] =	sst s25  }
0xa6: {  	s5 =	sshll.u32 s26, $0x1;
	_ =	strace $0x80000046;
	[dreg:$0x1] =	wrdreg $0xFFFFFFFF  }
0xa7: {  	s28 =	simm.s32 $_size_execute0_lowered;
	s3 =	sadd.s32 s3, s5;
	[dreg:$0x0] =	wrdreg $0x0  }
0xa8: {  	s5 =	sshll.u32 s28, $0x1;
	[dreg:$0x2] =	wrdreg s3  }
0xa9: {  	[dreg:$0x3] =	wrdreg s5  }
0xaa: {  	[dreg:$0x4] =	wrdreg $0xC0  }
0xab: {  	_ =	task [dreg:s7], $0x5FFFF  }
0xac: {  	[dreg:$0x1] =	wrdreg $0xFFFFFFFF  }
0xad: {  	[dreg:$0x0] =	wrdreg $0x60  }
0xae: {  	[dreg:$0x2] =	wrdreg s2  }
0xaf: {  	[dreg:$0x3] =	wrdreg s24  }
0xb0: {  	[dreg:$0x4] =	wrdreg $0x8B800  }
0xb1: {  	[dreg:$0x5] =	wrdreg $0xA  }
0xb2: {  	_ =	task.clear_ibuf [dreg:s7], $0x6FFFF;
	_ =	strace $0x90000046  }
0xb3: {  	s29 =	simm.s32 $0xA;
	_ =	strace $0x80000048  }
0xb4: {  	_ =	swait.ge [sflag:s29], $0x1  }
0xb5: {  	[sflag:s29] =	ssyncadd.s32 $0xFFFFFFFF  }
0xb6: {  	_ =	strace $0x90000048  }
0xb7: {  	_ =	sfence  }
0xb8: {  	s30 =	sld [smem:$0x0];
	_ =	sdelay $0x2  }
0xb9: {  	s31 =	sshll.u32 s1, $0xD;
	s1 =	sshrl.u32 s1, $0x2  }
0xba: {  	s3 =	sand.u32 $0x4000, s31;
	s1 =	sadd.s32 s1, s30  }
0xbb: {  	s0 =	sor.u32 s3, s0;
	s1 =	sshll.u32 s1, $0x11  }
0xbc: {  	s0 =	sor.u32 s1, s0  }
0xbd: {  	s0 =	sadd.s32 $0x8F2B, s0  }
0xbe: {  	[sflag:s0] =	ssyncadd.remote.s32 $0x1  }
0xbf: {  	_ =	sfence.sel $0xFFFF  }
0xc0: {  	[dreg:$0x0] =	wrdreg $0xFFFFFFFF;
	(pc) =	sbr.abs _section_cstart, $3  }
0xc1: {  	[dreg:$0x1] =	wrdreg $0xFFFFFFFF  }
0xc2: {  	_ =	task.clear_ibuf [dreg:s7], $0x2FFFF;
	_ =	strace $0x9FFFFFFF  }
0xc3: {  	(tm) =	ssettm $0x7FFFFFFF  }
tec
execute0_lowered:
.L_overlay_start_1:
0x0: {  	(tag) =	ssettag $0x1  }
0x1: {  	s0 =	rddreg [dreg:$0x0]  }
0x2: {  	s3 =	rddreg [dreg:$0x1]  }
0x3: {  	s1 =	rddreg [dreg:$0x2]  }
0x4: {  	s2 =	simm.s32 $0x0;
	s6 =	srdreg.scid;
	s13 =	stileid.u32  }
0x5: {  	s15 =	simm.s32 $0xB;
	s16 =	simm.s32 $0x28;
	s28 =	simm.s32 $0x3  }
0x6: {  	s29 =	simm.s32 $0x4;
	s30 =	simm.s32 $0x5;
	s31 =	simm.s32 $0x6  }
0x7: {  	[smem:$0x7FF] =	sst s2;
	s4 =	sadd.s32 $0x18200, s3;
	s5 =	sadd.s32 $0x4600, s3  }
0x8: {  	s7 =	sadd.s32 $0xE400, s3;
	s8 =	sadd.s32 $0x3F400, s3;
	s11 =	smul.u32 $0x2710, s13  }
0x9: {  	s6 =	sand.u32 $0x1, s6;
	s14 =	sadd.s32 $0x2B0400, s3;
	s19 =	smul.u32 $0xA000, s13  }
0xa: {  	s12 =	ssub.s32 $0x7C, s13;
	s21 =	smul.u32 $0x500, s13;
	s24 =	sadd.s32 $0x2B0E00, s3  }
0xb: {  	s25 =	sadd.s32 $0x3FE00, s3;
	s26 =	sshll.u32 s13, $0x6;
	s3 =	simm.s32 $0x8  }
0xc: {  	_ =	strace $0x80000047;
	s9 =	ssub.s32 $0x2, s6;
	s17 =	sshrl.u32 s12, $0x4  }
0xd: {  	p0 =	seq.s32 s6, $0x0;
	p1 =	seq.s32 s6, $0x1;
	[dreg:$0x8] =	wrdreg s24  }
0xe: {  	[dreg:$0x9] =	wrdreg s25;
	s24 =	simm.s32 $0x7780;
	s25 =	simm.s32 $0x1  }
0xf: {  	s10 =	sshrl.u32 s9, $0x1;
	s11 =	sshrl.u32 s11, $0x3;
	s7 =	smov.u32 @p0 s5  }
0x10: {  	s0 =	smov.u32 @p1 s4;
	s14 =	smov.u32 @p0 s8;
	s22 =	sshrl.u32 s19, $0x2  }
0x11: {  	p0 =	sne.s32 s6, $0x0;
	s19 =	simm.s32 $0x9;
	s9 =	ssub.s32 s9, s10  }
0x12: {  	s5 =	sadd.s32 s7, s11;
	[dreg:$0x4] =	wrdreg s14;
	s7 =	sadd.s32 $0x1, s17  }
0x13: {  	s8 =	sadd.s32 s21, s0;
	s23 =	sadd.s32 s22, s1;
	s10 =	smul.u32 $0x27100, s13  }
.Ltmp0:
0x14: {  	s13 =	sor.u32 $0x1C0B, s26;
	s17 =	simm.s32 $0x2780;
	(pc) =	sbr.rel .LBB2_1-.Ltmp0, $4  }
0x15: {  	s22 =	simm.s32 $0x6380;
	s26 =	simm.s32 $0x2;
	s0 =	simm.s32 $0x7  }
0x16: {  	s21 =	simm.s32 $0xA;
	s18 =	smax.u32 s9, $0x1;
	[dreg:$0x7] =	wrdreg s23  }
0x17: {  	s20 =	sadd.s32 $0x4E20, s5;
	s23 =	simm.s32 $0x0;
	[dreg:$0x5] =	wrdreg s18  }
0x18: {  	[dreg:$0x6] =	wrdreg s20;
	s18 =	simm.s32 $0x3B80;
	s20 =	simm.s32 $0x4F80  }
.LBB2_7:
0x19: {  	_ =	swait.ge [sflag:s31], $0x1400  }
0x1a: {  	[sflag:s31] =	ssyncset.done $0x0  }
0x1b: {  	[sflag:s31] =	ssyncadd.s32 $0xFFFFEC00  }
0x1c: {  	_ =	swait.ge [sflag:s0], $0x1400  }
0x1d: {  	[sflag:s0] =	ssyncset.done $0x0  }
0x1e: {  	[sflag:s0] =	ssyncadd.s32 $0xFFFFEC00  }
0x1f: {  	_ =	swait.ge [sflag:s3], $0x1400  }
0x20: {  	[sflag:s3] =	ssyncset.done $0x0  }
0x21: {  	[sflag:s3] =	ssyncadd.s32 $0xFFFFEC00  }
0x22: {  	_ =	swait.ge [sflag:s19], $0x1400  }
0x23: {  	[sflag:s19] =	ssyncset.done $0x0  }
0x24: {  	[sflag:s19] =	ssyncadd.s32 $0xFFFFEC00  }
0x25: {  	_ =	swait.ge [sflag:s21], $0x1400  }
0x26: {  	s23 =	sadd.s32 $0x1, s23;
	s4 =	rddreg [dreg:$0x5]  }
0x27: {  	p1 =	sne.s32 s23, s4  }
.Ltmp1:
0x28: {  	_ = 	snop;
	(pc) =	sbr.rel @!p1 .LBB2_8-.Ltmp1, $3  }
0x29: {  	_ =	sdelay $0x1  }
0x2a: {  	[sflag:s21] =	ssyncset.done $0x0  }
0x2b: {  	[sflag:s21] =	ssyncadd.s32 $0xFFFFEC00  }
.LBB2_1:
0x2c: {  	p1 =	sne.s32 s7, $0x1  }
.Ltmp2:
0x2d: {  	_ = 	snop;
	(pc) =	sbr.rel @!p1 .LBB2_3-.Ltmp2, $3  }
0x2e: {  	_ =	sdelay $0x1  }
0x2f: {  	s4 =	sadd.s32 $0xFFFFFFFF, s7;
	s6 =	rddreg [dreg:$0x7];
	s5 =	sadd.s32 $0x5000, s8  }
0x30: {  	s11 =	smov.u32 s8;
	s12 =	sshrl.u32 s6, $0x3;
	s6 =	sadd.s32 $0x28000, s6  }
.LBB2_2:
0x31: {  	[spmem:s12], [sflag:s13] =	dma.local [hbm:s11], $0x500  }
0x32: {  	p2 =	sne.s32 s4, $0x1  }
.Ltmp3:
0x33: {  	s4 =	sadd.s32 $0xFFFFFFFF, s4;
	(pc) =	sbr.rel @p2 .LBB2_2-.Ltmp3, $2  }
0x34: {  	s11 =	smov.u32 s5;
	_ =	sdelay $0x2  }
0x35: {  	s12 =	sshrl.u32 s6, $0x3;
	s5 =	sadd.s32 $0x5000, s5;
	s6 =	sadd.s32 $0x28000, s6  }
.LBB2_3:
0x36: {  	[spmem:s12], [sflag:s13] =	dma.local [hbm:s11], $0x500  }
0x37: {  	s14 =	simm.s32 $0xC;
	s4 =	rddreg [dreg:$0x6]  }
0x38: {  	[tilespmem:s2], [sflag:$0xC] =	stream.linear.gather [hbm4b:s4+s2], $0x2710, $0x38;
	[tilespmem:$0x1C400] =	vst v63  }
.Ltmp4:
0x39: {  	_ =	swait.ge [sflag:s14], $0x2710;
	(pc) =	sbr.rel @!p1 .LBB2_5-.Ltmp4, $4  }
0x3a: {  	[sflag:s14] =	ssyncset.done $0x0  }
0x3b: {  	[sflag:s14] =	ssyncadd.s32 $0xFFFFD8F0  }
0x3c: {  	_ =	swait.ge [sflag:s15], $0x500  }
0x3d: {  	s4 =	sadd.s32 $0xFFFFFFFF, s7;
	[sflag:s15] =	ssyncset.done $0x0  }
.LBB2_4:
0x3e: {  	p1 =	sne.s32 s4, $0x1;
	s4 =	sadd.s32 $0xFFFFFFFF, s4;
	[sflag:s15] =	ssyncadd.s32 $0xFFFFFB00  }
.Ltmp5:
0x3f: {  	(pc) =	sbr.rel @p1 .LBB2_4-.Ltmp5, $3  }
0x40: {  	_ =	sdelay $0x1  }
0x41: {  	_ =	swait.ge [sflag:s15], $0x500  }
0x42: {  	[sflag:s15] =	ssyncset.done $0x0  }
.LBB2_5:
0x43: {  	[sflag:s15] =	ssyncadd.s32 $0xFFFFFB00  }
0x44: {  	[bflag:$0x0] =	sbarrier.arrive $0xFFFF  }
0x45: {  	[tilespmem:s17], [sflag:$0x1] =	stream.indirect.gather [spmem:s1], $0x80, s2, s16, $0xb8;
	[tilespmem:$0x1C400] =	vst v63  }
0x46: {  	_ = 	snop  }
0x47: {  	[tilespmem:s18], [sflag:$0x2] =	stream.indirect.gather [spmem:s1], $0x80, s16, s16, $0xb8;
	[tilespmem:$0x1C400] =	vst v63  }
0x48: {  	s4 =	simm.s32 $0x50;
	s6 =	rddreg [dreg:$0x4]  }
0x49: {  	[tilespmem:s20], [sflag:$0x3] =	stream.indirect.gather [spmem:s1], $0x80, s4, s16, $0xb8;
	[tilespmem:$0x1C400] =	vst v63  }
0x4a: {  	s12 =	simm.s32 $0x78;
	s14 =	simm.s32 $0xA0;
	s11 =	rddreg [dreg:$0x8]  }
0x4b: {  	[tilespmem:s22], [sflag:$0x4] =	stream.indirect.gather [spmem:s1], $0x80, s12, s16, $0xb8;
	[tilespmem:$0x1C400] =	vst v63  }
0x4c: {  	s5 =	simm.s32 $0x168;
	s4 =	simm.s32 $0x31;
	s12 =	rddreg [dreg:$0x9]  }
0x4d: {  	[tilespmem:s24], [sflag:$0x5] =	stream.indirect.gather [spmem:s1], $0x80, s14, s16, $0xb8;
	[tilespmem:$0x1C400] =	vst v63  }
.LBB2_6:
0x4e: {  	_ =	swait.ge [sflag:s25], $0x1400  }
0x4f: {  	[sflag:s25] =	ssyncset.done $0x0  }
0x50: {  	s14 =	sadd.s32 s6, s10;
	[sflag:s25] =	ssyncadd.s32 $0xFFFFEC00  }
0x51: {  	[hbm4b:s14+s2] =	stream.linear.scatter [tilespmem:s17], [sflag:$0x6], $0x1400, $0x38;
	[tilespmem:$0x1C400] =	vst v63  }
0x52: {  	_ =	swait.ge [sflag:s26], $0x1400  }
0x53: {  	[sflag:s26] =	ssyncset.done $0x0  }
0x54: {  	s9 =	sadd.s32 $0x280, s14;
	[sflag:s26] =	ssyncadd.s32 $0xFFFFEC00  }
0x55: {  	[hbm4b:s9+s2] =	stream.linear.scatter [tilespmem:s18], [sflag:$0x7], $0x1400, $0x38;
	[tilespmem:$0x1C400] =	vst v63  }
0x56: {  	_ =	swait.ge [sflag:s28], $0x1400  }
0x57: {  	[sflag:s28] =	ssyncset.done $0x0  }
0x58: {  	s9 =	sadd.s32 $0x500, s14;
	[sflag:s28] =	ssyncadd.s32 $0xFFFFEC00  }
0x59: {  	[hbm4b:s9+s2] =	stream.linear.scatter [tilespmem:s20], [sflag:$0x8], $0x1400, $0x38;
	[tilespmem:$0x1C400] =	vst v63  }
0x5a: {  	_ =	swait.ge [sflag:s29], $0x1400  }
0x5b: {  	[sflag:s29] =	ssyncset.done $0x0  }
0x5c: {  	p1 =	seq.s32 s4, $0x0;
	s14 =	sadd.s32 $0x780, s14;
	[sflag:s29] =	ssyncadd.s32 $0xFFFFEC00  }
0x5d: {  	[hbm4b:s14+s2] =	stream.linear.scatter [tilespmem:s22], [sflag:$0x9], $0x1400, $0x38;
	[tilespmem:$0x1C400] =	vst v63  }
.Ltmp6:
0x5e: {  	_ = 	snop;
	(pc) =	sbr.rel @p1 .LBB2_7-.Ltmp6, $4  }
0x5f: {  	_ =	swait.ge [sflag:s30], $0x1400  }
0x60: {  	s9 =	sadd.s32 @p0 s11, s10;
	[sflag:s30] =	ssyncset.done $0x0  }
0x61: {  	s9 =	sadd.s32 @!p0 s12, s10;
	[sflag:s30] =	ssyncadd.s32 $0xFFFFEC00  }
0x62: {  	[hbm4b:s9+s2] =	stream.linear.scatter [tilespmem:s24], [sflag:$0xA], $0x1400, $0x38;
	[tilespmem:$0x1C400] =	vst v63  }
0x63: {  	_ =	swait.ge [sflag:s31], $0x1400  }
0x64: {  	[sflag:s31] =	ssyncset.done $0x0  }
0x65: {  	s9 =	sadd.s32 $0xFFFFFF60, s5;
	[sflag:s31] =	ssyncadd.s32 $0xFFFFEC00  }
0x66: {  	[tilespmem:s17], [sflag:$0x1] =	stream.indirect.gather [spmem:s1], $0x80, s9, s16, $0xb8;
	[tilespmem:$0x1C400] =	vst v63  }
0x67: {  	_ =	swait.ge [sflag:s0], $0x1400  }
0x68: {  	[sflag:s0] =	ssyncset.done $0x0  }
0x69: {  	s14 =	sadd.s32 $0xFFFFFF88, s5;
	[sflag:s0] =	ssyncadd.s32 $0xFFFFEC00  }
0x6a: {  	[tilespmem:s18], [sflag:$0x2] =	stream.indirect.gather [spmem:s1], $0x80, s14, s16, $0xb8;
	[tilespmem:$0x1C400] =	vst v63  }
0x6b: {  	_ =	swait.ge [sflag:s3], $0x1400  }
0x6c: {  	[sflag:s3] =	ssyncset.done $0x0  }
0x6d: {  	s14 =	sadd.s32 $0xFFFFFFB0, s5;
	[sflag:s3] =	ssyncadd.s32 $0xFFFFEC00  }
0x6e: {  	[tilespmem:s20], [sflag:$0x3] =	stream.indirect.gather [spmem:s1], $0x80, s14, s16, $0xb8;
	[tilespmem:$0x1C400] =	vst v63  }
0x6f: {  	_ =	swait.ge [sflag:s19], $0x1400  }
0x70: {  	[sflag:s19] =	ssyncset.done $0x0  }
0x71: {  	s14 =	sadd.s32 $0xFFFFFFD8, s5;
	[sflag:s19] =	ssyncadd.s32 $0xFFFFEC00  }
0x72: {  	[tilespmem:s22], [sflag:$0x4] =	stream.indirect.gather [spmem:s1], $0x80, s14, s16, $0xb8;
	[tilespmem:$0x1C400] =	vst v63  }
.Ltmp7:
0x73: {  	_ =	swait.ge [sflag:s21], $0x1400;
	(pc) =	sbr.rel .LBB2_6-.Ltmp7, $4  }
0x74: {  	[sflag:s21] =	ssyncset.done $0x0  }
0x75: {  	s11 =	sadd.s32 $0xC80, s11;
	s12 =	sadd.s32 $0xC80, s12;
	[sflag:s21] =	ssyncadd.s32 $0xFFFFEC00  }
0x76: {  	[tilespmem:s24], [sflag:$0x5] =	stream.indirect.gather [spmem:s1], $0x80, s5, s16, $0xb8;
	[tilespmem:$0x1C400] =	vst v63  }
0x77: {  	s6 =	sadd.s32 $0xC80, s6;
	s4 =	sadd.s32 $0xFFFFFFFF, s4;
	s5 =	sadd.s32 $0xC8, s5  }
.LBB2_8:
0x78: {  	_ =	sfence.sel $0x180000  }
0x79: {  	[bflag:$0x0] =	sbarrier.arrive $0xFFFF  }
0x7a: {  	_ =	strace $0x90000047  }
0x7b: {  	s0 =	stileid.u32;
	[bflag:$0x2] =	sbarrier.arrive $0xFFFF  }
0x7c: {  	p0 =	sne.s32 s0, $0x0;
	s0 =	rddreg [dreg:$0x3]  }
0x7d: {  	s0 =	sadd.s32 @!p0 $0x100000, s0  }
0x7e: {  	[sflag:s0] =	ssyncadd.tile.s32 @!p0 $0x1;
	_ =	shalt  }
.Lfunc_end2:
_tile_overlayer_lowered:
.L_overlay_start_2:
0x7f: {  	(tag) =	ssettag $0x2  }
0x80: {  	s0 =	rddreg [dreg:$0x0];
	s2 =	stileid.u32  }
0x81: {  	s1 =	rddreg [dreg:$0x1];
	p0 =	sne.s32 s2, $0x0  }
0x82: {  	s3 =	rddreg [dreg:$0x2];
	[bflag:$0x3] =	sbarrier.arrive $0xFFFF;
	s2 =	simm.s32 @!p0 $0x1C0C  }
0x83: {  	[timem:s3], [sflag:s2] =	dma.local @!p0 [hbm:s0], s1  }
0x84: {  	s0 =	simm.s32 @!p0 $0xC  }
0x85: {  	_ =	swait.ge @!p0 [sflag:s0], s1  }
0x86: {  	s1 =	ssub.s32 @!p0 $0x0, s1;
	[sflag:s0] =	ssyncset.done @!p0 $0x0  }
0x87: {  	[sflag:s0] =	ssyncadd.s32 @!p0 s1  }
0x88: {  	[bflag:$0x3] =	sbarrier.arrive $0xFFFF  }
0x89: {  	_ =	shalt  }

// kernel: kernel.16.cloned.1.call-start
scs
__scs_entry_jumppad:
0x0: {  	(pc) =	sbr.rel $0x88, $3  }
0x1: {  	(tag) =	ssettag $0x0;
	lr =	simm.s32 $0x1  }
0x2: {  	[smem:$0x3F93] =	sst lr;
	_ =	strace $0xD0000000  }
0x3: {  	_ = 	snop  }
0x4: {  	_ = 	snop  }
0x5: {  	_ = 	snop  }
0x6: {  	_ = 	snop  }
0x7: {  	_ = 	snop  }
__scs_overlays_trampoline_lowered:
0x8: {  	[smem:$0x3FA2] =	sst s0  }
0x9: {  	[smem:$0x3FA3] =	sst s1  }
0xa: {  	[smem:$0x3FA4] =	sst s2  }
0xb: {  	[smem:$0x3FA5] =	sst s3  }
0xc: {  	[smem:$0x3FA6] =	sst s4  }
0xd: {  	[smem:$0x3FA7] =	sst s5  }
0xe: {  	[smem:$0x3FA8] =	sst s6  }
0xf: {  	[smem:$0x3FA9] =	sst s7  }
0x10: {  	[smem:$0x3FAA] =	sst s8  }
0x11: {  	[smem:$0x3FAB] =	sst s9;
	s0 =	simm.s32 @!p0 $0x0  }
0x12: {  	s1 =	sld [smem:$0x3F91];
	s0 =	simm.s32 @p0 $0x1  }
0x13: {  	[smem:$0x3FAC] =	sst s0;
	s0 =	simm.s32 @!p1 $0x0  }
0x14: {  	s2 =	sld [smem:$0x3F90];
	s0 =	simm.s32 @p1 $0x1  }
0x15: {  	[smem:$0x3FAD] =	sst s0;
	s0 =	simm.s32 @!p2 $0x0  }
0x16: {  	s3 =	sld [smem:$0x3FDB];
	s0 =	simm.s32 @p2 $0x1  }
0x17: {  	s4 =	simm.s32 $0x1BF5;
	[smem:$0x3FAF] =	sst s0  }
0x18: {  	s0 =	sld [smem:$0x3F92];
	_ =	swait.ge [sflag:s4], $0x0  }
0x19: {  	s7 =	sld [smem:$0x3F93]  }
0x1a: {  	s8 =	sadd.s32 $0xFFFFE003, lr  }
0x1b: {  	s9 =	sadd.s32 $0xFFFFFEF7, lr;
	s5 =	simm.s32 $0xFFFFFFFF;
	p2 =	slt.u32 s8, $0xFFFFF086  }
0x1c: {  	p1 =	slt.u32 s9, $0xF7A;
	s5 =	simm.s32 @!p2 $0x0  }
0x1d: {  	s5 =	simm.s32 @p1 $0x1;
	p0 =	seq.s32 s7, s2  }
0x1e: {  	s7 =	smul.u32 @!p0 $0xF7A, s2;
	p2 =	seq.s32 @!p0 s5, $0x0  }
0x1f: {  	s9 =	smul.u32 $0xF7A, s1;
	s8 =	simm.s32 @!p0 $0x1BF5;
	p2 =	por !p2, p0  }
0x20: {  	[sflag:s8] =	ssyncset.s32 @!p0 $0xFFFFF086;
	s6 =	sadd.s32 @!p0 s3, s7;
	s7 =	simm.s32 @!p0 $0x108  }
0x21: {  	s3 =	sadd.s32 s3, s9;
	s6 =	sadd.s32 @!p0 $0x88, s6;
	s7 =	simm.s32 @p2 $0x1082  }
0x22: {  	[simem:s7], [sflag:s8] =	dma.local @!p0 [hbm:s6], $0xF7A  }
0x23: {  	s9 =	sor.u32 $0xD0000000, s2;
	s6 =	simm.s32 $0x108;
	_ =	swait.ge @!p0 [sflag:s8], $0x0  }
0x24: {  	s3 =	sadd.s32 $0x88, s3;
	s6 =	simm.s32 @!p1 $0x1082;
	[sflag:s4] =	ssyncset.s32 $0xFFFFF086  }
0x25: {  	[simem:s6], [sflag:s4] =	dma.local [hbm:s3], $0xF7A  }
0x26: {  	[smem:$0x3F93] =	sst s1;
	(tag) =	ssettag s2;
	_ =	strace s9  }
0x27: {  	s1 =	sld [smem:$0x3FA3]  }
0x28: {  	s2 =	sld [smem:$0x3FA4]  }
0x29: {  	s4 =	sld [smem:$0x3FA6]  }
0x2a: {  	p0 =	seq.s32 s5, $0x0;
	s5 =	sld [smem:$0x3FA7]  }
0x2b: {  	s6 =	sld [smem:$0x3FA8]  }
0x2c: {  	s7 =	sld [smem:$0x3FA9]  }
0x2d: {  	s3 =	simm.s32 $0x108;
	s8 =	sld [smem:$0x3FAA]  }
0x2e: {  	s3 =	simm.s32 @!p0 $0x1082;
	s9 =	sld [smem:$0x3FAB]  }
0x2f: {  	lr =	sadd.s32 s0, s3;
	s0 =	sld [smem:$0x3FA2]  }
0x30: {  	s3 =	sld [smem:$0x3FA5]  }
0x31: {  	[smem:$0x3FAE] =	sst s10  }
0x32: {  	s10 =	sld [smem:$0x3FAC];
	_ =	sdelay $0x3  }
0x33: {  	p0 =	seq.s32 s10, $0x1;
	s10 =	sld [smem:$0x3FAE];
	_ =	sdelay $0x3  }
0x34: {  	[smem:$0x3FAE] =	sst s10  }
0x35: {  	s10 =	sld [smem:$0x3FAD];
	_ =	sdelay $0x3  }
0x36: {  	p1 =	seq.s32 s10, $0x1;
	s10 =	sld [smem:$0x3FAE];
	_ =	sdelay $0x3  }
0x37: {  	[smem:$0x3FAE] =	sst s10  }
0x38: {  	s10 =	sld [smem:$0x3FAF]  }
0x39: {  	_ = 	snop;
	(pc) =	sbr.ind lr, $3  }
0x3a: {  	_ = 	snop  }
0x3b: {  	_ = 	snop  }
0x3c: {  	p2 =	seq.s32 s10, $0x1;
	s10 =	sld [smem:$0x3FAE]  }
0x3d: {  	_ =	shalt  }
0x3e: {  	_ =	shalt  }
0x3f: {  	_ =	shalt  }
0x40: {  	_ =	shalt  }
0x41: {  	_ =	shalt  }
0x42: {  	_ =	shalt  }
0x43: {  	_ =	shalt  }
0x44: {  	_ =	shalt  }
0x45: {  	_ =	shalt  }
0x46: {  	_ =	shalt  }
0x47: {  	_ =	shalt  }
0x48: {  	_ =	shalt  }
0x49: {  	_ =	shalt  }
0x4a: {  	_ =	shalt  }
0x4b: {  	_ =	shalt  }
0x4c: {  	_ =	shalt  }
0x4d: {  	_ =	shalt  }
0x4e: {  	_ =	shalt  }
0x4f: {  	_ =	shalt  }
0x50: {  	_ =	shalt  }
0x51: {  	_ =	shalt  }
0x52: {  	_ =	shalt  }
0x53: {  	_ =	shalt  }
0x54: {  	_ =	shalt  }
0x55: {  	_ =	shalt  }
0x56: {  	_ =	shalt  }
0x57: {  	_ =	shalt  }
0x58: {  	_ =	shalt  }
0x59: {  	_ =	shalt  }
0x5a: {  	_ =	shalt  }
0x5b: {  	_ =	shalt  }
0x5c: {  	_ =	shalt  }
0x5d: {  	_ =	shalt  }
0x5e: {  	_ =	shalt  }
0x5f: {  	_ =	shalt  }
0x60: {  	_ =	shalt  }
0x61: {  	_ =	shalt  }
0x62: {  	_ =	shalt  }
0x63: {  	_ =	shalt  }
0x64: {  	_ =	shalt  }
0x65: {  	_ =	shalt  }
0x66: {  	_ =	shalt  }
0x67: {  	_ =	shalt  }
0x68: {  	_ =	shalt  }
0x69: {  	_ =	shalt  }
0x6a: {  	_ =	shalt  }
0x6b: {  	_ =	shalt  }
0x6c: {  	_ =	shalt  }
0x6d: {  	_ =	shalt  }
0x6e: {  	_ =	shalt  }
0x6f: {  	_ =	shalt  }
0x70: {  	_ =	shalt  }
0x71: {  	_ =	shalt  }
0x72: {  	_ =	shalt  }
0x73: {  	_ =	shalt  }
0x74: {  	_ =	shalt  }
0x75: {  	_ =	shalt  }
0x76: {  	_ =	shalt  }
0x77: {  	_ =	shalt  }
0x78: {  	_ =	shalt  }
0x79: {  	_ =	shalt  }
0x7a: {  	_ =	shalt  }
0x7b: {  	_ =	shalt  }
0x7c: {  	_ =	shalt  }
0x7d: {  	_ =	shalt  }
0x7e: {  	_ =	shalt  }
0x7f: {  	_ =	shalt  }
0x80: {  	_ =	shalt  }
0x81: {  	_ =	shalt  }
0x82: {  	_ =	shalt  }
0x83: {  	_ =	shalt  }
0x84: {  	_ =	shalt  }
0x85: {  	_ =	shalt  }
0x86: {  	_ =	shalt  }
0x87: {  	_ =	shalt  }
.Lfunc_end0:
.L_simem_size_0:
called_computation.2_lowered:
.L_overlay_start_0:
0x88: {  	s2 =	sld [smem:$0x3FD9]  }
0x89: {  	s3 =	sld [smem:$0x3FFE];
	_ =	sdelay $0x1  }
0x8a: {  	s1 =	srdreg.scid  }
0x8b: {  	s0 =	sand.u32 $0x1, s1  }
0x8c: {  	s17 =	sshll.u32 s0, $0xA;
	s2 =	sadd.s32 s3, s2  }
0x8d: {  	s2 =	sadd.s32 s2, s17  }
0x8e: {  	[smem:$0x3FBA] =	sst s2  }
0x8f: {  	_ = 	snop  }
0x90: {  	(tm) =	ssettm $0x1  }
0x91: {  	s18 =	sld [smem:$0x3FFB];
	_ =	sdelay $0x3  }
0x92: {  	_ =	strace s18  }
0x93: {  	s2 =	sld [smem:$0x3FFC];
	_ =	sdelay $0x3  }
0x94: {  	_ =	strace s2  }
0x95: {  	s2 =	sld [smem:$0x3FFD];
	_ =	sdelay $0x3  }
0x96: {  	_ =	strace s2  }
0x97: {  	_ =	strace $0x8FFFFFFF  }
0x98: {  	s19 =	sld [smem:$0x3FDB];
	_ =	sdelay $0x1  }
0x99: {  	s20 =	simm.s32 $_scs_section_size  }
0x9a: {  	s4 =	simm.s32 $_size__tile_overlayer_lowered;
	s5 =	simm.s32 $_tile_overlayer_lowered  }
0x9b: {  	s6 =	simm.s32 $0x1BFF;
	s21 =	sshll.u32 s5, $0x1;
	s3 =	sadd.s32 s20, s19  }
0x9c: {  	s22 =	simm.s32 $0x0;
	s4 =	sshll.u32 s4, $0x1;
	s5 =	sadd.s32 s21, s3  }
0x9d: {  	[timem:s22], [sflag:s6] =	dma.local [hbm:s5], s4  }
0x9e: {  	_ =	swait.ge [sflag:s6], s4  }
0x9f: {  	s4 =	ssub.s32 $0x0, s4;
	[sflag:s6] =	ssyncset.done $0x0  }
0xa0: {  	[sflag:s6] =	ssyncadd.s32 s4;
	_ =	sdelay $0x1  }
0xa1: {  	s23 =	simm.s32 $0x1B8B  }
0xa2: {  	_ =	swait.ge [sflag:s23], $0x1  }
0xa3: {  	[sflag:s23] =	ssyncset.done $0x0  }
0xa4: {  	[sflag:s23] =	ssyncadd.s32 $0xFFFFFFFF  }
0xa5: {  	s4 =	sld [smem:$0x0]  }
0xa6: {  	s5 =	sand.u32 $0xFFFFFFFE, s1  }
0xa7: {  	p0 =	sne.s32 s1, s5  }
0xa8: {  	s5 =	sshll.u32 @p0 s5, $0xE  }
0xa9: {  	s5 =	sadd.s32 @p0 $0x11B8D, s5;
	s6 =	sshll.u32 @p0 s4, $0x11  }
0xaa: {  	s5 =	sor.u32 @p0 s6, s5  }
0xab: {  	[sflag:s5] =	ssyncadd.remote.s32 @p0 $0x1;
	_ =	sdelay $0x1  }
0xac: {  	s5 =	simm.s32 @p0 $0x1B8D  }
0xad: {  	_ =	swait.eq @p0 [sflag:s5], $0x1  }
0xae: {  	[sflag:s5] =	ssyncadd.s32 @p0 $0xFFFFFFFF  }
0xaf: {  	s6 =	sshll.u32 @!p0 s1, $0xE  }
0xb0: {  	s6 =	sor.u32 @!p0 $0x4000, s6;
	s5 =	simm.s32 @!p0 $0x1B8D  }
0xb1: {  	s4 =	sshll.u32 @!p0 s4, $0x11;
	s6 =	sadd.s32 @!p0 $0x11B8D, s6;
	_ =	swait.eq @!p0 [sflag:s5], $0x1  }
0xb2: {  	s4 =	sor.u32 @!p0 s4, s6;
	[sflag:s5] =	ssyncadd.s32 @!p0 $0xFFFFFFFF  }
0xb3: {  	s25 =	simm.s32 $0x1B8E;
	s24 =	sld [smem:$0x3FFE];
	[sflag:s4] =	ssyncadd.remote.s32 @!p0 $0x1  }
0xb4: {  	s26 =	simm.s32 $execute0_lowered;
	[smem:$0x3FD2] =	sst s25  }
0xb5: {  	s5 =	sshll.u32 s26, $0x1;
	_ =	strace $0x8000004F;
	[dreg:$0x1] =	wrdreg $0xFFFFFFFF  }
0xb6: {  	s28 =	simm.s32 $_size_execute0_lowered;
	s3 =	sadd.s32 s3, s5;
	[dreg:$0x0] =	wrdreg $0x0  }
0xb7: {  	s5 =	sshll.u32 s28, $0x1;
	[dreg:$0x2] =	wrdreg s3  }
0xb8: {  	[dreg:$0x3] =	wrdreg s5  }
0xb9: {  	[dreg:$0x4] =	wrdreg $0xC0  }
0xba: {  	_ =	task [dreg:s22], $0x5FFFF  }
0xbb: {  	[dreg:$0x1] =	wrdreg $0xFFFFFFFF  }
0xbc: {  	[dreg:$0x0] =	wrdreg $0x60  }
0xbd: {  	[dreg:$0x2] =	wrdreg s24  }
0xbe: {  	[dreg:$0x3] =	wrdreg $0x8E800  }
0xbf: {  	[dreg:$0x4] =	wrdreg $0x9  }
0xc0: {  	_ =	task.clear_ibuf [dreg:s22], $0x5FFFF;
	_ =	strace $0x9000004F  }
0xc1: {  	s29 =	simm.s32 $0x9;
	_ =	strace $0x80000051  }
0xc2: {  	_ =	swait.ge [sflag:s29], $0x1  }
0xc3: {  	[sflag:s29] =	ssyncadd.s32 $0xFFFFFFFF  }
0xc4: {  	_ =	strace $0x90000051  }
0xc5: {  	_ =	sfence  }
0xc6: {  	s30 =	sld [smem:$0x0];
	_ =	sdelay $0x2  }
0xc7: {  	s31 =	sshll.u32 s1, $0xD;
	s1 =	sshrl.u32 s1, $0x2  }
0xc8: {  	s4 =	sand.u32 $0x4000, s31;
	s1 =	sadd.s32 s1, s30  }
0xc9: {  	s0 =	sor.u32 s4, s0;
	s1 =	sshll.u32 s1, $0x11  }
0xca: {  	s0 =	sor.u32 s1, s0  }
0xcb: {  	s0 =	sadd.s32 $0x8F2B, s0  }
0xcc: {  	[sflag:s0] =	ssyncadd.remote.s32 $0x1  }
0xcd: {  	_ =	sfence.sel $0xFFFF  }
0xce: {  	[dreg:$0x0] =	wrdreg $0xFFFFFFFF;
	(pc) =	sbr.abs _section_cstart, $3  }
0xcf: {  	[dreg:$0x1] =	wrdreg $0xFFFFFFFF  }
0xd0: {  	_ =	task.clear_ibuf [dreg:s22], $0x2FFFF;
	_ =	strace $0x9FFFFFFF  }
0xd1: {  	(tm) =	ssettm $0x7FFFFFFF  }
tec
execute0_lowered:
.L_overlay_start_1:
0x0: {  	(tag) =	ssettag $0x1  }
0x1: {  	s0 =	rddreg [dreg:$0x0]  }
0x2: {  	s1 =	rddreg [dreg:$0x1];
	s11 =	stileid.u32  }
0x3: {  	s3 =	srdreg.scid;
	s8 =	smul.u32 $0x1388, s11  }
0x4: {  	s2 =	simm.s32 $0x0;
	s28 =	simm.s32 $0x1680;
	s13 =	smul.u32 $0xA000, s11  }
0x5: {  	s3 =	sand.u32 $0x1, s3;
	[smem:$0x7FF] =	sst s2;
	s15 =	smul.u32 $0x13880, s11  }
0x6: {  	s6 =	sadd.s32 $0x8D600, s0;
	s12 =	sadd.s32 $0xE400, s0;
	s4 =	smul.u32 $0x27100, s3  }
0x7: {  	s19 =	ssub.s32 $0x7C, s11;
	_ =	strace $0x80000050;
	s5 =	smul.u32 $0x13880, s3  }
0x8: {  	s7 =	ssub.s32 $0x2, s3;
	s3 =	smul.u32 $0x138800, s3;
	[dreg:$0x3] =	wrdreg s12  }
0x9: {  	s18 =	sshrl.u32 s7, $0x1;
	s14 =	sshrl.u32 s13, $0x2;
	s0 =	sadd.s32 s4, s0  }
0xa: {  	s4 =	ssub.s32 s7, s18;
	s5 =	sadd.s32 s8, s5;
	s7 =	sshrl.u32 s19, $0x4  }
0xb: {  	s31 =	sadd.s32 s14, s1;
	s3 =	sadd.s32 s3, s6;
	s14 =	simm.s32 $0x8  }
0xc: {  	s8 =	sshrl.u32 s5, $0x3;
	s9 =	sshll.u32 s5, $0x4;
	s21 =	sadd.s32 $0x28, s5  }
0xd: {  	s10 =	sadd.s32 $0x50, s5;
	s25 =	sadd.s32 $0x78, s5;
	s4 =	smax.u32 s4, $0x1  }
0xe: {  	s30 =	sadd.s32 $0x1, s7;
	s16 =	sadd.s32 $0x168, s5;
	s18 =	sadd.s32 $0x140, s5  }
0xf: {  	s3 =	sadd.s32 s15, s3;
	s7 =	simm.s32 $0x2A80;
	[dreg:$0x10] =	wrdreg s31  }
0x10: {  	s15 =	simm.s32 $0x4;
	s8 =	sadd.s32 s12, s8;
	[dreg:$0xe] =	wrdreg s4  }
0x11: {  	s20 =	sadd.s32 s6, s9;
	s22 =	sshrl.u32 s21, $0x3;
	[dreg:$0x11] =	wrdreg s3  }
0x12: {  	s23 =	sshrl.u32 s10, $0x3;
	s24 =	sshll.u32 s10, $0x4;
	[dreg:$0xf] =	wrdreg s30  }
0x13: {  	s26 =	sshrl.u32 s25, $0x3;
	s17 =	sshrl.u32 s16, $0x3;
	[dreg:$0x4] =	wrdreg s8  }
0x14: {  	s16 =	simm.s32 $0xF;
	s4 =	simm.s32 $0x0;
	[dreg:$0x5] =	wrdreg s20  }
0x15: {  	s8 =	sshll.u32 s21, $0x4;
	s9 =	sadd.s32 s12, s22;
	s19 =	sadd.s32 s17, s12  }
0x16: {  	s20 =	sshrl.u32 s18, $0x3;
	s21 =	sadd.s32 $0x118, s5;
	s22 =	sadd.s32 $0xF0, s5  }
0x17: {  	s17 =	simm.s32 $0xE;
	[dreg:$0x6] =	wrdreg s9;
	s8 =	sadd.s32 s6, s8  }
0x18: {  	s9 =	sshll.u32 s25, $0x4;
	[dreg:$0x12] =	wrdreg s19;
	s3 =	sadd.s32 s20, s12  }
0x19: {  	s25 =	sshrl.u32 s22, $0x3;
	s19 =	simm.s32 $0x9;
	s20 =	simm.s32 $0x5  }
0x1a: {  	s22 =	simm.s32 $0xB;
	[dreg:$0x7] =	wrdreg s8;
	s8 =	sadd.s32 s12, s23  }
0x1b: {  	s29 =	sadd.s32 s6, s9;
	s9 =	sadd.s32 $0xA0, s5;
	[dreg:$0x13] =	wrdreg s3  }
0x1c: {  	s23 =	smul.u32 $0x500, s11;
	s11 =	simm.s32 $0x200;
	[dreg:$0x8] =	wrdreg s8  }
0x1d: {  	s8 =	sadd.s32 s6, s24;
	[dreg:$0xb] =	wrdreg s29;
	s10 =	sshrl.u32 s9, $0x3  }
0x1e: {  	s24 =	sshrl.u32 s21, $0x3;
	s29 =	sadd.s32 $0xC8, s5;
	s5 =	simm.s32 $0x80  }
0x1f: {  	s21 =	simm.s32 $0xA;
	[dreg:$0x9] =	wrdreg s8;
	s8 =	sadd.s32 s12, s26  }
0x20: {  	s3 =	sadd.s32 s24, s12;
	s26 =	sadd.s32 s25, s12;
	[dreg:$0x16] =	wrdreg s29  }
0x21: {  	s0 =	sadd.s32 s23, s0;
	s25 =	simm.s32 $0x6680;
	[dreg:$0xa] =	wrdreg s8  }
0x22: {  	s23 =	simm.s32 $0xC;
	s24 =	simm.s32 $0xD;
	[dreg:$0x14] =	wrdreg s3  }
0x23: {  	s8 =	sshll.u32 s9, $0x4;
	s9 =	sadd.s32 s12, s10;
	[dreg:$0x15] =	wrdreg s26  }
0x24: {  	s0 =	sadd.s32 $0x2FE600, s0;
	s26 =	simm.s32 $0x10;
	s3 =	simm.s32 $0x280  }
0x25: {  	s10 =	simm.s32 $0x28;
	s12 =	simm.s32 $0x200;
	[dreg:$0xc] =	wrdreg s9  }
0x26: {  	s8 =	sadd.s32 s6, s8;
	[dreg:$0x17] =	wrdreg s0;
	s6 =	simm.s32 $0x100  }
0x27: {  	v0 =	vimm.f32 $0.0e+00;
	s9 =	simm.s32 $0x3E80;
	[dreg:$0xd] =	wrdreg s8;
	s8 =	simm.s32 $0x180  }
.LBB2_1:
0x28: {  	[dreg:$0x18] =	wrdreg s4;
	s4 =	simm.s32 $0x0;
	s18 =	simm.s32 $0x200  }
.LBB2_2:
0x29: {  	p0 =	sne.s32 s18, $0x9E00;
	[tilespmem:s4+$0x66F0] =	vst v0  }
0x2a: {  	[tilespmem:s4+$0x6680] =	vst v0  }
0x2b: {  	[tilespmem:s4+$0x6690] =	vst v0  }
.Ltmp0:
0x2c: {  	[tilespmem:s4+$0x66A0] =	vst v0;
	(pc) =	sbr.rel @p0 .LBB2_2-.Ltmp0, $4  }
0x2d: {  	[tilespmem:s4+$0x66B0] =	vst v0  }
0x2e: {  	[tilespmem:s4+$0x66C0] =	vst v0  }
0x2f: {  	[tilespmem:s4+$0x66D0] =	vst v0  }
0x30: {  	[tilespmem:s4+$0x66E0] =	vst v0;
	s4 =	sshra.s32 s18, $0x2;
	s18 =	sadd.s32 $0x200, s18  }
0x31: {  	[tilespmem:s4+$0x66F0] =	vst v0  }
0x32: {  	[tilespmem:s4+$0x6680] =	vst v0  }
0x33: {  	[tilespmem:s4+$0x6690] =	vst v0  }
0x34: {  	[tilespmem:s4+$0x66A0] =	vst v0;
	p0 =	sne.s32 s30, $0x1  }
.Ltmp1:
0x35: {  	[tilespmem:s4+$0x66B0] =	vst v0;
	(pc) =	sbr.rel @!p0 .LBB2_5-.Ltmp1, $4  }
0x36: {  	[tilespmem:s4+$0x66C0] =	vst v0  }
0x37: {  	[tilespmem:s4+$0x66D0] =	vst v0  }
0x38: {  	[tilespmem:s4+$0x66E0] =	vst v0;
	s4 =	sadd.s32 $0xFFFFFFFF, s30;
	s18 =	smov.u32 s31  }
0x39: {  	[spmem:s31] =	stream.linear.scatter [tilespmem:s25], [sflag:$0x10], $0x2800, $0x38;
	[tilespmem:$0x1C700] =	vst v63  }
.LBB2_4:
0x3a: {  	p1 =	sne.s32 s4, $0x1  }
.Ltmp2:
0x3b: {  	_ = 	snop;
	(pc) =	sbr.rel @p1 .LBB2_4-.Ltmp2, $3  }
0x3c: {  	_ = 	snop  }
0x3d: {  	s4 =	sadd.s32 $0xFFFFFFFF, s4;
	s18 =	sadd.s32 $0x28000, s18;
	_ =	sdelay $0x1  }
0x3e: {  	[spmem:s18] =	stream.linear.scatter [tilespmem:s25], [sflag:$0x10], $0x2800, $0x38;
	[tilespmem:$0x1C700] =	vst v63  }
.LBB2_5:
.Ltmp3:
0x3f: {  	(pc) =	sbr.rel @!p0 .LBB2_7-.Ltmp3, $3  }
0x40: {  	_ =	sdelay $0x1  }
0x41: {  	_ =	swait.ge [sflag:s26], $0x2800  }
0x42: {  	s4 =	sadd.s32 $0xFFFFFFFF, s30;
	[sflag:s26] =	ssyncset.done $0x0  }
.LBB2_6:
0x43: {  	p1 =	sne.s32 s4, $0x1;
	s4 =	sadd.s32 $0xFFFFFFFF, s4;
	[sflag:s26] =	ssyncadd.s32 $0xFFFFD800  }
.Ltmp4:
0x44: {  	(pc) =	sbr.rel @p1 .LBB2_6-.Ltmp4, $3  }
0x45: {  	_ =	sdelay $0x1  }
0x46: {  	_ =	swait.ge [sflag:s26], $0x2800  }
0x47: {  	[sflag:s26] =	ssyncset.done $0x0  }
.LBB2_7:
0x48: {  	[sflag:s26] =	ssyncadd.s32 $0xFFFFD800  }
0x49: {  	[bflag:$0x0] =	sbarrier.arrive $0xFFFF  }
0x4a: {  	s0 =	rddreg [dreg:$0x4]  }
0x4b: {  	s13 =	rddreg [dreg:$0x5]  }
0x4c: {  	s18 =	rddreg [dreg:$0x6]  }
0x4d: {  	s29 =	rddreg [dreg:$0x14]  }
0x4e: {  	s4 =	simm.s32 $0x0;
	s30 =	rddreg [dreg:$0x13]  }
0x4f: {  	[tilespmem:s4], [sflag:$0x1] =	stream.linear.gather [hbm4b:s0+s4], $0x28, $0x38;
	[tilespmem:$0x1C700] =	vst v63  }
0x50: {  	s31 =	rddreg [dreg:$0x12]  }
0x51: {  	[tilespmem:s3], [sflag:$0x6] =	stream.linear.gather [hbm4b:s13+s4], $0x1400, $0x38;
	[tilespmem:$0x1C700] =	vst v63  }
0x52: {  	s13 =	rddreg [dreg:$0x7]  }
0x53: {  	[tilespmem:s5], [sflag:$0x2] =	stream.linear.gather [hbm4b:s18+s4], $0x28, $0x38;
	[tilespmem:$0x1C700] =	vst v63  }
0x54: {  	s18 =	rddreg [dreg:$0x8]  }
0x55: {  	[tilespmem:s28], [sflag:$0x7] =	stream.linear.gather [hbm4b:s13+s4], $0x1400, $0x38;
	[tilespmem:$0x1C700] =	vst v63  }
0x56: {  	s13 =	rddreg [dreg:$0xd]  }
0x57: {  	s28 =	rddreg [dreg:$0x15]  }
0x58: {  	[tilespmem:s6], [sflag:$0x3] =	stream.linear.gather [hbm4b:s18+s4], $0x28, $0x38;
	[tilespmem:$0x1C700] =	vst v63  }
0x59: {  	s6 =	rddreg [dreg:$0x9]  }
0x5a: {  	[tilespmem:s7], [sflag:$0x8] =	stream.linear.gather [hbm4b:s6+s4], $0x1400, $0x38;
	[tilespmem:$0x1C700] =	vst v63  }
0x5b: {  	s7 =	rddreg [dreg:$0xa]  }
0x5c: {  	[tilespmem:s8], [sflag:$0x4] =	stream.linear.gather [hbm4b:s7+s4], $0x28, $0x38;
	[tilespmem:$0x1C700] =	vst v63  }
0x5d: {  	s8 =	rddreg [dreg:$0xb]  }
0x5e: {  	[tilespmem:s9], [sflag:$0x9] =	stream.linear.gather [hbm4b:s8+s4], $0x1400, $0x38;
	[tilespmem:$0x1C700] =	vst v63  }
0x5f: {  	s0 =	simm.s32 $0x5280;
	s18 =	simm.s32 $0x5280;
	s9 =	rddreg [dreg:$0xc]  }
0x60: {  	[tilespmem:s11], [sflag:$0x5] =	stream.linear.gather [hbm4b:s9+s4], $0x28, $0x38;
	[tilespmem:$0x1C700] =	vst v63  }
0x61: {  	s6 =	simm.s32 $0x1680;
	s7 =	simm.s32 $0x100;
	s8 =	simm.s32 $0x2A80  }
0x62: {  	[tilespmem:s18], [sflag:$0xA] =	stream.linear.gather [hbm4b:s13+s4], $0x1400, $0x38;
	[tilespmem:$0x1C700] =	vst v63  }
0x63: {  	s11 =	simm.s32 $0x3E80;
	s9 =	simm.s32 $0x180;
	s18 =	rddreg [dreg:$0x16]  }
.LBB2_8:
0x64: {  	s13 =	simm.s32 $0x1  }
0x65: {  	_ =	swait.ge [sflag:s13], $0x28  }
0x66: {  	[sflag:s13] =	ssyncset.done $0x0  }
0x67: {  	[sflag:s13] =	ssyncadd.s32 $0xFFFFFFD8;
	s13 =	simm.s32 $0x6  }
0x68: {  	_ =	swait.ge [sflag:s13], $0x1400  }
0x69: {  	[sflag:s13] =	ssyncset.done $0x0  }
0x6a: {  	[sflag:s13] =	ssyncadd.s32 $0xFFFFEC00;
	s13 =	simm.s32 $0x2  }
0x6b: {  	[spmem:s1] =	stream.indirect.scatter.add.f32 [tilespmem:s3], [sflag:$0xB], $0x80, s2, s10, $0xb8;
	[tilespmem:$0x1C700] =	vst v63  }
0x6c: {  	_ =	swait.ge [sflag:s13], $0x28  }
0x6d: {  	[sflag:s13] =	ssyncset.done $0x0  }
0x6e: {  	[sflag:s13] =	ssyncadd.s32 $0xFFFFFFD8;
	s13 =	simm.s32 $0x7  }
0x6f: {  	_ =	swait.ge [sflag:s13], $0x1400  }
0x70: {  	[sflag:s13] =	ssyncset.done $0x0  }
0x71: {  	[sflag:s13] =	ssyncadd.s32 $0xFFFFEC00;
	s13 =	simm.s32 $0x3  }
0x72: {  	[spmem:s1] =	stream.indirect.scatter.add.f32 [tilespmem:s6], [sflag:$0xC], $0x80, s5, s10, $0xb8;
	[tilespmem:$0x1C700] =	vst v63  }
0x73: {  	_ =	swait.ge [sflag:s13], $0x28  }
0x74: {  	[sflag:s13] =	ssyncset.done $0x0  }
0x75: {  	[sflag:s13] =	ssyncadd.s32 $0xFFFFFFD8  }
0x76: {  	_ =	swait.ge [sflag:s14], $0x1400  }
0x77: {  	[sflag:s14] =	ssyncset.done $0x0  }
0x78: {  	[sflag:s14] =	ssyncadd.s32 $0xFFFFEC00  }
0x79: {  	[spmem:s1] =	stream.indirect.scatter.add.f32 [tilespmem:s8], [sflag:$0xD], $0x80, s7, s10, $0xb8;
	[tilespmem:$0x1C700] =	vst v63  }
0x7a: {  	_ =	swait.ge [sflag:s15], $0x28  }
0x7b: {  	[sflag:s15] =	ssyncset.done $0x0  }
0x7c: {  	[sflag:s15] =	ssyncadd.s32 $0xFFFFFFD8  }
0x7d: {  	_ =	swait.ge [sflag:s19], $0x1400  }
0x7e: {  	[sflag:s19] =	ssyncset.done $0x0  }
0x7f: {  	[sflag:s19] =	ssyncadd.s32 $0xFFFFEC00  }
0x80: {  	[spmem:s1] =	stream.indirect.scatter.add.f32 [tilespmem:s11], [sflag:$0xE], $0x80, s9, s10, $0xb8;
	[tilespmem:$0x1C700] =	vst v63  }
0x81: {  	_ =	swait.ge [sflag:s20], $0x28  }
0x82: {  	p1 =	seq.s32 s4, $0x12C00;
	[sflag:s20] =	ssyncset.done $0x0  }
.Ltmp5:
0x83: {  	[sflag:s20] =	ssyncadd.s32 $0xFFFFFFD8;
	(pc) =	sbr.rel @p1 .LBB2_10-.Ltmp5, $4  }
0x84: {  	_ =	swait.ge [sflag:s21], $0x1400  }
0x85: {  	[sflag:s21] =	ssyncset.done $0x0  }
0x86: {  	s13 =	simm.s32 $0x5280;
	[sflag:s21] =	ssyncadd.s32 $0xFFFFEC00  }
0x87: {  	[spmem:s1] =	stream.indirect.scatter.add.f32 [tilespmem:s0], [sflag:$0xF], $0x80, s12, s10, $0xb8;
	[tilespmem:$0x1C700] =	vst v63  }
0x88: {  	_ =	swait.ge [sflag:s22], $0x1400  }
0x89: {  	s0 =	sshrl.u32 s18, $0x3;
	[sflag:s22] =	ssyncset.done $0x0;
	s3 =	rddreg [dreg:$0x3]  }
0x8a: {  	[sflag:s22] =	ssyncadd.s32 $0xFFFFEC00;
	s0 =	sadd.s32 s3, s0;
	s3 =	rddreg [dreg:$0x11]  }
0x8b: {  	[tilespmem:s2], [sflag:$0x1] =	stream.linear.gather [hbm4b:s0+s2], $0x28, $0x38;
	[tilespmem:$0x1C700] =	vst v63  }
0x8c: {  	s0 =	sadd.s32 s4, s3  }
0x8d: {  	s5 =	simm.s32 $0x280;
	s3 =	sadd.s32 $0xC80, s0  }
0x8e: {  	[tilespmem:s5], [sflag:$0x6] =	stream.linear.gather [hbm4b:s3+s2], $0x1400, $0x38;
	[tilespmem:$0x1C700] =	vst v63  }
0x8f: {  	_ =	swait.ge [sflag:s23], $0x1400  }
0x90: {  	[sflag:s23] =	ssyncset.done $0x0  }
0x91: {  	s5 =	simm.s32 $0x80;
	[sflag:s23] =	ssyncadd.s32 $0xFFFFEC00  }
0x92: {  	[tilespmem:s5], [sflag:$0x2] =	stream.linear.gather [hbm4b:s28+s2], $0x28, $0x38;
	[tilespmem:$0x1C700] =	vst v63  }
0x93: {  	s3 =	sadd.s32 $0xF00, s0  }
0x94: {  	[tilespmem:s6], [sflag:$0x7] =	stream.linear.gather [hbm4b:s3+s2], $0x1400, $0x38;
	[tilespmem:$0x1C700] =	vst v63  }
0x95: {  	_ =	swait.ge [sflag:s24], $0x1400  }
0x96: {  	[sflag:s24] =	ssyncset.done $0x0  }
0x97: {  	[sflag:s24] =	ssyncadd.s32 $0xFFFFEC00  }
0x98: {  	[tilespmem:s7], [sflag:$0x3] =	stream.linear.gather [hbm4b:s29+s2], $0x28, $0x38;
	[tilespmem:$0x1C700] =	vst v63  }
0x99: {  	s3 =	sadd.s32 $0x1180, s0  }
0x9a: {  	[tilespmem:s8], [sflag:$0x8] =	stream.linear.gather [hbm4b:s3+s2], $0x1400, $0x38;
	[tilespmem:$0x1C700] =	vst v63  }
0x9b: {  	_ =	swait.ge [sflag:s17], $0x1400  }
0x9c: {  	[sflag:s17] =	ssyncset.done $0x0  }
0x9d: {  	[sflag:s17] =	ssyncadd.s32 $0xFFFFEC00  }
0x9e: {  	[tilespmem:s9], [sflag:$0x4] =	stream.linear.gather [hbm4b:s30+s2], $0x28, $0x38;
	[tilespmem:$0x1C700] =	vst v63  }
0x9f: {  	s3 =	sadd.s32 $0x1400, s0  }
0xa0: {  	[tilespmem:s11], [sflag:$0x9] =	stream.linear.gather [hbm4b:s3+s2], $0x1400, $0x38;
	[tilespmem:$0x1C700] =	vst v63  }
0xa1: {  	_ =	swait.ge [sflag:s16], $0x1400  }
0xa2: {  	s18 =	sadd.s32 $0xC8, s18;
	s4 =	sadd.s32 $0xC80, s4;
	[sflag:s16] =	ssyncset.done $0x0  }
.Ltmp6:
0xa3: {  	s28 =	sadd.s32 $0x19, s28;
	[sflag:s16] =	ssyncadd.s32 $0xFFFFEC00;
	(pc) =	sbr.rel .LBB2_8-.Ltmp6, $4  }
0xa4: {  	[tilespmem:s12], [sflag:$0x5] =	stream.linear.gather [hbm4b:s31+s2], $0x28, $0x38;
	[tilespmem:$0x1C700] =	vst v63  }
0xa5: {  	s29 =	sadd.s32 $0x19, s29;
	s0 =	sadd.s32 $0x1680, s0;
	s30 =	sadd.s32 $0x19, s30  }
0xa6: {  	[tilespmem:s13], [sflag:$0xA] =	stream.linear.gather [hbm4b:s0+s2], $0x1400, $0x38;
	[tilespmem:$0x1C700] =	vst v63  }
0xa7: {  	s3 =	simm.s32 $0x280;
	s31 =	sadd.s32 $0x19, s31;
	s0 =	simm.s32 $0x5280  }
.LBB2_10:
0xa8: {  	_ =	swait.ge [sflag:s22], $0x1400  }
0xa9: {  	[sflag:s22] =	ssyncset.done $0x0  }
0xaa: {  	[sflag:s22] =	ssyncadd.s32 $0xFFFFEC00  }
0xab: {  	_ =	swait.ge [sflag:s23], $0x1400  }
0xac: {  	[sflag:s23] =	ssyncset.done $0x0  }
0xad: {  	[sflag:s23] =	ssyncadd.s32 $0xFFFFEC00  }
0xae: {  	_ =	swait.ge [sflag:s24], $0x1400  }
0xaf: {  	[sflag:s24] =	ssyncset.done $0x0  }
0xb0: {  	[sflag:s24] =	ssyncadd.s32 $0xFFFFEC00  }
0xb1: {  	_ =	swait.ge [sflag:s17], $0x1400  }
0xb2: {  	[sflag:s17] =	ssyncset.done $0x0  }
0xb3: {  	[sflag:s17] =	ssyncadd.s32 $0xFFFFEC00  }
0xb4: {  	_ =	swait.ge [sflag:s16], $0x1400  }
0xb5: {  	[sflag:s16] =	ssyncset.done $0x0  }
0xb6: {  	[sflag:s16] =	ssyncadd.s32 $0xFFFFEC00  }
0xb7: {  	s0 =	stileid.u32;
	[bflag:$0x0] =	sbarrier.arrive $0xFFFF  }
.Ltmp7:
0xb8: {  	s0 =	sshll.u32 s0, $0x6;
	s31 =	rddreg [dreg:$0x10];
	(pc) =	sbr.rel @!p0 .LBB2_12-.Ltmp7, $4  }
0xb9: {  	s4 =	sor.u32 $0x1C10, s0;
	s29 =	rddreg [dreg:$0x17];
	s18 =	sshrl.u32 s31, $0x3  }
0xba: {  	[hbm:s29], [sflag:s4] =	dma.local [spmem:s18], $0x500  }
0xbb: {  	s30 =	rddreg [dreg:$0xf]  }
0xbc: {  	s28 =	sadd.s32 $0x28000, s31;
	s18 =	sadd.s32 $0xFFFFFFFF, s30  }
.LBB2_11:
0xbd: {  	p1 =	sne.s32 s18, $0x1;
	s18 =	sadd.s32 $0xFFFFFFFF, s18  }
.Ltmp8:
0xbe: {  	s0 =	sshrl.u32 s28, $0x3;
	s29 =	sadd.s32 $0x5000, s29;
	(pc) =	sbr.rel @p1 .LBB2_11-.Ltmp8, $3  }
0xbf: {  	[hbm:s29], [sflag:s4] =	dma.local [spmem:s0], $0x500  }
0xc0: {  	_ =	sdelay $0x1  }
0xc1: {  	s28 =	sadd.s32 $0x28000, s28  }
.LBB2_12:
.Ltmp9:
0xc2: {  	(pc) =	sbr.rel @!p0 .LBB2_14-.Ltmp9, $4  }
0xc3: {  	_ = 	snop  }
0xc4: {  	_ =	swait.ge [sflag:s26], $0x500;
	s4 =	sadd.s32 $0xFFFFFFFF, s30  }
0xc5: {  	s6 =	simm.s32 $0x100;
	s7 =	simm.s32 $0x2A80;
	s8 =	simm.s32 $0x180  }
0xc6: {  	s9 =	simm.s32 $0x3E80;
	s11 =	simm.s32 $0x200;
	[sflag:s26] =	ssyncset.done $0x0  }
.LBB2_13:
0xc7: {  	p0 =	sne.s32 s4, $0x1;
	s4 =	sadd.s32 $0xFFFFFFFF, s4;
	[sflag:s26] =	ssyncadd.s32 $0xFFFFFB00  }
.Ltmp10:
0xc8: {  	(pc) =	sbr.rel @p0 .LBB2_13-.Ltmp10, $3  }
0xc9: {  	_ =	sdelay $0x1  }
0xca: {  	_ =	swait.ge [sflag:s26], $0x500  }
0xcb: {  	[sflag:s26] =	ssyncset.done $0x0  }
.LBB2_14:
0xcc: {  	s4 =	rddreg [dreg:$0x18]  }
0xcd: {  	s0 =	rddreg [dreg:$0xe];
	s4 =	sadd.s32 $0x1, s4  }
0xce: {  	p0 =	sne.s32 s4, s0  }
.Ltmp11:
0xcf: {  	_ = 	snop;
	(pc) =	sbr.rel @p0 .LBB2_1-.Ltmp11, $2  }
0xd0: {  	_ =	sdelay $0x2  }
0xd1: {  	[sflag:s26] =	ssyncadd.s32 $0xFFFFFB00;
	s28 =	simm.s32 $0x1680  }
0xd2: {  	_ =	sfence.sel $0x180000  }
0xd3: {  	[bflag:$0x0] =	sbarrier.arrive $0xFFFF  }
0xd4: {  	_ =	strace $0x90000050  }
0xd5: {  	s0 =	stileid.u32;
	[bflag:$0x2] =	sbarrier.arrive $0xFFFF  }
0xd6: {  	p0 =	sne.s32 s0, $0x0;
	s0 =	rddreg [dreg:$0x2]  }
0xd7: {  	s0 =	sadd.s32 @!p0 $0x100000, s0  }
0xd8: {  	[sflag:s0] =	ssyncadd.tile.s32 @!p0 $0x1;
	_ =	shalt  }
.Lfunc_end2:
_tile_overlayer_lowered:
.L_overlay_start_2:
0xd9: {  	(tag) =	ssettag $0x2  }
0xda: {  	s0 =	rddreg [dreg:$0x0];
	s2 =	stileid.u32  }
0xdb: {  	s1 =	rddreg [dreg:$0x1];
	p0 =	sne.s32 s2, $0x0  }
0xdc: {  	s3 =	rddreg [dreg:$0x2];
	[bflag:$0x3] =	sbarrier.arrive $0xFFFF;
	s2 =	simm.s32 @!p0 $0x1C11  }
0xdd: {  	[timem:s3], [sflag:s2] =	dma.local @!p0 [hbm:s0], s1  }
0xde: {  	s0 =	simm.s32 @!p0 $0x11  }
0xdf: {  	_ =	swait.ge @!p0 [sflag:s0], s1  }
0xe0: {  	s1 =	ssub.s32 @!p0 $0x0, s1;
	[sflag:s0] =	ssyncset.done @!p0 $0x0  }
0xe1: {  	[sflag:s0] =	ssyncadd.s32 @!p0 s1  }
0xe2: {  	[bflag:$0x3] =	sbarrier.arrive $0xFFFF  }
0xe3: {  	_ =	shalt  }

// kernel: kernel.19.cloned.1.call-start
scs
__scs_entry_jumppad:
0x0: {  	(pc) =	sbr.rel $0x88, $3  }
0x1: {  	(tag) =	ssettag $0x0;
	lr =	simm.s32 $0x1  }
0x2: {  	[smem:$0x3F93] =	sst lr;
	_ =	strace $0xD0000000  }
0x3: {  	_ = 	snop  }
0x4: {  	_ = 	snop  }
0x5: {  	_ = 	snop  }
0x6: {  	_ = 	snop  }
0x7: {  	_ = 	snop  }
__scs_overlays_trampoline_lowered:
0x8: {  	[smem:$0x3FA2] =	sst s0  }
0x9: {  	[smem:$0x3FA3] =	sst s1  }
0xa: {  	[smem:$0x3FA4] =	sst s2  }
0xb: {  	[smem:$0x3FA5] =	sst s3  }
0xc: {  	[smem:$0x3FA6] =	sst s4  }
0xd: {  	[smem:$0x3FA7] =	sst s5  }
0xe: {  	[smem:$0x3FA8] =	sst s6  }
0xf: {  	[smem:$0x3FA9] =	sst s7  }
0x10: {  	[smem:$0x3FAA] =	sst s8  }
0x11: {  	[smem:$0x3FAB] =	sst s9;
	s0 =	simm.s32 @!p0 $0x0  }
0x12: {  	s1 =	sld [smem:$0x3F91];
	s0 =	simm.s32 @p0 $0x1  }
0x13: {  	[smem:$0x3FAC] =	sst s0;
	s0 =	simm.s32 @!p1 $0x0  }
0x14: {  	s2 =	sld [smem:$0x3F90];
	s0 =	simm.s32 @p1 $0x1  }
0x15: {  	[smem:$0x3FAD] =	sst s0;
	s0 =	simm.s32 @!p2 $0x0  }
0x16: {  	s3 =	sld [smem:$0x3FDB];
	s0 =	simm.s32 @p2 $0x1  }
0x17: {  	s4 =	simm.s32 $0x1BF5;
	[smem:$0x3FAF] =	sst s0  }
0x18: {  	s0 =	sld [smem:$0x3F92];
	_ =	swait.ge [sflag:s4], $0x0  }
0x19: {  	s7 =	sld [smem:$0x3F93]  }
0x1a: {  	s8 =	sadd.s32 $0xFFFFE003, lr  }
0x1b: {  	s9 =	sadd.s32 $0xFFFFFEF7, lr;
	s5 =	simm.s32 $0xFFFFFFFF;
	p2 =	slt.u32 s8, $0xFFFFF086  }
0x1c: {  	p1 =	slt.u32 s9, $0xF7A;
	s5 =	simm.s32 @!p2 $0x0  }
0x1d: {  	s5 =	simm.s32 @p1 $0x1;
	p0 =	seq.s32 s7, s2  }
0x1e: {  	s7 =	smul.u32 @!p0 $0xF7A, s2;
	p2 =	seq.s32 @!p0 s5, $0x0  }
0x1f: {  	s9 =	smul.u32 $0xF7A, s1;
	s8 =	simm.s32 @!p0 $0x1BF5;
	p2 =	por !p2, p0  }
0x20: {  	[sflag:s8] =	ssyncset.s32 @!p0 $0xFFFFF086;
	s6 =	sadd.s32 @!p0 s3, s7;
	s7 =	simm.s32 @!p0 $0x108  }
0x21: {  	s3 =	sadd.s32 s3, s9;
	s6 =	sadd.s32 @!p0 $0x88, s6;
	s7 =	simm.s32 @p2 $0x1082  }
0x22: {  	[simem:s7], [sflag:s8] =	dma.local @!p0 [hbm:s6], $0xF7A  }
0x23: {  	s9 =	sor.u32 $0xD0000000, s2;
	s6 =	simm.s32 $0x108;
	_ =	swait.ge @!p0 [sflag:s8], $0x0  }
0x24: {  	s3 =	sadd.s32 $0x88, s3;
	s6 =	simm.s32 @!p1 $0x1082;
	[sflag:s4] =	ssyncset.s32 $0xFFFFF086  }
0x25: {  	[simem:s6], [sflag:s4] =	dma.local [hbm:s3], $0xF7A  }
0x26: {  	[smem:$0x3F93] =	sst s1;
	(tag) =	ssettag s2;
	_ =	strace s9  }
0x27: {  	s1 =	sld [smem:$0x3FA3]  }
0x28: {  	s2 =	sld [smem:$0x3FA4]  }
0x29: {  	s4 =	sld [smem:$0x3FA6]  }
0x2a: {  	p0 =	seq.s32 s5, $0x0;
	s5 =	sld [smem:$0x3FA7]  }
0x2b: {  	s6 =	sld [smem:$0x3FA8]  }
0x2c: {  	s7 =	sld [smem:$0x3FA9]  }
0x2d: {  	s3 =	simm.s32 $0x108;
	s8 =	sld [smem:$0x3FAA]  }
0x2e: {  	s3 =	simm.s32 @!p0 $0x1082;
	s9 =	sld [smem:$0x3FAB]  }
0x2f: {  	lr =	sadd.s32 s0, s3;
	s0 =	sld [smem:$0x3FA2]  }
0x30: {  	s3 =	sld [smem:$0x3FA5]  }
0x31: {  	[smem:$0x3FAE] =	sst s10  }
0x32: {  	s10 =	sld [smem:$0x3FAC];
	_ =	sdelay $0x3  }
0x33: {  	p0 =	seq.s32 s10, $0x1;
	s10 =	sld [smem:$0x3FAE];
	_ =	sdelay $0x3  }
0x34: {  	[smem:$0x3FAE] =	sst s10  }
0x35: {  	s10 =	sld [smem:$0x3FAD];
	_ =	sdelay $0x3  }
0x36: {  	p1 =	seq.s32 s10, $0x1;
	s10 =	sld [smem:$0x3FAE];
	_ =	sdelay $0x3  }
0x37: {  	[smem:$0x3FAE] =	sst s10  }
0x38: {  	s10 =	sld [smem:$0x3FAF]  }
0x39: {  	_ = 	snop;
	(pc) =	sbr.ind lr, $3  }
0x3a: {  	_ = 	snop  }
0x3b: {  	_ = 	snop  }
0x3c: {  	p2 =	seq.s32 s10, $0x1;
	s10 =	sld [smem:$0x3FAE]  }
0x3d: {  	_ =	shalt  }
0x3e: {  	_ =	shalt  }
0x3f: {  	_ =	shalt  }
0x40: {  	_ =	shalt  }
0x41: {  	_ =	shalt  }
0x42: {  	_ =	shalt  }
0x43: {  	_ =	shalt  }
0x44: {  	_ =	shalt  }
0x45: {  	_ =	shalt  }
0x46: {  	_ =	shalt  }
0x47: {  	_ =	shalt  }
0x48: {  	_ =	shalt  }
0x49: {  	_ =	shalt  }
0x4a: {  	_ =	shalt  }
0x4b: {  	_ =	shalt  }
0x4c: {  	_ =	shalt  }
0x4d: {  	_ =	shalt  }
0x4e: {  	_ =	shalt  }
0x4f: {  	_ =	shalt  }
0x50: {  	_ =	shalt  }
0x51: {  	_ =	shalt  }
0x52: {  	_ =	shalt  }
0x53: {  	_ =	shalt  }
0x54: {  	_ =	shalt  }
0x55: {  	_ =	shalt  }
0x56: {  	_ =	shalt  }
0x57: {  	_ =	shalt  }
0x58: {  	_ =	shalt  }
0x59: {  	_ =	shalt  }
0x5a: {  	_ =	shalt  }
0x5b: {  	_ =	shalt  }
0x5c: {  	_ =	shalt  }
0x5d: {  	_ =	shalt  }
0x5e: {  	_ =	shalt  }
0x5f: {  	_ =	shalt  }
0x60: {  	_ =	shalt  }
0x61: {  	_ =	shalt  }
0x62: {  	_ =	shalt  }
0x63: {  	_ =	shalt  }
0x64: {  	_ =	shalt  }
0x65: {  	_ =	shalt  }
0x66: {  	_ =	shalt  }
0x67: {  	_ =	shalt  }
0x68: {  	_ =	shalt  }
0x69: {  	_ =	shalt  }
0x6a: {  	_ =	shalt  }
0x6b: {  	_ =	shalt  }
0x6c: {  	_ =	shalt  }
0x6d: {  	_ =	shalt  }
0x6e: {  	_ =	shalt  }
0x6f: {  	_ =	shalt  }
0x70: {  	_ =	shalt  }
0x71: {  	_ =	shalt  }
0x72: {  	_ =	shalt  }
0x73: {  	_ =	shalt  }
0x74: {  	_ =	shalt  }
0x75: {  	_ =	shalt  }
0x76: {  	_ =	shalt  }
0x77: {  	_ =	shalt  }
0x78: {  	_ =	shalt  }
0x79: {  	_ =	shalt  }
0x7a: {  	_ =	shalt  }
0x7b: {  	_ =	shalt  }
0x7c: {  	_ =	shalt  }
0x7d: {  	_ =	shalt  }
0x7e: {  	_ =	shalt  }
0x7f: {  	_ =	shalt  }
0x80: {  	_ =	shalt  }
0x81: {  	_ =	shalt  }
0x82: {  	_ =	shalt  }
0x83: {  	_ =	shalt  }
0x84: {  	_ =	shalt  }
0x85: {  	_ =	shalt  }
0x86: {  	_ =	shalt  }
0x87: {  	_ =	shalt  }
.Lfunc_end0:
.L_simem_size_0:
called_computation.3_lowered:
.L_overlay_start_0:
0x88: {  	s2 =	sld [smem:$0x3FD9]  }
0x89: {  	s3 =	sld [smem:$0x3FFE];
	_ =	sdelay $0x1  }
0x8a: {  	s1 =	srdreg.scid  }
0x8b: {  	s0 =	sand.u32 $0x1, s1  }
0x8c: {  	s17 =	sshll.u32 s0, $0xA;
	s2 =	sadd.s32 s3, s2  }
0x8d: {  	s2 =	sadd.s32 s2, s17  }
0x8e: {  	[smem:$0x3FBA] =	sst s2  }
0x8f: {  	_ = 	snop  }
0x90: {  	(tm) =	ssettm $0x1  }
0x91: {  	s18 =	sld [smem:$0x3FFB];
	_ =	sdelay $0x3  }
0x92: {  	_ =	strace s18  }
0x93: {  	s2 =	sld [smem:$0x3FFC];
	_ =	sdelay $0x3  }
0x94: {  	_ =	strace s2  }
0x95: {  	s2 =	sld [smem:$0x3FFD];
	_ =	sdelay $0x3  }
0x96: {  	_ =	strace s2  }
0x97: {  	_ =	strace $0x8FFFFFFF  }
0x98: {  	s19 =	sld [smem:$0x3FDB];
	_ =	sdelay $0x1  }
0x99: {  	s20 =	simm.s32 $_scs_section_size  }
0x9a: {  	s4 =	simm.s32 $_size__tile_overlayer_lowered;
	s5 =	simm.s32 $_tile_overlayer_lowered  }
0x9b: {  	s6 =	simm.s32 $0x1BFF;
	s21 =	sshll.u32 s5, $0x1;
	s3 =	sadd.s32 s20, s19  }
0x9c: {  	s22 =	simm.s32 $0x0;
	s4 =	sshll.u32 s4, $0x1;
	s5 =	sadd.s32 s21, s3  }
0x9d: {  	[timem:s22], [sflag:s6] =	dma.local [hbm:s5], s4  }
0x9e: {  	_ =	swait.ge [sflag:s6], s4  }
0x9f: {  	s4 =	ssub.s32 $0x0, s4;
	[sflag:s6] =	ssyncset.done $0x0  }
0xa0: {  	[sflag:s6] =	ssyncadd.s32 s4;
	_ =	sdelay $0x1  }
0xa1: {  	s23 =	simm.s32 $0x1B8B  }
0xa2: {  	_ =	swait.ge [sflag:s23], $0x1  }
0xa3: {  	[sflag:s23] =	ssyncset.done $0x0  }
0xa4: {  	[sflag:s23] =	ssyncadd.s32 $0xFFFFFFFF  }
0xa5: {  	s4 =	sld [smem:$0x0]  }
0xa6: {  	s5 =	sand.u32 $0xFFFFFFFE, s1  }
0xa7: {  	p0 =	sne.s32 s1, s5  }
0xa8: {  	s5 =	sshll.u32 @p0 s5, $0xE  }
0xa9: {  	s5 =	sadd.s32 @p0 $0x11B8D, s5;
	s6 =	sshll.u32 @p0 s4, $0x11  }
0xaa: {  	s5 =	sor.u32 @p0 s6, s5  }
0xab: {  	[sflag:s5] =	ssyncadd.remote.s32 @p0 $0x1;
	_ =	sdelay $0x1  }
0xac: {  	s5 =	simm.s32 @p0 $0x1B8D  }
0xad: {  	_ =	swait.eq @p0 [sflag:s5], $0x1  }
0xae: {  	[sflag:s5] =	ssyncadd.s32 @p0 $0xFFFFFFFF  }
0xaf: {  	s6 =	sshll.u32 @!p0 s1, $0xE  }
0xb0: {  	s6 =	sor.u32 @!p0 $0x4000, s6;
	s5 =	simm.s32 @!p0 $0x1B8D  }
0xb1: {  	s4 =	sshll.u32 @!p0 s4, $0x11;
	s6 =	sadd.s32 @!p0 $0x11B8D, s6;
	_ =	swait.eq @!p0 [sflag:s5], $0x1  }
0xb2: {  	s4 =	sor.u32 @!p0 s4, s6;
	[sflag:s5] =	ssyncadd.s32 @!p0 $0xFFFFFFFF  }
0xb3: {  	s25 =	simm.s32 $0x1B8E;
	s24 =	sld [smem:$0x3FFE];
	[sflag:s4] =	ssyncadd.remote.s32 @!p0 $0x1  }
0xb4: {  	s26 =	simm.s32 $execute0_lowered;
	[smem:$0x3FD2] =	sst s25  }
0xb5: {  	s5 =	sshll.u32 s26, $0x1;
	_ =	strace $0x8000004C;
	[dreg:$0x1] =	wrdreg $0xFFFFFFFF  }
0xb6: {  	s28 =	simm.s32 $_size_execute0_lowered;
	s3 =	sadd.s32 s3, s5;
	[dreg:$0x0] =	wrdreg $0x0  }
0xb7: {  	s5 =	sshll.u32 s28, $0x1;
	[dreg:$0x2] =	wrdreg s3  }
0xb8: {  	[dreg:$0x3] =	wrdreg s5  }
0xb9: {  	[dreg:$0x4] =	wrdreg $0xC0  }
0xba: {  	_ =	task [dreg:s22], $0x5FFFF  }
0xbb: {  	[dreg:$0x1] =	wrdreg $0xFFFFFFFF  }
0xbc: {  	[dreg:$0x0] =	wrdreg $0x60  }
0xbd: {  	[dreg:$0x2] =	wrdreg s24  }
0xbe: {  	[dreg:$0x3] =	wrdreg $0x8E800  }
0xbf: {  	[dreg:$0x4] =	wrdreg $0xA  }
0xc0: {  	_ =	task.clear_ibuf [dreg:s22], $0x5FFFF;
	_ =	strace $0x9000004C  }
0xc1: {  	s29 =	simm.s32 $0xA;
	_ =	strace $0x8000004E  }
0xc2: {  	_ =	swait.ge [sflag:s29], $0x1  }
0xc3: {  	[sflag:s29] =	ssyncadd.s32 $0xFFFFFFFF  }
0xc4: {  	_ =	strace $0x9000004E  }
0xc5: {  	_ =	sfence  }
0xc6: {  	s30 =	sld [smem:$0x0];
	_ =	sdelay $0x2  }
0xc7: {  	s31 =	sshll.u32 s1, $0xD;
	s1 =	sshrl.u32 s1, $0x2  }
0xc8: {  	s4 =	sand.u32 $0x4000, s31;
	s1 =	sadd.s32 s1, s30  }
0xc9: {  	s0 =	sor.u32 s4, s0;
	s1 =	sshll.u32 s1, $0x11  }
0xca: {  	s0 =	sor.u32 s1, s0  }
0xcb: {  	s0 =	sadd.s32 $0x8F2B, s0  }
0xcc: {  	[sflag:s0] =	ssyncadd.remote.s32 $0x1  }
0xcd: {  	_ =	sfence.sel $0xFFFF  }
0xce: {  	[dreg:$0x0] =	wrdreg $0xFFFFFFFF;
	(pc) =	sbr.abs _section_cstart, $3  }
0xcf: {  	[dreg:$0x1] =	wrdreg $0xFFFFFFFF  }
0xd0: {  	_ =	task.clear_ibuf [dreg:s22], $0x2FFFF;
	_ =	strace $0x9FFFFFFF  }
0xd1: {  	(tm) =	ssettm $0x7FFFFFFF  }
tec
execute0_lowered:
.L_overlay_start_1:
0x0: {  	(tag) =	ssettag $0x1  }
0x1: {  	s0 =	rddreg [dreg:$0x0];
	s12 =	stileid.u32  }
0x2: {  	s1 =	rddreg [dreg:$0x1];
	s6 =	smul.u32 $0x1388, s12  }
0x3: {  	s2 =	srdreg.scid;
	s3 =	simm.s32 $0x0;
	s26 =	smul.u32 $0xA000, s12  }
0x4: {  	s31 =	simm.s32 $0x280;
	s2 =	sand.u32 $0x1, s2;
	s16 =	smul.u32 $0x13880, s12  }
0x5: {  	[smem:$0x7FF] =	sst s3;
	s7 =	sadd.s32 $0xEE5400, s0;
	s4 =	smul.u32 $0x27100, s2  }
0x6: {  	s8 =	sadd.s32 $0xE400, s0;
	s20 =	ssub.s32 $0x7C, s12;
	s5 =	smul.u32 $0x13880, s2  }
0x7: {  	_ =	strace $0x8000004D;
	s9 =	ssub.s32 $0x2, s2;
	s2 =	smul.u32 $0x138800, s2  }
0x8: {  	s19 =	sshrl.u32 s9, $0x1;
	s15 =	sshrl.u32 s26, $0x2;
	s0 =	sadd.s32 s4, s0  }
0x9: {  	s5 =	sadd.s32 s6, s5;
	s4 =	ssub.s32 s9, s19;
	s6 =	sshrl.u32 s20, $0x4  }
0xa: {  	s30 =	sadd.s32 s15, s1;
	s2 =	sadd.s32 s2, s7;
	s21 =	sshrl.u32 s5, $0x3  }
0xb: {  	s10 =	sadd.s32 $0x27128, s5;
	s22 =	sshll.u32 s5, $0x4;
	s23 =	sadd.s32 $0x27178, s5  }
0xc: {  	s4 =	smax.u32 s4, $0x1;
	s29 =	sadd.s32 $0x1, s6;
	s17 =	sadd.s32 $0x27268, s5  }
0xd: {  	s18 =	sadd.s32 $0x27240, s5;
	s2 =	sadd.s32 s16, s2;
	s26 =	sadd.s32 $0x271C8, s5  }
0xe: {  	s6 =	simm.s32 $0x2A80;
	s16 =	simm.s32 $0xF;
	[dreg:$0xf] =	wrdreg s30  }
0xf: {  	s9 =	sadd.s32 s8, s21;
	s10 =	sshrl.u32 s10, $0x3;
	[dreg:$0xd] =	wrdreg s4  }
0x10: {  	[dreg:$0x10] =	wrdreg s2;
	s19 =	sshrl.u32 s17, $0x3;
	s20 =	sshrl.u32 s18, $0x3  }
0x11: {  	s4 =	simm.s32 $0x100;
	[dreg:$0xe] =	wrdreg s29;
	s11 =	sadd.s32 $0x4E20, s9  }
0x12: {  	s18 =	simm.s32 $0x9;
	s10 =	sadd.s32 s8, s10;
	[dreg:$0x3] =	wrdreg s11  }
0x13: {  	s24 =	sadd.s32 $0x4E2A, s9;
	s9 =	sadd.s32 $0x4E34, s9;
	[dreg:$0x5] =	wrdreg s10  }
0x14: {  	s2 =	sadd.s32 s19, s8;
	s21 =	sadd.s32 s20, s8;
	[dreg:$0x7] =	wrdreg s24  }
0x15: {  	s19 =	simm.s32 $0x5;
	s20 =	simm.s32 $0xA;
	[dreg:$0xb] =	wrdreg s9  }
0x16: {  	s11 =	sadd.s32 s7, s22;
	s10 =	sshrl.u32 s23, $0x3;
	[dreg:$0x11] =	wrdreg s2  }
0x17: {  	[dreg:$0x12] =	wrdreg s21;
	s22 =	sadd.s32 $0x27218, s5;
	s23 =	sadd.s32 $0x271F0, s5  }
0x18: {  	s24 =	smul.u32 $0x500, s12;
	s7 =	simm.s32 $0x180;
	s9 =	simm.s32 $0x28  }
0x19: {  	s5 =	simm.s32 $0xB;
	s13 =	sadd.s32 $0x280, s11;
	[dreg:$0x4] =	wrdreg s11  }
0x1a: {  	s21 =	simm.s32 $0xC;
	s25 =	sadd.s32 $0x500, s11;
	[dreg:$0x6] =	wrdreg s13  }
0x1b: {  	s10 =	sadd.s32 s8, s10;
	s28 =	sadd.s32 $0x780, s11;
	[dreg:$0x8] =	wrdreg s25  }
0x1c: {  	s14 =	sadd.s32 $0xA00, s11;
	s2 =	sshrl.u32 s22, $0x3;
	[dreg:$0x9] =	wrdreg s10  }
0x1d: {  	s22 =	simm.s32 $0xD;
	s11 =	simm.s32 $0x0;
	[dreg:$0xa] =	wrdreg s28  }
0x1e: {  	[dreg:$0xc] =	wrdreg s14;
	s2 =	sadd.s32 s2, s8;
	s25 =	sshrl.u32 s23, $0x3  }
0x1f: {  	s28 =	sshrl.u32 s26, $0x3;
	s0 =	sadd.s32 s24, s0;
	s24 =	simm.s32 $0x6680  }
0x20: {  	s26 =	simm.s32 $0x1680;
	s10 =	simm.s32 $0x200;
	s13 =	simm.s32 $0x8  }
0x21: {  	s14 =	simm.s32 $0x4;
	[dreg:$0x13] =	wrdreg s2;
	s2 =	sadd.s32 s25, s8  }
0x22: {  	s23 =	simm.s32 $0xE;
	s0 =	sadd.s32 $0x3F400, s0;
	[dreg:$0x14] =	wrdreg s2  }
0x23: {  	s25 =	simm.s32 $0x10;
	s2 =	sadd.s32 s28, s8;
	[dreg:$0x16] =	wrdreg s0  }
0x24: {  	v0 =	vimm.f32 $0.0e+00;
	s8 =	simm.s32 $0x3E80;
	[dreg:$0x15] =	wrdreg s2;
	s2 =	simm.s32 $0x80  }
.LBB2_1:
0x25: {  	s15 =	simm.s32 $0x0;
	s17 =	simm.s32 $0x200  }
.LBB2_2:
0x26: {  	p0 =	sne.s32 s17, $0x9E00;
	[tilespmem:s15+$0x66F0] =	vst v0  }
0x27: {  	[tilespmem:s15+$0x6680] =	vst v0  }
0x28: {  	[tilespmem:s15+$0x6690] =	vst v0  }
.Ltmp0:
0x29: {  	[tilespmem:s15+$0x66A0] =	vst v0;
	(pc) =	sbr.rel @p0 .LBB2_2-.Ltmp0, $4  }
0x2a: {  	[tilespmem:s15+$0x66B0] =	vst v0  }
0x2b: {  	[tilespmem:s15+$0x66C0] =	vst v0  }
0x2c: {  	[tilespmem:s15+$0x66D0] =	vst v0  }
0x2d: {  	[tilespmem:s15+$0x66E0] =	vst v0;
	s15 =	sshra.s32 s17, $0x2;
	s17 =	sadd.s32 $0x200, s17  }
0x2e: {  	[tilespmem:s15+$0x66F0] =	vst v0  }
0x2f: {  	[tilespmem:s15+$0x6680] =	vst v0  }
0x30: {  	[tilespmem:s15+$0x6690] =	vst v0  }
0x31: {  	[tilespmem:s15+$0x66A0] =	vst v0;
	p0 =	sne.s32 s29, $0x1  }
.Ltmp1:
0x32: {  	[tilespmem:s15+$0x66B0] =	vst v0;
	(pc) =	sbr.rel @!p0 .LBB2_5-.Ltmp1, $4  }
0x33: {  	[tilespmem:s15+$0x66C0] =	vst v0  }
0x34: {  	[tilespmem:s15+$0x66D0] =	vst v0  }
0x35: {  	[tilespmem:s15+$0x66E0] =	vst v0;
	s15 =	sadd.s32 $0xFFFFFFFF, s29;
	s17 =	smov.u32 s30  }
0x36: {  	[spmem:s30] =	stream.linear.scatter [tilespmem:s24], [sflag:$0x10], $0x2800, $0x38;
	[tilespmem:$0x1C700] =	vst v63  }
.LBB2_4:
0x37: {  	p1 =	sne.s32 s15, $0x1  }
.Ltmp2:
0x38: {  	_ = 	snop;
	(pc) =	sbr.rel @p1 .LBB2_4-.Ltmp2, $3  }
0x39: {  	_ = 	snop  }
0x3a: {  	s15 =	sadd.s32 $0xFFFFFFFF, s15;
	s17 =	sadd.s32 $0x28000, s17;
	_ =	sdelay $0x1  }
0x3b: {  	[spmem:s17] =	stream.linear.scatter [tilespmem:s24], [sflag:$0x10], $0x2800, $0x38;
	[tilespmem:$0x1C700] =	vst v63  }
.LBB2_5:
.Ltmp3:
0x3c: {  	(pc) =	sbr.rel @!p0 .LBB2_7-.Ltmp3, $4  }
0x3d: {  	_ = 	snop  }
0x3e: {  	[dreg:$0x17] =	wrdreg s11  }
0x3f: {  	_ =	swait.ge [sflag:s25], $0x2800  }
0x40: {  	s15 =	sadd.s32 $0xFFFFFFFF, s29;
	[sflag:s25] =	ssyncset.done $0x0  }
.LBB2_6:
0x41: {  	p1 =	sne.s32 s15, $0x1;
	s15 =	sadd.s32 $0xFFFFFFFF, s15;
	[sflag:s25] =	ssyncadd.s32 $0xFFFFD800  }
.Ltmp4:
0x42: {  	(pc) =	sbr.rel @p1 .LBB2_6-.Ltmp4, $3  }
0x43: {  	_ =	sdelay $0x1  }
0x44: {  	_ =	swait.ge [sflag:s25], $0x2800  }
0x45: {  	[sflag:s25] =	ssyncset.done $0x0  }
.LBB2_7:
0x46: {  	[sflag:s25] =	ssyncadd.s32 $0xFFFFD800  }
0x47: {  	[bflag:$0x0] =	sbarrier.arrive $0xFFFF  }
0x48: {  	s0 =	rddreg [dreg:$0x3]  }
0x49: {  	s11 =	rddreg [dreg:$0x4]  }
0x4a: {  	s12 =	rddreg [dreg:$0x5]  }
0x4b: {  	s17 =	rddreg [dreg:$0x6]  }
0x4c: {  	s15 =	simm.s32 $0x0;
	s28 =	rddreg [dreg:$0x13]  }
0x4d: {  	[tilespmem:s15], [sflag:$0x1] =	stream.linear.gather [hbm4b:s0+s15], $0x28, $0x38;
	[tilespmem:$0x1C700] =	vst v63  }
0x4e: {  	s29 =	rddreg [dreg:$0x12]  }
0x4f: {  	[tilespmem:s31], [sflag:$0x6] =	stream.linear.gather [hbm4b:s11+s15], $0x1400, $0x38;
	[tilespmem:$0x1C700] =	vst v63  }
0x50: {  	s30 =	rddreg [dreg:$0x11]  }
0x51: {  	[tilespmem:s2], [sflag:$0x2] =	stream.linear.gather [hbm4b:s12+s15], $0x28, $0x38;
	[tilespmem:$0x1C700] =	vst v63  }
0x52: {  	s11 =	rddreg [dreg:$0xa]  }
0x53: {  	[tilespmem:s26], [sflag:$0x7] =	stream.linear.gather [hbm4b:s17+s15], $0x1400, $0x38;
	[tilespmem:$0x1C700] =	vst v63  }
0x54: {  	s26 =	rddreg [dreg:$0x7]  }
0x55: {  	[tilespmem:s4], [sflag:$0x3] =	stream.linear.gather [hbm4b:s26+s15], $0x28, $0x38;
	[tilespmem:$0x1C700] =	vst v63  }
0x56: {  	s4 =	rddreg [dreg:$0x8]  }
0x57: {  	[tilespmem:s6], [sflag:$0x8] =	stream.linear.gather [hbm4b:s4+s15], $0x1400, $0x38;
	[tilespmem:$0x1C700] =	vst v63  }
0x58: {  	s6 =	rddreg [dreg:$0x9]  }
0x59: {  	[tilespmem:s7], [sflag:$0x4] =	stream.linear.gather [hbm4b:s6+s15], $0x28, $0x38;
	[tilespmem:$0x1C700] =	vst v63  }
0x5a: {  	s12 =	rddreg [dreg:$0xb]  }
0x5b: {  	[tilespmem:s8], [sflag:$0x9] =	stream.linear.gather [hbm4b:s11+s15], $0x1400, $0x38;
	[tilespmem:$0x1C700] =	vst v63  }
0x5c: {  	s0 =	simm.s32 $0x5280;
	s17 =	rddreg [dreg:$0xc]  }
0x5d: {  	[tilespmem:s10], [sflag:$0x5] =	stream.linear.gather [hbm4b:s12+s15], $0x28, $0x38;
	[tilespmem:$0x1C700] =	vst v63  }
0x5e: {  	s26 =	simm.s32 $0x5280;
	s4 =	simm.s32 $0x1680;
	s7 =	simm.s32 $0x2A80  }
0x5f: {  	[tilespmem:s26], [sflag:$0xA] =	stream.linear.gather [hbm4b:s17+s15], $0x1400, $0x38;
	[tilespmem:$0x1C700] =	vst v63  }
0x60: {  	s6 =	simm.s32 $0x100;
	s11 =	simm.s32 $0x200;
	s17 =	rddreg [dreg:$0x15]  }
0x61: {  	s8 =	simm.s32 $0x180;
	s10 =	simm.s32 $0x3E80;
	s26 =	rddreg [dreg:$0x14]  }
.LBB2_8:
0x62: {  	s12 =	simm.s32 $0x1  }
0x63: {  	_ =	swait.ge [sflag:s12], $0x28  }
0x64: {  	[sflag:s12] =	ssyncset.done $0x0  }
0x65: {  	[sflag:s12] =	ssyncadd.s32 $0xFFFFFFD8;
	s12 =	simm.s32 $0x6  }
0x66: {  	_ =	swait.ge [sflag:s12], $0x1400  }
0x67: {  	[sflag:s12] =	ssyncset.done $0x0  }
0x68: {  	[sflag:s12] =	ssyncadd.s32 $0xFFFFEC00;
	s12 =	simm.s32 $0x2  }
0x69: {  	[spmem:s1] =	stream.indirect.scatter.add.f32 [tilespmem:s31], [sflag:$0xB], $0x80, s3, s9, $0xb8;
	[tilespmem:$0x1C700] =	vst v63  }
0x6a: {  	_ =	swait.ge [sflag:s12], $0x28  }
0x6b: {  	[sflag:s12] =	ssyncset.done $0x0  }
0x6c: {  	[sflag:s12] =	ssyncadd.s32 $0xFFFFFFD8;
	s12 =	simm.s32 $0x7  }
0x6d: {  	_ =	swait.ge [sflag:s12], $0x1400  }
0x6e: {  	[sflag:s12] =	ssyncset.done $0x0  }
0x6f: {  	[sflag:s12] =	ssyncadd.s32 $0xFFFFEC00;
	s12 =	simm.s32 $0x3  }
0x70: {  	[spmem:s1] =	stream.indirect.scatter.add.f32 [tilespmem:s4], [sflag:$0xC], $0x80, s2, s9, $0xb8;
	[tilespmem:$0x1C700] =	vst v63  }
0x71: {  	_ =	swait.ge [sflag:s12], $0x28  }
0x72: {  	[sflag:s12] =	ssyncset.done $0x0  }
0x73: {  	[sflag:s12] =	ssyncadd.s32 $0xFFFFFFD8  }
0x74: {  	_ =	swait.ge [sflag:s13], $0x1400  }
0x75: {  	[sflag:s13] =	ssyncset.done $0x0  }
0x76: {  	[sflag:s13] =	ssyncadd.s32 $0xFFFFEC00  }
0x77: {  	[spmem:s1] =	stream.indirect.scatter.add.f32 [tilespmem:s7], [sflag:$0xD], $0x80, s6, s9, $0xb8;
	[tilespmem:$0x1C700] =	vst v63  }
0x78: {  	_ =	swait.ge [sflag:s14], $0x28  }
0x79: {  	[sflag:s14] =	ssyncset.done $0x0  }
0x7a: {  	[sflag:s14] =	ssyncadd.s32 $0xFFFFFFD8  }
0x7b: {  	_ =	swait.ge [sflag:s18], $0x1400  }
0x7c: {  	[sflag:s18] =	ssyncset.done $0x0  }
0x7d: {  	[sflag:s18] =	ssyncadd.s32 $0xFFFFEC00  }
0x7e: {  	[spmem:s1] =	stream.indirect.scatter.add.f32 [tilespmem:s10], [sflag:$0xE], $0x80, s8, s9, $0xb8;
	[tilespmem:$0x1C700] =	vst v63  }
0x7f: {  	_ =	swait.ge [sflag:s19], $0x28  }
0x80: {  	p1 =	seq.s32 s15, $0x12C00;
	[sflag:s19] =	ssyncset.done $0x0  }
.Ltmp5:
0x81: {  	[sflag:s19] =	ssyncadd.s32 $0xFFFFFFD8;
	(pc) =	sbr.rel @p1 .LBB2_10-.Ltmp5, $4  }
0x82: {  	_ =	swait.ge [sflag:s20], $0x1400  }
0x83: {  	[sflag:s20] =	ssyncset.done $0x0  }
0x84: {  	s12 =	simm.s32 $0x5280;
	[sflag:s20] =	ssyncadd.s32 $0xFFFFEC00  }
0x85: {  	[spmem:s1] =	stream.indirect.scatter.add.f32 [tilespmem:s0], [sflag:$0xF], $0x80, s11, s9, $0xb8;
	[tilespmem:$0x1C700] =	vst v63  }
0x86: {  	_ =	swait.ge [sflag:s5], $0x1400  }
0x87: {  	[sflag:s5] =	ssyncset.done $0x0;
	s0 =	rddreg [dreg:$0x10]  }
0x88: {  	[sflag:s5] =	ssyncadd.s32 $0xFFFFEC00;
	s31 =	sadd.s32 s15, s0  }
0x89: {  	[tilespmem:s3], [sflag:$0x1] =	stream.linear.gather [hbm4b:s17+s3], $0x28, $0x38;
	[tilespmem:$0x1C700] =	vst v63  }
0x8a: {  	s2 =	simm.s32 $0x280;
	s0 =	sadd.s32 $0xC80, s31  }
0x8b: {  	[tilespmem:s2], [sflag:$0x6] =	stream.linear.gather [hbm4b:s0+s3], $0x1400, $0x38;
	[tilespmem:$0x1C700] =	vst v63  }
0x8c: {  	_ =	swait.ge [sflag:s21], $0x1400  }
0x8d: {  	[sflag:s21] =	ssyncset.done $0x0  }
0x8e: {  	s2 =	simm.s32 $0x80;
	[sflag:s21] =	ssyncadd.s32 $0xFFFFEC00  }
0x8f: {  	[tilespmem:s2], [sflag:$0x2] =	stream.linear.gather [hbm4b:s26+s3], $0x28, $0x38;
	[tilespmem:$0x1C700] =	vst v63  }
0x90: {  	s0 =	sadd.s32 $0xF00, s31  }
0x91: {  	[tilespmem:s4], [sflag:$0x7] =	stream.linear.gather [hbm4b:s0+s3], $0x1400, $0x38;
	[tilespmem:$0x1C700] =	vst v63  }
0x92: {  	_ =	swait.ge [sflag:s22], $0x1400  }
0x93: {  	[sflag:s22] =	ssyncset.done $0x0  }
0x94: {  	[sflag:s22] =	ssyncadd.s32 $0xFFFFEC00  }
0x95: {  	[tilespmem:s6], [sflag:$0x3] =	stream.linear.gather [hbm4b:s28+s3], $0x28, $0x38;
	[tilespmem:$0x1C700] =	vst v63  }
0x96: {  	s0 =	sadd.s32 $0x1180, s31  }
0x97: {  	[tilespmem:s7], [sflag:$0x8] =	stream.linear.gather [hbm4b:s0+s3], $0x1400, $0x38;
	[tilespmem:$0x1C700] =	vst v63  }
0x98: {  	_ =	swait.ge [sflag:s23], $0x1400  }
0x99: {  	[sflag:s23] =	ssyncset.done $0x0  }
0x9a: {  	[sflag:s23] =	ssyncadd.s32 $0xFFFFEC00  }
0x9b: {  	[tilespmem:s8], [sflag:$0x4] =	stream.linear.gather [hbm4b:s29+s3], $0x28, $0x38;
	[tilespmem:$0x1C700] =	vst v63  }
0x9c: {  	s0 =	sadd.s32 $0x1400, s31  }
0x9d: {  	[tilespmem:s10], [sflag:$0x9] =	stream.linear.gather [hbm4b:s0+s3], $0x1400, $0x38;
	[tilespmem:$0x1C700] =	vst v63  }
0x9e: {  	_ =	swait.ge [sflag:s16], $0x1400  }
0x9f: {  	s15 =	sadd.s32 $0xC80, s15;
	s17 =	sadd.s32 $0x19, s17;
	[sflag:s16] =	ssyncset.done $0x0  }
.Ltmp6:
0xa0: {  	s26 =	sadd.s32 $0x19, s26;
	[sflag:s16] =	ssyncadd.s32 $0xFFFFEC00;
	(pc) =	sbr.rel .LBB2_8-.Ltmp6, $4  }
0xa1: {  	[tilespmem:s11], [sflag:$0x5] =	stream.linear.gather [hbm4b:s30+s3], $0x28, $0x38;
	[tilespmem:$0x1C700] =	vst v63  }
0xa2: {  	s28 =	sadd.s32 $0x19, s28;
	s29 =	sadd.s32 $0x19, s29;
	s0 =	sadd.s32 $0x1680, s31  }
0xa3: {  	[tilespmem:s12], [sflag:$0xA] =	stream.linear.gather [hbm4b:s0+s3], $0x1400, $0x38;
	[tilespmem:$0x1C700] =	vst v63  }
0xa4: {  	s31 =	simm.s32 $0x280;
	s30 =	sadd.s32 $0x19, s30;
	s0 =	simm.s32 $0x5280  }
.LBB2_10:
0xa5: {  	_ =	swait.ge [sflag:s5], $0x1400  }
0xa6: {  	[sflag:s5] =	ssyncset.done $0x0  }
0xa7: {  	[sflag:s5] =	ssyncadd.s32 $0xFFFFEC00  }
0xa8: {  	_ =	swait.ge [sflag:s21], $0x1400  }
0xa9: {  	[sflag:s21] =	ssyncset.done $0x0  }
0xaa: {  	[sflag:s21] =	ssyncadd.s32 $0xFFFFEC00  }
0xab: {  	_ =	swait.ge [sflag:s22], $0x1400  }
0xac: {  	[sflag:s22] =	ssyncset.done $0x0  }
0xad: {  	[sflag:s22] =	ssyncadd.s32 $0xFFFFEC00  }
0xae: {  	_ =	swait.ge [sflag:s23], $0x1400  }
0xaf: {  	[sflag:s23] =	ssyncset.done $0x0  }
0xb0: {  	[sflag:s23] =	ssyncadd.s32 $0xFFFFEC00  }
0xb1: {  	_ =	swait.ge [sflag:s16], $0x1400  }
0xb2: {  	[sflag:s16] =	ssyncset.done $0x0  }
0xb3: {  	[sflag:s16] =	ssyncadd.s32 $0xFFFFEC00  }
0xb4: {  	s0 =	stileid.u32;
	[bflag:$0x0] =	sbarrier.arrive $0xFFFF  }
.Ltmp7:
0xb5: {  	s0 =	sshll.u32 s0, $0x6;
	s30 =	rddreg [dreg:$0xf];
	(pc) =	sbr.rel @!p0 .LBB2_12-.Ltmp7, $4  }
0xb6: {  	s15 =	sor.u32 $0x1C10, s0;
	s28 =	rddreg [dreg:$0x16];
	s26 =	sshrl.u32 s30, $0x3  }
0xb7: {  	[hbm:s28], [sflag:s15] =	dma.local [spmem:s26], $0x500  }
0xb8: {  	s29 =	rddreg [dreg:$0xe]  }
0xb9: {  	s26 =	sadd.s32 $0x28000, s30;
	s17 =	sadd.s32 $0xFFFFFFFF, s29  }
.LBB2_11:
0xba: {  	p1 =	sne.s32 s17, $0x1;
	s17 =	sadd.s32 $0xFFFFFFFF, s17  }
.Ltmp8:
0xbb: {  	s0 =	sshrl.u32 s26, $0x3;
	s28 =	sadd.s32 $0x5000, s28;
	(pc) =	sbr.rel @p1 .LBB2_11-.Ltmp8, $3  }
0xbc: {  	[hbm:s28], [sflag:s15] =	dma.local [spmem:s0], $0x500  }
0xbd: {  	_ =	sdelay $0x1  }
0xbe: {  	s26 =	sadd.s32 $0x28000, s26  }
.LBB2_12:
.Ltmp9:
0xbf: {  	(pc) =	sbr.rel @!p0 .LBB2_14-.Ltmp9, $4  }
0xc0: {  	_ = 	snop  }
0xc1: {  	_ =	swait.ge [sflag:s25], $0x500;
	s15 =	sadd.s32 $0xFFFFFFFF, s29;
	s4 =	simm.s32 $0x100  }
0xc2: {  	s6 =	simm.s32 $0x2A80;
	s7 =	simm.s32 $0x180;
	s8 =	simm.s32 $0x3E80  }
0xc3: {  	s10 =	simm.s32 $0x200;
	[sflag:s25] =	ssyncset.done $0x0;
	s11 =	rddreg [dreg:$0x17]  }
.LBB2_13:
0xc4: {  	p0 =	sne.s32 s15, $0x1;
	s15 =	sadd.s32 $0xFFFFFFFF, s15;
	[sflag:s25] =	ssyncadd.s32 $0xFFFFFB00  }
.Ltmp10:
0xc5: {  	(pc) =	sbr.rel @p0 .LBB2_13-.Ltmp10, $3  }
0xc6: {  	_ =	sdelay $0x1  }
0xc7: {  	_ =	swait.ge [sflag:s25], $0x500  }
0xc8: {  	[sflag:s25] =	ssyncset.done $0x0  }
.LBB2_14:
0xc9: {  	s11 =	sadd.s32 $0x1, s11;
	s0 =	rddreg [dreg:$0xd]  }
0xca: {  	p0 =	sne.s32 s11, s0  }
.Ltmp11:
0xcb: {  	_ = 	snop;
	(pc) =	sbr.rel @p0 .LBB2_1-.Ltmp11, $2  }
0xcc: {  	_ =	sdelay $0x2  }
0xcd: {  	[sflag:s25] =	ssyncadd.s32 $0xFFFFFB00;
	s26 =	simm.s32 $0x1680  }
0xce: {  	_ =	sfence.sel $0x180000  }
0xcf: {  	[bflag:$0x0] =	sbarrier.arrive $0xFFFF  }
0xd0: {  	_ =	strace $0x9000004D  }
0xd1: {  	s0 =	stileid.u32;
	[bflag:$0x2] =	sbarrier.arrive $0xFFFF  }
0xd2: {  	p0 =	sne.s32 s0, $0x0;
	s0 =	rddreg [dreg:$0x2]  }
0xd3: {  	s0 =	sadd.s32 @!p0 $0x100000, s0  }
0xd4: {  	[sflag:s0] =	ssyncadd.tile.s32 @!p0 $0x1;
	_ =	shalt  }
.Lfunc_end2:
_tile_overlayer_lowered:
.L_overlay_start_2:
0xd5: {  	(tag) =	ssettag $0x2  }
0xd6: {  	s0 =	rddreg [dreg:$0x0];
	s2 =	stileid.u32  }
0xd7: {  	s1 =	rddreg [dreg:$0x1];
	p0 =	sne.s32 s2, $0x0  }
0xd8: {  	s3 =	rddreg [dreg:$0x2];
	[bflag:$0x3] =	sbarrier.arrive $0xFFFF;
	s2 =	simm.s32 @!p0 $0x1C11  }
0xd9: {  	[timem:s3], [sflag:s2] =	dma.local @!p0 [hbm:s0], s1  }
0xda: {  	s0 =	simm.s32 @!p0 $0x11  }
0xdb: {  	_ =	swait.ge @!p0 [sflag:s0], s1  }
0xdc: {  	s1 =	ssub.s32 @!p0 $0x0, s1;
	[sflag:s0] =	ssyncset.done @!p0 $0x0  }
0xdd: {  	[sflag:s0] =	ssyncadd.s32 @!p0 s1  }
0xde: {  	[bflag:$0x3] =	sbarrier.arrive $0xFFFF  }
0xdf: {  	_ =	shalt  }

</sc_bundles>
